<compile_context>
chip_gen: v7x
topology: tpu7x:2x2x1
jax: 0.10.2.dev20260603
libtpu: 0.0.44.dev20260713+nightly
codegen_flags: <defaults>
</compile_context>

<pallas_src>
import functools

import jax
import jax.numpy as jnp
import numpy as np
from jax import lax
from jax.experimental import pallas as pl
from jax.experimental.pallas import tpu as pltpu
from jax.experimental.pallas import tpu_sc as plsc

N_RAYS = 8192
N_PTS = 524288
GS = 160
DHW = GS * GS * GS
INTERVAL = 0.5
ACT_SHIFT = float(np.log(1.0 / (1.0 - 1e-06) - 1.0))

NW = 32
PTS_PER_W = N_PTS // NW
KA = 512
NCHUNK_A = PTS_PER_W // KA
KC = 1024
NCHUNK_C = PTS_PER_W // KC
BB = 256

_CORNER_OFF = (0, 1, GS, GS + 1, GS * GS, GS * GS + 1, GS * GS + GS, GS * GS + GS + 1)



VT = 2000
VOX_PER_W = DHW // NW
NCHUNK_T = VOX_PER_W // VT


def _t_body(dens, k0flat, table, cb, acc2, sem):
    cid = lax.axis_index("c")
    sid = lax.axis_index("s")
    wid = cid * 16 + sid

    def chunk(t, _):
        off = wid * VOX_PER_W + t * VT
        copies = [pltpu.make_async_copy(dens.at[pl.ds(off, VT)],
                                        cb.at[0, pl.ds(0, VT)], sem)]
        for c in range(12):
            copies.append(pltpu.make_async_copy(
                k0flat.at[pl.ds(c * DHW + off, VT)],
                cb.at[c + 1, pl.ds(0, VT)], sem))
        for cp in copies:
            cp.start()
        for cp in copies:
            cp.wait()

        def interleave(g, _):
            lanes = lax.iota(jnp.int32, 16)
            rowi = g * 16 + lanes
            zeros = jnp.zeros((16,), jnp.float32)
            for c in range(13):
                cv = jnp.full((16,), c, jnp.int32)
                plsc.store_scatter(acc2, [rowi, cv], cb[c, pl.ds(g * 16, 16)])
            for c in range(13, 16):
                cv = jnp.full((16,), c, jnp.int32)
                plsc.store_scatter(acc2, [rowi, cv], zeros)
            return _

        lax.fori_loop(0, VT // 16, interleave, None)
        pltpu.sync_copy(acc2, table.at[pl.ds(off, VT)])
        return _

    lax.fori_loop(0, NCHUNK_T, chunk, None)


def _run_t(dens1d, k0flat):
    mesh = plsc.VectorSubcoreMesh(core_axis_name="c", subcore_axis_name="s")
    f = pl.kernel(
        _t_body,
        mesh=mesh,
        compiler_params=pltpu.CompilerParams(
            use_tc_tiling_on_sc=False, needs_layout_passes=False),
        out_type=jax.ShapeDtypeStruct((DHW, 16), jnp.float32),
        scratch_types=[
            pltpu.VMEM((13, VT), jnp.float32),
            pltpu.VMEM((VT, 16), jnp.float32),
            pltpu.SemaphoreType.DMA,
        ],
    )
    return f(dens1d, k0flat)



def _a_body(xs, ys, zs, rid, table, vdpad, fused,
            xv, yv, zv, ridv, idxv, w8, rows, vdrows, acc, sem):
    cid = lax.axis_index("c")
    sid = lax.axis_index("s")
    wid = cid * 16 + sid

    def chunk(t, _):
        base = wid * PTS_PER_W + t * KA
        pltpu.sync_copy(xs.at[pl.ds(base, KA)], xv)
        pltpu.sync_copy(ys.at[pl.ds(base, KA)], yv)
        pltpu.sync_copy(zs.at[pl.ds(base, KA)], zv)
        pltpu.sync_copy(rid.at[pl.ds(base, KA)], ridv)

        def compute_g(g, _):
            x = xv[pl.ds(g * 16, 16)]
            y = yv[pl.ds(g * 16, 16)]
            z = zv[pl.ds(g * 16, 16)]
            px = (x + 1.0) * 0.5 * float(GS - 1)
            py = (y + 1.0) * 0.5 * float(GS - 1)
            pz = (z + 1.0) * 0.5 * float(GS - 1)
            x0 = jnp.clip(px.astype(jnp.int32), 0, GS - 2)
            y0 = jnp.clip(py.astype(jnp.int32), 0, GS - 2)
            z0 = jnp.clip(pz.astype(jnp.int32), 0, GS - 2)
            fx = px - x0.astype(jnp.float32)
            fy = py - y0.astype(jnp.float32)
            fz = pz - z0.astype(jnp.float32)
            gx = 1.0 - fx
            gy = 1.0 - fy
            gz = 1.0 - fz
            base_idx = (z0 * GS + y0) * GS + x0
            j = g // 8
            l = g - j * 8
            wfs = ((gz * gy * gx), (gz * gy * fx), (gz * fy * gx), (gz * fy * fx),
                   (fz * gy * gx), (fz * gy * fx), (fz * fy * gx), (fz * fy * fx))
            for c in range(8):
                idxv[c, j, pl.ds(l * 16, 16)] = base_idx + _CORNER_OFF[c]
                w8[c, pl.ds(g * 16, 16)] = wfs[c]
            return _

        lax.fori_loop(0, KA // 16, compute_g, None)

        copies = []
        for c in range(8):
            for j in range(KA // 128):
                cp = pltpu.make_async_copy(
                    table.at[idxv.at[c, j]], rows.at[pl.ds(c * KA + j * 128, 128)], sem)
                cp.start()
                copies.append(cp)
        for j in range(KA // 128):
            cp = pltpu.make_async_copy(
                vdpad.at[ridv.at[pl.ds(j * 128, 128)]], vdrows.at[pl.ds(j * 128, 128)], sem)
            cp.start()
            copies.append(cp)
        for cp in copies:
            cp.wait()

        def blend_g(g, _):
            wvs = [w8[c, pl.ds(g * 16, 16)] for c in range(8)]
            for l in range(16):
                p = g * 16 + l
                accv = vdrows[p, :]
                for c in range(8):
                    accv = accv + wvs[c][l] * rows[c * KA + p, :]
                acc[pl.ds(p * 16, 16)] = accv
            return _

        lax.fori_loop(0, KA // 16, blend_g, None)
        pltpu.sync_copy(acc, fused.at[pl.ds(base * 16, KA * 16)])
        return _

    lax.fori_loop(0, NCHUNK_A, chunk, None)


def _run_a(xs, ys, zs, rid, table, vdpad):
    mesh = plsc.VectorSubcoreMesh(core_axis_name="c", subcore_axis_name="s")
    f = pl.kernel(
        _a_body,
        mesh=mesh,
        compiler_params=pltpu.CompilerParams(use_tc_tiling_on_sc=False),
        out_type=jax.ShapeDtypeStruct((N_PTS * 16,), jnp.float32),
        scratch_types=[
            pltpu.VMEM((KA,), jnp.float32),
            pltpu.VMEM((KA,), jnp.float32),
            pltpu.VMEM((KA,), jnp.float32),
            pltpu.VMEM((KA,), jnp.int32),
            pltpu.VMEM((8, KA // 128, 128), jnp.int32),
            pltpu.VMEM((8, KA), jnp.float32),
            pltpu.VMEM((8 * KA, 16), jnp.float32),
            pltpu.VMEM((KA, 16), jnp.float32),
            pltpu.VMEM((KA * 16,), jnp.float32),
            pltpu.SemaphoreType.DMA,
        ],
    )
    return f(xs, ys, zs, rid, table, vdpad)




def _b_kernel(fused_ref, ridc_ref, ridr_ref, w0x_ref, ws_ref, wc_ref, b0_ref,
              w1_ref, b1_ref, w2_ref, b2_ref, out_ref, acc_ref, lastr_ref):
    @pl.when(pl.program_id(0) == 0)
    def _init():
        acc_ref[0] = 0.0
        lastr_ref[0] = -1

    fused = fused_ref[...]
    rid_col = ridc_ref[...]
    rid_row = ridr_ref[0]

    dens = fused[:, 0:1]
    alpha = 1.0 - (1.0 + jnp.exp(dens + ACT_SHIFT)) ** (-INTERVAL)
    log1m = jnp.log(jnp.clip(1.0 - alpha, 1e-10, 1.0))

    ii = lax.broadcasted_iota(jnp.int32, (BB, BB), 0)
    jj = lax.broadcasted_iota(jnp.int32, (BB, BB), 1)
    m = jnp.where((rid_col == rid_row) & (jj < ii), 1.0, 0.0)
    e = lax.dot_general(m, log1m, (((1,), (0,)), ((), ())),
                        preferred_element_type=jnp.float32)
    first_mask = (rid_col == lastr_ref[0]).astype(jnp.float32)
    e = e + acc_ref[0] * first_mask
    t = jnp.exp(e)
    w = alpha * t

    incl = e + log1m
    row_i = lax.broadcasted_iota(jnp.int32, (BB, 1), 0)
    is_last = row_i == (BB - 1)
    acc_ref[0] = jnp.sum(jnp.where(is_last, incl, 0.0))
    lastr_ref[0] = jnp.sum(jnp.where(is_last, rid_col, 0))

    cc = lax.broadcasted_iota(jnp.int32, (1, 12), 1)
    fvec = (1 << (cc % 4)).astype(jnp.float32)
    r = lax.broadcasted_iota(jnp.int32, (16, 12), 0)
    c = lax.broadcasted_iota(jnp.int32, (16, 12), 1)
    e16 = jnp.where(r == (13 + c // 4), 1.0, 0.0)
    vd12 = lax.dot_general(fused, e16, (((1,), (0,)), ((), ())),
                           preferred_element_type=jnp.float32)
    ang = vd12 * fvec
    sin_p = jnp.sin(ang)
    cos_p = jnp.cos(ang)

    dot = lambda a, b: lax.dot_general(a, b, (((1,), (0,)), ((), ())),
                                       preferred_element_type=jnp.float32)
    h0 = jnp.maximum(dot(fused, w0x_ref[...]) + dot(sin_p, ws_ref[...])
                     + dot(cos_p, wc_ref[...]) + b0_ref[...], 0.0)
    h1 = jnp.maximum(dot(h0, w1_ref[...]) + b1_ref[...], 0.0)
    rgb = jax.nn.sigmoid(dot(h1, w2_ref[...]) + b2_ref[...])
    zero4 = jnp.zeros((BB, 4), jnp.float32)
    out_ref[...] = jnp.concatenate([w * rgb, log1m, zero4], axis=1)


def _run_b(fused, ray_id, w0, b0, w1, b1, w2, b2):
    nb = N_PTS // BB
    rid_col = ray_id.reshape(N_PTS, 1)
    rid_row = ray_id.reshape(nb, 1, BB)
    w0x = jnp.zeros((16, 128), jnp.float32)
    w0x = w0x.at[1:13].set(w0[0:12]).at[13:16].set(w0[12:15])
    ws = w0[15:27]
    wc = w0[27:39]
    return pl.pallas_call(
        _b_kernel,
        grid=(nb,),
        in_specs=[
            pl.BlockSpec((BB, 16), lambda i: (i, 0)),
            pl.BlockSpec((BB, 1), lambda i: (i, 0)),
            pl.BlockSpec((1, 1, BB), lambda i: (i, 0, 0)),
            pl.BlockSpec((16, 128), lambda i: (0, 0)),
            pl.BlockSpec((12, 128), lambda i: (0, 0)),
            pl.BlockSpec((12, 128), lambda i: (0, 0)),
            pl.BlockSpec((1, 128), lambda i: (0, 0)),
            pl.BlockSpec((128, 128), lambda i: (0, 0)),
            pl.BlockSpec((1, 128), lambda i: (0, 0)),
            pl.BlockSpec((128, 3), lambda i: (0, 0)),
            pl.BlockSpec((1, 3), lambda i: (0, 0)),
        ],
        out_specs=pl.BlockSpec((BB, 8), lambda i: (i, 0)),
        out_shape=jax.ShapeDtypeStruct((N_PTS, 8), jnp.float32),
        scratch_shapes=[pltpu.SMEM((1,), jnp.float32), pltpu.SMEM((1,), jnp.int32)],
    )(fused, rid_col, rid_row, w0x, ws, wc, b0.reshape(1, 128),
      w1, b1.reshape(1, 128), w2, b2.reshape(1, 3))



def _c_body(vals3, rid3, zeros, partial, valv, ridv, shared):
    cid = lax.axis_index("c")
    sid = lax.axis_index("s")
    wid = cid * 16 + sid

    @pl.when(sid == 0)
    def _zero():
        pltpu.sync_copy(zeros, shared)
    plsc.subcore_barrier()

    def chunk(t, _):
        cg = wid * NCHUNK_C + t
        pltpu.sync_copy(vals3.at[cg], valv)
        pltpu.sync_copy(rid3.at[cg], ridv)
        for j in range(KC // 128):
            pltpu.sync_copy(valv.at[pl.ds(j * 128, 128)],
                            shared.at[ridv.at[j]], add=True)
        return _

    lax.fori_loop(0, NCHUNK_C, chunk, None)
    plsc.subcore_barrier()

    @pl.when(sid == 0)
    def _out():
        pltpu.sync_copy(shared, partial.at[cid])


def _run_c(vals3, rid3):
    mesh = plsc.VectorSubcoreMesh(core_axis_name="c", subcore_axis_name="s")
    f = pl.kernel(
        _c_body,
        mesh=mesh,
        compiler_params=pltpu.CompilerParams(use_tc_tiling_on_sc=False),
        out_type=jax.ShapeDtypeStruct((2, N_RAYS, 8), jnp.float32),
        scratch_types=[
            pltpu.VMEM((KC, 8), jnp.float32),
            pltpu.VMEM((KC // 128, 128), jnp.int32),
            pltpu.VMEM_SHARED((N_RAYS, 8), jnp.float32),
        ],
    )
    return f(vals3, rid3, jnp.zeros((N_RAYS, 8), jnp.float32))



def _d_kernel(part_ref, rgb_ref, ainv_ref):
    p = part_ref[0] + part_ref[1]
    llast = p[:, 3:4]
    ainv = jnp.exp(llast)
    rgb_ref[...] = p[:, 0:3] + ainv
    ainv_ref[...] = ainv


def _run_d(partial):
    return pl.pallas_call(
        _d_kernel,
        out_shape=(jax.ShapeDtypeStruct((N_RAYS, 3), jnp.float32),
                   jax.ShapeDtypeStruct((N_RAYS, 1), jnp.float32)),
    )(partial)



def kernel(xyz, viewdirs, ray_id, density_grid, k0_grid, w0, b0, w1, b1, w2, b2):
    table = _run_t(density_grid.reshape(DHW), k0_grid.reshape(12 * DHW))
    xs = xyz[:, 0]
    ys = xyz[:, 1]
    zs = xyz[:, 2]
    vdpad = jnp.zeros((N_RAYS, 16), jnp.float32).at[:, 13:16].set(viewdirs)
    fused = _run_a(xs, ys, zs, ray_id, table, vdpad).reshape(N_PTS, 16)
    vals = _run_b(fused, ray_id, w0, b0, w1, b1, w2, b2)
    partial = _run_c(vals.reshape(N_PTS // KC, KC, 8),
                     ray_id.reshape(N_PTS // KC, KC // 128, 128))
    rgb, ainv = _run_d(partial)
    return (rgb, ainv.reshape(N_RAYS))

# --- scband reference (transcript-rebuilt; emitter-appended) ---
"""Pipeline reference for scband-direct-vox-go-25829933318687 (READ-ONLY COPY).

The authoritative reference and input builder live on the scoring server;
editing this copy changes nothing except your own understanding.
"""

import jax, jax.numpy as jnp
import numpy as np

N_RAYS = 8192
N_PTS = 524288
GS = 160
K0_DIM = 12
VIEWPE = 4
WIDTH = 128
INTERVAL = 0.5
ALPHA_INIT = 1e-06
ACT_SHIFT = float(np.log(1.0 / (1.0 - ALPHA_INIT) - 1.0))
XYZ_MIN = -1.0
XYZ_MAX = 1.0


def _trilinear(grid, xyz):
    # grid: [C, D, H, W]; xyz: [N, 3]; align_corners=True grid_sample equivalent
    C, D, H, W = grid.shape
    u = (xyz - XYZ_MIN) / (XYZ_MAX - XYZ_MIN)
    px = u[:, 0] * (W - 1)
    py = u[:, 1] * (H - 1)
    pz = u[:, 2] * (D - 1)
    x0 = jnp.clip(jnp.floor(px), 0, W - 2).astype(jnp.int32)
    y0 = jnp.clip(jnp.floor(py), 0, H - 2).astype(jnp.int32)
    z0 = jnp.clip(jnp.floor(pz), 0, D - 2).astype(jnp.int32)
    fx = px - x0.astype(px.dtype)
    fy = py - y0.astype(py.dtype)
    fz = pz - z0.astype(pz.dtype)
    flat = grid.reshape(C, -1)
    def g(z, y, x):
        return jnp.take(flat, (z * H + y) * W + x, axis=1)  # [C, N]
    out = (g(z0, y0, x0) * (1 - fz) * (1 - fy) * (1 - fx)
         + g(z0, y0, x0 + 1) * (1 - fz) * (1 - fy) * fx
         + g(z0, y0 + 1, x0) * (1 - fz) * fy * (1 - fx)
         + g(z0, y0 + 1, x0 + 1) * (1 - fz) * fy * fx
         + g(z0 + 1, y0, x0) * fz * (1 - fy) * (1 - fx)
         + g(z0 + 1, y0, x0 + 1) * fz * (1 - fy) * fx
         + g(z0 + 1, y0 + 1, x0) * fz * fy * (1 - fx)
         + g(z0 + 1, y0 + 1, x0 + 1) * fz * fy * fx)
    return out.T  # [N, C]


def setup_inputs(seed: int = 0):
    key = jax.random.key(seed)
    ks = jax.random.split(key, 12)
    xyz = (jax.random.uniform(ks[0], (N_PTS, 3), dtype=jnp.float32) * 2.0 - 1.0) * 0.9
    vd = jax.random.normal(ks[1], (N_RAYS, 3), dtype=jnp.float32)
    viewdirs = vd / jnp.linalg.norm(vd, axis=-1, keepdims=True)
    ray_id = jnp.sort(jax.random.randint(ks[2], (N_PTS,), 0, N_RAYS)).astype(jnp.int32)
    density_grid = jax.random.normal(ks[3], (1, 1, GS, GS, GS), dtype=jnp.float32) * 1.0 + 12.0
    k0_grid = jax.random.normal(ks[4], (1, K0_DIM, GS, GS, GS), dtype=jnp.float32) * 0.1
    dim0 = K0_DIM + 3 + 3 * VIEWPE * 2
    w0 = jax.random.normal(ks[5], (dim0, WIDTH), dtype=jnp.float32) * (2.0 / dim0) ** 0.5
    b0 = jnp.zeros((WIDTH,), jnp.float32)
    w1 = jax.random.normal(ks[6], (WIDTH, WIDTH), dtype=jnp.float32) * (2.0 / WIDTH) ** 0.5
    b1 = jnp.zeros((WIDTH,), jnp.float32)
    w2 = jax.random.normal(ks[7], (WIDTH, 3), dtype=jnp.float32) * (2.0 / WIDTH) ** 0.5
    b2 = jnp.zeros((3,), jnp.float32)
    return {"xyz": xyz, "viewdirs": viewdirs, "ray_id": ray_id,
            "density_grid": density_grid, "k0_grid": k0_grid,
            "w0": w0, "b0": b0, "w1": w1, "b1": b1, "w2": w2, "b2": b2}


def reference(xyz, viewdirs, ray_id, density_grid, k0_grid, w0, b0, w1, b1, w2, b2):
    # DenseGrid density query (grid_sample trilinear, align_corners=True)
    density = _trilinear(density_grid[0], xyz)[:, 0]
    # Raw2Alpha: alpha = 1 - (1 + exp(density + shift)) ** (-interval)
    alpha = 1.0 - (1.0 + jnp.exp(density + ACT_SHIFT)) ** (-INTERVAL)
    # Alphas2Weights: per-ray exclusive cumprod of (1 - alpha), segment structure via sorted ray_id
    log1m = jnp.log(jnp.clip(1.0 - alpha, 1e-10, 1.0))
    cum = jnp.cumsum(log1m)
    ecs = jnp.concatenate([jnp.zeros((1,), log1m.dtype), cum[:-1]])
    seg_start = jnp.searchsorted(ray_id, jnp.arange(N_RAYS))
    T = jnp.exp(ecs - ecs[seg_start][ray_id])
    weights = alpha * T
    alphainv_last = jnp.exp(jax.ops.segment_sum(log1m, ray_id, num_segments=N_RAYS))
    # k0 feature query + view-dependent rgbnet
    k0 = _trilinear(k0_grid[0], xyz)
    vd = viewdirs[ray_id]
    freqs = (2.0 ** jnp.arange(VIEWPE)).astype(jnp.float32)
    ang = vd[:, :, None] * freqs
    vd_emb = jnp.concatenate([vd, jnp.sin(ang).reshape(vd.shape[0], -1), jnp.cos(ang).reshape(vd.shape[0], -1)], axis=-1)
    feat = jnp.concatenate([k0, vd_emb], axis=-1)
    h = jax.nn.relu(feat @ w0 + b0)
    h = jax.nn.relu(h @ w1 + b1)
    rgb = jax.nn.sigmoid(h @ w2 + b2)
    # segment-reduce radiance over rays + white background
    rgb_marched = jax.ops.segment_sum(weights[:, None] * rgb, ray_id, num_segments=N_RAYS) + alphainv_last[:, None] * 1.0
    return (rgb_marched, alphainv_last)

if __name__ == "__main__":
    import jax
    _d = setup_inputs()
    print(jax.jit(kernel)(*tuple(_d.values())))

</pallas_src>

<mosaic_0001>
#map = affine_map<(d0, d1) -> (0)>
#map1 = affine_map<(d0, d1) -> (0, 0)>
module attributes {stable_mosaic.version = 14 : i64} {
  func.func @_t_body(%arg0: i32, %arg1: i32, %arg2: memref<4096000xf32, #tpu.memory_space<hbm>>, %arg3: memref<49152000xf32, #tpu.memory_space<hbm>>, %arg4: memref<4096000x16xf32, #tpu.memory_space<hbm>>, %arg5: memref<13x2000xf32, #tpu.memory_space<vmem>>, %arg6: memref<2000x16xf32, #tpu.memory_space<vmem>>, %arg7: memref<!tpu.dma_semaphore, #tpu.memory_space<semaphore_mem>>) attributes {dimension_semantics = [#tpu.dimension_semantics<core_parallel>, #tpu.dimension_semantics<subcore_parallel>], iteration_bounds = array<i64: 2, 16>, scalar_prefetch = 0 : i64, scratch_operands = 3 : i64, tpu.core_type = #tpu.core_type<sc_vector_subcore>, window_params = [{transform_indices = #map}, {transform_indices = #map}, {transform_indices = #map1}]} {
    %mul3A = arith.constant 16 : i32
    %mul3A_0 = arith.muli %arg0, %mul3A : i32
    %add3A = arith.addi %mul3A_0, %arg1 : i32
    %scan3A = arith.constant 0 : i32
    %scan3A_1 = arith.constant 64 : i32
    %scan3A_2 = arith.addi %scan3A, %scan3A_1 : i32
    %scan3A_3 = arith.constant 1 : i32
    scf.for %scan3A_5 = %scan3A to %scan3A_2 step %scan3A_3  : i32 {
      %mul3A_6 = arith.constant 128000 : i32
      %mul3A_7 = arith.muli %add3A, %mul3A_6 : i32
      %mul3A_8 = arith.constant 2000 : i32
      %mul3A_9 = arith.muli %scan3A_5, %mul3A_8 : i32
      %add3A_10 = arith.addi %mul3A_7, %mul3A_9 : i32
      %add3A_11 = arith.constant 0 : i32
      %add3A_12 = arith.addi %add3A_11, %add3A_10 : i32
      %add3A_13 = arith.constant 4096000 : i32
      %add3A_14 = arith.addi %add3A_13, %add3A_10 : i32
      %add3A_15 = arith.constant 8192000 : i32
      %add3A_16 = arith.addi %add3A_15, %add3A_10 : i32
      %add3A_17 = arith.constant 12288000 : i32
      %add3A_18 = arith.addi %add3A_17, %add3A_10 : i32
      %add3A_19 = arith.constant 16384000 : i32
      %add3A_20 = arith.addi %add3A_19, %add3A_10 : i32
      %add3A_21 = arith.constant 20480000 : i32
      %add3A_22 = arith.addi %add3A_21, %add3A_10 : i32
      %add3A_23 = arith.constant 24576000 : i32
      %add3A_24 = arith.addi %add3A_23, %add3A_10 : i32
      %add3A_25 = arith.constant 28672000 : i32
      %add3A_26 = arith.addi %add3A_25, %add3A_10 : i32
      %add3A_27 = arith.constant 32768000 : i32
      %add3A_28 = arith.addi %add3A_27, %add3A_10 : i32
      %add3A_29 = arith.constant 36864000 : i32
      %add3A_30 = arith.addi %add3A_29, %add3A_10 : i32
      %add3A_31 = arith.constant 40960000 : i32
      %add3A_32 = arith.addi %add3A_31, %add3A_10 : i32
      %add3A_33 = arith.constant 45056000 : i32
      %add3A_34 = arith.addi %add3A_33, %add3A_10 : i32
      %dma_start3A = arith.constant 0 : i32
      %dma_start3A_35 = arith.constant 0 : i32
      %dma_start3A_36 = tpu.memref_slice %arg5[%dma_start3A, %dma_start3A_35] : memref<13x2000xf32, #tpu.memory_space<vmem>> -> memref<1x2000xf32, #tpu.memory_space<vmem>>
      %dma_start3A_37 = tpu.memref_squeeze %dma_start3A_36 : memref<1x2000xf32, #tpu.memory_space<vmem>> -> memref<2000xf32, #tpu.memory_space<vmem>>
      %dma_start3A_38 = tpu.memref_slice %arg2[%add3A_10] : memref<4096000xf32, #tpu.memory_space<hbm>> -> memref<2000xf32, #tpu.memory_space<hbm>>
      %dma_start3A_39 = arith.constant 0 : i32
      %dma_start3A_40 = tpu.memref_slice %arg5[%dma_start3A, %dma_start3A_39] : memref<13x2000xf32, #tpu.memory_space<vmem>> -> memref<1x2000xf32, #tpu.memory_space<vmem>>
      %dma_start3A_41 = tpu.memref_squeeze %dma_start3A_40 : memref<1x2000xf32, #tpu.memory_space<vmem>> -> memref<2000xf32, #tpu.memory_space<vmem>>
      %dma_start3A_42 = tpu.memref_slice %arg2[%add3A_10] : memref<4096000xf32, #tpu.memory_space<hbm>> -> memref<2000xf32, #tpu.memory_space<hbm>>
      tpu.enqueue_dma source(%dma_start3A_42 : memref<2000xf32, #tpu.memory_space<hbm>>) target(%dma_start3A_41 : memref<2000xf32, #tpu.memory_space<vmem>>) target_semaphore(%arg7 : memref<!tpu.dma_semaphore, #tpu.memory_space<semaphore_mem>>)
      %dma_start3A_43 = arith.constant 1 : i32
      %dma_start3A_44 = arith.constant 0 : i32
      %dma_start3A_45 = tpu.memref_slice %arg5[%dma_start3A_43, %dma_start3A_44] : memref<13x2000xf32, #tpu.memory_space<vmem>> -> memref<1x2000xf32, #tpu.memory_space<vmem>>
      %dma_start3A_46 = tpu.memref_squeeze %dma_start3A_45 : memref<1x2000xf32, #tpu.memory_space<vmem>> -> memref<2000xf32, #tpu.memory_space<vmem>>
      %dma_start3A_47 = tpu.memref_slice %arg3[%add3A_12] : memref<49152000xf32, #tpu.memory_space<hbm>> -> memref<2000xf32, #tpu.memory_space<hbm>>
      %dma_start3A_48 = arith.constant 0 : i32
      %dma_start3A_49 = tpu.memref_slice %arg5[%dma_start3A_43, %dma_start3A_48] : memref<13x2000xf32, #tpu.memory_space<vmem>> -> memref<1x2000xf32, #tpu.memory_space<vmem>>
      %dma_start3A_50 = tpu.memref_squeeze %dma_start3A_49 : memref<1x2000xf32, #tpu.memory_space<vmem>> -> memref<2000xf32, #tpu.memory_space<vmem>>
      %dma_start3A_51 = tpu.memref_slice %arg3[%add3A_12] : memref<49152000xf32, #tpu.memory_space<hbm>> -> memref<2000xf32, #tpu.memory_space<hbm>>
      tpu.enqueue_dma source(%dma_start3A_51 : memref<2000xf32, #tpu.memory_space<hbm>>) target(%dma_start3A_50 : memref<2000xf32, #tpu.memory_space<vmem>>) target_semaphore(%arg7 : memref<!tpu.dma_semaphore, #tpu.memory_space<semaphore_mem>>)
      %dma_start3A_52 = arith.constant 2 : i32
      %dma_start3A_53 = arith.constant 0 : i32
      %dma_start3A_54 = tpu.memref_slice %arg5[%dma_start3A_52, %dma_start3A_53] : memref<13x2000xf32, #tpu.memory_space<vmem>> -> memref<1x2000xf32, #tpu.memory_space<vmem>>
      %dma_start3A_55 = tpu.memref_squeeze %dma_start3A_54 : memref<1x2000xf32, #tpu.memory_space<vmem>> -> memref<2000xf32, #tpu.memory_space<vmem>>
      %dma_start3A_56 = tpu.memref_slice %arg3[%add3A_14] : memref<49152000xf32, #tpu.memory_space<hbm>> -> memref<2000xf32, #tpu.memory_space<hbm>>
      %dma_start3A_57 = arith.constant 0 : i32
      %dma_start3A_58 = tpu.memref_slice %arg5[%dma_start3A_52, %dma_start3A_57] : memref<13x2000xf32, #tpu.memory_space<vmem>> -> memref<1x2000xf32, #tpu.memory_space<vmem>>
      %dma_start3A_59 = tpu.memref_squeeze %dma_start3A_58 : memref<1x2000xf32, #tpu.memory_space<vmem>> -> memref<2000xf32, #tpu.memory_space<vmem>>
      %dma_start3A_60 = tpu.memref_slice %arg3[%add3A_14] : memref<49152000xf32, #tpu.memory_space<hbm>> -> memref<2000xf32, #tpu.memory_space<hbm>>
      tpu.enqueue_dma source(%dma_start3A_60 : memref<2000xf32, #tpu.memory_space<hbm>>) target(%dma_start3A_59 : memref<2000xf32, #tpu.memory_space<vmem>>) target_semaphore(%arg7 : memref<!tpu.dma_semaphore, #tpu.memory_space<semaphore_mem>>)
      %dma_start3A_61 = arith.constant 3 : i32
      %dma_start3A_62 = arith.constant 0 : i32
      %dma_start3A_63 = tpu.memref_slice %arg5[%dma_start3A_61, %dma_start3A_62] : memref<13x2000xf32, #tpu.memory_space<vmem>> -> memref<1x2000xf32, #tpu.memory_space<vmem>>
      %dma_start3A_64 = tpu.memref_squeeze %dma_start3A_63 : memref<1x2000xf32, #tpu.memory_space<vmem>> -> memref<2000xf32, #tpu.memory_space<vmem>>
      %dma_start3A_65 = tpu.memref_slice %arg3[%add3A_16] : memref<49152000xf32, #tpu.memory_space<hbm>> -> memref<2000xf32, #tpu.memory_space<hbm>>
      %dma_start3A_66 = arith.constant 0 : i32
      %dma_start3A_67 = tpu.memref_slice %arg5[%dma_start3A_61, %dma_start3A_66] : memref<13x2000xf32, #tpu.memory_space<vmem>> -> memref<1x2000xf32, #tpu.memory_space<vmem>>
      %dma_start3A_68 = tpu.memref_squeeze %dma_start3A_67 : memref<1x2000xf32, #tpu.memory_space<vmem>> -> memref<2000xf32, #tpu.memory_space<vmem>>
      %dma_start3A_69 = tpu.memref_slice %arg3[%add3A_16] : memref<49152000xf32, #tpu.memory_space<hbm>> -> memref<2000xf32, #tpu.memory_space<hbm>>
      tpu.enqueue_dma source(%dma_start3A_69 : memref<2000xf32, #tpu.memory_space<hbm>>) target(%dma_start3A_68 : memref<2000xf32, #tpu.memory_space<vmem>>) target_semaphore(%arg7 : memref<!tpu.dma_semaphore, #tpu.memory_space<semaphore_mem>>)
      %dma_start3A_70 = arith.constant 4 : i32
      %dma_start3A_71 = arith.constant 0 : i32
      %dma_start3A_72 = tpu.memref_slice %arg5[%dma_start3A_70, %dma_start3A_71] : memref<13x2000xf32, #tpu.memory_space<vmem>> -> memref<1x2000xf32, #tpu.memory_space<vmem>>
      %dma_start3A_73 = tpu.memref_squeeze %dma_start3A_72 : memref<1x2000xf32, #tpu.memory_space<vmem>> -> memref<2000xf32, #tpu.memory_space<vmem>>
      %dma_start3A_74 = tpu.memref_slice %arg3[%add3A_18] : memref<49152000xf32, #tpu.memory_space<hbm>> -> memref<2000xf32, #tpu.memory_space<hbm>>
      %dma_start3A_75 = arith.constant 0 : i32
      %dma_start3A_76 = tpu.memref_slice %arg5[%dma_start3A_70, %dma_start3A_75] : memref<13x2000xf32, #tpu.memory_space<vmem>> -> memref<1x2000xf32, #tpu.memory_space<vmem>>
      %dma_start3A_77 = tpu.memref_squeeze %dma_start3A_76 : memref<1x2000xf32, #tpu.memory_space<vmem>> -> memref<2000xf32, #tpu.memory_space<vmem>>
      %dma_start3A_78 = tpu.memref_slice %arg3[%add3A_18] : memref<49152000xf32, #tpu.memory_space<hbm>> -> memref<2000xf32, #tpu.memory_space<hbm>>
      tpu.enqueue_dma source(%dma_start3A_78 : memref<2000xf32, #tpu.memory_space<hbm>>) target(%dma_start3A_77 : memref<2000xf32, #tpu.memory_space<vmem>>) target_semaphore(%arg7 : memref<!tpu.dma_semaphore, #tpu.memory_space<semaphore_mem>>)
      %dma_start3A_79 = arith.constant 5 : i32
      %dma_start3A_80 = arith.constant 0 : i32
      %dma_start3A_81 = tpu.memref_slice %arg5[%dma_start3A_79, %dma_start3A_80] : memref<13x2000xf32, #tpu.memory_space<vmem>> -> memref<1x2000xf32, #tpu.memory_space<vmem>>
      %dma_start3A_82 = tpu.memref_squeeze %dma_start3A_81 : memref<1x2000xf32, #tpu.memory_space<vmem>> -> memref<2000xf32, #tpu.memory_space<vmem>>
      %dma_start3A_83 = tpu.memref_slice %arg3[%add3A_20] : memref<49152000xf32, #tpu.memory_space<hbm>> -> memref<2000xf32, #tpu.memory_space<hbm>>
      %dma_start3A_84 = arith.constant 0 : i32
      %dma_start3A_85 = tpu.memref_slice %arg5[%dma_start3A_79, %dma_start3A_84] : memref<13x2000xf32, #tpu.memory_space<vmem>> -> memref<1x2000xf32, #tpu.memory_space<vmem>>
      %dma_start3A_86 = tpu.memref_squeeze %dma_start3A_85 : memref<1x2000xf32, #tpu.memory_space<vmem>> -> memref<2000xf32, #tpu.memory_space<vmem>>
      %dma_start3A_87 = tpu.memref_slice %arg3[%add3A_20] : memref<49152000xf32, #tpu.memory_space<hbm>> -> memref<2000xf32, #tpu.memory_space<hbm>>
      tpu.enqueue_dma source(%dma_start3A_87 : memref<2000xf32, #tpu.memory_space<hbm>>) target(%dma_start3A_86 : memref<2000xf32, #tpu.memory_space<vmem>>) target_semaphore(%arg7 : memref<!tpu.dma_semaphore, #tpu.memory_space<semaphore_mem>>)
      %dma_start3A_88 = arith.constant 6 : i32
      %dma_start3A_89 = arith.constant 0 : i32
      %dma_start3A_90 = tpu.memref_slice %arg5[%dma_start3A_88, %dma_start3A_89] : memref<13x2000xf32, #tpu.memory_space<vmem>> -> memref<1x2000xf32, #tpu.memory_space<vmem>>
      %dma_start3A_91 = tpu.memref_squeeze %dma_start3A_90 : memref<1x2000xf32, #tpu.memory_space<vmem>> -> memref<2000xf32, #tpu.memory_space<vmem>>
      %dma_start3A_92 = tpu.memref_slice %arg3[%add3A_22] : memref<49152000xf32, #tpu.memory_space<hbm>> -> memref<2000xf32, #tpu.memory_space<hbm>>
      %dma_start3A_93 = arith.constant 0 : i32
      %dma_start3A_94 = tpu.memref_slice %arg5[%dma_start3A_88, %dma_start3A_93] : memref<13x2000xf32, #tpu.memory_space<vmem>> -> memref<1x2000xf32, #tpu.memory_space<vmem>>
      %dma_start3A_95 = tpu.memref_squeeze %dma_start3A_94 : memref<1x2000xf32, #tpu.memory_space<vmem>> -> memref<2000xf32, #tpu.memory_space<vmem>>
      %dma_start3A_96 = tpu.memref_slice %arg3[%add3A_22] : memref<49152000xf32, #tpu.memory_space<hbm>> -> memref<2000xf32, #tpu.memory_space<hbm>>
      tpu.enqueue_dma source(%dma_start3A_96 : memref<2000xf32, #tpu.memory_space<hbm>>) target(%dma_start3A_95 : memref<2000xf32, #tpu.memory_space<vmem>>) target_semaphore(%arg7 : memref<!tpu.dma_semaphore, #tpu.memory_space<semaphore_mem>>)
      %dma_start3A_97 = arith.constant 7 : i32
      %dma_start3A_98 = arith.constant 0 : i32
      %dma_start3A_99 = tpu.memref_slice %arg5[%dma_start3A_97, %dma_start3A_98] : memref<13x2000xf32, #tpu.memory_space<vmem>> -> memref<1x2000xf32, #tpu.memory_space<vmem>>
      %dma_start3A_100 = tpu.memref_squeeze %dma_start3A_99 : memref<1x2000xf32, #tpu.memory_space<vmem>> -> memref<2000xf32, #tpu.memory_space<vmem>>
      %dma_start3A_101 = tpu.memref_slice %arg3[%add3A_24] : memref<49152000xf32, #tpu.memory_space<hbm>> -> memref<2000xf32, #tpu.memory_space<hbm>>
      %dma_start3A_102 = arith.constant 0 : i32
      %dma_start3A_103 = tpu.memref_slice %arg5[%dma_start3A_97, %dma_start3A_102] : memref<13x2000xf32, #tpu.memory_space<vmem>> -> memref<1x2000xf32, #tpu.memory_space<vmem>>
      %dma_start3A_104 = tpu.memref_squeeze %dma_start3A_103 : memref<1x2000xf32, #tpu.memory_space<vmem>> -> memref<2000xf32, #tpu.memory_space<vmem>>
      %dma_start3A_105 = tpu.memref_slice %arg3[%add3A_24] : memref<49152000xf32, #tpu.memory_space<hbm>> -> memref<2000xf32, #tpu.memory_space<hbm>>
      tpu.enqueue_dma source(%dma_start3A_105 : memref<2000xf32, #tpu.memory_space<hbm>>) target(%dma_start3A_104 : memref<2000xf32, #tpu.memory_space<vmem>>) target_semaphore(%arg7 : memref<!tpu.dma_semaphore, #tpu.memory_space<semaphore_mem>>)
      %dma_start3A_106 = arith.constant 8 : i32
      %dma_start3A_107 = arith.constant 0 : i32
      %dma_start3A_108 = tpu.memref_slice %arg5[%dma_start3A_106, %dma_start3A_107] : memref<13x2000xf32, #tpu.memory_space<vmem>> -> memref<1x2000xf32, #tpu.memory_space<vmem>>
      %dma_start3A_109 = tpu.memref_squeeze %dma_start3A_108 : memref<1x2000xf32, #tpu.memory_space<vmem>> -> memref<2000xf32, #tpu.memory_space<vmem>>
      %dma_start3A_110 = tpu.memref_slice %arg3[%add3A_26] : memref<49152000xf32, #tpu.memory_space<hbm>> -> memref<2000xf32, #tpu.memory_space<hbm>>
      %dma_start3A_111 = arith.constant 0 : i32
      %dma_start3A_112 = tpu.memref_slice %arg5[%dma_start3A_106, %dma_start3A_111] : memref<13x2000xf32, #tpu.memory_space<vmem>> -> memref<1x2000xf32, #tpu.memory_space<vmem>>
      %dma_start3A_113 = tpu.memref_squeeze %dma_start3A_112 : memref<1x2000xf32, #tpu.memory_space<vmem>> -> memref<2000xf32, #tpu.memory_space<vmem>>
      %dma_start3A_114 = tpu.memref_slice %arg3[%add3A_26] : memref<49152000xf32, #tpu.memory_space<hbm>> -> memref<2000xf32, #tpu.memory_space<hbm>>
      tpu.enqueue_dma source(%dma_start3A_114 : memref<2000xf32, #tpu.memory_space<hbm>>) target(%dma_start3A_113 : memref<2000xf32, #tpu.memory_space<vmem>>) target_semaphore(%arg7 : memref<!tpu.dma_semaphore, #tpu.memory_space<semaphore_mem>>)
      %dma_start3A_115 = arith.constant 9 : i32
      %dma_start3A_116 = arith.constant 0 : i32
      %dma_start3A_117 = tpu.memref_slice %arg5[%dma_start3A_115, %dma_start3A_116] : memref<13x2000xf32, #tpu.memory_space<vmem>> -> memref<1x2000xf32, #tpu.memory_space<vmem>>
      %dma_start3A_118 = tpu.memref_squeeze %dma_start3A_117 : memref<1x2000xf32, #tpu.memory_space<vmem>> -> memref<2000xf32, #tpu.memory_space<vmem>>
      %dma_start3A_119 = tpu.memref_slice %arg3[%add3A_28] : memref<49152000xf32, #tpu.memory_space<hbm>> -> memref<2000xf32, #tpu.memory_space<hbm>>
      %dma_start3A_120 = arith.constant 0 : i32
      %dma_start3A_121 = tpu.memref_slice %arg5[%dma_start3A_115, %dma_start3A_120] : memref<13x2000xf32, #tpu.memory_space<vmem>> -> memref<1x2000xf32, #tpu.memory_space<vmem>>
      %dma_start3A_122 = tpu.memref_squeeze %dma_start3A_121 : memref<1x2000xf32, #tpu.memory_space<vmem>> -> memref<2000xf32, #tpu.memory_space<vmem>>
      %dma_start3A_123 = tpu.memref_slice %arg3[%add3A_28] : memref<49152000xf32, #tpu.memory_space<hbm>> -> memref<2000xf32, #tpu.memory_space<hbm>>
      tpu.enqueue_dma source(%dma_start3A_123 : memref<2000xf32, #tpu.memory_space<hbm>>) target(%dma_start3A_122 : memref<2000xf32, #tpu.memory_space<vmem>>) target_semaphore(%arg7 : memref<!tpu.dma_semaphore, #tpu.memory_space<semaphore_mem>>)
      %dma_start3A_124 = arith.constant 10 : i32
      %dma_start3A_125 = arith.constant 0 : i32
      %dma_start3A_126 = tpu.memref_slice %arg5[%dma_start3A_124, %dma_start3A_125] : memref<13x2000xf32, #tpu.memory_space<vmem>> -> memref<1x2000xf32, #tpu.memory_space<vmem>>
      %dma_start3A_127 = tpu.memref_squeeze %dma_start3A_126 : memref<1x2000xf32, #tpu.memory_space<vmem>> -> memref<2000xf32, #tpu.memory_space<vmem>>
      %dma_start3A_128 = tpu.memref_slice %arg3[%add3A_30] : memref<49152000xf32, #tpu.memory_space<hbm>> -> memref<2000xf32, #tpu.memory_space<hbm>>
      %dma_start3A_129 = arith.constant 0 : i32
      %dma_start3A_130 = tpu.memref_slice %arg5[%dma_start3A_124, %dma_start3A_129] : memref<13x2000xf32, #tpu.memory_space<vmem>> -> memref<1x2000xf32, #tpu.memory_space<vmem>>
      %dma_start3A_131 = tpu.memref_squeeze %dma_start3A_130 : memref<1x2000xf32, #tpu.memory_space<vmem>> -> memref<2000xf32, #tpu.memory_space<vmem>>
      %dma_start3A_132 = tpu.memref_slice %arg3[%add3A_30] : memref<49152000xf32, #tpu.memory_space<hbm>> -> memref<2000xf32, #tpu.memory_space<hbm>>
      tpu.enqueue_dma source(%dma_start3A_132 : memref<2000xf32, #tpu.memory_space<hbm>>) target(%dma_start3A_131 : memref<2000xf32, #tpu.memory_space<vmem>>) target_semaphore(%arg7 : memref<!tpu.dma_semaphore, #tpu.memory_space<semaphore_mem>>)
      %dma_start3A_133 = arith.constant 11 : i32
      %dma_start3A_134 = arith.constant 0 : i32
      %dma_start3A_135 = tpu.memref_slice %arg5[%dma_start3A_133, %dma_start3A_134] : memref<13x2000xf32, #tpu.memory_space<vmem>> -> memref<1x2000xf32, #tpu.memory_space<vmem>>
      %dma_start3A_136 = tpu.memref_squeeze %dma_start3A_135 : memref<1x2000xf32, #tpu.memory_space<vmem>> -> memref<2000xf32, #tpu.memory_space<vmem>>
      %dma_start3A_137 = tpu.memref_slice %arg3[%add3A_32] : memref<49152000xf32, #tpu.memory_space<hbm>> -> memref<2000xf32, #tpu.memory_space<hbm>>
      %dma_start3A_138 = arith.constant 0 : i32
      %dma_start3A_139 = tpu.memref_slice %arg5[%dma_start3A_133, %dma_start3A_138] : memref<13x2000xf32, #tpu.memory_space<vmem>> -> memref<1x2000xf32, #tpu.memory_space<vmem>>
      %dma_start3A_140 = tpu.memref_squeeze %dma_start3A_139 : memref<1x2000xf32, #tpu.memory_space<vmem>> -> memref<2000xf32, #tpu.memory_space<vmem>>
      %dma_start3A_141 = tpu.memref_slice %arg3[%add3A_32] : memref<49152000xf32, #tpu.memory_space<hbm>> -> memref<2000xf32, #tpu.memory_space<hbm>>
      tpu.enqueue_dma source(%dma_start3A_141 : memref<2000xf32, #tpu.memory_space<hbm>>) target(%dma_start3A_140 : memref<2000xf32, #tpu.memory_space<vmem>>) target_semaphore(%arg7 : memref<!tpu.dma_semaphore, #tpu.memory_space<semaphore_mem>>)
      %dma_start3A_142 = arith.constant 12 : i32
      %dma_start3A_143 = arith.constant 0 : i32
      %dma_start3A_144 = tpu.memref_slice %arg5[%dma_start3A_142, %dma_start3A_143] : memref<13x2000xf32, #tpu.memory_space<vmem>> -> memref<1x2000xf32, #tpu.memory_space<vmem>>
      %dma_start3A_145 = tpu.memref_squeeze %dma_start3A_144 : memref<1x2000xf32, #tpu.memory_space<vmem>> -> memref<2000xf32, #tpu.memory_space<vmem>>
      %dma_start3A_146 = tpu.memref_slice %arg3[%add3A_34] : memref<49152000xf32, #tpu.memory_space<hbm>> -> memref<2000xf32, #tpu.memory_space<hbm>>
      %dma_start3A_147 = arith.constant 0 : i32
      %dma_start3A_148 = tpu.memref_slice %arg5[%dma_start3A_142, %dma_start3A_147] : memref<13x2000xf32, #tpu.memory_space<vmem>> -> memref<1x2000xf32, #tpu.memory_space<vmem>>
      %dma_start3A_149 = tpu.memref_squeeze %dma_start3A_148 : memref<1x2000xf32, #tpu.memory_space<vmem>> -> memref<2000xf32, #tpu.memory_space<vmem>>
      %dma_start3A_150 = tpu.memref_slice %arg3[%add3A_34] : memref<49152000xf32, #tpu.memory_space<hbm>> -> memref<2000xf32, #tpu.memory_space<hbm>>
      tpu.enqueue_dma source(%dma_start3A_150 : memref<2000xf32, #tpu.memory_space<hbm>>) target(%dma_start3A_149 : memref<2000xf32, #tpu.memory_space<vmem>>) target_semaphore(%arg7 : memref<!tpu.dma_semaphore, #tpu.memory_space<semaphore_mem>>)
      %dma_wait3A = arith.constant 0 : i32
      %dma_wait3A_151 = arith.constant 0 : i32
      %dma_wait3A_152 = tpu.memref_slice %arg5[%dma_wait3A, %dma_wait3A_151] : memref<13x2000xf32, #tpu.memory_space<vmem>> -> memref<1x2000xf32, #tpu.memory_space<vmem>>
      %dma_wait3A_153 = tpu.memref_squeeze %dma_wait3A_152 : memref<1x2000xf32, #tpu.memory_space<vmem>> -> memref<2000xf32, #tpu.memory_space<vmem>>
      %dma_wait3A_154 = tpu.memref_slice %arg2[%add3A_10] : memref<4096000xf32, #tpu.memory_space<hbm>> -> memref<2000xf32, #tpu.memory_space<hbm>>
      %dma_wait3A_155 = arith.constant 0 : i32
      %dma_wait3A_156 = tpu.memref_slice %arg5[%dma_wait3A, %dma_wait3A_155] : memref<13x2000xf32, #tpu.memory_space<vmem>> -> memref<1x2000xf32, #tpu.memory_space<vmem>>
      %dma_wait3A_157 = tpu.memref_squeeze %dma_wait3A_156 : memref<1x2000xf32, #tpu.memory_space<vmem>> -> memref<2000xf32, #tpu.memory_space<vmem>>
      %dma_wait3A_158 = tpu.memref_slice %arg2[%add3A_10] : memref<4096000xf32, #tpu.memory_space<hbm>> -> memref<2000xf32, #tpu.memory_space<hbm>>
      tpu.wait_dma2 semaphore(%arg7 : memref<!tpu.dma_semaphore, #tpu.memory_space<semaphore_mem>>) src(%dma_wait3A_158 : memref<2000xf32, #tpu.memory_space<hbm>>) dst(%dma_wait3A_157 : memref<2000xf32, #tpu.memory_space<vmem>>)
      %dma_wait3A_159 = arith.constant 1 : i32
      %dma_wait3A_160 = arith.constant 0 : i32
      %dma_wait3A_161 = tpu.memref_slice %arg5[%dma_wait3A_159, %dma_wait3A_160] : memref<13x2000xf32, #tpu.memory_space<vmem>> -> memref<1x2000xf32, #tpu.memory_space<vmem>>
      %dma_wait3A_162 = tpu.memref_squeeze %dma_wait3A_161 : memref<1x2000xf32, #tpu.memory_space<vmem>> -> memref<2000xf32, #tpu.memory_space<vmem>>
      %dma_wait3A_163 = tpu.memref_slice %arg3[%add3A_12] : memref<49152000xf32, #tpu.memory_space<hbm>> -> memref<2000xf32, #tpu.memory_space<hbm>>
      %dma_wait3A_164 = arith.constant 0 : i32
      %dma_wait3A_165 = tpu.memref_slice %arg5[%dma_wait3A_159, %dma_wait3A_164] : memref<13x2000xf32, #tpu.memory_space<vmem>> -> memref<1x2000xf32, #tpu.memory_space<vmem>>
      %dma_wait3A_166 = tpu.memref_squeeze %dma_wait3A_165 : memref<1x2000xf32, #tpu.memory_space<vmem>> -> memref<2000xf32, #tpu.memory_space<vmem>>
      %dma_wait3A_167 = tpu.memref_slice %arg3[%add3A_12] : memref<49152000xf32, #tpu.memory_space<hbm>> -> memref<2000xf32, #tpu.memory_space<hbm>>
      tpu.wait_dma2 semaphore(%arg7 : memref<!tpu.dma_semaphore, #tpu.memory_space<semaphore_mem>>) src(%dma_wait3A_167 : memref<2000xf32, #tpu.memory_space<hbm>>) dst(%dma_wait3A_166 : memref<2000xf32, #tpu.memory_space<vmem>>)
      %dma_wait3A_168 = arith.constant 2 : i32
      %dma_wait3A_169 = arith.constant 0 : i32
      %dma_wait3A_170 = tpu.memref_slice %arg5[%dma_wait3A_168, %dma_wait3A_169] : memref<13x2000xf32, #tpu.memory_space<vmem>> -> memref<1x2000xf32, #tpu.memory_space<vmem>>
      %dma_wait3A_171 = tpu.memref_squeeze %dma_wait3A_170 : memref<1x2000xf32, #tpu.memory_space<vmem>> -> memref<2000xf32, #tpu.memory_space<vmem>>
      %dma_wait3A_172 = tpu.memref_slice %arg3[%add3A_14] : memref<49152000xf32, #tpu.memory_space<hbm>> -> memref<2000xf32, #tpu.memory_space<hbm>>
      %dma_wait3A_173 = arith.constant 0 : i32
      %dma_wait3A_174 = tpu.memref_slice %arg5[%dma_wait3A_168, %dma_wait3A_173] : memref<13x2000xf32, #tpu.memory_space<vmem>> -> memref<1x2000xf32, #tpu.memory_space<vmem>>
      %dma_wait3A_175 = tpu.memref_squeeze %dma_wait3A_174 : memref<1x2000xf32, #tpu.memory_space<vmem>> -> memref<2000xf32, #tpu.memory_space<vmem>>
      %dma_wait3A_176 = tpu.memref_slice %arg3[%add3A_14] : memref<49152000xf32, #tpu.memory_space<hbm>> -> memref<2000xf32, #tpu.memory_space<hbm>>
      tpu.wait_dma2 semaphore(%arg7 : memref<!tpu.dma_semaphore, #tpu.memory_space<semaphore_mem>>) src(%dma_wait3A_176 : memref<2000xf32, #tpu.memory_space<hbm>>) dst(%dma_wait3A_175 : memref<2000xf32, #tpu.memory_space<vmem>>)
      %dma_wait3A_177 = arith.constant 3 : i32
      %dma_wait3A_178 = arith.constant 0 : i32
      %dma_wait3A_179 = tpu.memref_slice %arg5[%dma_wait3A_177, %dma_wait3A_178] : memref<13x2000xf32, #tpu.memory_space<vmem>> -> memref<1x2000xf32, #tpu.memory_space<vmem>>
      %dma_wait3A_180 = tpu.memref_squeeze %dma_wait3A_179 : memref<1x2000xf32, #tpu.memory_space<vmem>> -> memref<2000xf32, #tpu.memory_space<vmem>>
      %dma_wait3A_181 = tpu.memref_slice %arg3[%add3A_16] : memref<49152000xf32, #tpu.memory_space<hbm>> -> memref<2000xf32, #tpu.memory_space<hbm>>
      %dma_wait3A_182 = arith.constant 0 : i32
      %dma_wait3A_183 = tpu.memref_slice %arg5[%dma_wait3A_177, %dma_wait3A_182] : memref<13x2000xf32, #tpu.memory_space<vmem>> -> memref<1x2000xf32, #tpu.memory_space<vmem>>
      %dma_wait3A_184 = tpu.memref_squeeze %dma_wait3A_183 : memref<1x2000xf32, #tpu.memory_space<vmem>> -> memref<2000xf32, #tpu.memory_space<vmem>>
      %dma_wait3A_185 = tpu.memref_slice %arg3[%add3A_16] : memref<49152000xf32, #tpu.memory_space<hbm>> -> memref<2000xf32, #tpu.memory_space<hbm>>
      tpu.wait_dma2 semaphore(%arg7 : memref<!tpu.dma_semaphore, #tpu.memory_space<semaphore_mem>>) src(%dma_wait3A_185 : memref<2000xf32, #tpu.memory_space<hbm>>) dst(%dma_wait3A_184 : memref<2000xf32, #tpu.memory_space<vmem>>)
      %dma_wait3A_186 = arith.constant 4 : i32
      %dma_wait3A_187 = arith.constant 0 : i32
      %dma_wait3A_188 = tpu.memref_slice %arg5[%dma_wait3A_186, %dma_wait3A_187] : memref<13x2000xf32, #tpu.memory_space<vmem>> -> memref<1x2000xf32, #tpu.memory_space<vmem>>
      %dma_wait3A_189 = tpu.memref_squeeze %dma_wait3A_188 : memref<1x2000xf32, #tpu.memory_space<vmem>> -> memref<2000xf32, #tpu.memory_space<vmem>>
      %dma_wait3A_190 = tpu.memref_slice %arg3[%add3A_18] : memref<49152000xf32, #tpu.memory_space<hbm>> -> memref<2000xf32, #tpu.memory_space<hbm>>
      %dma_wait3A_191 = arith.constant 0 : i32
      %dma_wait3A_192 = tpu.memref_slice %arg5[%dma_wait3A_186, %dma_wait3A_191] : memref<13x2000xf32, #tpu.memory_space<vmem>> -> memref<1x2000xf32, #tpu.memory_space<vmem>>
      %dma_wait3A_193 = tpu.memref_squeeze %dma_wait3A_192 : memref<1x2000xf32, #tpu.memory_space<vmem>> -> memref<2000xf32, #tpu.memory_space<vmem>>
      %dma_wait3A_194 = tpu.memref_slice %arg3[%add3A_18] : memref<49152000xf32, #tpu.memory_space<hbm>> -> memref<2000xf32, #tpu.memory_space<hbm>>
      tpu.wait_dma2 semaphore(%arg7 : memref<!tpu.dma_semaphore, #tpu.memory_space<semaphore_mem>>) src(%dma_wait3A_194 : memref<2000xf32, #tpu.memory_space<hbm>>) dst(%dma_wait3A_193 : memref<2000xf32, #tpu.memory_space<vmem>>)
      %dma_wait3A_195 = arith.constant 5 : i32
      %dma_wait3A_196 = arith.constant 0 : i32
      %dma_wait3A_197 = tpu.memref_slice %arg5[%dma_wait3A_195, %dma_wait3A_196] : memref<13x2000xf32, #tpu.memory_space<vmem>> -> memref<1x2000xf32, #tpu.memory_space<vmem>>
      %dma_wait3A_198 = tpu.memref_squeeze %dma_wait3A_197 : memref<1x2000xf32, #tpu.memory_space<vmem>> -> memref<2000xf32, #tpu.memory_space<vmem>>
      %dma_wait3A_199 = tpu.memref_slice %arg3[%add3A_20] : memref<49152000xf32, #tpu.memory_space<hbm>> -> memref<2000xf32, #tpu.memory_space<hbm>>
      %dma_wait3A_200 = arith.constant 0 : i32
      %dma_wait3A_201 = tpu.memref_slice %arg5[%dma_wait3A_195, %dma_wait3A_200] : memref<13x2000xf32, #tpu.memory_space<vmem>> -> memref<1x2000xf32, #tpu.memory_space<vmem>>
      %dma_wait3A_202 = tpu.memref_squeeze %dma_wait3A_201 : memref<1x2000xf32, #tpu.memory_space<vmem>> -> memref<2000xf32, #tpu.memory_space<vmem>>
      %dma_wait3A_203 = tpu.memref_slice %arg3[%add3A_20] : memref<49152000xf32, #tpu.memory_space<hbm>> -> memref<2000xf32, #tpu.memory_space<hbm>>
      tpu.wait_dma2 semaphore(%arg7 : memref<!tpu.dma_semaphore, #tpu.memory_space<semaphore_mem>>) src(%dma_wait3A_203 : memref<2000xf32, #tpu.memory_space<hbm>>) dst(%dma_wait3A_202 : memref<2000xf32, #tpu.memory_space<vmem>>)
      %dma_wait3A_204 = arith.constant 6 : i32
      %dma_wait3A_205 = arith.constant 0 : i32
      %dma_wait3A_206 = tpu.memref_slice %arg5[%dma_wait3A_204, %dma_wait3A_205] : memref<13x2000xf32, #tpu.memory_space<vmem>> -> memref<1x2000xf32, #tpu.memory_space<vmem>>
      %dma_wait3A_207 = tpu.memref_squeeze %dma_wait3A_206 : memref<1x2000xf32, #tpu.memory_space<vmem>> -> memref<2000xf32, #tpu.memory_space<vmem>>
      %dma_wait3A_208 = tpu.memref_slice %arg3[%add3A_22] : memref<49152000xf32, #tpu.memory_space<hbm>> -> memref<2000xf32, #tpu.memory_space<hbm>>
      %dma_wait3A_209 = arith.constant 0 : i32
      %dma_wait3A_210 = tpu.memref_slice %arg5[%dma_wait3A_204, %dma_wait3A_209] : memref<13x2000xf32, #tpu.memory_space<vmem>> -> memref<1x2000xf32, #tpu.memory_space<vmem>>
      %dma_wait3A_211 = tpu.memref_squeeze %dma_wait3A_210 : memref<1x2000xf32, #tpu.memory_space<vmem>> -> memref<2000xf32, #tpu.memory_space<vmem>>
      %dma_wait3A_212 = tpu.memref_slice %arg3[%add3A_22] : memref<49152000xf32, #tpu.memory_space<hbm>> -> memref<2000xf32, #tpu.memory_space<hbm>>
      tpu.wait_dma2 semaphore(%arg7 : memref<!tpu.dma_semaphore, #tpu.memory_space<semaphore_mem>>) src(%dma_wait3A_212 : memref<2000xf32, #tpu.memory_space<hbm>>) dst(%dma_wait3A_211 : memref<2000xf32, #tpu.memory_space<vmem>>)
      %dma_wait3A_213 = arith.constant 7 : i32
      %dma_wait3A_214 = arith.constant 0 : i32
      %dma_wait3A_215 = tpu.memref_slice %arg5[%dma_wait3A_213, %dma_wait3A_214] : memref<13x2000xf32, #tpu.memory_space<vmem>> -> memref<1x2000xf32, #tpu.memory_space<vmem>>
      %dma_wait3A_216 = tpu.memref_squeeze %dma_wait3A_215 : memref<1x2000xf32, #tpu.memory_space<vmem>> -> memref<2000xf32, #tpu.memory_space<vmem>>
      %dma_wait3A_217 = tpu.memref_slice %arg3[%add3A_24] : memref<49152000xf32, #tpu.memory_space<hbm>> -> memref<2000xf32, #tpu.memory_space<hbm>>
      %dma_wait3A_218 = arith.constant 0 : i32
      %dma_wait3A_219 = tpu.memref_slice %arg5[%dma_wait3A_213, %dma_wait3A_218] : memref<13x2000xf32, #tpu.memory_space<vmem>> -> memref<1x2000xf32, #tpu.memory_space<vmem>>
      %dma_wait3A_220 = tpu.memref_squeeze %dma_wait3A_219 : memref<1x2000xf32, #tpu.memory_space<vmem>> -> memref<2000xf32, #tpu.memory_space<vmem>>
      %dma_wait3A_221 = tpu.memref_slice %arg3[%add3A_24] : memref<49152000xf32, #tpu.memory_space<hbm>> -> memref<2000xf32, #tpu.memory_space<hbm>>
      tpu.wait_dma2 semaphore(%arg7 : memref<!tpu.dma_semaphore, #tpu.memory_space<semaphore_mem>>) src(%dma_wait3A_221 : memref<2000xf32, #tpu.memory_space<hbm>>) dst(%dma_wait3A_220 : memref<2000xf32, #tpu.memory_space<vmem>>)
      %dma_wait3A_222 = arith.constant 8 : i32
      %dma_wait3A_223 = arith.constant 0 : i32
      %dma_wait3A_224 = tpu.memref_slice %arg5[%dma_wait3A_222, %dma_wait3A_223] : memref<13x2000xf32, #tpu.memory_space<vmem>> -> memref<1x2000xf32, #tpu.memory_space<vmem>>
      %dma_wait3A_225 = tpu.memref_squeeze %dma_wait3A_224 : memref<1x2000xf32, #tpu.memory_space<vmem>> -> memref<2000xf32, #tpu.memory_space<vmem>>
      %dma_wait3A_226 = tpu.memref_slice %arg3[%add3A_26] : memref<49152000xf32, #tpu.memory_space<hbm>> -> memref<2000xf32, #tpu.memory_space<hbm>>
      %dma_wait3A_227 = arith.constant 0 : i32
      %dma_wait3A_228 = tpu.memref_slice %arg5[%dma_wait3A_222, %dma_wait3A_227] : memref<13x2000xf32, #tpu.memory_space<vmem>> -> memref<1x2000xf32, #tpu.memory_space<vmem>>
      %dma_wait3A_229 = tpu.memref_squeeze %dma_wait3A_228 : memref<1x2000xf32, #tpu.memory_space<vmem>> -> memref<2000xf32, #tpu.memory_space<vmem>>
      %dma_wait3A_230 = tpu.memref_slice %arg3[%add3A_26] : memref<49152000xf32, #tpu.memory_space<hbm>> -> memref<2000xf32, #tpu.memory_space<hbm>>
      tpu.wait_dma2 semaphore(%arg7 : memref<!tpu.dma_semaphore, #tpu.memory_space<semaphore_mem>>) src(%dma_wait3A_230 : memref<2000xf32, #tpu.memory_space<hbm>>) dst(%dma_wait3A_229 : memref<2000xf32, #tpu.memory_space<vmem>>)
      %dma_wait3A_231 = arith.constant 9 : i32
      %dma_wait3A_232 = arith.constant 0 : i32
      %dma_wait3A_233 = tpu.memref_slice %arg5[%dma_wait3A_231, %dma_wait3A_232] : memref<13x2000xf32, #tpu.memory_space<vmem>> -> memref<1x2000xf32, #tpu.memory_space<vmem>>
      %dma_wait3A_234 = tpu.memref_squeeze %dma_wait3A_233 : memref<1x2000xf32, #tpu.memory_space<vmem>> -> memref<2000xf32, #tpu.memory_space<vmem>>
      %dma_wait3A_235 = tpu.memref_slice %arg3[%add3A_28] : memref<49152000xf32, #tpu.memory_space<hbm>> -> memref<2000xf32, #tpu.memory_space<hbm>>
      %dma_wait3A_236 = arith.constant 0 : i32
      %dma_wait3A_237 = tpu.memref_slice %arg5[%dma_wait3A_231, %dma_wait3A_236] : memref<13x2000xf32, #tpu.memory_space<vmem>> -> memref<1x2000xf32, #tpu.memory_space<vmem>>
      %dma_wait3A_238 = tpu.memref_squeeze %dma_wait3A_237 : memref<1x2000xf32, #tpu.memory_space<vmem>> -> memref<2000xf32, #tpu.memory_space<vmem>>
      %dma_wait3A_239 = tpu.memref_slice %arg3[%add3A_28] : memref<49152000xf32, #tpu.memory_space<hbm>> -> memref<2000xf32, #tpu.memory_space<hbm>>
      tpu.wait_dma2 semaphore(%arg7 : memref<!tpu.dma_semaphore, #tpu.memory_space<semaphore_mem>>) src(%dma_wait3A_239 : memref<2000xf32, #tpu.memory_space<hbm>>) dst(%dma_wait3A_238 : memref<2000xf32, #tpu.memory_space<vmem>>)
      %dma_wait3A_240 = arith.constant 10 : i32
      %dma_wait3A_241 = arith.constant 0 : i32
      %dma_wait3A_242 = tpu.memref_slice %arg5[%dma_wait3A_240, %dma_wait3A_241] : memref<13x2000xf32, #tpu.memory_space<vmem>> -> memref<1x2000xf32, #tpu.memory_space<vmem>>
      %dma_wait3A_243 = tpu.memref_squeeze %dma_wait3A_242 : memref<1x2000xf32, #tpu.memory_space<vmem>> -> memref<2000xf32, #tpu.memory_space<vmem>>
      %dma_wait3A_244 = tpu.memref_slice %arg3[%add3A_30] : memref<49152000xf32, #tpu.memory_space<hbm>> -> memref<2000xf32, #tpu.memory_space<hbm>>
      %dma_wait3A_245 = arith.constant 0 : i32
      %dma_wait3A_246 = tpu.memref_slice %arg5[%dma_wait3A_240, %dma_wait3A_245] : memref<13x2000xf32, #tpu.memory_space<vmem>> -> memref<1x2000xf32, #tpu.memory_space<vmem>>
      %dma_wait3A_247 = tpu.memref_squeeze %dma_wait3A_246 : memref<1x2000xf32, #tpu.memory_space<vmem>> -> memref<2000xf32, #tpu.memory_space<vmem>>
      %dma_wait3A_248 = tpu.memref_slice %arg3[%add3A_30] : memref<49152000xf32, #tpu.memory_space<hbm>> -> memref<2000xf32, #tpu.memory_space<hbm>>
      tpu.wait_dma2 semaphore(%arg7 : memref<!tpu.dma_semaphore, #tpu.memory_space<semaphore_mem>>) src(%dma_wait3A_248 : memref<2000xf32, #tpu.memory_space<hbm>>) dst(%dma_wait3A_247 : memref<2000xf32, #tpu.memory_space<vmem>>)
      %dma_wait3A_249 = arith.constant 11 : i32
      %dma_wait3A_250 = arith.constant 0 : i32
      %dma_wait3A_251 = tpu.memref_slice %arg5[%dma_wait3A_249, %dma_wait3A_250] : memref<13x2000xf32, #tpu.memory_space<vmem>> -> memref<1x2000xf32, #tpu.memory_space<vmem>>
      %dma_wait3A_252 = tpu.memref_squeeze %dma_wait3A_251 : memref<1x2000xf32, #tpu.memory_space<vmem>> -> memref<2000xf32, #tpu.memory_space<vmem>>
      %dma_wait3A_253 = tpu.memref_slice %arg3[%add3A_32] : memref<49152000xf32, #tpu.memory_space<hbm>> -> memref<2000xf32, #tpu.memory_space<hbm>>
      %dma_wait3A_254 = arith.constant 0 : i32
      %dma_wait3A_255 = tpu.memref_slice %arg5[%dma_wait3A_249, %dma_wait3A_254] : memref<13x2000xf32, #tpu.memory_space<vmem>> -> memref<1x2000xf32, #tpu.memory_space<vmem>>
      %dma_wait3A_256 = tpu.memref_squeeze %dma_wait3A_255 : memref<1x2000xf32, #tpu.memory_space<vmem>> -> memref<2000xf32, #tpu.memory_space<vmem>>
      %dma_wait3A_257 = tpu.memref_slice %arg3[%add3A_32] : memref<49152000xf32, #tpu.memory_space<hbm>> -> memref<2000xf32, #tpu.memory_space<hbm>>
      tpu.wait_dma2 semaphore(%arg7 : memref<!tpu.dma_semaphore, #tpu.memory_space<semaphore_mem>>) src(%dma_wait3A_257 : memref<2000xf32, #tpu.memory_space<hbm>>) dst(%dma_wait3A_256 : memref<2000xf32, #tpu.memory_space<vmem>>)
      %dma_wait3A_258 = arith.constant 12 : i32
      %dma_wait3A_259 = arith.constant 0 : i32
      %dma_wait3A_260 = tpu.memref_slice %arg5[%dma_wait3A_258, %dma_wait3A_259] : memref<13x2000xf32, #tpu.memory_space<vmem>> -> memref<1x2000xf32, #tpu.memory_space<vmem>>
      %dma_wait3A_261 = tpu.memref_squeeze %dma_wait3A_260 : memref<1x2000xf32, #tpu.memory_space<vmem>> -> memref<2000xf32, #tpu.memory_space<vmem>>
      %dma_wait3A_262 = tpu.memref_slice %arg3[%add3A_34] : memref<49152000xf32, #tpu.memory_space<hbm>> -> memref<2000xf32, #tpu.memory_space<hbm>>
      %dma_wait3A_263 = arith.constant 0 : i32
      %dma_wait3A_264 = tpu.memref_slice %arg5[%dma_wait3A_258, %dma_wait3A_263] : memref<13x2000xf32, #tpu.memory_space<vmem>> -> memref<1x2000xf32, #tpu.memory_space<vmem>>
      %dma_wait3A_265 = tpu.memref_squeeze %dma_wait3A_264 : memref<1x2000xf32, #tpu.memory_space<vmem>> -> memref<2000xf32, #tpu.memory_space<vmem>>
      %dma_wait3A_266 = tpu.memref_slice %arg3[%add3A_34] : memref<49152000xf32, #tpu.memory_space<hbm>> -> memref<2000xf32, #tpu.memory_space<hbm>>
      tpu.wait_dma2 semaphore(%arg7 : memref<!tpu.dma_semaphore, #tpu.memory_space<semaphore_mem>>) src(%dma_wait3A_266 : memref<2000xf32, #tpu.memory_space<hbm>>) dst(%dma_wait3A_265 : memref<2000xf32, #tpu.memory_space<vmem>>)
      %scan3A_267 = arith.constant 0 : i32
      %scan3A_268 = arith.constant 125 : i32
      %scan3A_269 = arith.addi %scan3A_267, %scan3A_268 : i32
      %scan3A_270 = arith.constant 1 : i32
      scf.for %scan3A_272 = %scan3A_267 to %scan3A_269 step %scan3A_270  : i32 {
        %iota3A = tpu.iota {dimensions = array<i32: 0>} : vector<16xi32>
        %mul3A_273 = arith.constant 16 : i32
        %mul3A_274 = arith.muli %scan3A_272, %mul3A_273 : i32
        %add3A_275 = vector.broadcast %mul3A_274 : i32 to vector<16xi32>
        %add3A_276 = arith.addi %add3A_275, %iota3A : vector<16xi32>
        %broadcast_in_dim3A = arith.constant 0.000000e+00 : f32
        %broadcast_in_dim3A_277 = vector.broadcast %broadcast_in_dim3A : f32 to vector<16xf32>
        %broadcast_in_dim3A_278 = arith.constant 0 : i32
        %broadcast_in_dim3A_279 = vector.broadcast %broadcast_in_dim3A_278 : i32 to vector<16xi32>
        %mul3A_280 = arith.constant 16 : i32
        %mul3A_281 = arith.muli %scan3A_272, %mul3A_280 : i32
        %get3A = arith.constant 0 : i32
        %get3A_282 = arith.index_cast %get3A : i32 to index
        %get3A_283 = arith.index_cast %mul3A_281 : i32 to index
        %get3A_284 = tpu.vector_load %arg5[%get3A_282, %get3A_283] {strides = array<i32>} : memref<13x2000xf32, #tpu.memory_space<vmem>>, vector<16xf32>,
        tpu.vector_store_idx %arg6[%add3A_276, %broadcast_in_dim3A_279], %get3A_284 : memref<2000x16xf32, #tpu.memory_space<vmem>>[vector<16xi32>, vector<16xi32>], vector<16xf32>,
        %broadcast_in_dim3A_285 = arith.constant 1 : i32
        %broadcast_in_dim3A_286 = vector.broadcast %broadcast_in_dim3A_285 : i32 to vector<16xi32>
        %mul3A_287 = arith.constant 16 : i32
        %mul3A_288 = arith.muli %scan3A_272, %mul3A_287 : i32
        %get3A_289 = arith.constant 1 : i32
        %get3A_290 = arith.index_cast %get3A_289 : i32 to index
        %get3A_291 = arith.index_cast %mul3A_288 : i32 to index
        %get3A_292 = tpu.vector_load %arg5[%get3A_290, %get3A_291] {strides = array<i32>} : memref<13x2000xf32, #tpu.memory_space<vmem>>, vector<16xf32>,
        tpu.vector_store_idx %arg6[%add3A_276, %broadcast_in_dim3A_286], %get3A_292 : memref<2000x16xf32, #tpu.memory_space<vmem>>[vector<16xi32>, vector<16xi32>], vector<16xf32>,
        %broadcast_in_dim3A_293 = arith.constant 2 : i32
        %broadcast_in_dim3A_294 = vector.broadcast %broadcast_in_dim3A_293 : i32 to vector<16xi32>
        %mul3A_295 = arith.constant 16 : i32
        %mul3A_296 = arith.muli %scan3A_272, %mul3A_295 : i32
        %get3A_297 = arith.constant 2 : i32
        %get3A_298 = arith.index_cast %get3A_297 : i32 to index
        %get3A_299 = arith.index_cast %mul3A_296 : i32 to index
        %get3A_300 = tpu.vector_load %arg5[%get3A_298, %get3A_299] {strides = array<i32>} : memref<13x2000xf32, #tpu.memory_space<vmem>>, vector<16xf32>,
        tpu.vector_store_idx %arg6[%add3A_276, %broadcast_in_dim3A_294], %get3A_300 : memref<2000x16xf32, #tpu.memory_space<vmem>>[vector<16xi32>, vector<16xi32>], vector<16xf32>,
        %broadcast_in_dim3A_301 = arith.constant 3 : i32
        %broadcast_in_dim3A_302 = vector.broadcast %broadcast_in_dim3A_301 : i32 to vector<16xi32>
        %mul3A_303 = arith.constant 16 : i32
        %mul3A_304 = arith.muli %scan3A_272, %mul3A_303 : i32
        %get3A_305 = arith.constant 3 : i32
        %get3A_306 = arith.index_cast %get3A_305 : i32 to index
        %get3A_307 = arith.index_cast %mul3A_304 : i32 to index
        %get3A_308 = tpu.vector_load %arg5[%get3A_306, %get3A_307] {strides = array<i32>} : memref<13x2000xf32, #tpu.memory_space<vmem>>, vector<16xf32>,
        tpu.vector_store_idx %arg6[%add3A_276, %broadcast_in_dim3A_302], %get3A_308 : memref<2000x16xf32, #tpu.memory_space<vmem>>[vector<16xi32>, vector<16xi32>], vector<16xf32>,
        %broadcast_in_dim3A_309 = arith.constant 4 : i32
        %broadcast_in_dim3A_310 = vector.broadcast %broadcast_in_dim3A_309 : i32 to vector<16xi32>
        %mul3A_311 = arith.constant 16 : i32
        %mul3A_312 = arith.muli %scan3A_272, %mul3A_311 : i32
        %get3A_313 = arith.constant 4 : i32
        %get3A_314 = arith.index_cast %get3A_313 : i32 to index
        %get3A_315 = arith.index_cast %mul3A_312 : i32 to index
        %get3A_316 = tpu.vector_load %arg5[%get3A_314, %get3A_315] {strides = array<i32>} : memref<13x2000xf32, #tpu.memory_space<vmem>>, vector<16xf32>,
        tpu.vector_store_idx %arg6[%add3A_276, %broadcast_in_dim3A_310], %get3A_316 : memref<2000x16xf32, #tpu.memory_space<vmem>>[vector<16xi32>, vector<16xi32>], vector<16xf32>,
        %broadcast_in_dim3A_317 = arith.constant 5 : i32
        %broadcast_in_dim3A_318 = vector.broadcast %broadcast_in_dim3A_317 : i32 to vector<16xi32>
        %mul3A_319 = arith.constant 16 : i32
        %mul3A_320 = arith.muli %scan3A_272, %mul3A_319 : i32
        %get3A_321 = arith.constant 5 : i32
        %get3A_322 = arith.index_cast %get3A_321 : i32 to index
        %get3A_323 = arith.index_cast %mul3A_320 : i32 to index
        %get3A_324 = tpu.vector_load %arg5[%get3A_322, %get3A_323] {strides = array<i32>} : memref<13x2000xf32, #tpu.memory_space<vmem>>, vector<16xf32>,
        tpu.vector_store_idx %arg6[%add3A_276, %broadcast_in_dim3A_318], %get3A_324 : memref<2000x16xf32, #tpu.memory_space<vmem>>[vector<16xi32>, vector<16xi32>], vector<16xf32>,
        %broadcast_in_dim3A_325 = arith.constant 6 : i32
        %broadcast_in_dim3A_326 = vector.broadcast %broadcast_in_dim3A_325 : i32 to vector<16xi32>
        %mul3A_327 = arith.constant 16 : i32
        %mul3A_328 = arith.muli %scan3A_272, %mul3A_327 : i32
        %get3A_329 = arith.constant 6 : i32
        %get3A_330 = arith.index_cast %get3A_329 : i32 to index
        %get3A_331 = arith.index_cast %mul3A_328 : i32 to index
        %get3A_332 = tpu.vector_load %arg5[%get3A_330, %get3A_331] {strides = array<i32>} : memref<13x2000xf32, #tpu.memory_space<vmem>>, vector<16xf32>,
        tpu.vector_store_idx %arg6[%add3A_276, %broadcast_in_dim3A_326], %get3A_332 : memref<2000x16xf32, #tpu.memory_space<vmem>>[vector<16xi32>, vector<16xi32>], vector<16xf32>,
        %broadcast_in_dim3A_333 = arith.constant 7 : i32
        %broadcast_in_dim3A_334 = vector.broadcast %broadcast_in_dim3A_333 : i32 to vector<16xi32>
        %mul3A_335 = arith.constant 16 : i32
        %mul3A_336 = arith.muli %scan3A_272, %mul3A_335 : i32
        %get3A_337 = arith.constant 7 : i32
        %get3A_338 = arith.index_cast %get3A_337 : i32 to index
        %get3A_339 = arith.index_cast %mul3A_336 : i32 to index
        %get3A_340 = tpu.vector_load %arg5[%get3A_338, %get3A_339] {strides = array<i32>} : memref<13x2000xf32, #tpu.memory_space<vmem>>, vector<16xf32>,
        tpu.vector_store_idx %arg6[%add3A_276, %broadcast_in_dim3A_334], %get3A_340 : memref<2000x16xf32, #tpu.memory_space<vmem>>[vector<16xi32>, vector<16xi32>], vector<16xf32>,
        %broadcast_in_dim3A_341 = arith.constant 8 : i32
        %broadcast_in_dim3A_342 = vector.broadcast %broadcast_in_dim3A_341 : i32 to vector<16xi32>
        %mul3A_343 = arith.constant 16 : i32
        %mul3A_344 = arith.muli %scan3A_272, %mul3A_343 : i32
        %get3A_345 = arith.constant 8 : i32
        %get3A_346 = arith.index_cast %get3A_345 : i32 to index
        %get3A_347 = arith.index_cast %mul3A_344 : i32 to index
        %get3A_348 = tpu.vector_load %arg5[%get3A_346, %get3A_347] {strides = array<i32>} : memref<13x2000xf32, #tpu.memory_space<vmem>>, vector<16xf32>,
        tpu.vector_store_idx %arg6[%add3A_276, %broadcast_in_dim3A_342], %get3A_348 : memref<2000x16xf32, #tpu.memory_space<vmem>>[vector<16xi32>, vector<16xi32>], vector<16xf32>,
        %broadcast_in_dim3A_349 = arith.constant 9 : i32
        %broadcast_in_dim3A_350 = vector.broadcast %broadcast_in_dim3A_349 : i32 to vector<16xi32>
        %mul3A_351 = arith.constant 16 : i32
        %mul3A_352 = arith.muli %scan3A_272, %mul3A_351 : i32
        %get3A_353 = arith.constant 9 : i32
        %get3A_354 = arith.index_cast %get3A_353 : i32 to index
        %get3A_355 = arith.index_cast %mul3A_352 : i32 to index
        %get3A_356 = tpu.vector_load %arg5[%get3A_354, %get3A_355] {strides = array<i32>} : memref<13x2000xf32, #tpu.memory_space<vmem>>, vector<16xf32>,
        tpu.vector_store_idx %arg6[%add3A_276, %broadcast_in_dim3A_350], %get3A_356 : memref<2000x16xf32, #tpu.memory_space<vmem>>[vector<16xi32>, vector<16xi32>], vector<16xf32>,
        %broadcast_in_dim3A_357 = arith.constant 10 : i32
        %broadcast_in_dim3A_358 = vector.broadcast %broadcast_in_dim3A_357 : i32 to vector<16xi32>
        %mul3A_359 = arith.constant 16 : i32
        %mul3A_360 = arith.muli %scan3A_272, %mul3A_359 : i32
        %get3A_361 = arith.constant 10 : i32
        %get3A_362 = arith.index_cast %get3A_361 : i32 to index
        %get3A_363 = arith.index_cast %mul3A_360 : i32 to index
        %get3A_364 = tpu.vector_load %arg5[%get3A_362, %get3A_363] {strides = array<i32>} : memref<13x2000xf32, #tpu.memory_space<vmem>>, vector<16xf32>,
        tpu.vector_store_idx %arg6[%add3A_276, %broadcast_in_dim3A_358], %get3A_364 : memref<2000x16xf32, #tpu.memory_space<vmem>>[vector<16xi32>, vector<16xi32>], vector<16xf32>,
        %broadcast_in_dim3A_365 = arith.constant 11 : i32
        %broadcast_in_dim3A_366 = vector.broadcast %broadcast_in_dim3A_365 : i32 to vector<16xi32>
        %mul3A_367 = arith.constant 16 : i32
        %mul3A_368 = arith.muli %scan3A_272, %mul3A_367 : i32
        %get3A_369 = arith.constant 11 : i32
        %get3A_370 = arith.index_cast %get3A_369 : i32 to index
        %get3A_371 = arith.index_cast %mul3A_368 : i32 to index
        %get3A_372 = tpu.vector_load %arg5[%get3A_370, %get3A_371] {strides = array<i32>} : memref<13x2000xf32, #tpu.memory_space<vmem>>, vector<16xf32>,
        tpu.vector_store_idx %arg6[%add3A_276, %broadcast_in_dim3A_366], %get3A_372 : memref<2000x16xf32, #tpu.memory_space<vmem>>[vector<16xi32>, vector<16xi32>], vector<16xf32>,
        %broadcast_in_dim3A_373 = arith.constant 12 : i32
        %broadcast_in_dim3A_374 = vector.broadcast %broadcast_in_dim3A_373 : i32 to vector<16xi32>
        %mul3A_375 = arith.constant 16 : i32
        %mul3A_376 = arith.muli %scan3A_272, %mul3A_375 : i32
        %get3A_377 = arith.constant 12 : i32
        %get3A_378 = arith.index_cast %get3A_377 : i32 to index
        %get3A_379 = arith.index_cast %mul3A_376 : i32 to index
        %get3A_380 = tpu.vector_load %arg5[%get3A_378, %get3A_379] {strides = array<i32>} : memref<13x2000xf32, #tpu.memory_space<vmem>>, vector<16xf32>,
        tpu.vector_store_idx %arg6[%add3A_276, %broadcast_in_dim3A_374], %get3A_380 : memref<2000x16xf32, #tpu.memory_space<vmem>>[vector<16xi32>, vector<16xi32>], vector<16xf32>,
        %broadcast_in_dim3A_381 = arith.constant 13 : i32
        %broadcast_in_dim3A_382 = vector.broadcast %broadcast_in_dim3A_381 : i32 to vector<16xi32>
        tpu.vector_store_idx %arg6[%add3A_276, %broadcast_in_dim3A_382], %broadcast_in_dim3A_277 : memref<2000x16xf32, #tpu.memory_space<vmem>>[vector<16xi32>, vector<16xi32>], vector<16xf32>,
        %broadcast_in_dim3A_383 = arith.constant 14 : i32
        %broadcast_in_dim3A_384 = vector.broadcast %broadcast_in_dim3A_383 : i32 to vector<16xi32>
        tpu.vector_store_idx %arg6[%add3A_276, %broadcast_in_dim3A_384], %broadcast_in_dim3A_277 : memref<2000x16xf32, #tpu.memory_space<vmem>>[vector<16xi32>, vector<16xi32>], vector<16xf32>,
        %broadcast_in_dim3A_385 = arith.constant 15 : i32
        %broadcast_in_dim3A_386 = vector.broadcast %broadcast_in_dim3A_385 : i32 to vector<16xi32>
        tpu.vector_store_idx %arg6[%add3A_276, %broadcast_in_dim3A_386], %broadcast_in_dim3A_277 : memref<2000x16xf32, #tpu.memory_space<vmem>>[vector<16xi32>, vector<16xi32>], vector<16xf32>,
      }
      %scan3A_271 = arith.constant 125 : i32
      "tpu.region"() ({
        %run_scoped3A = tpu.sem_alloc : memref<!tpu.dma_semaphore, #tpu.memory_space<semaphore_mem>>
        %dma_start3A_272 = arith.constant 0 : i32
        %dma_start3A_273 = tpu.memref_slice %arg4[%add3A_10, %dma_start3A_272] : memref<4096000x16xf32, #tpu.memory_space<hbm>> -> memref<2000x16xf32, #tpu.memory_space<hbm>>
        %dma_start3A_274 = arith.constant 0 : i32
        %dma_start3A_275 = tpu.memref_slice %arg4[%add3A_10, %dma_start3A_274] : memref<4096000x16xf32, #tpu.memory_space<hbm>> -> memref<2000x16xf32, #tpu.memory_space<hbm>>
        tpu.enqueue_dma source(%arg6 : memref<2000x16xf32, #tpu.memory_space<vmem>>) target(%dma_start3A_275 : memref<2000x16xf32, #tpu.memory_space<hbm>>) target_semaphore(%run_scoped3A : memref<!tpu.dma_semaphore, #tpu.memory_space<semaphore_mem>>)
        %dma_wait3A_276 = arith.constant 0 : i32
        %dma_wait3A_277 = tpu.memref_slice %arg4[%add3A_10, %dma_wait3A_276] : memref<4096000x16xf32, #tpu.memory_space<hbm>> -> memref<2000x16xf32, #tpu.memory_space<hbm>>
        %dma_wait3A_278 = arith.constant 0 : i32
        %dma_wait3A_279 = tpu.memref_slice %arg4[%add3A_10, %dma_wait3A_278] : memref<4096000x16xf32, #tpu.memory_space<hbm>> -> memref<2000x16xf32, #tpu.memory_space<hbm>>
        tpu.wait_dma2 semaphore(%run_scoped3A : memref<!tpu.dma_semaphore, #tpu.memory_space<semaphore_mem>>) src(%arg6 : memref<2000x16xf32, #tpu.memory_space<vmem>>) dst(%dma_wait3A_279 : memref<2000x16xf32, #tpu.memory_space<hbm>>)
        tpu.yield
      }) : () -> ()
    }
    %scan3A_4 = arith.constant 64 : i32
    return
  }
}

#map = affine_map<(d0, d1) -> (0, 0, 0)>
#map1 = affine_map<(d0, d1) -> (0, 0)>
module attributes {stable_mosaic.version = 14 : i64} {
  func.func @_c_body(%arg0: i32, %arg1: i32, %arg2: memref<512x1024x8xf32, #tpu.memory_space<hbm>>, %arg3: memref<512x8x128xi32, #tpu.memory_space<hbm>>, %arg4: memref<8192x8xf32, #tpu.memory_space<hbm>>, %arg5: memref<2x8192x8xf32, #tpu.memory_space<hbm>>, %arg6: memref<1024x8xf32, #tpu.memory_space<vmem>>, %arg7: memref<8x128xi32, #tpu.memory_space<vmem>>, %arg8: memref<8192x8xf32, #tpu.memory_space<vmem_shared>>) attributes {dimension_semantics = [#tpu.dimension_semantics<core_parallel>, #tpu.dimension_semantics<subcore_parallel>], iteration_bounds = array<i64: 2, 16>, scalar_prefetch = 0 : i64, scratch_operands = 3 : i64, tpu.core_type = #tpu.core_type<sc_vector_subcore>, window_params = [{transform_indices = #map}, {transform_indices = #map}, {transform_indices = #map1}, {transform_indices = #map}]} {
    %mul3A = arith.constant 16 : i32
    %mul3A_0 = arith.muli %arg0, %mul3A : i32
    %add3A = arith.addi %mul3A_0, %arg1 : i32
    %eq3A = arith.constant 0 : i32
    %eq3A_1 = arith.cmpi eq, %arg1, %eq3A : i32
    %convert_element_type3A = arith.extui %eq3A_1 : i1 to i32
    %cond3A = arith.constant 0 : i32
    %cond3A_2 = arith.cmpi ne, %convert_element_type3A, %cond3A : i32
    scf.if %cond3A_2 {
      "tpu.region"() ({
        %run_scoped3A = tpu.sem_alloc : memref<!tpu.dma_semaphore, #tpu.memory_space<semaphore_mem>>
        tpu.enqueue_dma source(%arg4 : memref<8192x8xf32, #tpu.memory_space<hbm>>) target(%arg8 : memref<8192x8xf32, #tpu.memory_space<vmem_shared>>) target_semaphore(%run_scoped3A : memref<!tpu.dma_semaphore, #tpu.memory_space<semaphore_mem>>)
        tpu.wait_dma2 semaphore(%run_scoped3A : memref<!tpu.dma_semaphore, #tpu.memory_space<semaphore_mem>>) src(%arg4 : memref<8192x8xf32, #tpu.memory_space<hbm>>) dst(%arg8 : memref<8192x8xf32, #tpu.memory_space<vmem_shared>>)
        tpu.yield
      }) : () -> ()
    } else {
    }
    %barrier3A = arith.constant 0 : index
    tpu.barrier barrier_id(%barrier3A)
    %scan3A = arith.constant 0 : i32
    %scan3A_3 = arith.constant 16 : i32
    %scan3A_4 = arith.addi %scan3A, %scan3A_3 : i32
    %scan3A_5 = arith.constant 1 : i32
    scf.for %scan3A_13 = %scan3A to %scan3A_4 step %scan3A_5  : i32 {
      %mul3A_14 = arith.constant 16 : i32
      %mul3A_15 = arith.muli %add3A, %mul3A_14 : i32
      %add3A_16 = arith.addi %mul3A_15, %scan3A_13 : i32
      "tpu.region"() ({
        %run_scoped3A_24 = tpu.sem_alloc : memref<!tpu.dma_semaphore, #tpu.memory_space<semaphore_mem>>
        %dma_start3A = arith.constant 0 : i32
        %dma_start3A_25 = arith.constant 0 : i32
        %dma_start3A_26 = tpu.memref_slice %arg2[%add3A_16, %dma_start3A, %dma_start3A_25] : memref<512x1024x8xf32, #tpu.memory_space<hbm>> -> memref<1x1024x8xf32, #tpu.memory_space<hbm>>
        %dma_start3A_27 = tpu.memref_squeeze %dma_start3A_26 : memref<1x1024x8xf32, #tpu.memory_space<hbm>> -> memref<1024x8xf32, #tpu.memory_space<hbm>>
        %dma_start3A_28 = arith.constant 0 : i32
        %dma_start3A_29 = arith.constant 0 : i32
        %dma_start3A_30 = tpu.memref_slice %arg2[%add3A_16, %dma_start3A_28, %dma_start3A_29] : memref<512x1024x8xf32, #tpu.memory_space<hbm>> -> memref<1x1024x8xf32, #tpu.memory_space<hbm>>
        %dma_start3A_31 = tpu.memref_squeeze %dma_start3A_30 : memref<1x1024x8xf32, #tpu.memory_space<hbm>> -> memref<1024x8xf32, #tpu.memory_space<hbm>>
        tpu.enqueue_dma source(%dma_start3A_31 : memref<1024x8xf32, #tpu.memory_space<hbm>>) target(%arg6 : memref<1024x8xf32, #tpu.memory_space<vmem>>) target_semaphore(%run_scoped3A_24 : memref<!tpu.dma_semaphore, #tpu.memory_space<semaphore_mem>>)
        %dma_wait3A = arith.constant 0 : i32
        %dma_wait3A_32 = arith.constant 0 : i32
        %dma_wait3A_33 = tpu.memref_slice %arg2[%add3A_16, %dma_wait3A, %dma_wait3A_32] : memref<512x1024x8xf32, #tpu.memory_space<hbm>> -> memref<1x1024x8xf32, #tpu.memory_space<hbm>>
        %dma_wait3A_34 = tpu.memref_squeeze %dma_wait3A_33 : memref<1x1024x8xf32, #tpu.memory_space<hbm>> -> memref<1024x8xf32, #tpu.memory_space<hbm>>
        %dma_wait3A_35 = arith.constant 0 : i32
        %dma_wait3A_36 = arith.constant 0 : i32
        %dma_wait3A_37 = tpu.memref_slice %arg2[%add3A_16, %dma_wait3A_35, %dma_wait3A_36] : memref<512x1024x8xf32, #tpu.memory_space<hbm>> -> memref<1x1024x8xf32, #tpu.memory_space<hbm>>
        %dma_wait3A_38 = tpu.memref_squeeze %dma_wait3A_37 : memref<1x1024x8xf32, #tpu.memory_space<hbm>> -> memref<1024x8xf32, #tpu.memory_space<hbm>>
        tpu.wait_dma2 semaphore(%run_scoped3A_24 : memref<!tpu.dma_semaphore, #tpu.memory_space<semaphore_mem>>) src(%dma_wait3A_38 : memref<1024x8xf32, #tpu.memory_space<hbm>>) dst(%arg6 : memref<1024x8xf32, #tpu.memory_space<vmem>>)
        tpu.yield
      }) : () -> ()
      "tpu.region"() ({
        %run_scoped3A_24 = tpu.sem_alloc : memref<!tpu.dma_semaphore, #tpu.memory_space<semaphore_mem>>
        %dma_start3A = arith.constant 0 : i32
        %dma_start3A_25 = arith.constant 0 : i32
        %dma_start3A_26 = tpu.memref_slice %arg3[%add3A_16, %dma_start3A, %dma_start3A_25] : memref<512x8x128xi32, #tpu.memory_space<hbm>> -> memref<1x8x128xi32, #tpu.memory_space<hbm>>
        %dma_start3A_27 = tpu.memref_squeeze %dma_start3A_26 : memref<1x8x128xi32, #tpu.memory_space<hbm>> -> memref<8x128xi32, #tpu.memory_space<hbm>>
        %dma_start3A_28 = arith.constant 0 : i32
        %dma_start3A_29 = arith.constant 0 : i32
        %dma_start3A_30 = tpu.memref_slice %arg3[%add3A_16, %dma_start3A_28, %dma_start3A_29] : memref<512x8x128xi32, #tpu.memory_space<hbm>> -> memref<1x8x128xi32, #tpu.memory_space<hbm>>
        %dma_start3A_31 = tpu.memref_squeeze %dma_start3A_30 : memref<1x8x128xi32, #tpu.memory_space<hbm>> -> memref<8x128xi32, #tpu.memory_space<hbm>>
        tpu.enqueue_dma source(%dma_start3A_31 : memref<8x128xi32, #tpu.memory_space<hbm>>) target(%arg7 : memref<8x128xi32, #tpu.memory_space<vmem>>) target_semaphore(%run_scoped3A_24 : memref<!tpu.dma_semaphore, #tpu.memory_space<semaphore_mem>>)
        %dma_wait3A = arith.constant 0 : i32
        %dma_wait3A_32 = arith.constant 0 : i32
        %dma_wait3A_33 = tpu.memref_slice %arg3[%add3A_16, %dma_wait3A, %dma_wait3A_32] : memref<512x8x128xi32, #tpu.memory_space<hbm>> -> memref<1x8x128xi32, #tpu.memory_space<hbm>>
        %dma_wait3A_34 = tpu.memref_squeeze %dma_wait3A_33 : memref<1x8x128xi32, #tpu.memory_space<hbm>> -> memref<8x128xi32, #tpu.memory_space<hbm>>
        %dma_wait3A_35 = arith.constant 0 : i32
        %dma_wait3A_36 = arith.constant 0 : i32
        %dma_wait3A_37 = tpu.memref_slice %arg3[%add3A_16, %dma_wait3A_35, %dma_wait3A_36] : memref<512x8x128xi32, #tpu.memory_space<hbm>> -> memref<1x8x128xi32, #tpu.memory_space<hbm>>
        %dma_wait3A_38 = tpu.memref_squeeze %dma_wait3A_37 : memref<1x8x128xi32, #tpu.memory_space<hbm>> -> memref<8x128xi32, #tpu.memory_space<hbm>>
        tpu.wait_dma2 semaphore(%run_scoped3A_24 : memref<!tpu.dma_semaphore, #tpu.memory_space<semaphore_mem>>) src(%dma_wait3A_38 : memref<8x128xi32, #tpu.memory_space<hbm>>) dst(%arg7 : memref<8x128xi32, #tpu.memory_space<vmem>>)
        tpu.yield
      }) : () -> ()
      %run_scoped3A = arith.constant 0 : i32
      "tpu.region"() ({
        %run_scoped3A_24 = tpu.sem_alloc : memref<!tpu.dma_semaphore, #tpu.memory_space<semaphore_mem>>
        %dma_start3A = arith.constant 0 : i32
        %dma_start3A_25 = arith.constant 0 : i32
        %dma_start3A_26 = tpu.memref_slice %arg6[%dma_start3A, %dma_start3A_25] : memref<1024x8xf32, #tpu.memory_space<vmem>> -> memref<128x8xf32, #tpu.memory_space<vmem>>
        %dma_start3A_27 = arith.constant 0 : i32
        %dma_start3A_28 = tpu.memref_slice %arg7[%run_scoped3A, %dma_start3A_27] : memref<8x128xi32, #tpu.memory_space<vmem>> -> memref<1x128xi32, #tpu.memory_space<vmem>>
        %dma_start3A_29 = tpu.memref_squeeze %dma_start3A_28 : memref<1x128xi32, #tpu.memory_space<vmem>> -> memref<128xi32, #tpu.memory_space<vmem>>
        %dma_start3A_30 = arith.constant 0 : i32
        %dma_start3A_31 = arith.constant 0 : i32
        %dma_start3A_32 = tpu.memref_slice %arg8[%dma_start3A_30, %dma_start3A_31] : memref<8192x8xf32, #tpu.memory_space<vmem_shared>> -> memref<8192x8xf32, #tpu.memory_space<vmem_shared>>
        tpu.enqueue_indirect_dma source(%dma_start3A_26 : memref<128x8xf32, #tpu.memory_space<vmem>>) target(%dma_start3A_32 : memref<8192x8xf32, #tpu.memory_space<vmem_shared>>) offsets(%dma_start3A_29 : memref<128xi32, #tpu.memory_space<vmem>>) semaphore(%run_scoped3A_24 : memref<!tpu.dma_semaphore, #tpu.memory_space<semaphore_mem>>) {add = true}
        %dma_wait3A = arith.constant 0 : i32
        %dma_wait3A_33 = arith.constant 0 : i32
        %dma_wait3A_34 = tpu.memref_slice %arg6[%dma_wait3A, %dma_wait3A_33] : memref<1024x8xf32, #tpu.memory_space<vmem>> -> memref<128x8xf32, #tpu.memory_space<vmem>>
        %dma_wait3A_35 = arith.constant 0 : i32
        %dma_wait3A_36 = tpu.memref_slice %arg7[%run_scoped3A, %dma_wait3A_35] : memref<8x128xi32, #tpu.memory_space<vmem>> -> memref<1x128xi32, #tpu.memory_space<vmem>>
        %dma_wait3A_37 = tpu.memref_squeeze %dma_wait3A_36 : memref<1x128xi32, #tpu.memory_space<vmem>> -> memref<128xi32, #tpu.memory_space<vmem>>
        %dma_wait3A_38 = arith.constant 0 : i32
        %dma_wait3A_39 = arith.constant 0 : i32
        %dma_wait3A_40 = tpu.memref_slice %arg8[%dma_wait3A_38, %dma_wait3A_39] : memref<8192x8xf32, #tpu.memory_space<vmem_shared>> -> memref<8192x8xf32, #tpu.memory_space<vmem_shared>>
        tpu.wait_indirect_dma semaphore(%run_scoped3A_24 : memref<!tpu.dma_semaphore, #tpu.memory_space<semaphore_mem>>) src(%dma_wait3A_34 : memref<128x8xf32, #tpu.memory_space<vmem>>) dst(%dma_wait3A_40 : memref<8192x8xf32, #tpu.memory_space<vmem_shared>>)
        tpu.yield
      }) : () -> ()
      %run_scoped3A_17 = arith.constant 1 : i32
      "tpu.region"() ({
        %run_scoped3A_24 = tpu.sem_alloc : memref<!tpu.dma_semaphore, #tpu.memory_space<semaphore_mem>>
        %dma_start3A = arith.constant 128 : i32
        %dma_start3A_25 = arith.constant 0 : i32
        %dma_start3A_26 = tpu.memref_slice %arg6[%dma_start3A, %dma_start3A_25] : memref<1024x8xf32, #tpu.memory_space<vmem>> -> memref<128x8xf32, #tpu.memory_space<vmem>>
        %dma_start3A_27 = arith.constant 0 : i32
        %dma_start3A_28 = tpu.memref_slice %arg7[%run_scoped3A_17, %dma_start3A_27] : memref<8x128xi32, #tpu.memory_space<vmem>> -> memref<1x128xi32, #tpu.memory_space<vmem>>
        %dma_start3A_29 = tpu.memref_squeeze %dma_start3A_28 : memref<1x128xi32, #tpu.memory_space<vmem>> -> memref<128xi32, #tpu.memory_space<vmem>>
        %dma_start3A_30 = arith.constant 0 : i32
        %dma_start3A_31 = arith.constant 0 : i32
        %dma_start3A_32 = tpu.memref_slice %arg8[%dma_start3A_30, %dma_start3A_31] : memref<8192x8xf32, #tpu.memory_space<vmem_shared>> -> memref<8192x8xf32, #tpu.memory_space<vmem_shared>>
        tpu.enqueue_indirect_dma source(%dma_start3A_26 : memref<128x8xf32, #tpu.memory_space<vmem>>) target(%dma_start3A_32 : memref<8192x8xf32, #tpu.memory_space<vmem_shared>>) offsets(%dma_start3A_29 : memref<128xi32, #tpu.memory_space<vmem>>) semaphore(%run_scoped3A_24 : memref<!tpu.dma_semaphore, #tpu.memory_space<semaphore_mem>>) {add = true}
        %dma_wait3A = arith.constant 128 : i32
        %dma_wait3A_33 = arith.constant 0 : i32
        %dma_wait3A_34 = tpu.memref_slice %arg6[%dma_wait3A, %dma_wait3A_33] : memref<1024x8xf32, #tpu.memory_space<vmem>> -> memref<128x8xf32, #tpu.memory_space<vmem>>
        %dma_wait3A_35 = arith.constant 0 : i32
        %dma_wait3A_36 = tpu.memref_slice %arg7[%run_scoped3A_17, %dma_wait3A_35] : memref<8x128xi32, #tpu.memory_space<vmem>> -> memref<1x128xi32, #tpu.memory_space<vmem>>
        %dma_wait3A_37 = tpu.memref_squeeze %dma_wait3A_36 : memref<1x128xi32, #tpu.memory_space<vmem>> -> memref<128xi32, #tpu.memory_space<vmem>>
        %dma_wait3A_38 = arith.constant 0 : i32
        %dma_wait3A_39 = arith.constant 0 : i32
        %dma_wait3A_40 = tpu.memref_slice %arg8[%dma_wait3A_38, %dma_wait3A_39] : memref<8192x8xf32, #tpu.memory_space<vmem_shared>> -> memref<8192x8xf32, #tpu.memory_space<vmem_shared>>
        tpu.wait_indirect_dma semaphore(%run_scoped3A_24 : memref<!tpu.dma_semaphore, #tpu.memory_space<semaphore_mem>>) src(%dma_wait3A_34 : memref<128x8xf32, #tpu.memory_space<vmem>>) dst(%dma_wait3A_40 : memref<8192x8xf32, #tpu.memory_space<vmem_shared>>)
        tpu.yield
      }) : () -> ()
      %run_scoped3A_18 = arith.constant 2 : i32
      "tpu.region"() ({
        %run_scoped3A_24 = tpu.sem_alloc : memref<!tpu.dma_semaphore, #tpu.memory_space<semaphore_mem>>
        %dma_start3A = arith.constant 256 : i32
        %dma_start3A_25 = arith.constant 0 : i32
        %dma_start3A_26 = tpu.memref_slice %arg6[%dma_start3A, %dma_start3A_25] : memref<1024x8xf32, #tpu.memory_space<vmem>> -> memref<128x8xf32, #tpu.memory_space<vmem>>
        %dma_start3A_27 = arith.constant 0 : i32
        %dma_start3A_28 = tpu.memref_slice %arg7[%run_scoped3A_18, %dma_start3A_27] : memref<8x128xi32, #tpu.memory_space<vmem>> -> memref<1x128xi32, #tpu.memory_space<vmem>>
        %dma_start3A_29 = tpu.memref_squeeze %dma_start3A_28 : memref<1x128xi32, #tpu.memory_space<vmem>> -> memref<128xi32, #tpu.memory_space<vmem>>
        %dma_start3A_30 = arith.constant 0 : i32
        %dma_start3A_31 = arith.constant 0 : i32
        %dma_start3A_32 = tpu.memref_slice %arg8[%dma_start3A_30, %dma_start3A_31] : memref<8192x8xf32, #tpu.memory_space<vmem_shared>> -> memref<8192x8xf32, #tpu.memory_space<vmem_shared>>
        tpu.enqueue_indirect_dma source(%dma_start3A_26 : memref<128x8xf32, #tpu.memory_space<vmem>>) target(%dma_start3A_32 : memref<8192x8xf32, #tpu.memory_space<vmem_shared>>) offsets(%dma_start3A_29 : memref<128xi32, #tpu.memory_space<vmem>>) semaphore(%run_scoped3A_24 : memref<!tpu.dma_semaphore, #tpu.memory_space<semaphore_mem>>) {add = true}
        %dma_wait3A = arith.constant 256 : i32
        %dma_wait3A_33 = arith.constant 0 : i32
        %dma_wait3A_34 = tpu.memref_slice %arg6[%dma_wait3A, %dma_wait3A_33] : memref<1024x8xf32, #tpu.memory_space<vmem>> -> memref<128x8xf32, #tpu.memory_space<vmem>>
        %dma_wait3A_35 = arith.constant 0 : i32
        %dma_wait3A_36 = tpu.memref_slice %arg7[%run_scoped3A_18, %dma_wait3A_35] : memref<8x128xi32, #tpu.memory_space<vmem>> -> memref<1x128xi32, #tpu.memory_space<vmem>>
        %dma_wait3A_37 = tpu.memref_squeeze %dma_wait3A_36 : memref<1x128xi32, #tpu.memory_space<vmem>> -> memref<128xi32, #tpu.memory_space<vmem>>
        %dma_wait3A_38 = arith.constant 0 : i32
        %dma_wait3A_39 = arith.constant 0 : i32
        %dma_wait3A_40 = tpu.memref_slice %arg8[%dma_wait3A_38, %dma_wait3A_39] : memref<8192x8xf32, #tpu.memory_space<vmem_shared>> -> memref<8192x8xf32, #tpu.memory_space<vmem_shared>>
        tpu.wait_indirect_dma semaphore(%run_scoped3A_24 : memref<!tpu.dma_semaphore, #tpu.memory_space<semaphore_mem>>) src(%dma_wait3A_34 : memref<128x8xf32, #tpu.memory_space<vmem>>) dst(%dma_wait3A_40 : memref<8192x8xf32, #tpu.memory_space<vmem_shared>>)
        tpu.yield
      }) : () -> ()
      %run_scoped3A_19 = arith.constant 3 : i32
      "tpu.region"() ({
        %run_scoped3A_24 = tpu.sem_alloc : memref<!tpu.dma_semaphore, #tpu.memory_space<semaphore_mem>>
        %dma_start3A = arith.constant 384 : i32
        %dma_start3A_25 = arith.constant 0 : i32
        %dma_start3A_26 = tpu.memref_slice %arg6[%dma_start3A, %dma_start3A_25] : memref<1024x8xf32, #tpu.memory_space<vmem>> -> memref<128x8xf32, #tpu.memory_space<vmem>>
        %dma_start3A_27 = arith.constant 0 : i32
        %dma_start3A_28 = tpu.memref_slice %arg7[%run_scoped3A_19, %dma_start3A_27] : memref<8x128xi32, #tpu.memory_space<vmem>> -> memref<1x128xi32, #tpu.memory_space<vmem>>
        %dma_start3A_29 = tpu.memref_squeeze %dma_start3A_28 : memref<1x128xi32, #tpu.memory_space<vmem>> -> memref<128xi32, #tpu.memory_space<vmem>>
        %dma_start3A_30 = arith.constant 0 : i32
        %dma_start3A_31 = arith.constant 0 : i32
        %dma_start3A_32 = tpu.memref_slice %arg8[%dma_start3A_30, %dma_start3A_31] : memref<8192x8xf32, #tpu.memory_space<vmem_shared>> -> memref<8192x8xf32, #tpu.memory_space<vmem_shared>>
        tpu.enqueue_indirect_dma source(%dma_start3A_26 : memref<128x8xf32, #tpu.memory_space<vmem>>) target(%dma_start3A_32 : memref<8192x8xf32, #tpu.memory_space<vmem_shared>>) offsets(%dma_start3A_29 : memref<128xi32, #tpu.memory_space<vmem>>) semaphore(%run_scoped3A_24 : memref<!tpu.dma_semaphore, #tpu.memory_space<semaphore_mem>>) {add = true}
        %dma_wait3A = arith.constant 384 : i32
        %dma_wait3A_33 = arith.constant 0 : i32
        %dma_wait3A_34 = tpu.memref_slice %arg6[%dma_wait3A, %dma_wait3A_33] : memref<1024x8xf32, #tpu.memory_space<vmem>> -> memref<128x8xf32, #tpu.memory_space<vmem>>
        %dma_wait3A_35 = arith.constant 0 : i32
        %dma_wait3A_36 = tpu.memref_slice %arg7[%run_scoped3A_19, %dma_wait3A_35] : memref<8x128xi32, #tpu.memory_space<vmem>> -> memref<1x128xi32, #tpu.memory_space<vmem>>
        %dma_wait3A_37 = tpu.memref_squeeze %dma_wait3A_36 : memref<1x128xi32, #tpu.memory_space<vmem>> -> memref<128xi32, #tpu.memory_space<vmem>>
        %dma_wait3A_38 = arith.constant 0 : i32
        %dma_wait3A_39 = arith.constant 0 : i32
        %dma_wait3A_40 = tpu.memref_slice %arg8[%dma_wait3A_38, %dma_wait3A_39] : memref<8192x8xf32, #tpu.memory_space<vmem_shared>> -> memref<8192x8xf32, #tpu.memory_space<vmem_shared>>
        tpu.wait_indirect_dma semaphore(%run_scoped3A_24 : memref<!tpu.dma_semaphore, #tpu.memory_space<semaphore_mem>>) src(%dma_wait3A_34 : memref<128x8xf32, #tpu.memory_space<vmem>>) dst(%dma_wait3A_40 : memref<8192x8xf32, #tpu.memory_space<vmem_shared>>)
        tpu.yield
      }) : () -> ()
      %run_scoped3A_20 = arith.constant 4 : i32
      "tpu.region"() ({
        %run_scoped3A_24 = tpu.sem_alloc : memref<!tpu.dma_semaphore, #tpu.memory_space<semaphore_mem>>
        %dma_start3A = arith.constant 512 : i32
        %dma_start3A_25 = arith.constant 0 : i32
        %dma_start3A_26 = tpu.memref_slice %arg6[%dma_start3A, %dma_start3A_25] : memref<1024x8xf32, #tpu.memory_space<vmem>> -> memref<128x8xf32, #tpu.memory_space<vmem>>
        %dma_start3A_27 = arith.constant 0 : i32
        %dma_start3A_28 = tpu.memref_slice %arg7[%run_scoped3A_20, %dma_start3A_27] : memref<8x128xi32, #tpu.memory_space<vmem>> -> memref<1x128xi32, #tpu.memory_space<vmem>>
        %dma_start3A_29 = tpu.memref_squeeze %dma_start3A_28 : memref<1x128xi32, #tpu.memory_space<vmem>> -> memref<128xi32, #tpu.memory_space<vmem>>
        %dma_start3A_30 = arith.constant 0 : i32
        %dma_start3A_31 = arith.constant 0 : i32
        %dma_start3A_32 = tpu.memref_slice %arg8[%dma_start3A_30, %dma_start3A_31] : memref<8192x8xf32, #tpu.memory_space<vmem_shared>> -> memref<8192x8xf32, #tpu.memory_space<vmem_shared>>
        tpu.enqueue_indirect_dma source(%dma_start3A_26 : memref<128x8xf32, #tpu.memory_space<vmem>>) target(%dma_start3A_32 : memref<8192x8xf32, #tpu.memory_space<vmem_shared>>) offsets(%dma_start3A_29 : memref<128xi32, #tpu.memory_space<vmem>>) semaphore(%run_scoped3A_24 : memref<!tpu.dma_semaphore, #tpu.memory_space<semaphore_mem>>) {add = true}
        %dma_wait3A = arith.constant 512 : i32
        %dma_wait3A_33 = arith.constant 0 : i32
        %dma_wait3A_34 = tpu.memref_slice %arg6[%dma_wait3A, %dma_wait3A_33] : memref<1024x8xf32, #tpu.memory_space<vmem>> -> memref<128x8xf32, #tpu.memory_space<vmem>>
        %dma_wait3A_35 = arith.constant 0 : i32
        %dma_wait3A_36 = tpu.memref_slice %arg7[%run_scoped3A_20, %dma_wait3A_35] : memref<8x128xi32, #tpu.memory_space<vmem>> -> memref<1x128xi32, #tpu.memory_space<vmem>>
        %dma_wait3A_37 = tpu.memref_squeeze %dma_wait3A_36 : memref<1x128xi32, #tpu.memory_space<vmem>> -> memref<128xi32, #tpu.memory_space<vmem>>
        %dma_wait3A_38 = arith.constant 0 : i32
        %dma_wait3A_39 = arith.constant 0 : i32
        %dma_wait3A_40 = tpu.memref_slice %arg8[%dma_wait3A_38, %dma_wait3A_39] : memref<8192x8xf32, #tpu.memory_space<vmem_shared>> -> memref<8192x8xf32, #tpu.memory_space<vmem_shared>>
        tpu.wait_indirect_dma semaphore(%run_scoped3A_24 : memref<!tpu.dma_semaphore, #tpu.memory_space<semaphore_mem>>) src(%dma_wait3A_34 : memref<128x8xf32, #tpu.memory_space<vmem>>) dst(%dma_wait3A_40 : memref<8192x8xf32, #tpu.memory_space<vmem_shared>>)
        tpu.yield
      }) : () -> ()
      %run_scoped3A_21 = arith.constant 5 : i32
      "tpu.region"() ({
        %run_scoped3A_24 = tpu.sem_alloc : memref<!tpu.dma_semaphore, #tpu.memory_space<semaphore_mem>>
        %dma_start3A = arith.constant 640 : i32
        %dma_start3A_25 = arith.constant 0 : i32
        %dma_start3A_26 = tpu.memref_slice %arg6[%dma_start3A, %dma_start3A_25] : memref<1024x8xf32, #tpu.memory_space<vmem>> -> memref<128x8xf32, #tpu.memory_space<vmem>>
        %dma_start3A_27 = arith.constant 0 : i32
        %dma_start3A_28 = tpu.memref_slice %arg7[%run_scoped3A_21, %dma_start3A_27] : memref<8x128xi32, #tpu.memory_space<vmem>> -> memref<1x128xi32, #tpu.memory_space<vmem>>
        %dma_start3A_29 = tpu.memref_squeeze %dma_start3A_28 : memref<1x128xi32, #tpu.memory_space<vmem>> -> memref<128xi32, #tpu.memory_space<vmem>>
        %dma_start3A_30 = arith.constant 0 : i32
        %dma_start3A_31 = arith.constant 0 : i32
        %dma_start3A_32 = tpu.memref_slice %arg8[%dma_start3A_30, %dma_start3A_31] : memref<8192x8xf32, #tpu.memory_space<vmem_shared>> -> memref<8192x8xf32, #tpu.memory_space<vmem_shared>>
        tpu.enqueue_indirect_dma source(%dma_start3A_26 : memref<128x8xf32, #tpu.memory_space<vmem>>) target(%dma_start3A_32 : memref<8192x8xf32, #tpu.memory_space<vmem_shared>>) offsets(%dma_start3A_29 : memref<128xi32, #tpu.memory_space<vmem>>) semaphore(%run_scoped3A_24 : memref<!tpu.dma_semaphore, #tpu.memory_space<semaphore_mem>>) {add = true}
        %dma_wait3A = arith.constant 640 : i32
        %dma_wait3A_33 = arith.constant 0 : i32
        %dma_wait3A_34 = tpu.memref_slice %arg6[%dma_wait3A, %dma_wait3A_33] : memref<1024x8xf32, #tpu.memory_space<vmem>> -> memref<128x8xf32, #tpu.memory_space<vmem>>
        %dma_wait3A_35 = arith.constant 0 : i32
        %dma_wait3A_36 = tpu.memref_slice %arg7[%run_scoped3A_21, %dma_wait3A_35] : memref<8x128xi32, #tpu.memory_space<vmem>> -> memref<1x128xi32, #tpu.memory_space<vmem>>
        %dma_wait3A_37 = tpu.memref_squeeze %dma_wait3A_36 : memref<1x128xi32, #tpu.memory_space<vmem>> -> memref<128xi32, #tpu.memory_space<vmem>>
        %dma_wait3A_38 = arith.constant 0 : i32
        %dma_wait3A_39 = arith.constant 0 : i32
        %dma_wait3A_40 = tpu.memref_slice %arg8[%dma_wait3A_38, %dma_wait3A_39] : memref<8192x8xf32, #tpu.memory_space<vmem_shared>> -> memref<8192x8xf32, #tpu.memory_space<vmem_shared>>
        tpu.wait_indirect_dma semaphore(%run_scoped3A_24 : memref<!tpu.dma_semaphore, #tpu.memory_space<semaphore_mem>>) src(%dma_wait3A_34 : memref<128x8xf32, #tpu.memory_space<vmem>>) dst(%dma_wait3A_40 : memref<8192x8xf32, #tpu.memory_space<vmem_shared>>)
        tpu.yield
      }) : () -> ()
      %run_scoped3A_22 = arith.constant 6 : i32
      "tpu.region"() ({
        %run_scoped3A_24 = tpu.sem_alloc : memref<!tpu.dma_semaphore, #tpu.memory_space<semaphore_mem>>
        %dma_start3A = arith.constant 768 : i32
        %dma_start3A_25 = arith.constant 0 : i32
        %dma_start3A_26 = tpu.memref_slice %arg6[%dma_start3A, %dma_start3A_25] : memref<1024x8xf32, #tpu.memory_space<vmem>> -> memref<128x8xf32, #tpu.memory_space<vmem>>
        %dma_start3A_27 = arith.constant 0 : i32
        %dma_start3A_28 = tpu.memref_slice %arg7[%run_scoped3A_22, %dma_start3A_27] : memref<8x128xi32, #tpu.memory_space<vmem>> -> memref<1x128xi32, #tpu.memory_space<vmem>>
        %dma_start3A_29 = tpu.memref_squeeze %dma_start3A_28 : memref<1x128xi32, #tpu.memory_space<vmem>> -> memref<128xi32, #tpu.memory_space<vmem>>
        %dma_start3A_30 = arith.constant 0 : i32
        %dma_start3A_31 = arith.constant 0 : i32
        %dma_start3A_32 = tpu.memref_slice %arg8[%dma_start3A_30, %dma_start3A_31] : memref<8192x8xf32, #tpu.memory_space<vmem_shared>> -> memref<8192x8xf32, #tpu.memory_space<vmem_shared>>
        tpu.enqueue_indirect_dma source(%dma_start3A_26 : memref<128x8xf32, #tpu.memory_space<vmem>>) target(%dma_start3A_32 : memref<8192x8xf32, #tpu.memory_space<vmem_shared>>) offsets(%dma_start3A_29 : memref<128xi32, #tpu.memory_space<vmem>>) semaphore(%run_scoped3A_24 : memref<!tpu.dma_semaphore, #tpu.memory_space<semaphore_mem>>) {add = true}
        %dma_wait3A = arith.constant 768 : i32
        %dma_wait3A_33 = arith.constant 0 : i32
        %dma_wait3A_34 = tpu.memref_slice %arg6[%dma_wait3A, %dma_wait3A_33] : memref<1024x8xf32, #tpu.memory_space<vmem>> -> memref<128x8xf32, #tpu.memory_space<vmem>>
        %dma_wait3A_35 = arith.constant 0 : i32
        %dma_wait3A_36 = tpu.memref_slice %arg7[%run_scoped3A_22, %dma_wait3A_35] : memref<8x128xi32, #tpu.memory_space<vmem>> -> memref<1x128xi32, #tpu.memory_space<vmem>>
        %dma_wait3A_37 = tpu.memref_squeeze %dma_wait3A_36 : memref<1x128xi32, #tpu.memory_space<vmem>> -> memref<128xi32, #tpu.memory_space<vmem>>
        %dma_wait3A_38 = arith.constant 0 : i32
        %dma_wait3A_39 = arith.constant 0 : i32
        %dma_wait3A_40 = tpu.memref_slice %arg8[%dma_wait3A_38, %dma_wait3A_39] : memref<8192x8xf32, #tpu.memory_space<vmem_shared>> -> memref<8192x8xf32, #tpu.memory_space<vmem_shared>>
        tpu.wait_indirect_dma semaphore(%run_scoped3A_24 : memref<!tpu.dma_semaphore, #tpu.memory_space<semaphore_mem>>) src(%dma_wait3A_34 : memref<128x8xf32, #tpu.memory_space<vmem>>) dst(%dma_wait3A_40 : memref<8192x8xf32, #tpu.memory_space<vmem_shared>>)
        tpu.yield
      }) : () -> ()
      %run_scoped3A_23 = arith.constant 7 : i32
      "tpu.region"() ({
        %run_scoped3A_24 = tpu.sem_alloc : memref<!tpu.dma_semaphore, #tpu.memory_space<semaphore_mem>>
        %dma_start3A = arith.constant 896 : i32
        %dma_start3A_25 = arith.constant 0 : i32
        %dma_start3A_26 = tpu.memref_slice %arg6[%dma_start3A, %dma_start3A_25] : memref<1024x8xf32, #tpu.memory_space<vmem>> -> memref<128x8xf32, #tpu.memory_space<vmem>>
        %dma_start3A_27 = arith.constant 0 : i32
        %dma_start3A_28 = tpu.memref_slice %arg7[%run_scoped3A_23, %dma_start3A_27] : memref<8x128xi32, #tpu.memory_space<vmem>> -> memref<1x128xi32, #tpu.memory_space<vmem>>
        %dma_start3A_29 = tpu.memref_squeeze %dma_start3A_28 : memref<1x128xi32, #tpu.memory_space<vmem>> -> memref<128xi32, #tpu.memory_space<vmem>>
        %dma_start3A_30 = arith.constant 0 : i32
        %dma_start3A_31 = arith.constant 0 : i32
        %dma_start3A_32 = tpu.memref_slice %arg8[%dma_start3A_30, %dma_start3A_31] : memref<8192x8xf32, #tpu.memory_space<vmem_shared>> -> memref<8192x8xf32, #tpu.memory_space<vmem_shared>>
        tpu.enqueue_indirect_dma source(%dma_start3A_26 : memref<128x8xf32, #tpu.memory_space<vmem>>) target(%dma_start3A_32 : memref<8192x8xf32, #tpu.memory_space<vmem_shared>>) offsets(%dma_start3A_29 : memref<128xi32, #tpu.memory_space<vmem>>) semaphore(%run_scoped3A_24 : memref<!tpu.dma_semaphore, #tpu.memory_space<semaphore_mem>>) {add = true}
        %dma_wait3A = arith.constant 896 : i32
        %dma_wait3A_33 = arith.constant 0 : i32
        %dma_wait3A_34 = tpu.memref_slice %arg6[%dma_wait3A, %dma_wait3A_33] : memref<1024x8xf32, #tpu.memory_space<vmem>> -> memref<128x8xf32, #tpu.memory_space<vmem>>
        %dma_wait3A_35 = arith.constant 0 : i32
        %dma_wait3A_36 = tpu.memref_slice %arg7[%run_scoped3A_23, %dma_wait3A_35] : memref<8x128xi32, #tpu.memory_space<vmem>> -> memref<1x128xi32, #tpu.memory_space<vmem>>
        %dma_wait3A_37 = tpu.memref_squeeze %dma_wait3A_36 : memref<1x128xi32, #tpu.memory_space<vmem>> -> memref<128xi32, #tpu.memory_space<vmem>>
        %dma_wait3A_38 = arith.constant 0 : i32
        %dma_wait3A_39 = arith.constant 0 : i32
        %dma_wait3A_40 = tpu.memref_slice %arg8[%dma_wait3A_38, %dma_wait3A_39] : memref<8192x8xf32, #tpu.memory_space<vmem_shared>> -> memref<8192x8xf32, #tpu.memory_space<vmem_shared>>
        tpu.wait_indirect_dma semaphore(%run_scoped3A_24 : memref<!tpu.dma_semaphore, #tpu.memory_space<semaphore_mem>>) src(%dma_wait3A_34 : memref<128x8xf32, #tpu.memory_space<vmem>>) dst(%dma_wait3A_40 : memref<8192x8xf32, #tpu.memory_space<vmem_shared>>)
        tpu.yield
      }) : () -> ()
    }
    %scan3A_6 = arith.constant 16 : i32
    %barrier3A_7 = arith.constant 0 : index
    tpu.barrier barrier_id(%barrier3A_7)
    %eq3A_8 = arith.constant 0 : i32
    %eq3A_9 = arith.cmpi eq, %arg1, %eq3A_8 : i32
    %convert_element_type3A_10 = arith.extui %eq3A_9 : i1 to i32
    %cond3A_11 = arith.constant 0 : i32
    %cond3A_12 = arith.cmpi ne, %convert_element_type3A_10, %cond3A_11 : i32
    scf.if %cond3A_12 {
      "tpu.region"() ({
        %run_scoped3A = tpu.sem_alloc : memref<!tpu.dma_semaphore, #tpu.memory_space<semaphore_mem>>
        %dma_start3A = arith.constant 0 : i32
        %dma_start3A_13 = arith.constant 0 : i32
        %dma_start3A_14 = tpu.memref_slice %arg5[%arg0, %dma_start3A, %dma_start3A_13] : memref<2x8192x8xf32, #tpu.memory_space<hbm>> -> memref<1x8192x8xf32, #tpu.memory_space<hbm>>
        %dma_start3A_15 = tpu.memref_squeeze %dma_start3A_14 : memref<1x8192x8xf32, #tpu.memory_space<hbm>> -> memref<8192x8xf32, #tpu.memory_space<hbm>>
        tpu.enqueue_dma source(%arg8 : memref<8192x8xf32, #tpu.memory_space<vmem_shared>>) target(%dma_start3A_15 : memref<8192x8xf32, #tpu.memory_space<hbm>>) target_semaphore(%run_scoped3A : memref<!tpu.dma_semaphore, #tpu.memory_space<semaphore_mem>>)
        %dma_wait3A = arith.constant 0 : i32
        %dma_wait3A_16 = arith.constant 0 : i32
        %dma_wait3A_17 = tpu.memref_slice %arg5[%arg0, %dma_wait3A, %dma_wait3A_16] : memref<2x8192x8xf32, #tpu.memory_space<hbm>> -> memref<1x8192x8xf32, #tpu.memory_space<hbm>>
        %dma_wait3A_18 = tpu.memref_squeeze %dma_wait3A_17 : memref<1x8192x8xf32, #tpu.memory_space<hbm>> -> memref<8192x8xf32, #tpu.memory_space<hbm>>
        tpu.wait_dma2 semaphore(%run_scoped3A : memref<!tpu.dma_semaphore, #tpu.memory_space<semaphore_mem>>) src(%arg8 : memref<8192x8xf32, #tpu.memory_space<vmem_shared>>) dst(%dma_wait3A_18 : memref<8192x8xf32, #tpu.memory_space<hbm>>)
        tpu.yield
      }) : () -> ()
    } else {
    }
    return
  }
}

#map = affine_map<(d0, d1) -> (0)>
#map1 = affine_map<(d0, d1) -> (0, 0)>
module attributes {stable_mosaic.version = 14 : i64} {
  func.func @_a_body(%arg0: i32, %arg1: i32, %arg2: memref<524288xf32, #tpu.memory_space<hbm>>, %arg3: memref<524288xf32, #tpu.memory_space<hbm>>, %arg4: memref<524288xf32, #tpu.memory_space<hbm>>, %arg5: memref<524288xi32, #tpu.memory_space<hbm>>, %arg6: memref<4096000x16xf32, #tpu.memory_space<hbm>>, %arg7: memref<8192x16xf32, #tpu.memory_space<hbm>>, %arg8: memref<8388608xf32, #tpu.memory_space<hbm>>, %arg9: memref<512xf32, #tpu.memory_space<vmem>>, %arg10: memref<512xf32, #tpu.memory_space<vmem>>, %arg11: memref<512xf32, #tpu.memory_space<vmem>>, %arg12: memref<512xi32, #tpu.memory_space<vmem>>, %arg13: memref<8x4x128xi32, #tpu.memory_space<vmem>>, %arg14: memref<8x512xf32, #tpu.memory_space<vmem>>, %arg15: memref<4096x16xf32, #tpu.memory_space<vmem>>, %arg16: memref<512x16xf32, #tpu.memory_space<vmem>>, %arg17: memref<8192xf32, #tpu.memory_space<vmem>>, %arg18: memref<!tpu.dma_semaphore, #tpu.memory_space<semaphore_mem>>) attributes {dimension_semantics = [#tpu.dimension_semantics<core_parallel>, #tpu.dimension_semantics<subcore_parallel>], iteration_bounds = array<i64: 2, 16>, scalar_prefetch = 0 : i64, scratch_operands = 10 : i64, tpu.core_type = #tpu.core_type<sc_vector_subcore>, window_params = [{transform_indices = #map}, {transform_indices = #map}, {transform_indices = #map}, {transform_indices = #map}, {transform_indices = #map1}, {transform_indices = #map1}, {transform_indices = #map}]} {
    %mul3A = arith.constant 16 : i32
    %mul3A_0 = arith.muli %arg0, %mul3A : i32
    %add3A = arith.addi %mul3A_0, %arg1 : i32
    %scan3A = arith.constant 0 : i32
    %scan3A_1 = arith.constant 32 : i32
    %scan3A_2 = arith.addi %scan3A, %scan3A_1 : i32
    %scan3A_3 = arith.constant 1 : i32
    scf.for %scan3A_5 = %scan3A to %scan3A_2 step %scan3A_3  : i32 {
      %mul3A_6 = arith.constant 16384 : i32
      %mul3A_7 = arith.muli %add3A, %mul3A_6 : i32
      %mul3A_8 = arith.constant 512 : i32
      %mul3A_9 = arith.muli %scan3A_5, %mul3A_8 : i32
      %add3A_10 = arith.addi %mul3A_7, %mul3A_9 : i32
      "tpu.region"() ({
        %run_scoped3A = tpu.sem_alloc : memref<!tpu.dma_semaphore, #tpu.memory_space<semaphore_mem>>
        %dma_start3A_789 = tpu.memref_slice %arg2[%add3A_10] : memref<524288xf32, #tpu.memory_space<hbm>> -> memref<512xf32, #tpu.memory_space<hbm>>
        %dma_start3A_790 = tpu.memref_slice %arg2[%add3A_10] : memref<524288xf32, #tpu.memory_space<hbm>> -> memref<512xf32, #tpu.memory_space<hbm>>
        tpu.enqueue_dma source(%dma_start3A_790 : memref<512xf32, #tpu.memory_space<hbm>>) target(%arg9 : memref<512xf32, #tpu.memory_space<vmem>>) target_semaphore(%run_scoped3A : memref<!tpu.dma_semaphore, #tpu.memory_space<semaphore_mem>>)
        %dma_wait3A_791 = tpu.memref_slice %arg2[%add3A_10] : memref<524288xf32, #tpu.memory_space<hbm>> -> memref<512xf32, #tpu.memory_space<hbm>>
        %dma_wait3A_792 = tpu.memref_slice %arg2[%add3A_10] : memref<524288xf32, #tpu.memory_space<hbm>> -> memref<512xf32, #tpu.memory_space<hbm>>
        tpu.wait_dma2 semaphore(%run_scoped3A : memref<!tpu.dma_semaphore, #tpu.memory_space<semaphore_mem>>) src(%dma_wait3A_792 : memref<512xf32, #tpu.memory_space<hbm>>) dst(%arg9 : memref<512xf32, #tpu.memory_space<vmem>>)
        tpu.yield
      }) : () -> ()
      "tpu.region"() ({
        %run_scoped3A = tpu.sem_alloc : memref<!tpu.dma_semaphore, #tpu.memory_space<semaphore_mem>>
        %dma_start3A_789 = tpu.memref_slice %arg3[%add3A_10] : memref<524288xf32, #tpu.memory_space<hbm>> -> memref<512xf32, #tpu.memory_space<hbm>>
        %dma_start3A_790 = tpu.memref_slice %arg3[%add3A_10] : memref<524288xf32, #tpu.memory_space<hbm>> -> memref<512xf32, #tpu.memory_space<hbm>>
        tpu.enqueue_dma source(%dma_start3A_790 : memref<512xf32, #tpu.memory_space<hbm>>) target(%arg10 : memref<512xf32, #tpu.memory_space<vmem>>) target_semaphore(%run_scoped3A : memref<!tpu.dma_semaphore, #tpu.memory_space<semaphore_mem>>)
        %dma_wait3A_791 = tpu.memref_slice %arg3[%add3A_10] : memref<524288xf32, #tpu.memory_space<hbm>> -> memref<512xf32, #tpu.memory_space<hbm>>
        %dma_wait3A_792 = tpu.memref_slice %arg3[%add3A_10] : memref<524288xf32, #tpu.memory_space<hbm>> -> memref<512xf32, #tpu.memory_space<hbm>>
        tpu.wait_dma2 semaphore(%run_scoped3A : memref<!tpu.dma_semaphore, #tpu.memory_space<semaphore_mem>>) src(%dma_wait3A_792 : memref<512xf32, #tpu.memory_space<hbm>>) dst(%arg10 : memref<512xf32, #tpu.memory_space<vmem>>)
        tpu.yield
      }) : () -> ()
      "tpu.region"() ({
        %run_scoped3A = tpu.sem_alloc : memref<!tpu.dma_semaphore, #tpu.memory_space<semaphore_mem>>
        %dma_start3A_789 = tpu.memref_slice %arg4[%add3A_10] : memref<524288xf32, #tpu.memory_space<hbm>> -> memref<512xf32, #tpu.memory_space<hbm>>
        %dma_start3A_790 = tpu.memref_slice %arg4[%add3A_10] : memref<524288xf32, #tpu.memory_space<hbm>> -> memref<512xf32, #tpu.memory_space<hbm>>
        tpu.enqueue_dma source(%dma_start3A_790 : memref<512xf32, #tpu.memory_space<hbm>>) target(%arg11 : memref<512xf32, #tpu.memory_space<vmem>>) target_semaphore(%run_scoped3A : memref<!tpu.dma_semaphore, #tpu.memory_space<semaphore_mem>>)
        %dma_wait3A_791 = tpu.memref_slice %arg4[%add3A_10] : memref<524288xf32, #tpu.memory_space<hbm>> -> memref<512xf32, #tpu.memory_space<hbm>>
        %dma_wait3A_792 = tpu.memref_slice %arg4[%add3A_10] : memref<524288xf32, #tpu.memory_space<hbm>> -> memref<512xf32, #tpu.memory_space<hbm>>
        tpu.wait_dma2 semaphore(%run_scoped3A : memref<!tpu.dma_semaphore, #tpu.memory_space<semaphore_mem>>) src(%dma_wait3A_792 : memref<512xf32, #tpu.memory_space<hbm>>) dst(%arg11 : memref<512xf32, #tpu.memory_space<vmem>>)
        tpu.yield
      }) : () -> ()
      "tpu.region"() ({
        %run_scoped3A = tpu.sem_alloc : memref<!tpu.dma_semaphore, #tpu.memory_space<semaphore_mem>>
        %dma_start3A_789 = tpu.memref_slice %arg5[%add3A_10] : memref<524288xi32, #tpu.memory_space<hbm>> -> memref<512xi32, #tpu.memory_space<hbm>>
        %dma_start3A_790 = tpu.memref_slice %arg5[%add3A_10] : memref<524288xi32, #tpu.memory_space<hbm>> -> memref<512xi32, #tpu.memory_space<hbm>>
        tpu.enqueue_dma source(%dma_start3A_790 : memref<512xi32, #tpu.memory_space<hbm>>) target(%arg12 : memref<512xi32, #tpu.memory_space<vmem>>) target_semaphore(%run_scoped3A : memref<!tpu.dma_semaphore, #tpu.memory_space<semaphore_mem>>)
        %dma_wait3A_791 = tpu.memref_slice %arg5[%add3A_10] : memref<524288xi32, #tpu.memory_space<hbm>> -> memref<512xi32, #tpu.memory_space<hbm>>
        %dma_wait3A_792 = tpu.memref_slice %arg5[%add3A_10] : memref<524288xi32, #tpu.memory_space<hbm>> -> memref<512xi32, #tpu.memory_space<hbm>>
        tpu.wait_dma2 semaphore(%run_scoped3A : memref<!tpu.dma_semaphore, #tpu.memory_space<semaphore_mem>>) src(%dma_wait3A_792 : memref<512xi32, #tpu.memory_space<hbm>>) dst(%arg12 : memref<512xi32, #tpu.memory_space<vmem>>)
        tpu.yield
      }) : () -> ()
      %scan3A_11 = arith.constant 0 : i32
      %scan3A_12 = arith.constant 32 : i32
      %scan3A_13 = arith.addi %scan3A_11, %scan3A_12 : i32
      %scan3A_14 = arith.constant 1 : i32
      scf.for %scan3A_789 = %scan3A_11 to %scan3A_13 step %scan3A_14  : i32 {
        %mul3A_790 = arith.constant 16 : i32
        %mul3A_791 = arith.muli %scan3A_789, %mul3A_790 : i32
        %get3A = arith.index_cast %mul3A_791 : i32 to index
        %get3A_792 = tpu.vector_load %arg9[%get3A] {strides = array<i32>} : memref<512xf32, #tpu.memory_space<vmem>>, vector<16xf32>,
        %get3A_793 = vector.shape_cast %get3A_792 : vector<16xf32> to vector<16xf32>
        %mul3A_794 = arith.constant 16 : i32
        %mul3A_795 = arith.muli %scan3A_789, %mul3A_794 : i32
        %get3A_796 = arith.index_cast %mul3A_795 : i32 to index
        %get3A_797 = tpu.vector_load %arg10[%get3A_796] {strides = array<i32>} : memref<512xf32, #tpu.memory_space<vmem>>, vector<16xf32>,
        %get3A_798 = vector.shape_cast %get3A_797 : vector<16xf32> to vector<16xf32>
        %mul3A_799 = arith.constant 16 : i32
        %mul3A_800 = arith.muli %scan3A_789, %mul3A_799 : i32
        %get3A_801 = arith.index_cast %mul3A_800 : i32 to index
        %get3A_802 = tpu.vector_load %arg11[%get3A_801] {strides = array<i32>} : memref<512xf32, #tpu.memory_space<vmem>>, vector<16xf32>,
        %get3A_803 = vector.shape_cast %get3A_802 : vector<16xf32> to vector<16xf32>
        %add3A_804 = arith.constant 1.000000e+00 : f32
        %add3A_805 = vector.broadcast %add3A_804 : f32 to vector<16xf32>
        %add3A_806 = arith.addf %get3A_793, %add3A_805 : vector<16xf32>
        %mul3A_807 = arith.constant 5.000000e-01 : f32
        %mul3A_808 = vector.broadcast %mul3A_807 : f32 to vector<16xf32>
        %mul3A_809 = arith.mulf %add3A_806, %mul3A_808 : vector<16xf32>
        %mul3A_810 = arith.constant 1.590000e+02 : f32
        %mul3A_811 = vector.broadcast %mul3A_810 : f32 to vector<16xf32>
        %mul3A_812 = arith.mulf %mul3A_809, %mul3A_811 : vector<16xf32>
        %add3A_813 = arith.constant 1.000000e+00 : f32
        %add3A_814 = vector.broadcast %add3A_813 : f32 to vector<16xf32>
        %add3A_815 = arith.addf %get3A_798, %add3A_814 : vector<16xf32>
        %mul3A_816 = arith.constant 5.000000e-01 : f32
        %mul3A_817 = vector.broadcast %mul3A_816 : f32 to vector<16xf32>
        %mul3A_818 = arith.mulf %add3A_815, %mul3A_817 : vector<16xf32>
        %mul3A_819 = arith.constant 1.590000e+02 : f32
        %mul3A_820 = vector.broadcast %mul3A_819 : f32 to vector<16xf32>
        %mul3A_821 = arith.mulf %mul3A_818, %mul3A_820 : vector<16xf32>
        %add3A_822 = arith.constant 1.000000e+00 : f32
        %add3A_823 = vector.broadcast %add3A_822 : f32 to vector<16xf32>
        %add3A_824 = arith.addf %get3A_803, %add3A_823 : vector<16xf32>
        %mul3A_825 = arith.constant 5.000000e-01 : f32
        %mul3A_826 = vector.broadcast %mul3A_825 : f32 to vector<16xf32>
        %mul3A_827 = arith.mulf %add3A_824, %mul3A_826 : vector<16xf32>
        %mul3A_828 = arith.constant 1.590000e+02 : f32
        %mul3A_829 = vector.broadcast %mul3A_828 : f32 to vector<16xf32>
        %mul3A_830 = arith.mulf %mul3A_827, %mul3A_829 : vector<16xf32>
        %convert_element_type3A = arith.fptosi %mul3A_812 : vector<16xf32> to vector<16xi32>
        %jit3A = arith.constant 0 : i32
        %jit3A_831 = arith.constant 158 : i32
        %max3A = vector.broadcast %jit3A : i32 to vector<16xi32>
        %max3A_832 = arith.maxsi %max3A, %convert_element_type3A : vector<16xi32>
        %min3A = vector.broadcast %jit3A_831 : i32 to vector<16xi32>
        %min3A_833 = arith.minsi %min3A, %max3A_832 : vector<16xi32>
        %convert_element_type3A_834 = arith.fptosi %mul3A_821 : vector<16xf32> to vector<16xi32>
        %jit3A_835 = arith.constant 0 : i32
        %jit3A_836 = arith.constant 158 : i32
        %max3A_837 = vector.broadcast %jit3A_835 : i32 to vector<16xi32>
        %max3A_838 = arith.maxsi %max3A_837, %convert_element_type3A_834 : vector<16xi32>
        %min3A_839 = vector.broadcast %jit3A_836 : i32 to vector<16xi32>
        %min3A_840 = arith.minsi %min3A_839, %max3A_838 : vector<16xi32>
        %convert_element_type3A_841 = arith.fptosi %mul3A_830 : vector<16xf32> to vector<16xi32>
        %jit3A_842 = arith.constant 0 : i32
        %jit3A_843 = arith.constant 158 : i32
        %max3A_844 = vector.broadcast %jit3A_842 : i32 to vector<16xi32>
        %max3A_845 = arith.maxsi %max3A_844, %convert_element_type3A_841 : vector<16xi32>
        %min3A_846 = vector.broadcast %jit3A_843 : i32 to vector<16xi32>
        %min3A_847 = arith.minsi %min3A_846, %max3A_845 : vector<16xi32>
        %convert_element_type3A_848 = arith.sitofp %min3A_833 : vector<16xi32> to vector<16xf32>
        %sub3A = arith.subf %mul3A_812, %convert_element_type3A_848 : vector<16xf32>
        %convert_element_type3A_849 = arith.sitofp %min3A_840 : vector<16xi32> to vector<16xf32>
        %sub3A_850 = arith.subf %mul3A_821, %convert_element_type3A_849 : vector<16xf32>
        %convert_element_type3A_851 = arith.sitofp %min3A_847 : vector<16xi32> to vector<16xf32>
        %sub3A_852 = arith.subf %mul3A_830, %convert_element_type3A_851 : vector<16xf32>
        %sub3A_853 = arith.constant 1.000000e+00 : f32
        %sub3A_854 = vector.broadcast %sub3A_853 : f32 to vector<16xf32>
        %sub3A_855 = arith.subf %sub3A_854, %sub3A : vector<16xf32>
        %sub3A_856 = arith.constant 1.000000e+00 : f32
        %sub3A_857 = vector.broadcast %sub3A_856 : f32 to vector<16xf32>
        %sub3A_858 = arith.subf %sub3A_857, %sub3A_850 : vector<16xf32>
        %sub3A_859 = arith.constant 1.000000e+00 : f32
        %sub3A_860 = vector.broadcast %sub3A_859 : f32 to vector<16xf32>
        %sub3A_861 = arith.subf %sub3A_860, %sub3A_852 : vector<16xf32>
        %mul3A_862 = arith.constant 160 : i32
        %mul3A_863 = vector.broadcast %mul3A_862 : i32 to vector<16xi32>
        %mul3A_864 = arith.muli %min3A_847, %mul3A_863 : vector<16xi32>
        %add3A_865 = arith.addi %mul3A_864, %min3A_840 : vector<16xi32>
        %mul3A_866 = arith.constant 160 : i32
        %mul3A_867 = vector.broadcast %mul3A_866 : i32 to vector<16xi32>
        %mul3A_868 = arith.muli %add3A_865, %mul3A_867 : vector<16xi32>
        %add3A_869 = arith.addi %mul3A_868, %min3A_833 : vector<16xi32>
        %jit3A_870 = arith.constant 8 : i32
        %div3A = arith.divsi %scan3A_789, %jit3A_870 : i32
        %sign3A = arith.constant 0 : i32
        %sign3A_871 = arith.cmpi sgt, %scan3A_789, %sign3A : i32
        %sign3A_872 = arith.extui %sign3A_871 : i1 to i32
        %sign3A_873 = arith.constant 0 : i32
        %sign3A_874 = arith.cmpi slt, %scan3A_789, %sign3A_873 : i32
        %sign3A_875 = arith.extui %sign3A_874 : i1 to i32
        %sign3A_876 = arith.subi %sign3A_872, %sign3A_875 : i32
        %sign3A_877 = arith.constant 0 : i32
        %sign3A_878 = arith.cmpi sgt, %jit3A_870, %sign3A_877 : i32
        %sign3A_879 = arith.extui %sign3A_878 : i1 to i32
        %sign3A_880 = arith.constant 0 : i32
        %sign3A_881 = arith.cmpi slt, %jit3A_870, %sign3A_880 : i32
        %sign3A_882 = arith.extui %sign3A_881 : i1 to i32
        %sign3A_883 = arith.subi %sign3A_879, %sign3A_882 : i32
        %ne3A = arith.cmpi ne, %sign3A_876, %sign3A_883 : i32
        %rem3A = arith.remsi %scan3A_789, %jit3A_870 : i32
        %ne3A_884 = arith.constant 0 : i32
        %ne3A_885 = arith.cmpi ne, %rem3A, %ne3A_884 : i32
        %and3A = arith.andi %ne3A, %ne3A_885 : i1
        %sub3A_886 = arith.constant 1 : i32
        %sub3A_887 = arith.subi %div3A, %sub3A_886 : i32
        %select_n3A = arith.select %and3A, %sub3A_887, %div3A : i32
        %mul3A_888 = arith.constant 8 : i32
        %mul3A_889 = arith.muli %select_n3A, %mul3A_888 : i32
        %sub3A_890 = arith.subi %scan3A_789, %mul3A_889 : i32
        %mul3A_891 = arith.mulf %sub3A_861, %sub3A_858 : vector<16xf32>
        %mul3A_892 = arith.mulf %mul3A_891, %sub3A_855 : vector<16xf32>
        %mul3A_893 = arith.mulf %sub3A_861, %sub3A_858 : vector<16xf32>
        %mul3A_894 = arith.mulf %mul3A_893, %sub3A : vector<16xf32>
        %mul3A_895 = arith.mulf %sub3A_861, %sub3A_850 : vector<16xf32>
        %mul3A_896 = arith.mulf %mul3A_895, %sub3A_855 : vector<16xf32>
        %mul3A_897 = arith.mulf %sub3A_861, %sub3A_850 : vector<16xf32>
        %mul3A_898 = arith.mulf %mul3A_897, %sub3A : vector<16xf32>
        %mul3A_899 = arith.mulf %sub3A_852, %sub3A_858 : vector<16xf32>
        %mul3A_900 = arith.mulf %mul3A_899, %sub3A_855 : vector<16xf32>
        %mul3A_901 = arith.mulf %sub3A_852, %sub3A_858 : vector<16xf32>
        %mul3A_902 = arith.mulf %mul3A_901, %sub3A : vector<16xf32>
        %mul3A_903 = arith.mulf %sub3A_852, %sub3A_850 : vector<16xf32>
        %mul3A_904 = arith.mulf %mul3A_903, %sub3A_855 : vector<16xf32>
        %mul3A_905 = arith.mulf %sub3A_852, %sub3A_850 : vector<16xf32>
        %mul3A_906 = arith.mulf %mul3A_905, %sub3A : vector<16xf32>
        %add3A_907 = arith.constant 0 : i32
        %add3A_908 = vector.broadcast %add3A_907 : i32 to vector<16xi32>
        %add3A_909 = arith.addi %add3A_869, %add3A_908 : vector<16xi32>
        %mul3A_910 = arith.constant 16 : i32
        %mul3A_911 = arith.muli %sub3A_890, %mul3A_910 : i32
        %swap3A = arith.constant 0 : i32
        %swap3A_912 = arith.index_cast %swap3A : i32 to index
        %swap3A_913 = arith.index_cast %select_n3A : i32 to index
        %swap3A_914 = arith.index_cast %mul3A_911 : i32 to index
        %swap3A_915 = tpu.vector_load %arg13[%swap3A_912, %swap3A_913, %swap3A_914] {strides = array<i32>} : memref<8x4x128xi32, #tpu.memory_space<vmem>>, vector<1x1x16xi32>,
        %swap3A_916 = vector.shape_cast %swap3A_915 : vector<1x1x16xi32> to vector<16xi32>
        %swap3A_917 = vector.shape_cast %add3A_909 : vector<16xi32> to vector<1x1x16xi32>
        tpu.vector_store %arg13[%swap3A_912, %swap3A_913, %swap3A_914], %swap3A_917 {strides = array<i32>} : memref<8x4x128xi32, #tpu.memory_space<vmem>>, vector<1x1x16xi32>,
        %mul3A_918 = arith.constant 16 : i32
        %mul3A_919 = arith.muli %scan3A_789, %mul3A_918 : i32
        %swap3A_920 = arith.constant 0 : i32
        %swap3A_921 = arith.index_cast %swap3A_920 : i32 to index
        %swap3A_922 = arith.index_cast %mul3A_919 : i32 to index
        %swap3A_923 = tpu.vector_load %arg14[%swap3A_921, %swap3A_922] {strides = array<i32>} : memref<8x512xf32, #tpu.memory_space<vmem>>, vector<1x16xf32>,
        %swap3A_924 = vector.shape_cast %swap3A_923 : vector<1x16xf32> to vector<16xf32>
        %swap3A_925 = vector.shape_cast %mul3A_892 : vector<16xf32> to vector<1x16xf32>
        tpu.vector_store %arg14[%swap3A_921, %swap3A_922], %swap3A_925 {strides = array<i32>} : memref<8x512xf32, #tpu.memory_space<vmem>>, vector<1x16xf32>,
        %add3A_926 = arith.constant 1 : i32
        %add3A_927 = vector.broadcast %add3A_926 : i32 to vector<16xi32>
        %add3A_928 = arith.addi %add3A_869, %add3A_927 : vector<16xi32>
        %mul3A_929 = arith.constant 16 : i32
        %mul3A_930 = arith.muli %sub3A_890, %mul3A_929 : i32
        %swap3A_931 = arith.constant 1 : i32
        %swap3A_932 = arith.index_cast %swap3A_931 : i32 to index
        %swap3A_933 = arith.index_cast %select_n3A : i32 to index
        %swap3A_934 = arith.index_cast %mul3A_930 : i32 to index
        %swap3A_935 = tpu.vector_load %arg13[%swap3A_932, %swap3A_933, %swap3A_934] {strides = array<i32>} : memref<8x4x128xi32, #tpu.memory_space<vmem>>, vector<1x1x16xi32>,
        %swap3A_936 = vector.shape_cast %swap3A_935 : vector<1x1x16xi32> to vector<16xi32>
        %swap3A_937 = vector.shape_cast %add3A_928 : vector<16xi32> to vector<1x1x16xi32>
        tpu.vector_store %arg13[%swap3A_932, %swap3A_933, %swap3A_934], %swap3A_937 {strides = array<i32>} : memref<8x4x128xi32, #tpu.memory_space<vmem>>, vector<1x1x16xi32>,
        %mul3A_938 = arith.constant 16 : i32
        %mul3A_939 = arith.muli %scan3A_789, %mul3A_938 : i32
        %swap3A_940 = arith.constant 1 : i32
        %swap3A_941 = arith.index_cast %swap3A_940 : i32 to index
        %swap3A_942 = arith.index_cast %mul3A_939 : i32 to index
        %swap3A_943 = tpu.vector_load %arg14[%swap3A_941, %swap3A_942] {strides = array<i32>} : memref<8x512xf32, #tpu.memory_space<vmem>>, vector<1x16xf32>,
        %swap3A_944 = vector.shape_cast %swap3A_943 : vector<1x16xf32> to vector<16xf32>
        %swap3A_945 = vector.shape_cast %mul3A_894 : vector<16xf32> to vector<1x16xf32>
        tpu.vector_store %arg14[%swap3A_941, %swap3A_942], %swap3A_945 {strides = array<i32>} : memref<8x512xf32, #tpu.memory_space<vmem>>, vector<1x16xf32>,
        %add3A_946 = arith.constant 160 : i32
        %add3A_947 = vector.broadcast %add3A_946 : i32 to vector<16xi32>
        %add3A_948 = arith.addi %add3A_869, %add3A_947 : vector<16xi32>
        %mul3A_949 = arith.constant 16 : i32
        %mul3A_950 = arith.muli %sub3A_890, %mul3A_949 : i32
        %swap3A_951 = arith.constant 2 : i32
        %swap3A_952 = arith.index_cast %swap3A_951 : i32 to index
        %swap3A_953 = arith.index_cast %select_n3A : i32 to index
        %swap3A_954 = arith.index_cast %mul3A_950 : i32 to index
        %swap3A_955 = tpu.vector_load %arg13[%swap3A_952, %swap3A_953, %swap3A_954] {strides = array<i32>} : memref<8x4x128xi32, #tpu.memory_space<vmem>>, vector<1x1x16xi32>,
        %swap3A_956 = vector.shape_cast %swap3A_955 : vector<1x1x16xi32> to vector<16xi32>
        %swap3A_957 = vector.shape_cast %add3A_948 : vector<16xi32> to vector<1x1x16xi32>
        tpu.vector_store %arg13[%swap3A_952, %swap3A_953, %swap3A_954], %swap3A_957 {strides = array<i32>} : memref<8x4x128xi32, #tpu.memory_space<vmem>>, vector<1x1x16xi32>,
        %mul3A_958 = arith.constant 16 : i32
        %mul3A_959 = arith.muli %scan3A_789, %mul3A_958 : i32
        %swap3A_960 = arith.constant 2 : i32
        %swap3A_961 = arith.index_cast %swap3A_960 : i32 to index
        %swap3A_962 = arith.index_cast %mul3A_959 : i32 to index
        %swap3A_963 = tpu.vector_load %arg14[%swap3A_961, %swap3A_962] {strides = array<i32>} : memref<8x512xf32, #tpu.memory_space<vmem>>, vector<1x16xf32>,
        %swap3A_964 = vector.shape_cast %swap3A_963 : vector<1x16xf32> to vector<16xf32>
        %swap3A_965 = vector.shape_cast %mul3A_896 : vector<16xf32> to vector<1x16xf32>
        tpu.vector_store %arg14[%swap3A_961, %swap3A_962], %swap3A_965 {strides = array<i32>} : memref<8x512xf32, #tpu.memory_space<vmem>>, vector<1x16xf32>,
        %add3A_966 = arith.constant 161 : i32
        %add3A_967 = vector.broadcast %add3A_966 : i32 to vector<16xi32>
        %add3A_968 = arith.addi %add3A_869, %add3A_967 : vector<16xi32>
        %mul3A_969 = arith.constant 16 : i32
        %mul3A_970 = arith.muli %sub3A_890, %mul3A_969 : i32
        %swap3A_971 = arith.constant 3 : i32
        %swap3A_972 = arith.index_cast %swap3A_971 : i32 to index
        %swap3A_973 = arith.index_cast %select_n3A : i32 to index
        %swap3A_974 = arith.index_cast %mul3A_970 : i32 to index
        %swap3A_975 = tpu.vector_load %arg13[%swap3A_972, %swap3A_973, %swap3A_974] {strides = array<i32>} : memref<8x4x128xi32, #tpu.memory_space<vmem>>, vector<1x1x16xi32>,
        %swap3A_976 = vector.shape_cast %swap3A_975 : vector<1x1x16xi32> to vector<16xi32>
        %swap3A_977 = vector.shape_cast %add3A_968 : vector<16xi32> to vector<1x1x16xi32>
        tpu.vector_store %arg13[%swap3A_972, %swap3A_973, %swap3A_974], %swap3A_977 {strides = array<i32>} : memref<8x4x128xi32, #tpu.memory_space<vmem>>, vector<1x1x16xi32>,
        %mul3A_978 = arith.constant 16 : i32
        %mul3A_979 = arith.muli %scan3A_789, %mul3A_978 : i32
        %swap3A_980 = arith.constant 3 : i32
        %swap3A_981 = arith.index_cast %swap3A_980 : i32 to index
        %swap3A_982 = arith.index_cast %mul3A_979 : i32 to index
        %swap3A_983 = tpu.vector_load %arg14[%swap3A_981, %swap3A_982] {strides = array<i32>} : memref<8x512xf32, #tpu.memory_space<vmem>>, vector<1x16xf32>,
        %swap3A_984 = vector.shape_cast %swap3A_983 : vector<1x16xf32> to vector<16xf32>
        %swap3A_985 = vector.shape_cast %mul3A_898 : vector<16xf32> to vector<1x16xf32>
        tpu.vector_store %arg14[%swap3A_981, %swap3A_982], %swap3A_985 {strides = array<i32>} : memref<8x512xf32, #tpu.memory_space<vmem>>, vector<1x16xf32>,
        %add3A_986 = arith.constant 25600 : i32
        %add3A_987 = vector.broadcast %add3A_986 : i32 to vector<16xi32>
        %add3A_988 = arith.addi %add3A_869, %add3A_987 : vector<16xi32>
        %mul3A_989 = arith.constant 16 : i32
        %mul3A_990 = arith.muli %sub3A_890, %mul3A_989 : i32
        %swap3A_991 = arith.constant 4 : i32
        %swap3A_992 = arith.index_cast %swap3A_991 : i32 to index
        %swap3A_993 = arith.index_cast %select_n3A : i32 to index
        %swap3A_994 = arith.index_cast %mul3A_990 : i32 to index
        %swap3A_995 = tpu.vector_load %arg13[%swap3A_992, %swap3A_993, %swap3A_994] {strides = array<i32>} : memref<8x4x128xi32, #tpu.memory_space<vmem>>, vector<1x1x16xi32>,
        %swap3A_996 = vector.shape_cast %swap3A_995 : vector<1x1x16xi32> to vector<16xi32>
        %swap3A_997 = vector.shape_cast %add3A_988 : vector<16xi32> to vector<1x1x16xi32>
        tpu.vector_store %arg13[%swap3A_992, %swap3A_993, %swap3A_994], %swap3A_997 {strides = array<i32>} : memref<8x4x128xi32, #tpu.memory_space<vmem>>, vector<1x1x16xi32>,
        %mul3A_998 = arith.constant 16 : i32
        %mul3A_999 = arith.muli %scan3A_789, %mul3A_998 : i32
        %swap3A_1000 = arith.constant 4 : i32
        %swap3A_1001 = arith.index_cast %swap3A_1000 : i32 to index
        %swap3A_1002 = arith.index_cast %mul3A_999 : i32 to index
        %swap3A_1003 = tpu.vector_load %arg14[%swap3A_1001, %swap3A_1002] {strides = array<i32>} : memref<8x512xf32, #tpu.memory_space<vmem>>, vector<1x16xf32>,
        %swap3A_1004 = vector.shape_cast %swap3A_1003 : vector<1x16xf32> to vector<16xf32>
        %swap3A_1005 = vector.shape_cast %mul3A_900 : vector<16xf32> to vector<1x16xf32>
        tpu.vector_store %arg14[%swap3A_1001, %swap3A_1002], %swap3A_1005 {strides = array<i32>} : memref<8x512xf32, #tpu.memory_space<vmem>>, vector<1x16xf32>,
        %add3A_1006 = arith.constant 25601 : i32
        %add3A_1007 = vector.broadcast %add3A_1006 : i32 to vector<16xi32>
        %add3A_1008 = arith.addi %add3A_869, %add3A_1007 : vector<16xi32>
        %mul3A_1009 = arith.constant 16 : i32
        %mul3A_1010 = arith.muli %sub3A_890, %mul3A_1009 : i32
        %swap3A_1011 = arith.constant 5 : i32
        %swap3A_1012 = arith.index_cast %swap3A_1011 : i32 to index
        %swap3A_1013 = arith.index_cast %select_n3A : i32 to index
        %swap3A_1014 = arith.index_cast %mul3A_1010 : i32 to index
        %swap3A_1015 = tpu.vector_load %arg13[%swap3A_1012, %swap3A_1013, %swap3A_1014] {strides = array<i32>} : memref<8x4x128xi32, #tpu.memory_space<vmem>>, vector<1x1x16xi32>,
        %swap3A_1016 = vector.shape_cast %swap3A_1015 : vector<1x1x16xi32> to vector<16xi32>
        %swap3A_1017 = vector.shape_cast %add3A_1008 : vector<16xi32> to vector<1x1x16xi32>
        tpu.vector_store %arg13[%swap3A_1012, %swap3A_1013, %swap3A_1014], %swap3A_1017 {strides = array<i32>} : memref<8x4x128xi32, #tpu.memory_space<vmem>>, vector<1x1x16xi32>,
        %mul3A_1018 = arith.constant 16 : i32
        %mul3A_1019 = arith.muli %scan3A_789, %mul3A_1018 : i32
        %swap3A_1020 = arith.constant 5 : i32
        %swap3A_1021 = arith.index_cast %swap3A_1020 : i32 to index
        %swap3A_1022 = arith.index_cast %mul3A_1019 : i32 to index
        %swap3A_1023 = tpu.vector_load %arg14[%swap3A_1021, %swap3A_1022] {strides = array<i32>} : memref<8x512xf32, #tpu.memory_space<vmem>>, vector<1x16xf32>,
        %swap3A_1024 = vector.shape_cast %swap3A_1023 : vector<1x16xf32> to vector<16xf32>
        %swap3A_1025 = vector.shape_cast %mul3A_902 : vector<16xf32> to vector<1x16xf32>
        tpu.vector_store %arg14[%swap3A_1021, %swap3A_1022], %swap3A_1025 {strides = array<i32>} : memref<8x512xf32, #tpu.memory_space<vmem>>, vector<1x16xf32>,
        %add3A_1026 = arith.constant 25760 : i32
        %add3A_1027 = vector.broadcast %add3A_1026 : i32 to vector<16xi32>
        %add3A_1028 = arith.addi %add3A_869, %add3A_1027 : vector<16xi32>
        %mul3A_1029 = arith.constant 16 : i32
        %mul3A_1030 = arith.muli %sub3A_890, %mul3A_1029 : i32
        %swap3A_1031 = arith.constant 6 : i32
        %swap3A_1032 = arith.index_cast %swap3A_1031 : i32 to index
        %swap3A_1033 = arith.index_cast %select_n3A : i32 to index
        %swap3A_1034 = arith.index_cast %mul3A_1030 : i32 to index
        %swap3A_1035 = tpu.vector_load %arg13[%swap3A_1032, %swap3A_1033, %swap3A_1034] {strides = array<i32>} : memref<8x4x128xi32, #tpu.memory_space<vmem>>, vector<1x1x16xi32>,
        %swap3A_1036 = vector.shape_cast %swap3A_1035 : vector<1x1x16xi32> to vector<16xi32>
        %swap3A_1037 = vector.shape_cast %add3A_1028 : vector<16xi32> to vector<1x1x16xi32>
        tpu.vector_store %arg13[%swap3A_1032, %swap3A_1033, %swap3A_1034], %swap3A_1037 {strides = array<i32>} : memref<8x4x128xi32, #tpu.memory_space<vmem>>, vector<1x1x16xi32>,
        %mul3A_1038 = arith.constant 16 : i32
        %mul3A_1039 = arith.muli %scan3A_789, %mul3A_1038 : i32
        %swap3A_1040 = arith.constant 6 : i32
        %swap3A_1041 = arith.index_cast %swap3A_1040 : i32 to index
        %swap3A_1042 = arith.index_cast %mul3A_1039 : i32 to index
        %swap3A_1043 = tpu.vector_load %arg14[%swap3A_1041, %swap3A_1042] {strides = array<i32>} : memref<8x512xf32, #tpu.memory_space<vmem>>, vector<1x16xf32>,
        %swap3A_1044 = vector.shape_cast %swap3A_1043 : vector<1x16xf32> to vector<16xf32>
        %swap3A_1045 = vector.shape_cast %mul3A_904 : vector<16xf32> to vector<1x16xf32>
        tpu.vector_store %arg14[%swap3A_1041, %swap3A_1042], %swap3A_1045 {strides = array<i32>} : memref<8x512xf32, #tpu.memory_space<vmem>>, vector<1x16xf32>,
        %add3A_1046 = arith.constant 25761 : i32
        %add3A_1047 = vector.broadcast %add3A_1046 : i32 to vector<16xi32>
        %add3A_1048 = arith.addi %add3A_869, %add3A_1047 : vector<16xi32>
        %mul3A_1049 = arith.constant 16 : i32
        %mul3A_1050 = arith.muli %sub3A_890, %mul3A_1049 : i32
        %swap3A_1051 = arith.constant 7 : i32
        %swap3A_1052 = arith.index_cast %swap3A_1051 : i32 to index
        %swap3A_1053 = arith.index_cast %select_n3A : i32 to index
        %swap3A_1054 = arith.index_cast %mul3A_1050 : i32 to index
        %swap3A_1055 = tpu.vector_load %arg13[%swap3A_1052, %swap3A_1053, %swap3A_1054] {strides = array<i32>} : memref<8x4x128xi32, #tpu.memory_space<vmem>>, vector<1x1x16xi32>,
        %swap3A_1056 = vector.shape_cast %swap3A_1055 : vector<1x1x16xi32> to vector<16xi32>
        %swap3A_1057 = vector.shape_cast %add3A_1048 : vector<16xi32> to vector<1x1x16xi32>
        tpu.vector_store %arg13[%swap3A_1052, %swap3A_1053, %swap3A_1054], %swap3A_1057 {strides = array<i32>} : memref<8x4x128xi32, #tpu.memory_space<vmem>>, vector<1x1x16xi32>,
        %mul3A_1058 = arith.constant 16 : i32
        %mul3A_1059 = arith.muli %scan3A_789, %mul3A_1058 : i32
        %swap3A_1060 = arith.constant 7 : i32
        %swap3A_1061 = arith.index_cast %swap3A_1060 : i32 to index
        %swap3A_1062 = arith.index_cast %mul3A_1059 : i32 to index
        %swap3A_1063 = tpu.vector_load %arg14[%swap3A_1061, %swap3A_1062] {strides = array<i32>} : memref<8x512xf32, #tpu.memory_space<vmem>>, vector<1x16xf32>,
        %swap3A_1064 = vector.shape_cast %swap3A_1063 : vector<1x16xf32> to vector<16xf32>
        %swap3A_1065 = vector.shape_cast %mul3A_906 : vector<16xf32> to vector<1x16xf32>
        tpu.vector_store %arg14[%swap3A_1061, %swap3A_1062], %swap3A_1065 {strides = array<i32>} : memref<8x512xf32, #tpu.memory_space<vmem>>, vector<1x16xf32>,
      }
      %scan3A_15 = arith.constant 32 : i32
      %dma_start3A = arith.constant 0 : i32
      %dma_start3A_16 = arith.constant 0 : i32
      %dma_start3A_17 = arith.constant 0 : i32
      %dma_start3A_18 = arith.constant 0 : i32
      %dma_start3A_19 = tpu.memref_slice %arg15[%dma_start3A_17, %dma_start3A_18] : memref<4096x16xf32, #tpu.memory_space<vmem>> -> memref<128x16xf32, #tpu.memory_space<vmem>>
      %dma_start3A_20 = arith.constant 0 : i32
      %dma_start3A_21 = tpu.memref_slice %arg13[%dma_start3A, %dma_start3A_16, %dma_start3A_20] : memref<8x4x128xi32, #tpu.memory_space<vmem>> -> memref<1x1x128xi32, #tpu.memory_space<vmem>>
      %dma_start3A_22 = tpu.memref_squeeze %dma_start3A_21 : memref<1x1x128xi32, #tpu.memory_space<vmem>> -> memref<128xi32, #tpu.memory_space<vmem>>
      %dma_start3A_23 = arith.constant 0 : i32
      %dma_start3A_24 = arith.constant 0 : i32
      %dma_start3A_25 = tpu.memref_slice %arg6[%dma_start3A_23, %dma_start3A_24] : memref<4096000x16xf32, #tpu.memory_space<hbm>> -> memref<4096000x16xf32, #tpu.memory_space<hbm>>
      tpu.enqueue_indirect_dma source(%dma_start3A_25 : memref<4096000x16xf32, #tpu.memory_space<hbm>>) target(%dma_start3A_19 : memref<128x16xf32, #tpu.memory_space<vmem>>) offsets(%dma_start3A_22 : memref<128xi32, #tpu.memory_space<vmem>>) semaphore(%arg18 : memref<!tpu.dma_semaphore, #tpu.memory_space<semaphore_mem>>)
      %dma_start3A_26 = arith.constant 0 : i32
      %dma_start3A_27 = arith.constant 1 : i32
      %dma_start3A_28 = arith.constant 128 : i32
      %dma_start3A_29 = arith.constant 0 : i32
      %dma_start3A_30 = tpu.memref_slice %arg15[%dma_start3A_28, %dma_start3A_29] : memref<4096x16xf32, #tpu.memory_space<vmem>> -> memref<128x16xf32, #tpu.memory_space<vmem>>
      %dma_start3A_31 = arith.constant 0 : i32
      %dma_start3A_32 = tpu.memref_slice %arg13[%dma_start3A_26, %dma_start3A_27, %dma_start3A_31] : memref<8x4x128xi32, #tpu.memory_space<vmem>> -> memref<1x1x128xi32, #tpu.memory_space<vmem>>
      %dma_start3A_33 = tpu.memref_squeeze %dma_start3A_32 : memref<1x1x128xi32, #tpu.memory_space<vmem>> -> memref<128xi32, #tpu.memory_space<vmem>>
      %dma_start3A_34 = arith.constant 0 : i32
      %dma_start3A_35 = arith.constant 0 : i32
      %dma_start3A_36 = tpu.memref_slice %arg6[%dma_start3A_34, %dma_start3A_35] : memref<4096000x16xf32, #tpu.memory_space<hbm>> -> memref<4096000x16xf32, #tpu.memory_space<hbm>>
      tpu.enqueue_indirect_dma source(%dma_start3A_36 : memref<4096000x16xf32, #tpu.memory_space<hbm>>) target(%dma_start3A_30 : memref<128x16xf32, #tpu.memory_space<vmem>>) offsets(%dma_start3A_33 : memref<128xi32, #tpu.memory_space<vmem>>) semaphore(%arg18 : memref<!tpu.dma_semaphore, #tpu.memory_space<semaphore_mem>>)
      %dma_start3A_37 = arith.constant 0 : i32
      %dma_start3A_38 = arith.constant 2 : i32
      %dma_start3A_39 = arith.constant 256 : i32
      %dma_start3A_40 = arith.constant 0 : i32
      %dma_start3A_41 = tpu.memref_slice %arg15[%dma_start3A_39, %dma_start3A_40] : memref<4096x16xf32, #tpu.memory_space<vmem>> -> memref<128x16xf32, #tpu.memory_space<vmem>>
      %dma_start3A_42 = arith.constant 0 : i32
      %dma_start3A_43 = tpu.memref_slice %arg13[%dma_start3A_37, %dma_start3A_38, %dma_start3A_42] : memref<8x4x128xi32, #tpu.memory_space<vmem>> -> memref<1x1x128xi32, #tpu.memory_space<vmem>>
      %dma_start3A_44 = tpu.memref_squeeze %dma_start3A_43 : memref<1x1x128xi32, #tpu.memory_space<vmem>> -> memref<128xi32, #tpu.memory_space<vmem>>
      %dma_start3A_45 = arith.constant 0 : i32
      %dma_start3A_46 = arith.constant 0 : i32
      %dma_start3A_47 = tpu.memref_slice %arg6[%dma_start3A_45, %dma_start3A_46] : memref<4096000x16xf32, #tpu.memory_space<hbm>> -> memref<4096000x16xf32, #tpu.memory_space<hbm>>
      tpu.enqueue_indirect_dma source(%dma_start3A_47 : memref<4096000x16xf32, #tpu.memory_space<hbm>>) target(%dma_start3A_41 : memref<128x16xf32, #tpu.memory_space<vmem>>) offsets(%dma_start3A_44 : memref<128xi32, #tpu.memory_space<vmem>>) semaphore(%arg18 : memref<!tpu.dma_semaphore, #tpu.memory_space<semaphore_mem>>)
      %dma_start3A_48 = arith.constant 0 : i32
      %dma_start3A_49 = arith.constant 3 : i32
      %dma_start3A_50 = arith.constant 384 : i32
      %dma_start3A_51 = arith.constant 0 : i32
      %dma_start3A_52 = tpu.memref_slice %arg15[%dma_start3A_50, %dma_start3A_51] : memref<4096x16xf32, #tpu.memory_space<vmem>> -> memref<128x16xf32, #tpu.memory_space<vmem>>
      %dma_start3A_53 = arith.constant 0 : i32
      %dma_start3A_54 = tpu.memref_slice %arg13[%dma_start3A_48, %dma_start3A_49, %dma_start3A_53] : memref<8x4x128xi32, #tpu.memory_space<vmem>> -> memref<1x1x128xi32, #tpu.memory_space<vmem>>
      %dma_start3A_55 = tpu.memref_squeeze %dma_start3A_54 : memref<1x1x128xi32, #tpu.memory_space<vmem>> -> memref<128xi32, #tpu.memory_space<vmem>>
      %dma_start3A_56 = arith.constant 0 : i32
      %dma_start3A_57 = arith.constant 0 : i32
      %dma_start3A_58 = tpu.memref_slice %arg6[%dma_start3A_56, %dma_start3A_57] : memref<4096000x16xf32, #tpu.memory_space<hbm>> -> memref<4096000x16xf32, #tpu.memory_space<hbm>>
      tpu.enqueue_indirect_dma source(%dma_start3A_58 : memref<4096000x16xf32, #tpu.memory_space<hbm>>) target(%dma_start3A_52 : memref<128x16xf32, #tpu.memory_space<vmem>>) offsets(%dma_start3A_55 : memref<128xi32, #tpu.memory_space<vmem>>) semaphore(%arg18 : memref<!tpu.dma_semaphore, #tpu.memory_space<semaphore_mem>>)
      %dma_start3A_59 = arith.constant 1 : i32
      %dma_start3A_60 = arith.constant 0 : i32
      %dma_start3A_61 = arith.constant 512 : i32
      %dma_start3A_62 = arith.constant 0 : i32
      %dma_start3A_63 = tpu.memref_slice %arg15[%dma_start3A_61, %dma_start3A_62] : memref<4096x16xf32, #tpu.memory_space<vmem>> -> memref<128x16xf32, #tpu.memory_space<vmem>>
      %dma_start3A_64 = arith.constant 0 : i32
      %dma_start3A_65 = tpu.memref_slice %arg13[%dma_start3A_59, %dma_start3A_60, %dma_start3A_64] : memref<8x4x128xi32, #tpu.memory_space<vmem>> -> memref<1x1x128xi32, #tpu.memory_space<vmem>>
      %dma_start3A_66 = tpu.memref_squeeze %dma_start3A_65 : memref<1x1x128xi32, #tpu.memory_space<vmem>> -> memref<128xi32, #tpu.memory_space<vmem>>
      %dma_start3A_67 = arith.constant 0 : i32
      %dma_start3A_68 = arith.constant 0 : i32
      %dma_start3A_69 = tpu.memref_slice %arg6[%dma_start3A_67, %dma_start3A_68] : memref<4096000x16xf32, #tpu.memory_space<hbm>> -> memref<4096000x16xf32, #tpu.memory_space<hbm>>
      tpu.enqueue_indirect_dma source(%dma_start3A_69 : memref<4096000x16xf32, #tpu.memory_space<hbm>>) target(%dma_start3A_63 : memref<128x16xf32, #tpu.memory_space<vmem>>) offsets(%dma_start3A_66 : memref<128xi32, #tpu.memory_space<vmem>>) semaphore(%arg18 : memref<!tpu.dma_semaphore, #tpu.memory_space<semaphore_mem>>)
      %dma_start3A_70 = arith.constant 1 : i32
      %dma_start3A_71 = arith.constant 1 : i32
      %dma_start3A_72 = arith.constant 640 : i32
      %dma_start3A_73 = arith.constant 0 : i32
      %dma_start3A_74 = tpu.memref_slice %arg15[%dma_start3A_72, %dma_start3A_73] : memref<4096x16xf32, #tpu.memory_space<vmem>> -> memref<128x16xf32, #tpu.memory_space<vmem>>
      %dma_start3A_75 = arith.constant 0 : i32
      %dma_start3A_76 = tpu.memref_slice %arg13[%dma_start3A_70, %dma_start3A_71, %dma_start3A_75] : memref<8x4x128xi32, #tpu.memory_space<vmem>> -> memref<1x1x128xi32, #tpu.memory_space<vmem>>
      %dma_start3A_77 = tpu.memref_squeeze %dma_start3A_76 : memref<1x1x128xi32, #tpu.memory_space<vmem>> -> memref<128xi32, #tpu.memory_space<vmem>>
      %dma_start3A_78 = arith.constant 0 : i32
      %dma_start3A_79 = arith.constant 0 : i32
      %dma_start3A_80 = tpu.memref_slice %arg6[%dma_start3A_78, %dma_start3A_79] : memref<4096000x16xf32, #tpu.memory_space<hbm>> -> memref<4096000x16xf32, #tpu.memory_space<hbm>>
      tpu.enqueue_indirect_dma source(%dma_start3A_80 : memref<4096000x16xf32, #tpu.memory_space<hbm>>) target(%dma_start3A_74 : memref<128x16xf32, #tpu.memory_space<vmem>>) offsets(%dma_start3A_77 : memref<128xi32, #tpu.memory_space<vmem>>) semaphore(%arg18 : memref<!tpu.dma_semaphore, #tpu.memory_space<semaphore_mem>>)
      %dma_start3A_81 = arith.constant 1 : i32
      %dma_start3A_82 = arith.constant 2 : i32
      %dma_start3A_83 = arith.constant 768 : i32
      %dma_start3A_84 = arith.constant 0 : i32
      %dma_start3A_85 = tpu.memref_slice %arg15[%dma_start3A_83, %dma_start3A_84] : memref<4096x16xf32, #tpu.memory_space<vmem>> -> memref<128x16xf32, #tpu.memory_space<vmem>>
      %dma_start3A_86 = arith.constant 0 : i32
      %dma_start3A_87 = tpu.memref_slice %arg13[%dma_start3A_81, %dma_start3A_82, %dma_start3A_86] : memref<8x4x128xi32, #tpu.memory_space<vmem>> -> memref<1x1x128xi32, #tpu.memory_space<vmem>>
      %dma_start3A_88 = tpu.memref_squeeze %dma_start3A_87 : memref<1x1x128xi32, #tpu.memory_space<vmem>> -> memref<128xi32, #tpu.memory_space<vmem>>
      %dma_start3A_89 = arith.constant 0 : i32
      %dma_start3A_90 = arith.constant 0 : i32
      %dma_start3A_91 = tpu.memref_slice %arg6[%dma_start3A_89, %dma_start3A_90] : memref<4096000x16xf32, #tpu.memory_space<hbm>> -> memref<4096000x16xf32, #tpu.memory_space<hbm>>
      tpu.enqueue_indirect_dma source(%dma_start3A_91 : memref<4096000x16xf32, #tpu.memory_space<hbm>>) target(%dma_start3A_85 : memref<128x16xf32, #tpu.memory_space<vmem>>) offsets(%dma_start3A_88 : memref<128xi32, #tpu.memory_space<vmem>>) semaphore(%arg18 : memref<!tpu.dma_semaphore, #tpu.memory_space<semaphore_mem>>)
      %dma_start3A_92 = arith.constant 1 : i32
      %dma_start3A_93 = arith.constant 3 : i32
      %dma_start3A_94 = arith.constant 896 : i32
      %dma_start3A_95 = arith.constant 0 : i32
      %dma_start3A_96 = tpu.memref_slice %arg15[%dma_start3A_94, %dma_start3A_95] : memref<4096x16xf32, #tpu.memory_space<vmem>> -> memref<128x16xf32, #tpu.memory_space<vmem>>
      %dma_start3A_97 = arith.constant 0 : i32
      %dma_start3A_98 = tpu.memref_slice %arg13[%dma_start3A_92, %dma_start3A_93, %dma_start3A_97] : memref<8x4x128xi32, #tpu.memory_space<vmem>> -> memref<1x1x128xi32, #tpu.memory_space<vmem>>
      %dma_start3A_99 = tpu.memref_squeeze %dma_start3A_98 : memref<1x1x128xi32, #tpu.memory_space<vmem>> -> memref<128xi32, #tpu.memory_space<vmem>>
      %dma_start3A_100 = arith.constant 0 : i32
      %dma_start3A_101 = arith.constant 0 : i32
      %dma_start3A_102 = tpu.memref_slice %arg6[%dma_start3A_100, %dma_start3A_101] : memref<4096000x16xf32, #tpu.memory_space<hbm>> -> memref<4096000x16xf32, #tpu.memory_space<hbm>>
      tpu.enqueue_indirect_dma source(%dma_start3A_102 : memref<4096000x16xf32, #tpu.memory_space<hbm>>) target(%dma_start3A_96 : memref<128x16xf32, #tpu.memory_space<vmem>>) offsets(%dma_start3A_99 : memref<128xi32, #tpu.memory_space<vmem>>) semaphore(%arg18 : memref<!tpu.dma_semaphore, #tpu.memory_space<semaphore_mem>>)
      %dma_start3A_103 = arith.constant 2 : i32
      %dma_start3A_104 = arith.constant 0 : i32
      %dma_start3A_105 = arith.constant 1024 : i32
      %dma_start3A_106 = arith.constant 0 : i32
      %dma_start3A_107 = tpu.memref_slice %arg15[%dma_start3A_105, %dma_start3A_106] : memref<4096x16xf32, #tpu.memory_space<vmem>> -> memref<128x16xf32, #tpu.memory_space<vmem>>
      %dma_start3A_108 = arith.constant 0 : i32
      %dma_start3A_109 = tpu.memref_slice %arg13[%dma_start3A_103, %dma_start3A_104, %dma_start3A_108] : memref<8x4x128xi32, #tpu.memory_space<vmem>> -> memref<1x1x128xi32, #tpu.memory_space<vmem>>
      %dma_start3A_110 = tpu.memref_squeeze %dma_start3A_109 : memref<1x1x128xi32, #tpu.memory_space<vmem>> -> memref<128xi32, #tpu.memory_space<vmem>>
      %dma_start3A_111 = arith.constant 0 : i32
      %dma_start3A_112 = arith.constant 0 : i32
      %dma_start3A_113 = tpu.memref_slice %arg6[%dma_start3A_111, %dma_start3A_112] : memref<4096000x16xf32, #tpu.memory_space<hbm>> -> memref<4096000x16xf32, #tpu.memory_space<hbm>>
      tpu.enqueue_indirect_dma source(%dma_start3A_113 : memref<4096000x16xf32, #tpu.memory_space<hbm>>) target(%dma_start3A_107 : memref<128x16xf32, #tpu.memory_space<vmem>>) offsets(%dma_start3A_110 : memref<128xi32, #tpu.memory_space<vmem>>) semaphore(%arg18 : memref<!tpu.dma_semaphore, #tpu.memory_space<semaphore_mem>>)
      %dma_start3A_114 = arith.constant 2 : i32
      %dma_start3A_115 = arith.constant 1 : i32
      %dma_start3A_116 = arith.constant 1152 : i32
      %dma_start3A_117 = arith.constant 0 : i32
      %dma_start3A_118 = tpu.memref_slice %arg15[%dma_start3A_116, %dma_start3A_117] : memref<4096x16xf32, #tpu.memory_space<vmem>> -> memref<128x16xf32, #tpu.memory_space<vmem>>
      %dma_start3A_119 = arith.constant 0 : i32
      %dma_start3A_120 = tpu.memref_slice %arg13[%dma_start3A_114, %dma_start3A_115, %dma_start3A_119] : memref<8x4x128xi32, #tpu.memory_space<vmem>> -> memref<1x1x128xi32, #tpu.memory_space<vmem>>
      %dma_start3A_121 = tpu.memref_squeeze %dma_start3A_120 : memref<1x1x128xi32, #tpu.memory_space<vmem>> -> memref<128xi32, #tpu.memory_space<vmem>>
      %dma_start3A_122 = arith.constant 0 : i32
      %dma_start3A_123 = arith.constant 0 : i32
      %dma_start3A_124 = tpu.memref_slice %arg6[%dma_start3A_122, %dma_start3A_123] : memref<4096000x16xf32, #tpu.memory_space<hbm>> -> memref<4096000x16xf32, #tpu.memory_space<hbm>>
      tpu.enqueue_indirect_dma source(%dma_start3A_124 : memref<4096000x16xf32, #tpu.memory_space<hbm>>) target(%dma_start3A_118 : memref<128x16xf32, #tpu.memory_space<vmem>>) offsets(%dma_start3A_121 : memref<128xi32, #tpu.memory_space<vmem>>) semaphore(%arg18 : memref<!tpu.dma_semaphore, #tpu.memory_space<semaphore_mem>>)
      %dma_start3A_125 = arith.constant 2 : i32
      %dma_start3A_126 = arith.constant 2 : i32
      %dma_start3A_127 = arith.constant 1280 : i32
      %dma_start3A_128 = arith.constant 0 : i32
      %dma_start3A_129 = tpu.memref_slice %arg15[%dma_start3A_127, %dma_start3A_128] : memref<4096x16xf32, #tpu.memory_space<vmem>> -> memref<128x16xf32, #tpu.memory_space<vmem>>
      %dma_start3A_130 = arith.constant 0 : i32
      %dma_start3A_131 = tpu.memref_slice %arg13[%dma_start3A_125, %dma_start3A_126, %dma_start3A_130] : memref<8x4x128xi32, #tpu.memory_space<vmem>> -> memref<1x1x128xi32, #tpu.memory_space<vmem>>
      %dma_start3A_132 = tpu.memref_squeeze %dma_start3A_131 : memref<1x1x128xi32, #tpu.memory_space<vmem>> -> memref<128xi32, #tpu.memory_space<vmem>>
      %dma_start3A_133 = arith.constant 0 : i32
      %dma_start3A_134 = arith.constant 0 : i32
      %dma_start3A_135 = tpu.memref_slice %arg6[%dma_start3A_133, %dma_start3A_134] : memref<4096000x16xf32, #tpu.memory_space<hbm>> -> memref<4096000x16xf32, #tpu.memory_space<hbm>>
      tpu.enqueue_indirect_dma source(%dma_start3A_135 : memref<4096000x16xf32, #tpu.memory_space<hbm>>) target(%dma_start3A_129 : memref<128x16xf32, #tpu.memory_space<vmem>>) offsets(%dma_start3A_132 : memref<128xi32, #tpu.memory_space<vmem>>) semaphore(%arg18 : memref<!tpu.dma_semaphore, #tpu.memory_space<semaphore_mem>>)
      %dma_start3A_136 = arith.constant 2 : i32
      %dma_start3A_137 = arith.constant 3 : i32
      %dma_start3A_138 = arith.constant 1408 : i32
      %dma_start3A_139 = arith.constant 0 : i32
      %dma_start3A_140 = tpu.memref_slice %arg15[%dma_start3A_138, %dma_start3A_139] : memref<4096x16xf32, #tpu.memory_space<vmem>> -> memref<128x16xf32, #tpu.memory_space<vmem>>
      %dma_start3A_141 = arith.constant 0 : i32
      %dma_start3A_142 = tpu.memref_slice %arg13[%dma_start3A_136, %dma_start3A_137, %dma_start3A_141] : memref<8x4x128xi32, #tpu.memory_space<vmem>> -> memref<1x1x128xi32, #tpu.memory_space<vmem>>
      %dma_start3A_143 = tpu.memref_squeeze %dma_start3A_142 : memref<1x1x128xi32, #tpu.memory_space<vmem>> -> memref<128xi32, #tpu.memory_space<vmem>>
      %dma_start3A_144 = arith.constant 0 : i32
      %dma_start3A_145 = arith.constant 0 : i32
      %dma_start3A_146 = tpu.memref_slice %arg6[%dma_start3A_144, %dma_start3A_145] : memref<4096000x16xf32, #tpu.memory_space<hbm>> -> memref<4096000x16xf32, #tpu.memory_space<hbm>>
      tpu.enqueue_indirect_dma source(%dma_start3A_146 : memref<4096000x16xf32, #tpu.memory_space<hbm>>) target(%dma_start3A_140 : memref<128x16xf32, #tpu.memory_space<vmem>>) offsets(%dma_start3A_143 : memref<128xi32, #tpu.memory_space<vmem>>) semaphore(%arg18 : memref<!tpu.dma_semaphore, #tpu.memory_space<semaphore_mem>>)
      %dma_start3A_147 = arith.constant 3 : i32
      %dma_start3A_148 = arith.constant 0 : i32
      %dma_start3A_149 = arith.constant 1536 : i32
      %dma_start3A_150 = arith.constant 0 : i32
      %dma_start3A_151 = tpu.memref_slice %arg15[%dma_start3A_149, %dma_start3A_150] : memref<4096x16xf32, #tpu.memory_space<vmem>> -> memref<128x16xf32, #tpu.memory_space<vmem>>
      %dma_start3A_152 = arith.constant 0 : i32
      %dma_start3A_153 = tpu.memref_slice %arg13[%dma_start3A_147, %dma_start3A_148, %dma_start3A_152] : memref<8x4x128xi32, #tpu.memory_space<vmem>> -> memref<1x1x128xi32, #tpu.memory_space<vmem>>
      %dma_start3A_154 = tpu.memref_squeeze %dma_start3A_153 : memref<1x1x128xi32, #tpu.memory_space<vmem>> -> memref<128xi32, #tpu.memory_space<vmem>>
      %dma_start3A_155 = arith.constant 0 : i32
      %dma_start3A_156 = arith.constant 0 : i32
      %dma_start3A_157 = tpu.memref_slice %arg6[%dma_start3A_155, %dma_start3A_156] : memref<4096000x16xf32, #tpu.memory_space<hbm>> -> memref<4096000x16xf32, #tpu.memory_space<hbm>>
      tpu.enqueue_indirect_dma source(%dma_start3A_157 : memref<4096000x16xf32, #tpu.memory_space<hbm>>) target(%dma_start3A_151 : memref<128x16xf32, #tpu.memory_space<vmem>>) offsets(%dma_start3A_154 : memref<128xi32, #tpu.memory_space<vmem>>) semaphore(%arg18 : memref<!tpu.dma_semaphore, #tpu.memory_space<semaphore_mem>>)
      %dma_start3A_158 = arith.constant 3 : i32
      %dma_start3A_159 = arith.constant 1 : i32
      %dma_start3A_160 = arith.constant 1664 : i32
      %dma_start3A_161 = arith.constant 0 : i32
      %dma_start3A_162 = tpu.memref_slice %arg15[%dma_start3A_160, %dma_start3A_161] : memref<4096x16xf32, #tpu.memory_space<vmem>> -> memref<128x16xf32, #tpu.memory_space<vmem>>
      %dma_start3A_163 = arith.constant 0 : i32
      %dma_start3A_164 = tpu.memref_slice %arg13[%dma_start3A_158, %dma_start3A_159, %dma_start3A_163] : memref<8x4x128xi32, #tpu.memory_space<vmem>> -> memref<1x1x128xi32, #tpu.memory_space<vmem>>
      %dma_start3A_165 = tpu.memref_squeeze %dma_start3A_164 : memref<1x1x128xi32, #tpu.memory_space<vmem>> -> memref<128xi32, #tpu.memory_space<vmem>>
      %dma_start3A_166 = arith.constant 0 : i32
      %dma_start3A_167 = arith.constant 0 : i32
      %dma_start3A_168 = tpu.memref_slice %arg6[%dma_start3A_166, %dma_start3A_167] : memref<4096000x16xf32, #tpu.memory_space<hbm>> -> memref<4096000x16xf32, #tpu.memory_space<hbm>>
      tpu.enqueue_indirect_dma source(%dma_start3A_168 : memref<4096000x16xf32, #tpu.memory_space<hbm>>) target(%dma_start3A_162 : memref<128x16xf32, #tpu.memory_space<vmem>>) offsets(%dma_start3A_165 : memref<128xi32, #tpu.memory_space<vmem>>) semaphore(%arg18 : memref<!tpu.dma_semaphore, #tpu.memory_space<semaphore_mem>>)
      %dma_start3A_169 = arith.constant 3 : i32
      %dma_start3A_170 = arith.constant 2 : i32
      %dma_start3A_171 = arith.constant 1792 : i32
      %dma_start3A_172 = arith.constant 0 : i32
      %dma_start3A_173 = tpu.memref_slice %arg15[%dma_start3A_171, %dma_start3A_172] : memref<4096x16xf32, #tpu.memory_space<vmem>> -> memref<128x16xf32, #tpu.memory_space<vmem>>
      %dma_start3A_174 = arith.constant 0 : i32
      %dma_start3A_175 = tpu.memref_slice %arg13[%dma_start3A_169, %dma_start3A_170, %dma_start3A_174] : memref<8x4x128xi32, #tpu.memory_space<vmem>> -> memref<1x1x128xi32, #tpu.memory_space<vmem>>
      %dma_start3A_176 = tpu.memref_squeeze %dma_start3A_175 : memref<1x1x128xi32, #tpu.memory_space<vmem>> -> memref<128xi32, #tpu.memory_space<vmem>>
      %dma_start3A_177 = arith.constant 0 : i32
      %dma_start3A_178 = arith.constant 0 : i32
      %dma_start3A_179 = tpu.memref_slice %arg6[%dma_start3A_177, %dma_start3A_178] : memref<4096000x16xf32, #tpu.memory_space<hbm>> -> memref<4096000x16xf32, #tpu.memory_space<hbm>>
      tpu.enqueue_indirect_dma source(%dma_start3A_179 : memref<4096000x16xf32, #tpu.memory_space<hbm>>) target(%dma_start3A_173 : memref<128x16xf32, #tpu.memory_space<vmem>>) offsets(%dma_start3A_176 : memref<128xi32, #tpu.memory_space<vmem>>) semaphore(%arg18 : memref<!tpu.dma_semaphore, #tpu.memory_space<semaphore_mem>>)
      %dma_start3A_180 = arith.constant 3 : i32
      %dma_start3A_181 = arith.constant 3 : i32
      %dma_start3A_182 = arith.constant 1920 : i32
      %dma_start3A_183 = arith.constant 0 : i32
      %dma_start3A_184 = tpu.memref_slice %arg15[%dma_start3A_182, %dma_start3A_183] : memref<4096x16xf32, #tpu.memory_space<vmem>> -> memref<128x16xf32, #tpu.memory_space<vmem>>
      %dma_start3A_185 = arith.constant 0 : i32
      %dma_start3A_186 = tpu.memref_slice %arg13[%dma_start3A_180, %dma_start3A_181, %dma_start3A_185] : memref<8x4x128xi32, #tpu.memory_space<vmem>> -> memref<1x1x128xi32, #tpu.memory_space<vmem>>
      %dma_start3A_187 = tpu.memref_squeeze %dma_start3A_186 : memref<1x1x128xi32, #tpu.memory_space<vmem>> -> memref<128xi32, #tpu.memory_space<vmem>>
      %dma_start3A_188 = arith.constant 0 : i32
      %dma_start3A_189 = arith.constant 0 : i32
      %dma_start3A_190 = tpu.memref_slice %arg6[%dma_start3A_188, %dma_start3A_189] : memref<4096000x16xf32, #tpu.memory_space<hbm>> -> memref<4096000x16xf32, #tpu.memory_space<hbm>>
      tpu.enqueue_indirect_dma source(%dma_start3A_190 : memref<4096000x16xf32, #tpu.memory_space<hbm>>) target(%dma_start3A_184 : memref<128x16xf32, #tpu.memory_space<vmem>>) offsets(%dma_start3A_187 : memref<128xi32, #tpu.memory_space<vmem>>) semaphore(%arg18 : memref<!tpu.dma_semaphore, #tpu.memory_space<semaphore_mem>>)
      %dma_start3A_191 = arith.constant 4 : i32
      %dma_start3A_192 = arith.constant 0 : i32
      %dma_start3A_193 = arith.constant 2048 : i32
      %dma_start3A_194 = arith.constant 0 : i32
      %dma_start3A_195 = tpu.memref_slice %arg15[%dma_start3A_193, %dma_start3A_194] : memref<4096x16xf32, #tpu.memory_space<vmem>> -> memref<128x16xf32, #tpu.memory_space<vmem>>
      %dma_start3A_196 = arith.constant 0 : i32
      %dma_start3A_197 = tpu.memref_slice %arg13[%dma_start3A_191, %dma_start3A_192, %dma_start3A_196] : memref<8x4x128xi32, #tpu.memory_space<vmem>> -> memref<1x1x128xi32, #tpu.memory_space<vmem>>
      %dma_start3A_198 = tpu.memref_squeeze %dma_start3A_197 : memref<1x1x128xi32, #tpu.memory_space<vmem>> -> memref<128xi32, #tpu.memory_space<vmem>>
      %dma_start3A_199 = arith.constant 0 : i32
      %dma_start3A_200 = arith.constant 0 : i32
      %dma_start3A_201 = tpu.memref_slice %arg6[%dma_start3A_199, %dma_start3A_200] : memref<4096000x16xf32, #tpu.memory_space<hbm>> -> memref<4096000x16xf32, #tpu.memory_space<hbm>>
      tpu.enqueue_indirect_dma source(%dma_start3A_201 : memref<4096000x16xf32, #tpu.memory_space<hbm>>) target(%dma_start3A_195 : memref<128x16xf32, #tpu.memory_space<vmem>>) offsets(%dma_start3A_198 : memref<128xi32, #tpu.memory_space<vmem>>) semaphore(%arg18 : memref<!tpu.dma_semaphore, #tpu.memory_space<semaphore_mem>>)
      %dma_start3A_202 = arith.constant 4 : i32
      %dma_start3A_203 = arith.constant 1 : i32
      %dma_start3A_204 = arith.constant 2176 : i32
      %dma_start3A_205 = arith.constant 0 : i32
      %dma_start3A_206 = tpu.memref_slice %arg15[%dma_start3A_204, %dma_start3A_205] : memref<4096x16xf32, #tpu.memory_space<vmem>> -> memref<128x16xf32, #tpu.memory_space<vmem>>
      %dma_start3A_207 = arith.constant 0 : i32
      %dma_start3A_208 = tpu.memref_slice %arg13[%dma_start3A_202, %dma_start3A_203, %dma_start3A_207] : memref<8x4x128xi32, #tpu.memory_space<vmem>> -> memref<1x1x128xi32, #tpu.memory_space<vmem>>
      %dma_start3A_209 = tpu.memref_squeeze %dma_start3A_208 : memref<1x1x128xi32, #tpu.memory_space<vmem>> -> memref<128xi32, #tpu.memory_space<vmem>>
      %dma_start3A_210 = arith.constant 0 : i32
      %dma_start3A_211 = arith.constant 0 : i32
      %dma_start3A_212 = tpu.memref_slice %arg6[%dma_start3A_210, %dma_start3A_211] : memref<4096000x16xf32, #tpu.memory_space<hbm>> -> memref<4096000x16xf32, #tpu.memory_space<hbm>>
      tpu.enqueue_indirect_dma source(%dma_start3A_212 : memref<4096000x16xf32, #tpu.memory_space<hbm>>) target(%dma_start3A_206 : memref<128x16xf32, #tpu.memory_space<vmem>>) offsets(%dma_start3A_209 : memref<128xi32, #tpu.memory_space<vmem>>) semaphore(%arg18 : memref<!tpu.dma_semaphore, #tpu.memory_space<semaphore_mem>>)
      %dma_start3A_213 = arith.constant 4 : i32
      %dma_start3A_214 = arith.constant 2 : i32
      %dma_start3A_215 = arith.constant 2304 : i32
      %dma_start3A_216 = arith.constant 0 : i32
      %dma_start3A_217 = tpu.memref_slice %arg15[%dma_start3A_215, %dma_start3A_216] : memref<4096x16xf32, #tpu.memory_space<vmem>> -> memref<128x16xf32, #tpu.memory_space<vmem>>
      %dma_start3A_218 = arith.constant 0 : i32
      %dma_start3A_219 = tpu.memref_slice %arg13[%dma_start3A_213, %dma_start3A_214, %dma_start3A_218] : memref<8x4x128xi32, #tpu.memory_space<vmem>> -> memref<1x1x128xi32, #tpu.memory_space<vmem>>
      %dma_start3A_220 = tpu.memref_squeeze %dma_start3A_219 : memref<1x1x128xi32, #tpu.memory_space<vmem>> -> memref<128xi32, #tpu.memory_space<vmem>>
      %dma_start3A_221 = arith.constant 0 : i32
      %dma_start3A_222 = arith.constant 0 : i32
      %dma_start3A_223 = tpu.memref_slice %arg6[%dma_start3A_221, %dma_start3A_222] : memref<4096000x16xf32, #tpu.memory_space<hbm>> -> memref<4096000x16xf32, #tpu.memory_space<hbm>>
      tpu.enqueue_indirect_dma source(%dma_start3A_223 : memref<4096000x16xf32, #tpu.memory_space<hbm>>) target(%dma_start3A_217 : memref<128x16xf32, #tpu.memory_space<vmem>>) offsets(%dma_start3A_220 : memref<128xi32, #tpu.memory_space<vmem>>) semaphore(%arg18 : memref<!tpu.dma_semaphore, #tpu.memory_space<semaphore_mem>>)
      %dma_start3A_224 = arith.constant 4 : i32
      %dma_start3A_225 = arith.constant 3 : i32
      %dma_start3A_226 = arith.constant 2432 : i32
      %dma_start3A_227 = arith.constant 0 : i32
      %dma_start3A_228 = tpu.memref_slice %arg15[%dma_start3A_226, %dma_start3A_227] : memref<4096x16xf32, #tpu.memory_space<vmem>> -> memref<128x16xf32, #tpu.memory_space<vmem>>
      %dma_start3A_229 = arith.constant 0 : i32
      %dma_start3A_230 = tpu.memref_slice %arg13[%dma_start3A_224, %dma_start3A_225, %dma_start3A_229] : memref<8x4x128xi32, #tpu.memory_space<vmem>> -> memref<1x1x128xi32, #tpu.memory_space<vmem>>
      %dma_start3A_231 = tpu.memref_squeeze %dma_start3A_230 : memref<1x1x128xi32, #tpu.memory_space<vmem>> -> memref<128xi32, #tpu.memory_space<vmem>>
      %dma_start3A_232 = arith.constant 0 : i32
      %dma_start3A_233 = arith.constant 0 : i32
      %dma_start3A_234 = tpu.memref_slice %arg6[%dma_start3A_232, %dma_start3A_233] : memref<4096000x16xf32, #tpu.memory_space<hbm>> -> memref<4096000x16xf32, #tpu.memory_space<hbm>>
      tpu.enqueue_indirect_dma source(%dma_start3A_234 : memref<4096000x16xf32, #tpu.memory_space<hbm>>) target(%dma_start3A_228 : memref<128x16xf32, #tpu.memory_space<vmem>>) offsets(%dma_start3A_231 : memref<128xi32, #tpu.memory_space<vmem>>) semaphore(%arg18 : memref<!tpu.dma_semaphore, #tpu.memory_space<semaphore_mem>>)
      %dma_start3A_235 = arith.constant 5 : i32
      %dma_start3A_236 = arith.constant 0 : i32
      %dma_start3A_237 = arith.constant 2560 : i32
      %dma_start3A_238 = arith.constant 0 : i32
      %dma_start3A_239 = tpu.memref_slice %arg15[%dma_start3A_237, %dma_start3A_238] : memref<4096x16xf32, #tpu.memory_space<vmem>> -> memref<128x16xf32, #tpu.memory_space<vmem>>
      %dma_start3A_240 = arith.constant 0 : i32
      %dma_start3A_241 = tpu.memref_slice %arg13[%dma_start3A_235, %dma_start3A_236, %dma_start3A_240] : memref<8x4x128xi32, #tpu.memory_space<vmem>> -> memref<1x1x128xi32, #tpu.memory_space<vmem>>
      %dma_start3A_242 = tpu.memref_squeeze %dma_start3A_241 : memref<1x1x128xi32, #tpu.memory_space<vmem>> -> memref<128xi32, #tpu.memory_space<vmem>>
      %dma_start3A_243 = arith.constant 0 : i32
      %dma_start3A_244 = arith.constant 0 : i32
      %dma_start3A_245 = tpu.memref_slice %arg6[%dma_start3A_243, %dma_start3A_244] : memref<4096000x16xf32, #tpu.memory_space<hbm>> -> memref<4096000x16xf32, #tpu.memory_space<hbm>>
      tpu.enqueue_indirect_dma source(%dma_start3A_245 : memref<4096000x16xf32, #tpu.memory_space<hbm>>) target(%dma_start3A_239 : memref<128x16xf32, #tpu.memory_space<vmem>>) offsets(%dma_start3A_242 : memref<128xi32, #tpu.memory_space<vmem>>) semaphore(%arg18 : memref<!tpu.dma_semaphore, #tpu.memory_space<semaphore_mem>>)
      %dma_start3A_246 = arith.constant 5 : i32
      %dma_start3A_247 = arith.constant 1 : i32
      %dma_start3A_248 = arith.constant 2688 : i32
      %dma_start3A_249 = arith.constant 0 : i32
      %dma_start3A_250 = tpu.memref_slice %arg15[%dma_start3A_248, %dma_start3A_249] : memref<4096x16xf32, #tpu.memory_space<vmem>> -> memref<128x16xf32, #tpu.memory_space<vmem>>
      %dma_start3A_251 = arith.constant 0 : i32
      %dma_start3A_252 = tpu.memref_slice %arg13[%dma_start3A_246, %dma_start3A_247, %dma_start3A_251] : memref<8x4x128xi32, #tpu.memory_space<vmem>> -> memref<1x1x128xi32, #tpu.memory_space<vmem>>
      %dma_start3A_253 = tpu.memref_squeeze %dma_start3A_252 : memref<1x1x128xi32, #tpu.memory_space<vmem>> -> memref<128xi32, #tpu.memory_space<vmem>>
      %dma_start3A_254 = arith.constant 0 : i32
      %dma_start3A_255 = arith.constant 0 : i32
      %dma_start3A_256 = tpu.memref_slice %arg6[%dma_start3A_254, %dma_start3A_255] : memref<4096000x16xf32, #tpu.memory_space<hbm>> -> memref<4096000x16xf32, #tpu.memory_space<hbm>>
      tpu.enqueue_indirect_dma source(%dma_start3A_256 : memref<4096000x16xf32, #tpu.memory_space<hbm>>) target(%dma_start3A_250 : memref<128x16xf32, #tpu.memory_space<vmem>>) offsets(%dma_start3A_253 : memref<128xi32, #tpu.memory_space<vmem>>) semaphore(%arg18 : memref<!tpu.dma_semaphore, #tpu.memory_space<semaphore_mem>>)
      %dma_start3A_257 = arith.constant 5 : i32
      %dma_start3A_258 = arith.constant 2 : i32
      %dma_start3A_259 = arith.constant 2816 : i32
      %dma_start3A_260 = arith.constant 0 : i32
      %dma_start3A_261 = tpu.memref_slice %arg15[%dma_start3A_259, %dma_start3A_260] : memref<4096x16xf32, #tpu.memory_space<vmem>> -> memref<128x16xf32, #tpu.memory_space<vmem>>
      %dma_start3A_262 = arith.constant 0 : i32
      %dma_start3A_263 = tpu.memref_slice %arg13[%dma_start3A_257, %dma_start3A_258, %dma_start3A_262] : memref<8x4x128xi32, #tpu.memory_space<vmem>> -> memref<1x1x128xi32, #tpu.memory_space<vmem>>
      %dma_start3A_264 = tpu.memref_squeeze %dma_start3A_263 : memref<1x1x128xi32, #tpu.memory_space<vmem>> -> memref<128xi32, #tpu.memory_space<vmem>>
      %dma_start3A_265 = arith.constant 0 : i32
      %dma_start3A_266 = arith.constant 0 : i32
      %dma_start3A_267 = tpu.memref_slice %arg6[%dma_start3A_265, %dma_start3A_266] : memref<4096000x16xf32, #tpu.memory_space<hbm>> -> memref<4096000x16xf32, #tpu.memory_space<hbm>>
      tpu.enqueue_indirect_dma source(%dma_start3A_267 : memref<4096000x16xf32, #tpu.memory_space<hbm>>) target(%dma_start3A_261 : memref<128x16xf32, #tpu.memory_space<vmem>>) offsets(%dma_start3A_264 : memref<128xi32, #tpu.memory_space<vmem>>) semaphore(%arg18 : memref<!tpu.dma_semaphore, #tpu.memory_space<semaphore_mem>>)
      %dma_start3A_268 = arith.constant 5 : i32
      %dma_start3A_269 = arith.constant 3 : i32
      %dma_start3A_270 = arith.constant 2944 : i32
      %dma_start3A_271 = arith.constant 0 : i32
      %dma_start3A_272 = tpu.memref_slice %arg15[%dma_start3A_270, %dma_start3A_271] : memref<4096x16xf32, #tpu.memory_space<vmem>> -> memref<128x16xf32, #tpu.memory_space<vmem>>
      %dma_start3A_273 = arith.constant 0 : i32
      %dma_start3A_274 = tpu.memref_slice %arg13[%dma_start3A_268, %dma_start3A_269, %dma_start3A_273] : memref<8x4x128xi32, #tpu.memory_space<vmem>> -> memref<1x1x128xi32, #tpu.memory_space<vmem>>
      %dma_start3A_275 = tpu.memref_squeeze %dma_start3A_274 : memref<1x1x128xi32, #tpu.memory_space<vmem>> -> memref<128xi32, #tpu.memory_space<vmem>>
      %dma_start3A_276 = arith.constant 0 : i32
      %dma_start3A_277 = arith.constant 0 : i32
      %dma_start3A_278 = tpu.memref_slice %arg6[%dma_start3A_276, %dma_start3A_277] : memref<4096000x16xf32, #tpu.memory_space<hbm>> -> memref<4096000x16xf32, #tpu.memory_space<hbm>>
      tpu.enqueue_indirect_dma source(%dma_start3A_278 : memref<4096000x16xf32, #tpu.memory_space<hbm>>) target(%dma_start3A_272 : memref<128x16xf32, #tpu.memory_space<vmem>>) offsets(%dma_start3A_275 : memref<128xi32, #tpu.memory_space<vmem>>) semaphore(%arg18 : memref<!tpu.dma_semaphore, #tpu.memory_space<semaphore_mem>>)
      %dma_start3A_279 = arith.constant 6 : i32
      %dma_start3A_280 = arith.constant 0 : i32
      %dma_start3A_281 = arith.constant 3072 : i32
      %dma_start3A_282 = arith.constant 0 : i32
      %dma_start3A_283 = tpu.memref_slice %arg15[%dma_start3A_281, %dma_start3A_282] : memref<4096x16xf32, #tpu.memory_space<vmem>> -> memref<128x16xf32, #tpu.memory_space<vmem>>
      %dma_start3A_284 = arith.constant 0 : i32
      %dma_start3A_285 = tpu.memref_slice %arg13[%dma_start3A_279, %dma_start3A_280, %dma_start3A_284] : memref<8x4x128xi32, #tpu.memory_space<vmem>> -> memref<1x1x128xi32, #tpu.memory_space<vmem>>
      %dma_start3A_286 = tpu.memref_squeeze %dma_start3A_285 : memref<1x1x128xi32, #tpu.memory_space<vmem>> -> memref<128xi32, #tpu.memory_space<vmem>>
      %dma_start3A_287 = arith.constant 0 : i32
      %dma_start3A_288 = arith.constant 0 : i32
      %dma_start3A_289 = tpu.memref_slice %arg6[%dma_start3A_287, %dma_start3A_288] : memref<4096000x16xf32, #tpu.memory_space<hbm>> -> memref<4096000x16xf32, #tpu.memory_space<hbm>>
      tpu.enqueue_indirect_dma source(%dma_start3A_289 : memref<4096000x16xf32, #tpu.memory_space<hbm>>) target(%dma_start3A_283 : memref<128x16xf32, #tpu.memory_space<vmem>>) offsets(%dma_start3A_286 : memref<128xi32, #tpu.memory_space<vmem>>) semaphore(%arg18 : memref<!tpu.dma_semaphore, #tpu.memory_space<semaphore_mem>>)
      %dma_start3A_290 = arith.constant 6 : i32
      %dma_start3A_291 = arith.constant 1 : i32
      %dma_start3A_292 = arith.constant 3200 : i32
      %dma_start3A_293 = arith.constant 0 : i32
      %dma_start3A_294 = tpu.memref_slice %arg15[%dma_start3A_292, %dma_start3A_293] : memref<4096x16xf32, #tpu.memory_space<vmem>> -> memref<128x16xf32, #tpu.memory_space<vmem>>
      %dma_start3A_295 = arith.constant 0 : i32
      %dma_start3A_296 = tpu.memref_slice %arg13[%dma_start3A_290, %dma_start3A_291, %dma_start3A_295] : memref<8x4x128xi32, #tpu.memory_space<vmem>> -> memref<1x1x128xi32, #tpu.memory_space<vmem>>
      %dma_start3A_297 = tpu.memref_squeeze %dma_start3A_296 : memref<1x1x128xi32, #tpu.memory_space<vmem>> -> memref<128xi32, #tpu.memory_space<vmem>>
      %dma_start3A_298 = arith.constant 0 : i32
      %dma_start3A_299 = arith.constant 0 : i32
      %dma_start3A_300 = tpu.memref_slice %arg6[%dma_start3A_298, %dma_start3A_299] : memref<4096000x16xf32, #tpu.memory_space<hbm>> -> memref<4096000x16xf32, #tpu.memory_space<hbm>>
      tpu.enqueue_indirect_dma source(%dma_start3A_300 : memref<4096000x16xf32, #tpu.memory_space<hbm>>) target(%dma_start3A_294 : memref<128x16xf32, #tpu.memory_space<vmem>>) offsets(%dma_start3A_297 : memref<128xi32, #tpu.memory_space<vmem>>) semaphore(%arg18 : memref<!tpu.dma_semaphore, #tpu.memory_space<semaphore_mem>>)
      %dma_start3A_301 = arith.constant 6 : i32
      %dma_start3A_302 = arith.constant 2 : i32
      %dma_start3A_303 = arith.constant 3328 : i32
      %dma_start3A_304 = arith.constant 0 : i32
      %dma_start3A_305 = tpu.memref_slice %arg15[%dma_start3A_303, %dma_start3A_304] : memref<4096x16xf32, #tpu.memory_space<vmem>> -> memref<128x16xf32, #tpu.memory_space<vmem>>
      %dma_start3A_306 = arith.constant 0 : i32
      %dma_start3A_307 = tpu.memref_slice %arg13[%dma_start3A_301, %dma_start3A_302, %dma_start3A_306] : memref<8x4x128xi32, #tpu.memory_space<vmem>> -> memref<1x1x128xi32, #tpu.memory_space<vmem>>
      %dma_start3A_308 = tpu.memref_squeeze %dma_start3A_307 : memref<1x1x128xi32, #tpu.memory_space<vmem>> -> memref<128xi32, #tpu.memory_space<vmem>>
      %dma_start3A_309 = arith.constant 0 : i32
      %dma_start3A_310 = arith.constant 0 : i32
      %dma_start3A_311 = tpu.memref_slice %arg6[%dma_start3A_309, %dma_start3A_310] : memref<4096000x16xf32, #tpu.memory_space<hbm>> -> memref<4096000x16xf32, #tpu.memory_space<hbm>>
      tpu.enqueue_indirect_dma source(%dma_start3A_311 : memref<4096000x16xf32, #tpu.memory_space<hbm>>) target(%dma_start3A_305 : memref<128x16xf32, #tpu.memory_space<vmem>>) offsets(%dma_start3A_308 : memref<128xi32, #tpu.memory_space<vmem>>) semaphore(%arg18 : memref<!tpu.dma_semaphore, #tpu.memory_space<semaphore_mem>>)
      %dma_start3A_312 = arith.constant 6 : i32
      %dma_start3A_313 = arith.constant 3 : i32
      %dma_start3A_314 = arith.constant 3456 : i32
      %dma_start3A_315 = arith.constant 0 : i32
      %dma_start3A_316 = tpu.memref_slice %arg15[%dma_start3A_314, %dma_start3A_315] : memref<4096x16xf32, #tpu.memory_space<vmem>> -> memref<128x16xf32, #tpu.memory_space<vmem>>
      %dma_start3A_317 = arith.constant 0 : i32
      %dma_start3A_318 = tpu.memref_slice %arg13[%dma_start3A_312, %dma_start3A_313, %dma_start3A_317] : memref<8x4x128xi32, #tpu.memory_space<vmem>> -> memref<1x1x128xi32, #tpu.memory_space<vmem>>
      %dma_start3A_319 = tpu.memref_squeeze %dma_start3A_318 : memref<1x1x128xi32, #tpu.memory_space<vmem>> -> memref<128xi32, #tpu.memory_space<vmem>>
      %dma_start3A_320 = arith.constant 0 : i32
      %dma_start3A_321 = arith.constant 0 : i32
      %dma_start3A_322 = tpu.memref_slice %arg6[%dma_start3A_320, %dma_start3A_321] : memref<4096000x16xf32, #tpu.memory_space<hbm>> -> memref<4096000x16xf32, #tpu.memory_space<hbm>>
      tpu.enqueue_indirect_dma source(%dma_start3A_322 : memref<4096000x16xf32, #tpu.memory_space<hbm>>) target(%dma_start3A_316 : memref<128x16xf32, #tpu.memory_space<vmem>>) offsets(%dma_start3A_319 : memref<128xi32, #tpu.memory_space<vmem>>) semaphore(%arg18 : memref<!tpu.dma_semaphore, #tpu.memory_space<semaphore_mem>>)
      %dma_start3A_323 = arith.constant 7 : i32
      %dma_start3A_324 = arith.constant 0 : i32
      %dma_start3A_325 = arith.constant 3584 : i32
      %dma_start3A_326 = arith.constant 0 : i32
      %dma_start3A_327 = tpu.memref_slice %arg15[%dma_start3A_325, %dma_start3A_326] : memref<4096x16xf32, #tpu.memory_space<vmem>> -> memref<128x16xf32, #tpu.memory_space<vmem>>
      %dma_start3A_328 = arith.constant 0 : i32
      %dma_start3A_329 = tpu.memref_slice %arg13[%dma_start3A_323, %dma_start3A_324, %dma_start3A_328] : memref<8x4x128xi32, #tpu.memory_space<vmem>> -> memref<1x1x128xi32, #tpu.memory_space<vmem>>
      %dma_start3A_330 = tpu.memref_squeeze %dma_start3A_329 : memref<1x1x128xi32, #tpu.memory_space<vmem>> -> memref<128xi32, #tpu.memory_space<vmem>>
      %dma_start3A_331 = arith.constant 0 : i32
      %dma_start3A_332 = arith.constant 0 : i32
      %dma_start3A_333 = tpu.memref_slice %arg6[%dma_start3A_331, %dma_start3A_332] : memref<4096000x16xf32, #tpu.memory_space<hbm>> -> memref<4096000x16xf32, #tpu.memory_space<hbm>>
      tpu.enqueue_indirect_dma source(%dma_start3A_333 : memref<4096000x16xf32, #tpu.memory_space<hbm>>) target(%dma_start3A_327 : memref<128x16xf32, #tpu.memory_space<vmem>>) offsets(%dma_start3A_330 : memref<128xi32, #tpu.memory_space<vmem>>) semaphore(%arg18 : memref<!tpu.dma_semaphore, #tpu.memory_space<semaphore_mem>>)
      %dma_start3A_334 = arith.constant 7 : i32
      %dma_start3A_335 = arith.constant 1 : i32
      %dma_start3A_336 = arith.constant 3712 : i32
      %dma_start3A_337 = arith.constant 0 : i32
      %dma_start3A_338 = tpu.memref_slice %arg15[%dma_start3A_336, %dma_start3A_337] : memref<4096x16xf32, #tpu.memory_space<vmem>> -> memref<128x16xf32, #tpu.memory_space<vmem>>
      %dma_start3A_339 = arith.constant 0 : i32
      %dma_start3A_340 = tpu.memref_slice %arg13[%dma_start3A_334, %dma_start3A_335, %dma_start3A_339] : memref<8x4x128xi32, #tpu.memory_space<vmem>> -> memref<1x1x128xi32, #tpu.memory_space<vmem>>
      %dma_start3A_341 = tpu.memref_squeeze %dma_start3A_340 : memref<1x1x128xi32, #tpu.memory_space<vmem>> -> memref<128xi32, #tpu.memory_space<vmem>>
      %dma_start3A_342 = arith.constant 0 : i32
      %dma_start3A_343 = arith.constant 0 : i32
      %dma_start3A_344 = tpu.memref_slice %arg6[%dma_start3A_342, %dma_start3A_343] : memref<4096000x16xf32, #tpu.memory_space<hbm>> -> memref<4096000x16xf32, #tpu.memory_space<hbm>>
      tpu.enqueue_indirect_dma source(%dma_start3A_344 : memref<4096000x16xf32, #tpu.memory_space<hbm>>) target(%dma_start3A_338 : memref<128x16xf32, #tpu.memory_space<vmem>>) offsets(%dma_start3A_341 : memref<128xi32, #tpu.memory_space<vmem>>) semaphore(%arg18 : memref<!tpu.dma_semaphore, #tpu.memory_space<semaphore_mem>>)
      %dma_start3A_345 = arith.constant 7 : i32
      %dma_start3A_346 = arith.constant 2 : i32
      %dma_start3A_347 = arith.constant 3840 : i32
      %dma_start3A_348 = arith.constant 0 : i32
      %dma_start3A_349 = tpu.memref_slice %arg15[%dma_start3A_347, %dma_start3A_348] : memref<4096x16xf32, #tpu.memory_space<vmem>> -> memref<128x16xf32, #tpu.memory_space<vmem>>
      %dma_start3A_350 = arith.constant 0 : i32
      %dma_start3A_351 = tpu.memref_slice %arg13[%dma_start3A_345, %dma_start3A_346, %dma_start3A_350] : memref<8x4x128xi32, #tpu.memory_space<vmem>> -> memref<1x1x128xi32, #tpu.memory_space<vmem>>
      %dma_start3A_352 = tpu.memref_squeeze %dma_start3A_351 : memref<1x1x128xi32, #tpu.memory_space<vmem>> -> memref<128xi32, #tpu.memory_space<vmem>>
      %dma_start3A_353 = arith.constant 0 : i32
      %dma_start3A_354 = arith.constant 0 : i32
      %dma_start3A_355 = tpu.memref_slice %arg6[%dma_start3A_353, %dma_start3A_354] : memref<4096000x16xf32, #tpu.memory_space<hbm>> -> memref<4096000x16xf32, #tpu.memory_space<hbm>>
      tpu.enqueue_indirect_dma source(%dma_start3A_355 : memref<4096000x16xf32, #tpu.memory_space<hbm>>) target(%dma_start3A_349 : memref<128x16xf32, #tpu.memory_space<vmem>>) offsets(%dma_start3A_352 : memref<128xi32, #tpu.memory_space<vmem>>) semaphore(%arg18 : memref<!tpu.dma_semaphore, #tpu.memory_space<semaphore_mem>>)
      %dma_start3A_356 = arith.constant 7 : i32
      %dma_start3A_357 = arith.constant 3 : i32
      %dma_start3A_358 = arith.constant 3968 : i32
      %dma_start3A_359 = arith.constant 0 : i32
      %dma_start3A_360 = tpu.memref_slice %arg15[%dma_start3A_358, %dma_start3A_359] : memref<4096x16xf32, #tpu.memory_space<vmem>> -> memref<128x16xf32, #tpu.memory_space<vmem>>
      %dma_start3A_361 = arith.constant 0 : i32
      %dma_start3A_362 = tpu.memref_slice %arg13[%dma_start3A_356, %dma_start3A_357, %dma_start3A_361] : memref<8x4x128xi32, #tpu.memory_space<vmem>> -> memref<1x1x128xi32, #tpu.memory_space<vmem>>
      %dma_start3A_363 = tpu.memref_squeeze %dma_start3A_362 : memref<1x1x128xi32, #tpu.memory_space<vmem>> -> memref<128xi32, #tpu.memory_space<vmem>>
      %dma_start3A_364 = arith.constant 0 : i32
      %dma_start3A_365 = arith.constant 0 : i32
      %dma_start3A_366 = tpu.memref_slice %arg6[%dma_start3A_364, %dma_start3A_365] : memref<4096000x16xf32, #tpu.memory_space<hbm>> -> memref<4096000x16xf32, #tpu.memory_space<hbm>>
      tpu.enqueue_indirect_dma source(%dma_start3A_366 : memref<4096000x16xf32, #tpu.memory_space<hbm>>) target(%dma_start3A_360 : memref<128x16xf32, #tpu.memory_space<vmem>>) offsets(%dma_start3A_363 : memref<128xi32, #tpu.memory_space<vmem>>) semaphore(%arg18 : memref<!tpu.dma_semaphore, #tpu.memory_space<semaphore_mem>>)
      %dma_start3A_367 = arith.constant 0 : i32
      %dma_start3A_368 = arith.constant 0 : i32
      %dma_start3A_369 = tpu.memref_slice %arg16[%dma_start3A_367, %dma_start3A_368] : memref<512x16xf32, #tpu.memory_space<vmem>> -> memref<128x16xf32, #tpu.memory_space<vmem>>
      %dma_start3A_370 = arith.constant 0 : i32
      %dma_start3A_371 = tpu.memref_slice %arg12[%dma_start3A_370] : memref<512xi32, #tpu.memory_space<vmem>> -> memref<128xi32, #tpu.memory_space<vmem>>
      %dma_start3A_372 = arith.constant 0 : i32
      %dma_start3A_373 = arith.constant 0 : i32
      %dma_start3A_374 = tpu.memref_slice %arg7[%dma_start3A_372, %dma_start3A_373] : memref<8192x16xf32, #tpu.memory_space<hbm>> -> memref<8192x16xf32, #tpu.memory_space<hbm>>
      tpu.enqueue_indirect_dma source(%dma_start3A_374 : memref<8192x16xf32, #tpu.memory_space<hbm>>) target(%dma_start3A_369 : memref<128x16xf32, #tpu.memory_space<vmem>>) offsets(%dma_start3A_371 : memref<128xi32, #tpu.memory_space<vmem>>) semaphore(%arg18 : memref<!tpu.dma_semaphore, #tpu.memory_space<semaphore_mem>>)
      %dma_start3A_375 = arith.constant 128 : i32
      %dma_start3A_376 = arith.constant 0 : i32
      %dma_start3A_377 = tpu.memref_slice %arg16[%dma_start3A_375, %dma_start3A_376] : memref<512x16xf32, #tpu.memory_space<vmem>> -> memref<128x16xf32, #tpu.memory_space<vmem>>
      %dma_start3A_378 = arith.constant 128 : i32
      %dma_start3A_379 = tpu.memref_slice %arg12[%dma_start3A_378] : memref<512xi32, #tpu.memory_space<vmem>> -> memref<128xi32, #tpu.memory_space<vmem>>
      %dma_start3A_380 = arith.constant 0 : i32
      %dma_start3A_381 = arith.constant 0 : i32
      %dma_start3A_382 = tpu.memref_slice %arg7[%dma_start3A_380, %dma_start3A_381] : memref<8192x16xf32, #tpu.memory_space<hbm>> -> memref<8192x16xf32, #tpu.memory_space<hbm>>
      tpu.enqueue_indirect_dma source(%dma_start3A_382 : memref<8192x16xf32, #tpu.memory_space<hbm>>) target(%dma_start3A_377 : memref<128x16xf32, #tpu.memory_space<vmem>>) offsets(%dma_start3A_379 : memref<128xi32, #tpu.memory_space<vmem>>) semaphore(%arg18 : memref<!tpu.dma_semaphore, #tpu.memory_space<semaphore_mem>>)
      %dma_start3A_383 = arith.constant 256 : i32
      %dma_start3A_384 = arith.constant 0 : i32
      %dma_start3A_385 = tpu.memref_slice %arg16[%dma_start3A_383, %dma_start3A_384] : memref<512x16xf32, #tpu.memory_space<vmem>> -> memref<128x16xf32, #tpu.memory_space<vmem>>
      %dma_start3A_386 = arith.constant 256 : i32
      %dma_start3A_387 = tpu.memref_slice %arg12[%dma_start3A_386] : memref<512xi32, #tpu.memory_space<vmem>> -> memref<128xi32, #tpu.memory_space<vmem>>
      %dma_start3A_388 = arith.constant 0 : i32
      %dma_start3A_389 = arith.constant 0 : i32
      %dma_start3A_390 = tpu.memref_slice %arg7[%dma_start3A_388, %dma_start3A_389] : memref<8192x16xf32, #tpu.memory_space<hbm>> -> memref<8192x16xf32, #tpu.memory_space<hbm>>
      tpu.enqueue_indirect_dma source(%dma_start3A_390 : memref<8192x16xf32, #tpu.memory_space<hbm>>) target(%dma_start3A_385 : memref<128x16xf32, #tpu.memory_space<vmem>>) offsets(%dma_start3A_387 : memref<128xi32, #tpu.memory_space<vmem>>) semaphore(%arg18 : memref<!tpu.dma_semaphore, #tpu.memory_space<semaphore_mem>>)
      %dma_start3A_391 = arith.constant 384 : i32
      %dma_start3A_392 = arith.constant 0 : i32
      %dma_start3A_393 = tpu.memref_slice %arg16[%dma_start3A_391, %dma_start3A_392] : memref<512x16xf32, #tpu.memory_space<vmem>> -> memref<128x16xf32, #tpu.memory_space<vmem>>
      %dma_start3A_394 = arith.constant 384 : i32
      %dma_start3A_395 = tpu.memref_slice %arg12[%dma_start3A_394] : memref<512xi32, #tpu.memory_space<vmem>> -> memref<128xi32, #tpu.memory_space<vmem>>
      %dma_start3A_396 = arith.constant 0 : i32
      %dma_start3A_397 = arith.constant 0 : i32
      %dma_start3A_398 = tpu.memref_slice %arg7[%dma_start3A_396, %dma_start3A_397] : memref<8192x16xf32, #tpu.memory_space<hbm>> -> memref<8192x16xf32, #tpu.memory_space<hbm>>
      tpu.enqueue_indirect_dma source(%dma_start3A_398 : memref<8192x16xf32, #tpu.memory_space<hbm>>) target(%dma_start3A_393 : memref<128x16xf32, #tpu.memory_space<vmem>>) offsets(%dma_start3A_395 : memref<128xi32, #tpu.memory_space<vmem>>) semaphore(%arg18 : memref<!tpu.dma_semaphore, #tpu.memory_space<semaphore_mem>>)
      %dma_wait3A = arith.constant 0 : i32
      %dma_wait3A_399 = arith.constant 0 : i32
      %dma_wait3A_400 = arith.constant 0 : i32
      %dma_wait3A_401 = arith.constant 0 : i32
      %dma_wait3A_402 = tpu.memref_slice %arg15[%dma_wait3A_400, %dma_wait3A_401] : memref<4096x16xf32, #tpu.memory_space<vmem>> -> memref<128x16xf32, #tpu.memory_space<vmem>>
      %dma_wait3A_403 = arith.constant 0 : i32
      %dma_wait3A_404 = tpu.memref_slice %arg13[%dma_wait3A, %dma_wait3A_399, %dma_wait3A_403] : memref<8x4x128xi32, #tpu.memory_space<vmem>> -> memref<1x1x128xi32, #tpu.memory_space<vmem>>
      %dma_wait3A_405 = tpu.memref_squeeze %dma_wait3A_404 : memref<1x1x128xi32, #tpu.memory_space<vmem>> -> memref<128xi32, #tpu.memory_space<vmem>>
      %dma_wait3A_406 = arith.constant 0 : i32
      %dma_wait3A_407 = arith.constant 0 : i32
      %dma_wait3A_408 = tpu.memref_slice %arg6[%dma_wait3A_406, %dma_wait3A_407] : memref<4096000x16xf32, #tpu.memory_space<hbm>> -> memref<4096000x16xf32, #tpu.memory_space<hbm>>
      tpu.wait_indirect_dma semaphore(%arg18 : memref<!tpu.dma_semaphore, #tpu.memory_space<semaphore_mem>>) src(%dma_wait3A_408 : memref<4096000x16xf32, #tpu.memory_space<hbm>>) dst(%dma_wait3A_402 : memref<128x16xf32, #tpu.memory_space<vmem>>)
      %dma_wait3A_409 = arith.constant 0 : i32
      %dma_wait3A_410 = arith.constant 1 : i32
      %dma_wait3A_411 = arith.constant 128 : i32
      %dma_wait3A_412 = arith.constant 0 : i32
      %dma_wait3A_413 = tpu.memref_slice %arg15[%dma_wait3A_411, %dma_wait3A_412] : memref<4096x16xf32, #tpu.memory_space<vmem>> -> memref<128x16xf32, #tpu.memory_space<vmem>>
      %dma_wait3A_414 = arith.constant 0 : i32
      %dma_wait3A_415 = tpu.memref_slice %arg13[%dma_wait3A_409, %dma_wait3A_410, %dma_wait3A_414] : memref<8x4x128xi32, #tpu.memory_space<vmem>> -> memref<1x1x128xi32, #tpu.memory_space<vmem>>
      %dma_wait3A_416 = tpu.memref_squeeze %dma_wait3A_415 : memref<1x1x128xi32, #tpu.memory_space<vmem>> -> memref<128xi32, #tpu.memory_space<vmem>>
      %dma_wait3A_417 = arith.constant 0 : i32
      %dma_wait3A_418 = arith.constant 0 : i32
      %dma_wait3A_419 = tpu.memref_slice %arg6[%dma_wait3A_417, %dma_wait3A_418] : memref<4096000x16xf32, #tpu.memory_space<hbm>> -> memref<4096000x16xf32, #tpu.memory_space<hbm>>
      tpu.wait_indirect_dma semaphore(%arg18 : memref<!tpu.dma_semaphore, #tpu.memory_space<semaphore_mem>>) src(%dma_wait3A_419 : memref<4096000x16xf32, #tpu.memory_space<hbm>>) dst(%dma_wait3A_413 : memref<128x16xf32, #tpu.memory_space<vmem>>)
      %dma_wait3A_420 = arith.constant 0 : i32
      %dma_wait3A_421 = arith.constant 2 : i32
      %dma_wait3A_422 = arith.constant 256 : i32
      %dma_wait3A_423 = arith.constant 0 : i32
      %dma_wait3A_424 = tpu.memref_slice %arg15[%dma_wait3A_422, %dma_wait3A_423] : memref<4096x16xf32, #tpu.memory_space<vmem>> -> memref<128x16xf32, #tpu.memory_space<vmem>>
      %dma_wait3A_425 = arith.constant 0 : i32
      %dma_wait3A_426 = tpu.memref_slice %arg13[%dma_wait3A_420, %dma_wait3A_421, %dma_wait3A_425] : memref<8x4x128xi32, #tpu.memory_space<vmem>> -> memref<1x1x128xi32, #tpu.memory_space<vmem>>
      %dma_wait3A_427 = tpu.memref_squeeze %dma_wait3A_426 : memref<1x1x128xi32, #tpu.memory_space<vmem>> -> memref<128xi32, #tpu.memory_space<vmem>>
      %dma_wait3A_428 = arith.constant 0 : i32
      %dma_wait3A_429 = arith.constant 0 : i32
      %dma_wait3A_430 = tpu.memref_slice %arg6[%dma_wait3A_428, %dma_wait3A_429] : memref<4096000x16xf32, #tpu.memory_space<hbm>> -> memref<4096000x16xf32, #tpu.memory_space<hbm>>
      tpu.wait_indirect_dma semaphore(%arg18 : memref<!tpu.dma_semaphore, #tpu.memory_space<semaphore_mem>>) src(%dma_wait3A_430 : memref<4096000x16xf32, #tpu.memory_space<hbm>>) dst(%dma_wait3A_424 : memref<128x16xf32, #tpu.memory_space<vmem>>)
      %dma_wait3A_431 = arith.constant 0 : i32
      %dma_wait3A_432 = arith.constant 3 : i32
      %dma_wait3A_433 = arith.constant 384 : i32
      %dma_wait3A_434 = arith.constant 0 : i32
      %dma_wait3A_435 = tpu.memref_slice %arg15[%dma_wait3A_433, %dma_wait3A_434] : memref<4096x16xf32, #tpu.memory_space<vmem>> -> memref<128x16xf32, #tpu.memory_space<vmem>>
      %dma_wait3A_436 = arith.constant 0 : i32
      %dma_wait3A_437 = tpu.memref_slice %arg13[%dma_wait3A_431, %dma_wait3A_432, %dma_wait3A_436] : memref<8x4x128xi32, #tpu.memory_space<vmem>> -> memref<1x1x128xi32, #tpu.memory_space<vmem>>
      %dma_wait3A_438 = tpu.memref_squeeze %dma_wait3A_437 : memref<1x1x128xi32, #tpu.memory_space<vmem>> -> memref<128xi32, #tpu.memory_space<vmem>>
      %dma_wait3A_439 = arith.constant 0 : i32
      %dma_wait3A_440 = arith.constant 0 : i32
      %dma_wait3A_441 = tpu.memref_slice %arg6[%dma_wait3A_439, %dma_wait3A_440] : memref<4096000x16xf32, #tpu.memory_space<hbm>> -> memref<4096000x16xf32, #tpu.memory_space<hbm>>
      tpu.wait_indirect_dma semaphore(%arg18 : memref<!tpu.dma_semaphore, #tpu.memory_space<semaphore_mem>>) src(%dma_wait3A_441 : memref<4096000x16xf32, #tpu.memory_space<hbm>>) dst(%dma_wait3A_435 : memref<128x16xf32, #tpu.memory_space<vmem>>)
      %dma_wait3A_442 = arith.constant 1 : i32
      %dma_wait3A_443 = arith.constant 0 : i32
      %dma_wait3A_444 = arith.constant 512 : i32
      %dma_wait3A_445 = arith.constant 0 : i32
      %dma_wait3A_446 = tpu.memref_slice %arg15[%dma_wait3A_444, %dma_wait3A_445] : memref<4096x16xf32, #tpu.memory_space<vmem>> -> memref<128x16xf32, #tpu.memory_space<vmem>>
      %dma_wait3A_447 = arith.constant 0 : i32
      %dma_wait3A_448 = tpu.memref_slice %arg13[%dma_wait3A_442, %dma_wait3A_443, %dma_wait3A_447] : memref<8x4x128xi32, #tpu.memory_space<vmem>> -> memref<1x1x128xi32, #tpu.memory_space<vmem>>
      %dma_wait3A_449 = tpu.memref_squeeze %dma_wait3A_448 : memref<1x1x128xi32, #tpu.memory_space<vmem>> -> memref<128xi32, #tpu.memory_space<vmem>>
      %dma_wait3A_450 = arith.constant 0 : i32
      %dma_wait3A_451 = arith.constant 0 : i32
      %dma_wait3A_452 = tpu.memref_slice %arg6[%dma_wait3A_450, %dma_wait3A_451] : memref<4096000x16xf32, #tpu.memory_space<hbm>> -> memref<4096000x16xf32, #tpu.memory_space<hbm>>
      tpu.wait_indirect_dma semaphore(%arg18 : memref<!tpu.dma_semaphore, #tpu.memory_space<semaphore_mem>>) src(%dma_wait3A_452 : memref<4096000x16xf32, #tpu.memory_space<hbm>>) dst(%dma_wait3A_446 : memref<128x16xf32, #tpu.memory_space<vmem>>)
      %dma_wait3A_453 = arith.constant 1 : i32
      %dma_wait3A_454 = arith.constant 1 : i32
      %dma_wait3A_455 = arith.constant 640 : i32
      %dma_wait3A_456 = arith.constant 0 : i32
      %dma_wait3A_457 = tpu.memref_slice %arg15[%dma_wait3A_455, %dma_wait3A_456] : memref<4096x16xf32, #tpu.memory_space<vmem>> -> memref<128x16xf32, #tpu.memory_space<vmem>>
      %dma_wait3A_458 = arith.constant 0 : i32
      %dma_wait3A_459 = tpu.memref_slice %arg13[%dma_wait3A_453, %dma_wait3A_454, %dma_wait3A_458] : memref<8x4x128xi32, #tpu.memory_space<vmem>> -> memref<1x1x128xi32, #tpu.memory_space<vmem>>
      %dma_wait3A_460 = tpu.memref_squeeze %dma_wait3A_459 : memref<1x1x128xi32, #tpu.memory_space<vmem>> -> memref<128xi32, #tpu.memory_space<vmem>>
      %dma_wait3A_461 = arith.constant 0 : i32
      %dma_wait3A_462 = arith.constant 0 : i32
      %dma_wait3A_463 = tpu.memref_slice %arg6[%dma_wait3A_461, %dma_wait3A_462] : memref<4096000x16xf32, #tpu.memory_space<hbm>> -> memref<4096000x16xf32, #tpu.memory_space<hbm>>
      tpu.wait_indirect_dma semaphore(%arg18 : memref<!tpu.dma_semaphore, #tpu.memory_space<semaphore_mem>>) src(%dma_wait3A_463 : memref<4096000x16xf32, #tpu.memory_space<hbm>>) dst(%dma_wait3A_457 : memref<128x16xf32, #tpu.memory_space<vmem>>)
      %dma_wait3A_464 = arith.constant 1 : i32
      %dma_wait3A_465 = arith.constant 2 : i32
      %dma_wait3A_466 = arith.constant 768 : i32
      %dma_wait3A_467 = arith.constant 0 : i32
      %dma_wait3A_468 = tpu.memref_slice %arg15[%dma_wait3A_466, %dma_wait3A_467] : memref<4096x16xf32, #tpu.memory_space<vmem>> -> memref<128x16xf32, #tpu.memory_space<vmem>>
      %dma_wait3A_469 = arith.constant 0 : i32
      %dma_wait3A_470 = tpu.memref_slice %arg13[%dma_wait3A_464, %dma_wait3A_465, %dma_wait3A_469] : memref<8x4x128xi32, #tpu.memory_space<vmem>> -> memref<1x1x128xi32, #tpu.memory_space<vmem>>
      %dma_wait3A_471 = tpu.memref_squeeze %dma_wait3A_470 : memref<1x1x128xi32, #tpu.memory_space<vmem>> -> memref<128xi32, #tpu.memory_space<vmem>>
      %dma_wait3A_472 = arith.constant 0 : i32
      %dma_wait3A_473 = arith.constant 0 : i32
      %dma_wait3A_474 = tpu.memref_slice %arg6[%dma_wait3A_472, %dma_wait3A_473] : memref<4096000x16xf32, #tpu.memory_space<hbm>> -> memref<4096000x16xf32, #tpu.memory_space<hbm>>
      tpu.wait_indirect_dma semaphore(%arg18 : memref<!tpu.dma_semaphore, #tpu.memory_space<semaphore_mem>>) src(%dma_wait3A_474 : memref<4096000x16xf32, #tpu.memory_space<hbm>>) dst(%dma_wait3A_468 : memref<128x16xf32, #tpu.memory_space<vmem>>)
      %dma_wait3A_475 = arith.constant 1 : i32
      %dma_wait3A_476 = arith.constant 3 : i32
      %dma_wait3A_477 = arith.constant 896 : i32
      %dma_wait3A_478 = arith.constant 0 : i32
      %dma_wait3A_479 = tpu.memref_slice %arg15[%dma_wait3A_477, %dma_wait3A_478] : memref<4096x16xf32, #tpu.memory_space<vmem>> -> memref<128x16xf32, #tpu.memory_space<vmem>>
      %dma_wait3A_480 = arith.constant 0 : i32
      %dma_wait3A_481 = tpu.memref_slice %arg13[%dma_wait3A_475, %dma_wait3A_476, %dma_wait3A_480] : memref<8x4x128xi32, #tpu.memory_space<vmem>> -> memref<1x1x128xi32, #tpu.memory_space<vmem>>
      %dma_wait3A_482 = tpu.memref_squeeze %dma_wait3A_481 : memref<1x1x128xi32, #tpu.memory_space<vmem>> -> memref<128xi32, #tpu.memory_space<vmem>>
      %dma_wait3A_483 = arith.constant 0 : i32
      %dma_wait3A_484 = arith.constant 0 : i32
      %dma_wait3A_485 = tpu.memref_slice %arg6[%dma_wait3A_483, %dma_wait3A_484] : memref<4096000x16xf32, #tpu.memory_space<hbm>> -> memref<4096000x16xf32, #tpu.memory_space<hbm>>
      tpu.wait_indirect_dma semaphore(%arg18 : memref<!tpu.dma_semaphore, #tpu.memory_space<semaphore_mem>>) src(%dma_wait3A_485 : memref<4096000x16xf32, #tpu.memory_space<hbm>>) dst(%dma_wait3A_479 : memref<128x16xf32, #tpu.memory_space<vmem>>)
      %dma_wait3A_486 = arith.constant 2 : i32
      %dma_wait3A_487 = arith.constant 0 : i32
      %dma_wait3A_488 = arith.constant 1024 : i32
      %dma_wait3A_489 = arith.constant 0 : i32
      %dma_wait3A_490 = tpu.memref_slice %arg15[%dma_wait3A_488, %dma_wait3A_489] : memref<4096x16xf32, #tpu.memory_space<vmem>> -> memref<128x16xf32, #tpu.memory_space<vmem>>
      %dma_wait3A_491 = arith.constant 0 : i32
      %dma_wait3A_492 = tpu.memref_slice %arg13[%dma_wait3A_486, %dma_wait3A_487, %dma_wait3A_491] : memref<8x4x128xi32, #tpu.memory_space<vmem>> -> memref<1x1x128xi32, #tpu.memory_space<vmem>>
      %dma_wait3A_493 = tpu.memref_squeeze %dma_wait3A_492 : memref<1x1x128xi32, #tpu.memory_space<vmem>> -> memref<128xi32, #tpu.memory_space<vmem>>
      %dma_wait3A_494 = arith.constant 0 : i32
      %dma_wait3A_495 = arith.constant 0 : i32
      %dma_wait3A_496 = tpu.memref_slice %arg6[%dma_wait3A_494, %dma_wait3A_495] : memref<4096000x16xf32, #tpu.memory_space<hbm>> -> memref<4096000x16xf32, #tpu.memory_space<hbm>>
      tpu.wait_indirect_dma semaphore(%arg18 : memref<!tpu.dma_semaphore, #tpu.memory_space<semaphore_mem>>) src(%dma_wait3A_496 : memref<4096000x16xf32, #tpu.memory_space<hbm>>) dst(%dma_wait3A_490 : memref<128x16xf32, #tpu.memory_space<vmem>>)
      %dma_wait3A_497 = arith.constant 2 : i32
      %dma_wait3A_498 = arith.constant 1 : i32
      %dma_wait3A_499 = arith.constant 1152 : i32
      %dma_wait3A_500 = arith.constant 0 : i32
      %dma_wait3A_501 = tpu.memref_slice %arg15[%dma_wait3A_499, %dma_wait3A_500] : memref<4096x16xf32, #tpu.memory_space<vmem>> -> memref<128x16xf32, #tpu.memory_space<vmem>>
      %dma_wait3A_502 = arith.constant 0 : i32
      %dma_wait3A_503 = tpu.memref_slice %arg13[%dma_wait3A_497, %dma_wait3A_498, %dma_wait3A_502] : memref<8x4x128xi32, #tpu.memory_space<vmem>> -> memref<1x1x128xi32, #tpu.memory_space<vmem>>
      %dma_wait3A_504 = tpu.memref_squeeze %dma_wait3A_503 : memref<1x1x128xi32, #tpu.memory_space<vmem>> -> memref<128xi32, #tpu.memory_space<vmem>>
      %dma_wait3A_505 = arith.constant 0 : i32
      %dma_wait3A_506 = arith.constant 0 : i32
      %dma_wait3A_507 = tpu.memref_slice %arg6[%dma_wait3A_505, %dma_wait3A_506] : memref<4096000x16xf32, #tpu.memory_space<hbm>> -> memref<4096000x16xf32, #tpu.memory_space<hbm>>
      tpu.wait_indirect_dma semaphore(%arg18 : memref<!tpu.dma_semaphore, #tpu.memory_space<semaphore_mem>>) src(%dma_wait3A_507 : memref<4096000x16xf32, #tpu.memory_space<hbm>>) dst(%dma_wait3A_501 : memref<128x16xf32, #tpu.memory_space<vmem>>)
      %dma_wait3A_508 = arith.constant 2 : i32
      %dma_wait3A_509 = arith.constant 2 : i32
      %dma_wait3A_510 = arith.constant 1280 : i32
      %dma_wait3A_511 = arith.constant 0 : i32
      %dma_wait3A_512 = tpu.memref_slice %arg15[%dma_wait3A_510, %dma_wait3A_511] : memref<4096x16xf32, #tpu.memory_space<vmem>> -> memref<128x16xf32, #tpu.memory_space<vmem>>
      %dma_wait3A_513 = arith.constant 0 : i32
      %dma_wait3A_514 = tpu.memref_slice %arg13[%dma_wait3A_508, %dma_wait3A_509, %dma_wait3A_513] : memref<8x4x128xi32, #tpu.memory_space<vmem>> -> memref<1x1x128xi32, #tpu.memory_space<vmem>>
      %dma_wait3A_515 = tpu.memref_squeeze %dma_wait3A_514 : memref<1x1x128xi32, #tpu.memory_space<vmem>> -> memref<128xi32, #tpu.memory_space<vmem>>
      %dma_wait3A_516 = arith.constant 0 : i32
      %dma_wait3A_517 = arith.constant 0 : i32
      %dma_wait3A_518 = tpu.memref_slice %arg6[%dma_wait3A_516, %dma_wait3A_517] : memref<4096000x16xf32, #tpu.memory_space<hbm>> -> memref<4096000x16xf32, #tpu.memory_space<hbm>>
      tpu.wait_indirect_dma semaphore(%arg18 : memref<!tpu.dma_semaphore, #tpu.memory_space<semaphore_mem>>) src(%dma_wait3A_518 : memref<4096000x16xf32, #tpu.memory_space<hbm>>) dst(%dma_wait3A_512 : memref<128x16xf32, #tpu.memory_space<vmem>>)
      %dma_wait3A_519 = arith.constant 2 : i32
      %dma_wait3A_520 = arith.constant 3 : i32
      %dma_wait3A_521 = arith.constant 1408 : i32
      %dma_wait3A_522 = arith.constant 0 : i32
      %dma_wait3A_523 = tpu.memref_slice %arg15[%dma_wait3A_521, %dma_wait3A_522] : memref<4096x16xf32, #tpu.memory_space<vmem>> -> memref<128x16xf32, #tpu.memory_space<vmem>>
      %dma_wait3A_524 = arith.constant 0 : i32
      %dma_wait3A_525 = tpu.memref_slice %arg13[%dma_wait3A_519, %dma_wait3A_520, %dma_wait3A_524] : memref<8x4x128xi32, #tpu.memory_space<vmem>> -> memref<1x1x128xi32, #tpu.memory_space<vmem>>
      %dma_wait3A_526 = tpu.memref_squeeze %dma_wait3A_525 : memref<1x1x128xi32, #tpu.memory_space<vmem>> -> memref<128xi32, #tpu.memory_space<vmem>>
      %dma_wait3A_527 = arith.constant 0 : i32
      %dma_wait3A_528 = arith.constant 0 : i32
      %dma_wait3A_529 = tpu.memref_slice %arg6[%dma_wait3A_527, %dma_wait3A_528] : memref<4096000x16xf32, #tpu.memory_space<hbm>> -> memref<4096000x16xf32, #tpu.memory_space<hbm>>
      tpu.wait_indirect_dma semaphore(%arg18 : memref<!tpu.dma_semaphore, #tpu.memory_space<semaphore_mem>>) src(%dma_wait3A_529 : memref<4096000x16xf32, #tpu.memory_space<hbm>>) dst(%dma_wait3A_523 : memref<128x16xf32, #tpu.memory_space<vmem>>)
      %dma_wait3A_530 = arith.constant 3 : i32
      %dma_wait3A_531 = arith.constant 0 : i32
      %dma_wait3A_532 = arith.constant 1536 : i32
      %dma_wait3A_533 = arith.constant 0 : i32
      %dma_wait3A_534 = tpu.memref_slice %arg15[%dma_wait3A_532, %dma_wait3A_533] : memref<4096x16xf32, #tpu.memory_space<vmem>> -> memref<128x16xf32, #tpu.memory_space<vmem>>
      %dma_wait3A_535 = arith.constant 0 : i32
      %dma_wait3A_536 = tpu.memref_slice %arg13[%dma_wait3A_530, %dma_wait3A_531, %dma_wait3A_535] : memref<8x4x128xi32, #tpu.memory_space<vmem>> -> memref<1x1x128xi32, #tpu.memory_space<vmem>>
      %dma_wait3A_537 = tpu.memref_squeeze %dma_wait3A_536 : memref<1x1x128xi32, #tpu.memory_space<vmem>> -> memref<128xi32, #tpu.memory_space<vmem>>
      %dma_wait3A_538 = arith.constant 0 : i32
      %dma_wait3A_539 = arith.constant 0 : i32
      %dma_wait3A_540 = tpu.memref_slice %arg6[%dma_wait3A_538, %dma_wait3A_539] : memref<4096000x16xf32, #tpu.memory_space<hbm>> -> memref<4096000x16xf32, #tpu.memory_space<hbm>>
      tpu.wait_indirect_dma semaphore(%arg18 : memref<!tpu.dma_semaphore, #tpu.memory_space<semaphore_mem>>) src(%dma_wait3A_540 : memref<4096000x16xf32, #tpu.memory_space<hbm>>) dst(%dma_wait3A_534 : memref<128x16xf32, #tpu.memory_space<vmem>>)
      %dma_wait3A_541 = arith.constant 3 : i32
      %dma_wait3A_542 = arith.constant 1 : i32
      %dma_wait3A_543 = arith.constant 1664 : i32
      %dma_wait3A_544 = arith.constant 0 : i32
      %dma_wait3A_545 = tpu.memref_slice %arg15[%dma_wait3A_543, %dma_wait3A_544] : memref<4096x16xf32, #tpu.memory_space<vmem>> -> memref<128x16xf32, #tpu.memory_space<vmem>>
      %dma_wait3A_546 = arith.constant 0 : i32
      %dma_wait3A_547 = tpu.memref_slice %arg13[%dma_wait3A_541, %dma_wait3A_542, %dma_wait3A_546] : memref<8x4x128xi32, #tpu.memory_space<vmem>> -> memref<1x1x128xi32, #tpu.memory_space<vmem>>
      %dma_wait3A_548 = tpu.memref_squeeze %dma_wait3A_547 : memref<1x1x128xi32, #tpu.memory_space<vmem>> -> memref<128xi32, #tpu.memory_space<vmem>>
      %dma_wait3A_549 = arith.constant 0 : i32
      %dma_wait3A_550 = arith.constant 0 : i32
      %dma_wait3A_551 = tpu.memref_slice %arg6[%dma_wait3A_549, %dma_wait3A_550] : memref<4096000x16xf32, #tpu.memory_space<hbm>> -> memref<4096000x16xf32, #tpu.memory_space<hbm>>
      tpu.wait_indirect_dma semaphore(%arg18 : memref<!tpu.dma_semaphore, #tpu.memory_space<semaphore_mem>>) src(%dma_wait3A_551 : memref<4096000x16xf32, #tpu.memory_space<hbm>>) dst(%dma_wait3A_545 : memref<128x16xf32, #tpu.memory_space<vmem>>)
      %dma_wait3A_552 = arith.constant 3 : i32
      %dma_wait3A_553 = arith.constant 2 : i32
      %dma_wait3A_554 = arith.constant 1792 : i32
      %dma_wait3A_555 = arith.constant 0 : i32
      %dma_wait3A_556 = tpu.memref_slice %arg15[%dma_wait3A_554, %dma_wait3A_555] : memref<4096x16xf32, #tpu.memory_space<vmem>> -> memref<128x16xf32, #tpu.memory_space<vmem>>
      %dma_wait3A_557 = arith.constant 0 : i32
      %dma_wait3A_558 = tpu.memref_slice %arg13[%dma_wait3A_552, %dma_wait3A_553, %dma_wait3A_557] : memref<8x4x128xi32, #tpu.memory_space<vmem>> -> memref<1x1x128xi32, #tpu.memory_space<vmem>>
      %dma_wait3A_559 = tpu.memref_squeeze %dma_wait3A_558 : memref<1x1x128xi32, #tpu.memory_space<vmem>> -> memref<128xi32, #tpu.memory_space<vmem>>
      %dma_wait3A_560 = arith.constant 0 : i32
      %dma_wait3A_561 = arith.constant 0 : i32
      %dma_wait3A_562 = tpu.memref_slice %arg6[%dma_wait3A_560, %dma_wait3A_561] : memref<4096000x16xf32, #tpu.memory_space<hbm>> -> memref<4096000x16xf32, #tpu.memory_space<hbm>>
      tpu.wait_indirect_dma semaphore(%arg18 : memref<!tpu.dma_semaphore, #tpu.memory_space<semaphore_mem>>) src(%dma_wait3A_562 : memref<4096000x16xf32, #tpu.memory_space<hbm>>) dst(%dma_wait3A_556 : memref<128x16xf32, #tpu.memory_space<vmem>>)
      %dma_wait3A_563 = arith.constant 3 : i32
      %dma_wait3A_564 = arith.constant 3 : i32
      %dma_wait3A_565 = arith.constant 1920 : i32
      %dma_wait3A_566 = arith.constant 0 : i32
      %dma_wait3A_567 = tpu.memref_slice %arg15[%dma_wait3A_565, %dma_wait3A_566] : memref<4096x16xf32, #tpu.memory_space<vmem>> -> memref<128x16xf32, #tpu.memory_space<vmem>>
      %dma_wait3A_568 = arith.constant 0 : i32
      %dma_wait3A_569 = tpu.memref_slice %arg13[%dma_wait3A_563, %dma_wait3A_564, %dma_wait3A_568] : memref<8x4x128xi32, #tpu.memory_space<vmem>> -> memref<1x1x128xi32, #tpu.memory_space<vmem>>
      %dma_wait3A_570 = tpu.memref_squeeze %dma_wait3A_569 : memref<1x1x128xi32, #tpu.memory_space<vmem>> -> memref<128xi32, #tpu.memory_space<vmem>>
      %dma_wait3A_571 = arith.constant 0 : i32
      %dma_wait3A_572 = arith.constant 0 : i32
      %dma_wait3A_573 = tpu.memref_slice %arg6[%dma_wait3A_571, %dma_wait3A_572] : memref<4096000x16xf32, #tpu.memory_space<hbm>> -> memref<4096000x16xf32, #tpu.memory_space<hbm>>
      tpu.wait_indirect_dma semaphore(%arg18 : memref<!tpu.dma_semaphore, #tpu.memory_space<semaphore_mem>>) src(%dma_wait3A_573 : memref<4096000x16xf32, #tpu.memory_space<hbm>>) dst(%dma_wait3A_567 : memref<128x16xf32, #tpu.memory_space<vmem>>)
      %dma_wait3A_574 = arith.constant 4 : i32
      %dma_wait3A_575 = arith.constant 0 : i32
      %dma_wait3A_576 = arith.constant 2048 : i32
      %dma_wait3A_577 = arith.constant 0 : i32
      %dma_wait3A_578 = tpu.memref_slice %arg15[%dma_wait3A_576, %dma_wait3A_577] : memref<4096x16xf32, #tpu.memory_space<vmem>> -> memref<128x16xf32, #tpu.memory_space<vmem>>
      %dma_wait3A_579 = arith.constant 0 : i32
      %dma_wait3A_580 = tpu.memref_slice %arg13[%dma_wait3A_574, %dma_wait3A_575, %dma_wait3A_579] : memref<8x4x128xi32, #tpu.memory_space<vmem>> -> memref<1x1x128xi32, #tpu.memory_space<vmem>>
      %dma_wait3A_581 = tpu.memref_squeeze %dma_wait3A_580 : memref<1x1x128xi32, #tpu.memory_space<vmem>> -> memref<128xi32, #tpu.memory_space<vmem>>
      %dma_wait3A_582 = arith.constant 0 : i32
      %dma_wait3A_583 = arith.constant 0 : i32
      %dma_wait3A_584 = tpu.memref_slice %arg6[%dma_wait3A_582, %dma_wait3A_583] : memref<4096000x16xf32, #tpu.memory_space<hbm>> -> memref<4096000x16xf32, #tpu.memory_space<hbm>>
      tpu.wait_indirect_dma semaphore(%arg18 : memref<!tpu.dma_semaphore, #tpu.memory_space<semaphore_mem>>) src(%dma_wait3A_584 : memref<4096000x16xf32, #tpu.memory_space<hbm>>) dst(%dma_wait3A_578 : memref<128x16xf32, #tpu.memory_space<vmem>>)
      %dma_wait3A_585 = arith.constant 4 : i32
      %dma_wait3A_586 = arith.constant 1 : i32
      %dma_wait3A_587 = arith.constant 2176 : i32
      %dma_wait3A_588 = arith.constant 0 : i32
      %dma_wait3A_589 = tpu.memref_slice %arg15[%dma_wait3A_587, %dma_wait3A_588] : memref<4096x16xf32, #tpu.memory_space<vmem>> -> memref<128x16xf32, #tpu.memory_space<vmem>>
      %dma_wait3A_590 = arith.constant 0 : i32
      %dma_wait3A_591 = tpu.memref_slice %arg13[%dma_wait3A_585, %dma_wait3A_586, %dma_wait3A_590] : memref<8x4x128xi32, #tpu.memory_space<vmem>> -> memref<1x1x128xi32, #tpu.memory_space<vmem>>
      %dma_wait3A_592 = tpu.memref_squeeze %dma_wait3A_591 : memref<1x1x128xi32, #tpu.memory_space<vmem>> -> memref<128xi32, #tpu.memory_space<vmem>>
      %dma_wait3A_593 = arith.constant 0 : i32
      %dma_wait3A_594 = arith.constant 0 : i32
      %dma_wait3A_595 = tpu.memref_slice %arg6[%dma_wait3A_593, %dma_wait3A_594] : memref<4096000x16xf32, #tpu.memory_space<hbm>> -> memref<4096000x16xf32, #tpu.memory_space<hbm>>
      tpu.wait_indirect_dma semaphore(%arg18 : memref<!tpu.dma_semaphore, #tpu.memory_space<semaphore_mem>>) src(%dma_wait3A_595 : memref<4096000x16xf32, #tpu.memory_space<hbm>>) dst(%dma_wait3A_589 : memref<128x16xf32, #tpu.memory_space<vmem>>)
      %dma_wait3A_596 = arith.constant 4 : i32
      %dma_wait3A_597 = arith.constant 2 : i32
      %dma_wait3A_598 = arith.constant 2304 : i32
      %dma_wait3A_599 = arith.constant 0 : i32
      %dma_wait3A_600 = tpu.memref_slice %arg15[%dma_wait3A_598, %dma_wait3A_599] : memref<4096x16xf32, #tpu.memory_space<vmem>> -> memref<128x16xf32, #tpu.memory_space<vmem>>
      %dma_wait3A_601 = arith.constant 0 : i32
      %dma_wait3A_602 = tpu.memref_slice %arg13[%dma_wait3A_596, %dma_wait3A_597, %dma_wait3A_601] : memref<8x4x128xi32, #tpu.memory_space<vmem>> -> memref<1x1x128xi32, #tpu.memory_space<vmem>>
      %dma_wait3A_603 = tpu.memref_squeeze %dma_wait3A_602 : memref<1x1x128xi32, #tpu.memory_space<vmem>> -> memref<128xi32, #tpu.memory_space<vmem>>
      %dma_wait3A_604 = arith.constant 0 : i32
      %dma_wait3A_605 = arith.constant 0 : i32
      %dma_wait3A_606 = tpu.memref_slice %arg6[%dma_wait3A_604, %dma_wait3A_605] : memref<4096000x16xf32, #tpu.memory_space<hbm>> -> memref<4096000x16xf32, #tpu.memory_space<hbm>>
      tpu.wait_indirect_dma semaphore(%arg18 : memref<!tpu.dma_semaphore, #tpu.memory_space<semaphore_mem>>) src(%dma_wait3A_606 : memref<4096000x16xf32, #tpu.memory_space<hbm>>) dst(%dma_wait3A_600 : memref<128x16xf32, #tpu.memory_space<vmem>>)
      %dma_wait3A_607 = arith.constant 4 : i32
      %dma_wait3A_608 = arith.constant 3 : i32
      %dma_wait3A_609 = arith.constant 2432 : i32
      %dma_wait3A_610 = arith.constant 0 : i32
      %dma_wait3A_611 = tpu.memref_slice %arg15[%dma_wait3A_609, %dma_wait3A_610] : memref<4096x16xf32, #tpu.memory_space<vmem>> -> memref<128x16xf32, #tpu.memory_space<vmem>>
      %dma_wait3A_612 = arith.constant 0 : i32
      %dma_wait3A_613 = tpu.memref_slice %arg13[%dma_wait3A_607, %dma_wait3A_608, %dma_wait3A_612] : memref<8x4x128xi32, #tpu.memory_space<vmem>> -> memref<1x1x128xi32, #tpu.memory_space<vmem>>
      %dma_wait3A_614 = tpu.memref_squeeze %dma_wait3A_613 : memref<1x1x128xi32, #tpu.memory_space<vmem>> -> memref<128xi32, #tpu.memory_space<vmem>>
      %dma_wait3A_615 = arith.constant 0 : i32
      %dma_wait3A_616 = arith.constant 0 : i32
      %dma_wait3A_617 = tpu.memref_slice %arg6[%dma_wait3A_615, %dma_wait3A_616] : memref<4096000x16xf32, #tpu.memory_space<hbm>> -> memref<4096000x16xf32, #tpu.memory_space<hbm>>
      tpu.wait_indirect_dma semaphore(%arg18 : memref<!tpu.dma_semaphore, #tpu.memory_space<semaphore_mem>>) src(%dma_wait3A_617 : memref<4096000x16xf32, #tpu.memory_space<hbm>>) dst(%dma_wait3A_611 : memref<128x16xf32, #tpu.memory_space<vmem>>)
      %dma_wait3A_618 = arith.constant 5 : i32
      %dma_wait3A_619 = arith.constant 0 : i32
      %dma_wait3A_620 = arith.constant 2560 : i32
      %dma_wait3A_621 = arith.constant 0 : i32
      %dma_wait3A_622 = tpu.memref_slice %arg15[%dma_wait3A_620, %dma_wait3A_621] : memref<4096x16xf32, #tpu.memory_space<vmem>> -> memref<128x16xf32, #tpu.memory_space<vmem>>
      %dma_wait3A_623 = arith.constant 0 : i32
      %dma_wait3A_624 = tpu.memref_slice %arg13[%dma_wait3A_618, %dma_wait3A_619, %dma_wait3A_623] : memref<8x4x128xi32, #tpu.memory_space<vmem>> -> memref<1x1x128xi32, #tpu.memory_space<vmem>>
      %dma_wait3A_625 = tpu.memref_squeeze %dma_wait3A_624 : memref<1x1x128xi32, #tpu.memory_space<vmem>> -> memref<128xi32, #tpu.memory_space<vmem>>
      %dma_wait3A_626 = arith.constant 0 : i32
      %dma_wait3A_627 = arith.constant 0 : i32
      %dma_wait3A_628 = tpu.memref_slice %arg6[%dma_wait3A_626, %dma_wait3A_627] : memref<4096000x16xf32, #tpu.memory_space<hbm>> -> memref<4096000x16xf32, #tpu.memory_space<hbm>>
      tpu.wait_indirect_dma semaphore(%arg18 : memref<!tpu.dma_semaphore, #tpu.memory_space<semaphore_mem>>) src(%dma_wait3A_628 : memref<4096000x16xf32, #tpu.memory_space<hbm>>) dst(%dma_wait3A_622 : memref<128x16xf32, #tpu.memory_space<vmem>>)
      %dma_wait3A_629 = arith.constant 5 : i32
      %dma_wait3A_630 = arith.constant 1 : i32
      %dma_wait3A_631 = arith.constant 2688 : i32
      %dma_wait3A_632 = arith.constant 0 : i32
      %dma_wait3A_633 = tpu.memref_slice %arg15[%dma_wait3A_631, %dma_wait3A_632] : memref<4096x16xf32, #tpu.memory_space<vmem>> -> memref<128x16xf32, #tpu.memory_space<vmem>>
      %dma_wait3A_634 = arith.constant 0 : i32
      %dma_wait3A_635 = tpu.memref_slice %arg13[%dma_wait3A_629, %dma_wait3A_630, %dma_wait3A_634] : memref<8x4x128xi32, #tpu.memory_space<vmem>> -> memref<1x1x128xi32, #tpu.memory_space<vmem>>
      %dma_wait3A_636 = tpu.memref_squeeze %dma_wait3A_635 : memref<1x1x128xi32, #tpu.memory_space<vmem>> -> memref<128xi32, #tpu.memory_space<vmem>>
      %dma_wait3A_637 = arith.constant 0 : i32
      %dma_wait3A_638 = arith.constant 0 : i32
      %dma_wait3A_639 = tpu.memref_slice %arg6[%dma_wait3A_637, %dma_wait3A_638] : memref<4096000x16xf32, #tpu.memory_space<hbm>> -> memref<4096000x16xf32, #tpu.memory_space<hbm>>
      tpu.wait_indirect_dma semaphore(%arg18 : memref<!tpu.dma_semaphore, #tpu.memory_space<semaphore_mem>>) src(%dma_wait3A_639 : memref<4096000x16xf32, #tpu.memory_space<hbm>>) dst(%dma_wait3A_633 : memref<128x16xf32, #tpu.memory_space<vmem>>)
      %dma_wait3A_640 = arith.constant 5 : i32
      %dma_wait3A_641 = arith.constant 2 : i32
      %dma_wait3A_642 = arith.constant 2816 : i32
      %dma_wait3A_643 = arith.constant 0 : i32
      %dma_wait3A_644 = tpu.memref_slice %arg15[%dma_wait3A_642, %dma_wait3A_643] : memref<4096x16xf32, #tpu.memory_space<vmem>> -> memref<128x16xf32, #tpu.memory_space<vmem>>
      %dma_wait3A_645 = arith.constant 0 : i32
      %dma_wait3A_646 = tpu.memref_slice %arg13[%dma_wait3A_640, %dma_wait3A_641, %dma_wait3A_645] : memref<8x4x128xi32, #tpu.memory_space<vmem>> -> memref<1x1x128xi32, #tpu.memory_space<vmem>>
      %dma_wait3A_647 = tpu.memref_squeeze %dma_wait3A_646 : memref<1x1x128xi32, #tpu.memory_space<vmem>> -> memref<128xi32, #tpu.memory_space<vmem>>
      %dma_wait3A_648 = arith.constant 0 : i32
      %dma_wait3A_649 = arith.constant 0 : i32
      %dma_wait3A_650 = tpu.memref_slice %arg6[%dma_wait3A_648, %dma_wait3A_649] : memref<4096000x16xf32, #tpu.memory_space<hbm>> -> memref<4096000x16xf32, #tpu.memory_space<hbm>>
      tpu.wait_indirect_dma semaphore(%arg18 : memref<!tpu.dma_semaphore, #tpu.memory_space<semaphore_mem>>) src(%dma_wait3A_650 : memref<4096000x16xf32, #tpu.memory_space<hbm>>) dst(%dma_wait3A_644 : memref<128x16xf32, #tpu.memory_space<vmem>>)
      %dma_wait3A_651 = arith.constant 5 : i32
      %dma_wait3A_652 = arith.constant 3 : i32
      %dma_wait3A_653 = arith.constant 2944 : i32
      %dma_wait3A_654 = arith.constant 0 : i32
      %dma_wait3A_655 = tpu.memref_slice %arg15[%dma_wait3A_653, %dma_wait3A_654] : memref<4096x16xf32, #tpu.memory_space<vmem>> -> memref<128x16xf32, #tpu.memory_space<vmem>>
      %dma_wait3A_656 = arith.constant 0 : i32
      %dma_wait3A_657 = tpu.memref_slice %arg13[%dma_wait3A_651, %dma_wait3A_652, %dma_wait3A_656] : memref<8x4x128xi32, #tpu.memory_space<vmem>> -> memref<1x1x128xi32, #tpu.memory_space<vmem>>
      %dma_wait3A_658 = tpu.memref_squeeze %dma_wait3A_657 : memref<1x1x128xi32, #tpu.memory_space<vmem>> -> memref<128xi32, #tpu.memory_space<vmem>>
      %dma_wait3A_659 = arith.constant 0 : i32
      %dma_wait3A_660 = arith.constant 0 : i32
      %dma_wait3A_661 = tpu.memref_slice %arg6[%dma_wait3A_659, %dma_wait3A_660] : memref<4096000x16xf32, #tpu.memory_space<hbm>> -> memref<4096000x16xf32, #tpu.memory_space<hbm>>
      tpu.wait_indirect_dma semaphore(%arg18 : memref<!tpu.dma_semaphore, #tpu.memory_space<semaphore_mem>>) src(%dma_wait3A_661 : memref<4096000x16xf32, #tpu.memory_space<hbm>>) dst(%dma_wait3A_655 : memref<128x16xf32, #tpu.memory_space<vmem>>)
      %dma_wait3A_662 = arith.constant 6 : i32
      %dma_wait3A_663 = arith.constant 0 : i32
      %dma_wait3A_664 = arith.constant 3072 : i32
      %dma_wait3A_665 = arith.constant 0 : i32
      %dma_wait3A_666 = tpu.memref_slice %arg15[%dma_wait3A_664, %dma_wait3A_665] : memref<4096x16xf32, #tpu.memory_space<vmem>> -> memref<128x16xf32, #tpu.memory_space<vmem>>
      %dma_wait3A_667 = arith.constant 0 : i32
      %dma_wait3A_668 = tpu.memref_slice %arg13[%dma_wait3A_662, %dma_wait3A_663, %dma_wait3A_667] : memref<8x4x128xi32, #tpu.memory_space<vmem>> -> memref<1x1x128xi32, #tpu.memory_space<vmem>>
      %dma_wait3A_669 = tpu.memref_squeeze %dma_wait3A_668 : memref<1x1x128xi32, #tpu.memory_space<vmem>> -> memref<128xi32, #tpu.memory_space<vmem>>
      %dma_wait3A_670 = arith.constant 0 : i32
      %dma_wait3A_671 = arith.constant 0 : i32
      %dma_wait3A_672 = tpu.memref_slice %arg6[%dma_wait3A_670, %dma_wait3A_671] : memref<4096000x16xf32, #tpu.memory_space<hbm>> -> memref<4096000x16xf32, #tpu.memory_space<hbm>>
      tpu.wait_indirect_dma semaphore(%arg18 : memref<!tpu.dma_semaphore, #tpu.memory_space<semaphore_mem>>) src(%dma_wait3A_672 : memref<4096000x16xf32, #tpu.memory_space<hbm>>) dst(%dma_wait3A_666 : memref<128x16xf32, #tpu.memory_space<vmem>>)
      %dma_wait3A_673 = arith.constant 6 : i32
      %dma_wait3A_674 = arith.constant 1 : i32
      %dma_wait3A_675 = arith.constant 3200 : i32
      %dma_wait3A_676 = arith.constant 0 : i32
      %dma_wait3A_677 = tpu.memref_slice %arg15[%dma_wait3A_675, %dma_wait3A_676] : memref<4096x16xf32, #tpu.memory_space<vmem>> -> memref<128x16xf32, #tpu.memory_space<vmem>>
      %dma_wait3A_678 = arith.constant 0 : i32
      %dma_wait3A_679 = tpu.memref_slice %arg13[%dma_wait3A_673, %dma_wait3A_674, %dma_wait3A_678] : memref<8x4x128xi32, #tpu.memory_space<vmem>> -> memref<1x1x128xi32, #tpu.memory_space<vmem>>
      %dma_wait3A_680 = tpu.memref_squeeze %dma_wait3A_679 : memref<1x1x128xi32, #tpu.memory_space<vmem>> -> memref<128xi32, #tpu.memory_space<vmem>>
      %dma_wait3A_681 = arith.constant 0 : i32
      %dma_wait3A_682 = arith.constant 0 : i32
      %dma_wait3A_683 = tpu.memref_slice %arg6[%dma_wait3A_681, %dma_wait3A_682] : memref<4096000x16xf32, #tpu.memory_space<hbm>> -> memref<4096000x16xf32, #tpu.memory_space<hbm>>
      tpu.wait_indirect_dma semaphore(%arg18 : memref<!tpu.dma_semaphore, #tpu.memory_space<semaphore_mem>>) src(%dma_wait3A_683 : memref<4096000x16xf32, #tpu.memory_space<hbm>>) dst(%dma_wait3A_677 : memref<128x16xf32, #tpu.memory_space<vmem>>)
      %dma_wait3A_684 = arith.constant 6 : i32
      %dma_wait3A_685 = arith.constant 2 : i32
      %dma_wait3A_686 = arith.constant 3328 : i32
      %dma_wait3A_687 = arith.constant 0 : i32
      %dma_wait3A_688 = tpu.memref_slice %arg15[%dma_wait3A_686, %dma_wait3A_687] : memref<4096x16xf32, #tpu.memory_space<vmem>> -> memref<128x16xf32, #tpu.memory_space<vmem>>
      %dma_wait3A_689 = arith.constant 0 : i32
      %dma_wait3A_690 = tpu.memref_slice %arg13[%dma_wait3A_684, %dma_wait3A_685, %dma_wait3A_689] : memref<8x4x128xi32, #tpu.memory_space<vmem>> -> memref<1x1x128xi32, #tpu.memory_space<vmem>>
      %dma_wait3A_691 = tpu.memref_squeeze %dma_wait3A_690 : memref<1x1x128xi32, #tpu.memory_space<vmem>> -> memref<128xi32, #tpu.memory_space<vmem>>
      %dma_wait3A_692 = arith.constant 0 : i32
      %dma_wait3A_693 = arith.constant 0 : i32
      %dma_wait3A_694 = tpu.memref_slice %arg6[%dma_wait3A_692, %dma_wait3A_693] : memref<4096000x16xf32, #tpu.memory_space<hbm>> -> memref<4096000x16xf32, #tpu.memory_space<hbm>>
      tpu.wait_indirect_dma semaphore(%arg18 : memref<!tpu.dma_semaphore, #tpu.memory_space<semaphore_mem>>) src(%dma_wait3A_694 : memref<4096000x16xf32, #tpu.memory_space<hbm>>) dst(%dma_wait3A_688 : memref<128x16xf32, #tpu.memory_space<vmem>>)
      %dma_wait3A_695 = arith.constant 6 : i32
      %dma_wait3A_696 = arith.constant 3 : i32
      %dma_wait3A_697 = arith.constant 3456 : i32
      %dma_wait3A_698 = arith.constant 0 : i32
      %dma_wait3A_699 = tpu.memref_slice %arg15[%dma_wait3A_697, %dma_wait3A_698] : memref<4096x16xf32, #tpu.memory_space<vmem>> -> memref<128x16xf32, #tpu.memory_space<vmem>>
      %dma_wait3A_700 = arith.constant 0 : i32
      %dma_wait3A_701 = tpu.memref_slice %arg13[%dma_wait3A_695, %dma_wait3A_696, %dma_wait3A_700] : memref<8x4x128xi32, #tpu.memory_space<vmem>> -> memref<1x1x128xi32, #tpu.memory_space<vmem>>
      %dma_wait3A_702 = tpu.memref_squeeze %dma_wait3A_701 : memref<1x1x128xi32, #tpu.memory_space<vmem>> -> memref<128xi32, #tpu.memory_space<vmem>>
      %dma_wait3A_703 = arith.constant 0 : i32
      %dma_wait3A_704 = arith.constant 0 : i32
      %dma_wait3A_705 = tpu.memref_slice %arg6[%dma_wait3A_703, %dma_wait3A_704] : memref<4096000x16xf32, #tpu.memory_space<hbm>> -> memref<4096000x16xf32, #tpu.memory_space<hbm>>
      tpu.wait_indirect_dma semaphore(%arg18 : memref<!tpu.dma_semaphore, #tpu.memory_space<semaphore_mem>>) src(%dma_wait3A_705 : memref<4096000x16xf32, #tpu.memory_space<hbm>>) dst(%dma_wait3A_699 : memref<128x16xf32, #tpu.memory_space<vmem>>)
      %dma_wait3A_706 = arith.constant 7 : i32
      %dma_wait3A_707 = arith.constant 0 : i32
      %dma_wait3A_708 = arith.constant 3584 : i32
      %dma_wait3A_709 = arith.constant 0 : i32
      %dma_wait3A_710 = tpu.memref_slice %arg15[%dma_wait3A_708, %dma_wait3A_709] : memref<4096x16xf32, #tpu.memory_space<vmem>> -> memref<128x16xf32, #tpu.memory_space<vmem>>
      %dma_wait3A_711 = arith.constant 0 : i32
      %dma_wait3A_712 = tpu.memref_slice %arg13[%dma_wait3A_706, %dma_wait3A_707, %dma_wait3A_711] : memref<8x4x128xi32, #tpu.memory_space<vmem>> -> memref<1x1x128xi32, #tpu.memory_space<vmem>>
      %dma_wait3A_713 = tpu.memref_squeeze %dma_wait3A_712 : memref<1x1x128xi32, #tpu.memory_space<vmem>> -> memref<128xi32, #tpu.memory_space<vmem>>
      %dma_wait3A_714 = arith.constant 0 : i32
      %dma_wait3A_715 = arith.constant 0 : i32
      %dma_wait3A_716 = tpu.memref_slice %arg6[%dma_wait3A_714, %dma_wait3A_715] : memref<4096000x16xf32, #tpu.memory_space<hbm>> -> memref<4096000x16xf32, #tpu.memory_space<hbm>>
      tpu.wait_indirect_dma semaphore(%arg18 : memref<!tpu.dma_semaphore, #tpu.memory_space<semaphore_mem>>) src(%dma_wait3A_716 : memref<4096000x16xf32, #tpu.memory_space<hbm>>) dst(%dma_wait3A_710 : memref<128x16xf32, #tpu.memory_space<vmem>>)
      %dma_wait3A_717 = arith.constant 7 : i32
      %dma_wait3A_718 = arith.constant 1 : i32
      %dma_wait3A_719 = arith.constant 3712 : i32
      %dma_wait3A_720 = arith.constant 0 : i32
      %dma_wait3A_721 = tpu.memref_slice %arg15[%dma_wait3A_719, %dma_wait3A_720] : memref<4096x16xf32, #tpu.memory_space<vmem>> -> memref<128x16xf32, #tpu.memory_space<vmem>>
      %dma_wait3A_722 = arith.constant 0 : i32
      %dma_wait3A_723 = tpu.memref_slice %arg13[%dma_wait3A_717, %dma_wait3A_718, %dma_wait3A_722] : memref<8x4x128xi32, #tpu.memory_space<vmem>> -> memref<1x1x128xi32, #tpu.memory_space<vmem>>
      %dma_wait3A_724 = tpu.memref_squeeze %dma_wait3A_723 : memref<1x1x128xi32, #tpu.memory_space<vmem>> -> memref<128xi32, #tpu.memory_space<vmem>>
      %dma_wait3A_725 = arith.constant 0 : i32
      %dma_wait3A_726 = arith.constant 0 : i32
      %dma_wait3A_727 = tpu.memref_slice %arg6[%dma_wait3A_725, %dma_wait3A_726] : memref<4096000x16xf32, #tpu.memory_space<hbm>> -> memref<4096000x16xf32, #tpu.memory_space<hbm>>
      tpu.wait_indirect_dma semaphore(%arg18 : memref<!tpu.dma_semaphore, #tpu.memory_space<semaphore_mem>>) src(%dma_wait3A_727 : memref<4096000x16xf32, #tpu.memory_space<hbm>>) dst(%dma_wait3A_721 : memref<128x16xf32, #tpu.memory_space<vmem>>)
      %dma_wait3A_728 = arith.constant 7 : i32
      %dma_wait3A_729 = arith.constant 2 : i32
      %dma_wait3A_730 = arith.constant 3840 : i32
      %dma_wait3A_731 = arith.constant 0 : i32
      %dma_wait3A_732 = tpu.memref_slice %arg15[%dma_wait3A_730, %dma_wait3A_731] : memref<4096x16xf32, #tpu.memory_space<vmem>> -> memref<128x16xf32, #tpu.memory_space<vmem>>
      %dma_wait3A_733 = arith.constant 0 : i32
      %dma_wait3A_734 = tpu.memref_slice %arg13[%dma_wait3A_728, %dma_wait3A_729, %dma_wait3A_733] : memref<8x4x128xi32, #tpu.memory_space<vmem>> -> memref<1x1x128xi32, #tpu.memory_space<vmem>>
      %dma_wait3A_735 = tpu.memref_squeeze %dma_wait3A_734 : memref<1x1x128xi32, #tpu.memory_space<vmem>> -> memref<128xi32, #tpu.memory_space<vmem>>
      %dma_wait3A_736 = arith.constant 0 : i32
      %dma_wait3A_737 = arith.constant 0 : i32
      %dma_wait3A_738 = tpu.memref_slice %arg6[%dma_wait3A_736, %dma_wait3A_737] : memref<4096000x16xf32, #tpu.memory_space<hbm>> -> memref<4096000x16xf32, #tpu.memory_space<hbm>>
      tpu.wait_indirect_dma semaphore(%arg18 : memref<!tpu.dma_semaphore, #tpu.memory_space<semaphore_mem>>) src(%dma_wait3A_738 : memref<4096000x16xf32, #tpu.memory_space<hbm>>) dst(%dma_wait3A_732 : memref<128x16xf32, #tpu.memory_space<vmem>>)
      %dma_wait3A_739 = arith.constant 7 : i32
      %dma_wait3A_740 = arith.constant 3 : i32
      %dma_wait3A_741 = arith.constant 3968 : i32
      %dma_wait3A_742 = arith.constant 0 : i32
      %dma_wait3A_743 = tpu.memref_slice %arg15[%dma_wait3A_741, %dma_wait3A_742] : memref<4096x16xf32, #tpu.memory_space<vmem>> -> memref<128x16xf32, #tpu.memory_space<vmem>>
      %dma_wait3A_744 = arith.constant 0 : i32
      %dma_wait3A_745 = tpu.memref_slice %arg13[%dma_wait3A_739, %dma_wait3A_740, %dma_wait3A_744] : memref<8x4x128xi32, #tpu.memory_space<vmem>> -> memref<1x1x128xi32, #tpu.memory_space<vmem>>
      %dma_wait3A_746 = tpu.memref_squeeze %dma_wait3A_745 : memref<1x1x128xi32, #tpu.memory_space<vmem>> -> memref<128xi32, #tpu.memory_space<vmem>>
      %dma_wait3A_747 = arith.constant 0 : i32
      %dma_wait3A_748 = arith.constant 0 : i32
      %dma_wait3A_749 = tpu.memref_slice %arg6[%dma_wait3A_747, %dma_wait3A_748] : memref<4096000x16xf32, #tpu.memory_space<hbm>> -> memref<4096000x16xf32, #tpu.memory_space<hbm>>
      tpu.wait_indirect_dma semaphore(%arg18 : memref<!tpu.dma_semaphore, #tpu.memory_space<semaphore_mem>>) src(%dma_wait3A_749 : memref<4096000x16xf32, #tpu.memory_space<hbm>>) dst(%dma_wait3A_743 : memref<128x16xf32, #tpu.memory_space<vmem>>)
      %dma_wait3A_750 = arith.constant 0 : i32
      %dma_wait3A_751 = arith.constant 0 : i32
      %dma_wait3A_752 = tpu.memref_slice %arg16[%dma_wait3A_750, %dma_wait3A_751] : memref<512x16xf32, #tpu.memory_space<vmem>> -> memref<128x16xf32, #tpu.memory_space<vmem>>
      %dma_wait3A_753 = arith.constant 0 : i32
      %dma_wait3A_754 = tpu.memref_slice %arg12[%dma_wait3A_753] : memref<512xi32, #tpu.memory_space<vmem>> -> memref<128xi32, #tpu.memory_space<vmem>>
      %dma_wait3A_755 = arith.constant 0 : i32
      %dma_wait3A_756 = arith.constant 0 : i32
      %dma_wait3A_757 = tpu.memref_slice %arg7[%dma_wait3A_755, %dma_wait3A_756] : memref<8192x16xf32, #tpu.memory_space<hbm>> -> memref<8192x16xf32, #tpu.memory_space<hbm>>
      tpu.wait_indirect_dma semaphore(%arg18 : memref<!tpu.dma_semaphore, #tpu.memory_space<semaphore_mem>>) src(%dma_wait3A_757 : memref<8192x16xf32, #tpu.memory_space<hbm>>) dst(%dma_wait3A_752 : memref<128x16xf32, #tpu.memory_space<vmem>>)
      %dma_wait3A_758 = arith.constant 128 : i32
      %dma_wait3A_759 = arith.constant 0 : i32
      %dma_wait3A_760 = tpu.memref_slice %arg16[%dma_wait3A_758, %dma_wait3A_759] : memref<512x16xf32, #tpu.memory_space<vmem>> -> memref<128x16xf32, #tpu.memory_space<vmem>>
      %dma_wait3A_761 = arith.constant 128 : i32
      %dma_wait3A_762 = tpu.memref_slice %arg12[%dma_wait3A_761] : memref<512xi32, #tpu.memory_space<vmem>> -> memref<128xi32, #tpu.memory_space<vmem>>
      %dma_wait3A_763 = arith.constant 0 : i32
      %dma_wait3A_764 = arith.constant 0 : i32
      %dma_wait3A_765 = tpu.memref_slice %arg7[%dma_wait3A_763, %dma_wait3A_764] : memref<8192x16xf32, #tpu.memory_space<hbm>> -> memref<8192x16xf32, #tpu.memory_space<hbm>>
      tpu.wait_indirect_dma semaphore(%arg18 : memref<!tpu.dma_semaphore, #tpu.memory_space<semaphore_mem>>) src(%dma_wait3A_765 : memref<8192x16xf32, #tpu.memory_space<hbm>>) dst(%dma_wait3A_760 : memref<128x16xf32, #tpu.memory_space<vmem>>)
      %dma_wait3A_766 = arith.constant 256 : i32
      %dma_wait3A_767 = arith.constant 0 : i32
      %dma_wait3A_768 = tpu.memref_slice %arg16[%dma_wait3A_766, %dma_wait3A_767] : memref<512x16xf32, #tpu.memory_space<vmem>> -> memref<128x16xf32, #tpu.memory_space<vmem>>
      %dma_wait3A_769 = arith.constant 256 : i32
      %dma_wait3A_770 = tpu.memref_slice %arg12[%dma_wait3A_769] : memref<512xi32, #tpu.memory_space<vmem>> -> memref<128xi32, #tpu.memory_space<vmem>>
      %dma_wait3A_771 = arith.constant 0 : i32
      %dma_wait3A_772 = arith.constant 0 : i32
      %dma_wait3A_773 = tpu.memref_slice %arg7[%dma_wait3A_771, %dma_wait3A_772] : memref<8192x16xf32, #tpu.memory_space<hbm>> -> memref<8192x16xf32, #tpu.memory_space<hbm>>
      tpu.wait_indirect_dma semaphore(%arg18 : memref<!tpu.dma_semaphore, #tpu.memory_space<semaphore_mem>>) src(%dma_wait3A_773 : memref<8192x16xf32, #tpu.memory_space<hbm>>) dst(%dma_wait3A_768 : memref<128x16xf32, #tpu.memory_space<vmem>>)
      %dma_wait3A_774 = arith.constant 384 : i32
      %dma_wait3A_775 = arith.constant 0 : i32
      %dma_wait3A_776 = tpu.memref_slice %arg16[%dma_wait3A_774, %dma_wait3A_775] : memref<512x16xf32, #tpu.memory_space<vmem>> -> memref<128x16xf32, #tpu.memory_space<vmem>>
      %dma_wait3A_777 = arith.constant 384 : i32
      %dma_wait3A_778 = tpu.memref_slice %arg12[%dma_wait3A_777] : memref<512xi32, #tpu.memory_space<vmem>> -> memref<128xi32, #tpu.memory_space<vmem>>
      %dma_wait3A_779 = arith.constant 0 : i32
      %dma_wait3A_780 = arith.constant 0 : i32
      %dma_wait3A_781 = tpu.memref_slice %arg7[%dma_wait3A_779, %dma_wait3A_780] : memref<8192x16xf32, #tpu.memory_space<hbm>> -> memref<8192x16xf32, #tpu.memory_space<hbm>>
      tpu.wait_indirect_dma semaphore(%arg18 : memref<!tpu.dma_semaphore, #tpu.memory_space<semaphore_mem>>) src(%dma_wait3A_781 : memref<8192x16xf32, #tpu.memory_space<hbm>>) dst(%dma_wait3A_776 : memref<128x16xf32, #tpu.memory_space<vmem>>)
      %scan3A_782 = arith.constant 0 : i32
      %scan3A_783 = arith.constant 32 : i32
      %scan3A_784 = arith.addi %scan3A_782, %scan3A_783 : i32
      %scan3A_785 = arith.constant 1 : i32
      scf.for %scan3A_789 = %scan3A_782 to %scan3A_784 step %scan3A_785  : i32 {
        %mul3A_790 = arith.constant 16 : i32
        %mul3A_791 = arith.muli %scan3A_789, %mul3A_790 : i32
        %get3A = arith.constant 0 : i32
        %get3A_792 = arith.index_cast %get3A : i32 to index
        %get3A_793 = arith.index_cast %mul3A_791 : i32 to index
        %get3A_794 = tpu.vector_load %arg14[%get3A_792, %get3A_793] {strides = array<i32>} : memref<8x512xf32, #tpu.memory_space<vmem>>, vector<1x16xf32>,
        %get3A_795 = vector.shape_cast %get3A_794 : vector<1x16xf32> to vector<16xf32>
        %mul3A_796 = arith.constant 16 : i32
        %mul3A_797 = arith.muli %scan3A_789, %mul3A_796 : i32
        %get3A_798 = arith.constant 1 : i32
        %get3A_799 = arith.index_cast %get3A_798 : i32 to index
        %get3A_800 = arith.index_cast %mul3A_797 : i32 to index
        %get3A_801 = tpu.vector_load %arg14[%get3A_799, %get3A_800] {strides = array<i32>} : memref<8x512xf32, #tpu.memory_space<vmem>>, vector<1x16xf32>,
        %get3A_802 = vector.shape_cast %get3A_801 : vector<1x16xf32> to vector<16xf32>
        %mul3A_803 = arith.constant 16 : i32
        %mul3A_804 = arith.muli %scan3A_789, %mul3A_803 : i32
        %get3A_805 = arith.constant 2 : i32
        %get3A_806 = arith.index_cast %get3A_805 : i32 to index
        %get3A_807 = arith.index_cast %mul3A_804 : i32 to index
        %get3A_808 = tpu.vector_load %arg14[%get3A_806, %get3A_807] {strides = array<i32>} : memref<8x512xf32, #tpu.memory_space<vmem>>, vector<1x16xf32>,
        %get3A_809 = vector.shape_cast %get3A_808 : vector<1x16xf32> to vector<16xf32>
        %mul3A_810 = arith.constant 16 : i32
        %mul3A_811 = arith.muli %scan3A_789, %mul3A_810 : i32
        %get3A_812 = arith.constant 3 : i32
        %get3A_813 = arith.index_cast %get3A_812 : i32 to index
        %get3A_814 = arith.index_cast %mul3A_811 : i32 to index
        %get3A_815 = tpu.vector_load %arg14[%get3A_813, %get3A_814] {strides = array<i32>} : memref<8x512xf32, #tpu.memory_space<vmem>>, vector<1x16xf32>,
        %get3A_816 = vector.shape_cast %get3A_815 : vector<1x16xf32> to vector<16xf32>
        %mul3A_817 = arith.constant 16 : i32
        %mul3A_818 = arith.muli %scan3A_789, %mul3A_817 : i32
        %get3A_819 = arith.constant 4 : i32
        %get3A_820 = arith.index_cast %get3A_819 : i32 to index
        %get3A_821 = arith.index_cast %mul3A_818 : i32 to index
        %get3A_822 = tpu.vector_load %arg14[%get3A_820, %get3A_821] {strides = array<i32>} : memref<8x512xf32, #tpu.memory_space<vmem>>, vector<1x16xf32>,
        %get3A_823 = vector.shape_cast %get3A_822 : vector<1x16xf32> to vector<16xf32>
        %mul3A_824 = arith.constant 16 : i32
        %mul3A_825 = arith.muli %scan3A_789, %mul3A_824 : i32
        %get3A_826 = arith.constant 5 : i32
        %get3A_827 = arith.index_cast %get3A_826 : i32 to index
        %get3A_828 = arith.index_cast %mul3A_825 : i32 to index
        %get3A_829 = tpu.vector_load %arg14[%get3A_827, %get3A_828] {strides = array<i32>} : memref<8x512xf32, #tpu.memory_space<vmem>>, vector<1x16xf32>,
        %get3A_830 = vector.shape_cast %get3A_829 : vector<1x16xf32> to vector<16xf32>
        %mul3A_831 = arith.constant 16 : i32
        %mul3A_832 = arith.muli %scan3A_789, %mul3A_831 : i32
        %get3A_833 = arith.constant 6 : i32
        %get3A_834 = arith.index_cast %get3A_833 : i32 to index
        %get3A_835 = arith.index_cast %mul3A_832 : i32 to index
        %get3A_836 = tpu.vector_load %arg14[%get3A_834, %get3A_835] {strides = array<i32>} : memref<8x512xf32, #tpu.memory_space<vmem>>, vector<1x16xf32>,
        %get3A_837 = vector.shape_cast %get3A_836 : vector<1x16xf32> to vector<16xf32>
        %mul3A_838 = arith.constant 16 : i32
        %mul3A_839 = arith.muli %scan3A_789, %mul3A_838 : i32
        %get3A_840 = arith.constant 7 : i32
        %get3A_841 = arith.index_cast %get3A_840 : i32 to index
        %get3A_842 = arith.index_cast %mul3A_839 : i32 to index
        %get3A_843 = tpu.vector_load %arg14[%get3A_841, %get3A_842] {strides = array<i32>} : memref<8x512xf32, #tpu.memory_space<vmem>>, vector<1x16xf32>,
        %get3A_844 = vector.shape_cast %get3A_843 : vector<1x16xf32> to vector<16xf32>
        %mul3A_845 = arith.constant 16 : i32
        %mul3A_846 = arith.muli %scan3A_789, %mul3A_845 : i32
        %add3A_847 = arith.constant 0 : i32
        %add3A_848 = arith.addi %mul3A_846, %add3A_847 : i32
        %get3A_849 = arith.index_cast %add3A_848 : i32 to index
        %get3A_850 = arith.constant 0 : index
        %get3A_851 = tpu.vector_load %arg16[%get3A_849, %get3A_850] {strides = array<i32>} : memref<512x16xf32, #tpu.memory_space<vmem>>, vector<1x16xf32>,
        %get3A_852 = vector.shape_cast %get3A_851 : vector<1x16xf32> to vector<16xf32>
        %slice3A = vector.extract_strided_slice %get3A_795 {offsets = [0], sizes = [1], strides = [1]} : vector<16xf32> to vector<1xf32>
        %squeeze3A = vector.extract %slice3A[0] : f32 from vector<1xf32>
        %add3A_853 = arith.constant 0 : i32
        %add3A_854 = arith.addi %add3A_853, %add3A_848 : i32
        %get3A_855 = arith.index_cast %add3A_854 : i32 to index
        %get3A_856 = arith.constant 0 : index
        %get3A_857 = tpu.vector_load %arg15[%get3A_855, %get3A_856] {strides = array<i32>} : memref<4096x16xf32, #tpu.memory_space<vmem>>, vector<1x16xf32>,
        %get3A_858 = vector.shape_cast %get3A_857 : vector<1x16xf32> to vector<16xf32>
        %mul3A_859 = vector.broadcast %squeeze3A : f32 to vector<16xf32>
        %mul3A_860 = arith.mulf %mul3A_859, %get3A_858 : vector<16xf32>
        %add3A_861 = arith.addf %get3A_852, %mul3A_860 : vector<16xf32>
        %slice3A_862 = vector.extract_strided_slice %get3A_802 {offsets = [0], sizes = [1], strides = [1]} : vector<16xf32> to vector<1xf32>
        %squeeze3A_863 = vector.extract %slice3A_862[0] : f32 from vector<1xf32>
        %add3A_864 = arith.constant 512 : i32
        %add3A_865 = arith.addi %add3A_864, %add3A_848 : i32
        %get3A_866 = arith.index_cast %add3A_865 : i32 to index
        %get3A_867 = arith.constant 0 : index
        %get3A_868 = tpu.vector_load %arg15[%get3A_866, %get3A_867] {strides = array<i32>} : memref<4096x16xf32, #tpu.memory_space<vmem>>, vector<1x16xf32>,
        %get3A_869 = vector.shape_cast %get3A_868 : vector<1x16xf32> to vector<16xf32>
        %mul3A_870 = vector.broadcast %squeeze3A_863 : f32 to vector<16xf32>
        %mul3A_871 = arith.mulf %mul3A_870, %get3A_869 : vector<16xf32>
        %add3A_872 = arith.addf %add3A_861, %mul3A_871 : vector<16xf32>
        %slice3A_873 = vector.extract_strided_slice %get3A_809 {offsets = [0], sizes = [1], strides = [1]} : vector<16xf32> to vector<1xf32>
        %squeeze3A_874 = vector.extract %slice3A_873[0] : f32 from vector<1xf32>
        %add3A_875 = arith.constant 1024 : i32
        %add3A_876 = arith.addi %add3A_875, %add3A_848 : i32
        %get3A_877 = arith.index_cast %add3A_876 : i32 to index
        %get3A_878 = arith.constant 0 : index
        %get3A_879 = tpu.vector_load %arg15[%get3A_877, %get3A_878] {strides = array<i32>} : memref<4096x16xf32, #tpu.memory_space<vmem>>, vector<1x16xf32>,
        %get3A_880 = vector.shape_cast %get3A_879 : vector<1x16xf32> to vector<16xf32>
        %mul3A_881 = vector.broadcast %squeeze3A_874 : f32 to vector<16xf32>
        %mul3A_882 = arith.mulf %mul3A_881, %get3A_880 : vector<16xf32>
        %add3A_883 = arith.addf %add3A_872, %mul3A_882 : vector<16xf32>
        %slice3A_884 = vector.extract_strided_slice %get3A_816 {offsets = [0], sizes = [1], strides = [1]} : vector<16xf32> to vector<1xf32>
        %squeeze3A_885 = vector.extract %slice3A_884[0] : f32 from vector<1xf32>
        %add3A_886 = arith.constant 1536 : i32
        %add3A_887 = arith.addi %add3A_886, %add3A_848 : i32
        %get3A_888 = arith.index_cast %add3A_887 : i32 to index
        %get3A_889 = arith.constant 0 : index
        %get3A_890 = tpu.vector_load %arg15[%get3A_888, %get3A_889] {strides = array<i32>} : memref<4096x16xf32, #tpu.memory_space<vmem>>, vector<1x16xf32>,
        %get3A_891 = vector.shape_cast %get3A_890 : vector<1x16xf32> to vector<16xf32>
        %mul3A_892 = vector.broadcast %squeeze3A_885 : f32 to vector<16xf32>
        %mul3A_893 = arith.mulf %mul3A_892, %get3A_891 : vector<16xf32>
        %add3A_894 = arith.addf %add3A_883, %mul3A_893 : vector<16xf32>
        %slice3A_895 = vector.extract_strided_slice %get3A_823 {offsets = [0], sizes = [1], strides = [1]} : vector<16xf32> to vector<1xf32>
        %squeeze3A_896 = vector.extract %slice3A_895[0] : f32 from vector<1xf32>
        %add3A_897 = arith.constant 2048 : i32
        %add3A_898 = arith.addi %add3A_897, %add3A_848 : i32
        %get3A_899 = arith.index_cast %add3A_898 : i32 to index
        %get3A_900 = arith.constant 0 : index
        %get3A_901 = tpu.vector_load %arg15[%get3A_899, %get3A_900] {strides = array<i32>} : memref<4096x16xf32, #tpu.memory_space<vmem>>, vector<1x16xf32>,
        %get3A_902 = vector.shape_cast %get3A_901 : vector<1x16xf32> to vector<16xf32>
        %mul3A_903 = vector.broadcast %squeeze3A_896 : f32 to vector<16xf32>
        %mul3A_904 = arith.mulf %mul3A_903, %get3A_902 : vector<16xf32>
        %add3A_905 = arith.addf %add3A_894, %mul3A_904 : vector<16xf32>
        %slice3A_906 = vector.extract_strided_slice %get3A_830 {offsets = [0], sizes = [1], strides = [1]} : vector<16xf32> to vector<1xf32>
        %squeeze3A_907 = vector.extract %slice3A_906[0] : f32 from vector<1xf32>
        %add3A_908 = arith.constant 2560 : i32
        %add3A_909 = arith.addi %add3A_908, %add3A_848 : i32
        %get3A_910 = arith.index_cast %add3A_909 : i32 to index
        %get3A_911 = arith.constant 0 : index
        %get3A_912 = tpu.vector_load %arg15[%get3A_910, %get3A_911] {strides = array<i32>} : memref<4096x16xf32, #tpu.memory_space<vmem>>, vector<1x16xf32>,
        %get3A_913 = vector.shape_cast %get3A_912 : vector<1x16xf32> to vector<16xf32>
        %mul3A_914 = vector.broadcast %squeeze3A_907 : f32 to vector<16xf32>
        %mul3A_915 = arith.mulf %mul3A_914, %get3A_913 : vector<16xf32>
        %add3A_916 = arith.addf %add3A_905, %mul3A_915 : vector<16xf32>
        %slice3A_917 = vector.extract_strided_slice %get3A_837 {offsets = [0], sizes = [1], strides = [1]} : vector<16xf32> to vector<1xf32>
        %squeeze3A_918 = vector.extract %slice3A_917[0] : f32 from vector<1xf32>
        %add3A_919 = arith.constant 3072 : i32
        %add3A_920 = arith.addi %add3A_919, %add3A_848 : i32
        %get3A_921 = arith.index_cast %add3A_920 : i32 to index
        %get3A_922 = arith.constant 0 : index
        %get3A_923 = tpu.vector_load %arg15[%get3A_921, %get3A_922] {strides = array<i32>} : memref<4096x16xf32, #tpu.memory_space<vmem>>, vector<1x16xf32>,
        %get3A_924 = vector.shape_cast %get3A_923 : vector<1x16xf32> to vector<16xf32>
        %mul3A_925 = vector.broadcast %squeeze3A_918 : f32 to vector<16xf32>
        %mul3A_926 = arith.mulf %mul3A_925, %get3A_924 : vector<16xf32>
        %add3A_927 = arith.addf %add3A_916, %mul3A_926 : vector<16xf32>
        %slice3A_928 = vector.extract_strided_slice %get3A_844 {offsets = [0], sizes = [1], strides = [1]} : vector<16xf32> to vector<1xf32>
        %squeeze3A_929 = vector.extract %slice3A_928[0] : f32 from vector<1xf32>
        %add3A_930 = arith.constant 3584 : i32
        %add3A_931 = arith.addi %add3A_930, %add3A_848 : i32
        %get3A_932 = arith.index_cast %add3A_931 : i32 to index
        %get3A_933 = arith.constant 0 : index
        %get3A_934 = tpu.vector_load %arg15[%get3A_932, %get3A_933] {strides = array<i32>} : memref<4096x16xf32, #tpu.memory_space<vmem>>, vector<1x16xf32>,
        %get3A_935 = vector.shape_cast %get3A_934 : vector<1x16xf32> to vector<16xf32>
        %mul3A_936 = vector.broadcast %squeeze3A_929 : f32 to vector<16xf32>
        %mul3A_937 = arith.mulf %mul3A_936, %get3A_935 : vector<16xf32>
        %add3A_938 = arith.addf %add3A_927, %mul3A_937 : vector<16xf32>
        %mul3A_939 = arith.constant 16 : i32
        %mul3A_940 = arith.muli %add3A_848, %mul3A_939 : i32
        %swap3A = arith.index_cast %mul3A_940 : i32 to index
        %swap3A_941 = tpu.vector_load %arg17[%swap3A] {strides = array<i32>} : memref<8192xf32, #tpu.memory_space<vmem>>, vector<16xf32>,
        %swap3A_942 = vector.shape_cast %swap3A_941 : vector<16xf32> to vector<16xf32>
        %swap3A_943 = vector.shape_cast %add3A_938 : vector<16xf32> to vector<16xf32>
        tpu.vector_store %arg17[%swap3A], %swap3A_943 {strides = array<i32>} : memref<8192xf32, #tpu.memory_space<vmem>>, vector<16xf32>,
        %mul3A_944 = arith.constant 16 : i32
        %mul3A_945 = arith.muli %scan3A_789, %mul3A_944 : i32
        %add3A_946 = arith.constant 1 : i32
        %add3A_947 = arith.addi %mul3A_945, %add3A_946 : i32
        %get3A_948 = arith.index_cast %add3A_947 : i32 to index
        %get3A_949 = arith.constant 0 : index
        %get3A_950 = tpu.vector_load %arg16[%get3A_948, %get3A_949] {strides = array<i32>} : memref<512x16xf32, #tpu.memory_space<vmem>>, vector<1x16xf32>,
        %get3A_951 = vector.shape_cast %get3A_950 : vector<1x16xf32> to vector<16xf32>
        %slice3A_952 = vector.extract_strided_slice %get3A_795 {offsets = [1], sizes = [1], strides = [1]} : vector<16xf32> to vector<1xf32>
        %squeeze3A_953 = vector.extract %slice3A_952[0] : f32 from vector<1xf32>
        %add3A_954 = arith.constant 0 : i32
        %add3A_955 = arith.addi %add3A_954, %add3A_947 : i32
        %get3A_956 = arith.index_cast %add3A_955 : i32 to index
        %get3A_957 = arith.constant 0 : index
        %get3A_958 = tpu.vector_load %arg15[%get3A_956, %get3A_957] {strides = array<i32>} : memref<4096x16xf32, #tpu.memory_space<vmem>>, vector<1x16xf32>,
        %get3A_959 = vector.shape_cast %get3A_958 : vector<1x16xf32> to vector<16xf32>
        %mul3A_960 = vector.broadcast %squeeze3A_953 : f32 to vector<16xf32>
        %mul3A_961 = arith.mulf %mul3A_960, %get3A_959 : vector<16xf32>
        %add3A_962 = arith.addf %get3A_951, %mul3A_961 : vector<16xf32>
        %slice3A_963 = vector.extract_strided_slice %get3A_802 {offsets = [1], sizes = [1], strides = [1]} : vector<16xf32> to vector<1xf32>
        %squeeze3A_964 = vector.extract %slice3A_963[0] : f32 from vector<1xf32>
        %add3A_965 = arith.constant 512 : i32
        %add3A_966 = arith.addi %add3A_965, %add3A_947 : i32
        %get3A_967 = arith.index_cast %add3A_966 : i32 to index
        %get3A_968 = arith.constant 0 : index
        %get3A_969 = tpu.vector_load %arg15[%get3A_967, %get3A_968] {strides = array<i32>} : memref<4096x16xf32, #tpu.memory_space<vmem>>, vector<1x16xf32>,
        %get3A_970 = vector.shape_cast %get3A_969 : vector<1x16xf32> to vector<16xf32>
        %mul3A_971 = vector.broadcast %squeeze3A_964 : f32 to vector<16xf32>
        %mul3A_972 = arith.mulf %mul3A_971, %get3A_970 : vector<16xf32>
        %add3A_973 = arith.addf %add3A_962, %mul3A_972 : vector<16xf32>
        %slice3A_974 = vector.extract_strided_slice %get3A_809 {offsets = [1], sizes = [1], strides = [1]} : vector<16xf32> to vector<1xf32>
        %squeeze3A_975 = vector.extract %slice3A_974[0] : f32 from vector<1xf32>
        %add3A_976 = arith.constant 1024 : i32
        %add3A_977 = arith.addi %add3A_976, %add3A_947 : i32
        %get3A_978 = arith.index_cast %add3A_977 : i32 to index
        %get3A_979 = arith.constant 0 : index
        %get3A_980 = tpu.vector_load %arg15[%get3A_978, %get3A_979] {strides = array<i32>} : memref<4096x16xf32, #tpu.memory_space<vmem>>, vector<1x16xf32>,
        %get3A_981 = vector.shape_cast %get3A_980 : vector<1x16xf32> to vector<16xf32>
        %mul3A_982 = vector.broadcast %squeeze3A_975 : f32 to vector<16xf32>
        %mul3A_983 = arith.mulf %mul3A_982, %get3A_981 : vector<16xf32>
        %add3A_984 = arith.addf %add3A_973, %mul3A_983 : vector<16xf32>
        %slice3A_985 = vector.extract_strided_slice %get3A_816 {offsets = [1], sizes = [1], strides = [1]} : vector<16xf32> to vector<1xf32>
        %squeeze3A_986 = vector.extract %slice3A_985[0] : f32 from vector<1xf32>
        %add3A_987 = arith.constant 1536 : i32
        %add3A_988 = arith.addi %add3A_987, %add3A_947 : i32
        %get3A_989 = arith.index_cast %add3A_988 : i32 to index
        %get3A_990 = arith.constant 0 : index
        %get3A_991 = tpu.vector_load %arg15[%get3A_989, %get3A_990] {strides = array<i32>} : memref<4096x16xf32, #tpu.memory_space<vmem>>, vector<1x16xf32>,
        %get3A_992 = vector.shape_cast %get3A_991 : vector<1x16xf32> to vector<16xf32>
        %mul3A_993 = vector.broadcast %squeeze3A_986 : f32 to vector<16xf32>
        %mul3A_994 = arith.mulf %mul3A_993, %get3A_992 : vector<16xf32>
        %add3A_995 = arith.addf %add3A_984, %mul3A_994 : vector<16xf32>
        %slice3A_996 = vector.extract_strided_slice %get3A_823 {offsets = [1], sizes = [1], strides = [1]} : vector<16xf32> to vector<1xf32>
        %squeeze3A_997 = vector.extract %slice3A_996[0] : f32 from vector<1xf32>
        %add3A_998 = arith.constant 2048 : i32
        %add3A_999 = arith.addi %add3A_998, %add3A_947 : i32
        %get3A_1000 = arith.index_cast %add3A_999 : i32 to index
        %get3A_1001 = arith.constant 0 : index
        %get3A_1002 = tpu.vector_load %arg15[%get3A_1000, %get3A_1001] {strides = array<i32>} : memref<4096x16xf32, #tpu.memory_space<vmem>>, vector<1x16xf32>,
        %get3A_1003 = vector.shape_cast %get3A_1002 : vector<1x16xf32> to vector<16xf32>
        %mul3A_1004 = vector.broadcast %squeeze3A_997 : f32 to vector<16xf32>
        %mul3A_1005 = arith.mulf %mul3A_1004, %get3A_1003 : vector<16xf32>
        %add3A_1006 = arith.addf %add3A_995, %mul3A_1005 : vector<16xf32>
        %slice3A_1007 = vector.extract_strided_slice %get3A_830 {offsets = [1], sizes = [1], strides = [1]} : vector<16xf32> to vector<1xf32>
        %squeeze3A_1008 = vector.extract %slice3A_1007[0] : f32 from vector<1xf32>
        %add3A_1009 = arith.constant 2560 : i32
        %add3A_1010 = arith.addi %add3A_1009, %add3A_947 : i32
        %get3A_1011 = arith.index_cast %add3A_1010 : i32 to index
        %get3A_1012 = arith.constant 0 : index
        %get3A_1013 = tpu.vector_load %arg15[%get3A_1011, %get3A_1012] {strides = array<i32>} : memref<4096x16xf32, #tpu.memory_space<vmem>>, vector<1x16xf32>,
        %get3A_1014 = vector.shape_cast %get3A_1013 : vector<1x16xf32> to vector<16xf32>
        %mul3A_1015 = vector.broadcast %squeeze3A_1008 : f32 to vector<16xf32>
        %mul3A_1016 = arith.mulf %mul3A_1015, %get3A_1014 : vector<16xf32>
        %add3A_1017 = arith.addf %add3A_1006, %mul3A_1016 : vector<16xf32>
        %slice3A_1018 = vector.extract_strided_slice %get3A_837 {offsets = [1], sizes = [1], strides = [1]} : vector<16xf32> to vector<1xf32>
        %squeeze3A_1019 = vector.extract %slice3A_1018[0] : f32 from vector<1xf32>
        %add3A_1020 = arith.constant 3072 : i32
        %add3A_1021 = arith.addi %add3A_1020, %add3A_947 : i32
        %get3A_1022 = arith.index_cast %add3A_1021 : i32 to index
        %get3A_1023 = arith.constant 0 : index
        %get3A_1024 = tpu.vector_load %arg15[%get3A_1022, %get3A_1023] {strides = array<i32>} : memref<4096x16xf32, #tpu.memory_space<vmem>>, vector<1x16xf32>,
        %get3A_1025 = vector.shape_cast %get3A_1024 : vector<1x16xf32> to vector<16xf32>
        %mul3A_1026 = vector.broadcast %squeeze3A_1019 : f32 to vector<16xf32>
        %mul3A_1027 = arith.mulf %mul3A_1026, %get3A_1025 : vector<16xf32>
        %add3A_1028 = arith.addf %add3A_1017, %mul3A_1027 : vector<16xf32>
        %slice3A_1029 = vector.extract_strided_slice %get3A_844 {offsets = [1], sizes = [1], strides = [1]} : vector<16xf32> to vector<1xf32>
        %squeeze3A_1030 = vector.extract %slice3A_1029[0] : f32 from vector<1xf32>
        %add3A_1031 = arith.constant 3584 : i32
        %add3A_1032 = arith.addi %add3A_1031, %add3A_947 : i32
        %get3A_1033 = arith.index_cast %add3A_1032 : i32 to index
        %get3A_1034 = arith.constant 0 : index
        %get3A_1035 = tpu.vector_load %arg15[%get3A_1033, %get3A_1034] {strides = array<i32>} : memref<4096x16xf32, #tpu.memory_space<vmem>>, vector<1x16xf32>,
        %get3A_1036 = vector.shape_cast %get3A_1035 : vector<1x16xf32> to vector<16xf32>
        %mul3A_1037 = vector.broadcast %squeeze3A_1030 : f32 to vector<16xf32>
        %mul3A_1038 = arith.mulf %mul3A_1037, %get3A_1036 : vector<16xf32>
        %add3A_1039 = arith.addf %add3A_1028, %mul3A_1038 : vector<16xf32>
        %mul3A_1040 = arith.constant 16 : i32
        %mul3A_1041 = arith.muli %add3A_947, %mul3A_1040 : i32
        %swap3A_1042 = arith.index_cast %mul3A_1041 : i32 to index
        %swap3A_1043 = tpu.vector_load %arg17[%swap3A_1042] {strides = array<i32>} : memref<8192xf32, #tpu.memory_space<vmem>>, vector<16xf32>,
        %swap3A_1044 = vector.shape_cast %swap3A_1043 : vector<16xf32> to vector<16xf32>
        %swap3A_1045 = vector.shape_cast %add3A_1039 : vector<16xf32> to vector<16xf32>
        tpu.vector_store %arg17[%swap3A_1042], %swap3A_1045 {strides = array<i32>} : memref<8192xf32, #tpu.memory_space<vmem>>, vector<16xf32>,
        %mul3A_1046 = arith.constant 16 : i32
        %mul3A_1047 = arith.muli %scan3A_789, %mul3A_1046 : i32
        %add3A_1048 = arith.constant 2 : i32
        %add3A_1049 = arith.addi %mul3A_1047, %add3A_1048 : i32
        %get3A_1050 = arith.index_cast %add3A_1049 : i32 to index
        %get3A_1051 = arith.constant 0 : index
        %get3A_1052 = tpu.vector_load %arg16[%get3A_1050, %get3A_1051] {strides = array<i32>} : memref<512x16xf32, #tpu.memory_space<vmem>>, vector<1x16xf32>,
        %get3A_1053 = vector.shape_cast %get3A_1052 : vector<1x16xf32> to vector<16xf32>
        %slice3A_1054 = vector.extract_strided_slice %get3A_795 {offsets = [2], sizes = [1], strides = [1]} : vector<16xf32> to vector<1xf32>
        %squeeze3A_1055 = vector.extract %slice3A_1054[0] : f32 from vector<1xf32>
        %add3A_1056 = arith.constant 0 : i32
        %add3A_1057 = arith.addi %add3A_1056, %add3A_1049 : i32
        %get3A_1058 = arith.index_cast %add3A_1057 : i32 to index
        %get3A_1059 = arith.constant 0 : index
        %get3A_1060 = tpu.vector_load %arg15[%get3A_1058, %get3A_1059] {strides = array<i32>} : memref<4096x16xf32, #tpu.memory_space<vmem>>, vector<1x16xf32>,
        %get3A_1061 = vector.shape_cast %get3A_1060 : vector<1x16xf32> to vector<16xf32>
        %mul3A_1062 = vector.broadcast %squeeze3A_1055 : f32 to vector<16xf32>
        %mul3A_1063 = arith.mulf %mul3A_1062, %get3A_1061 : vector<16xf32>
        %add3A_1064 = arith.addf %get3A_1053, %mul3A_1063 : vector<16xf32>
        %slice3A_1065 = vector.extract_strided_slice %get3A_802 {offsets = [2], sizes = [1], strides = [1]} : vector<16xf32> to vector<1xf32>
        %squeeze3A_1066 = vector.extract %slice3A_1065[0] : f32 from vector<1xf32>
        %add3A_1067 = arith.constant 512 : i32
        %add3A_1068 = arith.addi %add3A_1067, %add3A_1049 : i32
        %get3A_1069 = arith.index_cast %add3A_1068 : i32 to index
        %get3A_1070 = arith.constant 0 : index
        %get3A_1071 = tpu.vector_load %arg15[%get3A_1069, %get3A_1070] {strides = array<i32>} : memref<4096x16xf32, #tpu.memory_space<vmem>>, vector<1x16xf32>,
        %get3A_1072 = vector.shape_cast %get3A_1071 : vector<1x16xf32> to vector<16xf32>
        %mul3A_1073 = vector.broadcast %squeeze3A_1066 : f32 to vector<16xf32>
        %mul3A_1074 = arith.mulf %mul3A_1073, %get3A_1072 : vector<16xf32>
        %add3A_1075 = arith.addf %add3A_1064, %mul3A_1074 : vector<16xf32>
        %slice3A_1076 = vector.extract_strided_slice %get3A_809 {offsets = [2], sizes = [1], strides = [1]} : vector<16xf32> to vector<1xf32>
        %squeeze3A_1077 = vector.extract %slice3A_1076[0] : f32 from vector<1xf32>
        %add3A_1078 = arith.constant 1024 : i32
        %add3A_1079 = arith.addi %add3A_1078, %add3A_1049 : i32
        %get3A_1080 = arith.index_cast %add3A_1079 : i32 to index
        %get3A_1081 = arith.constant 0 : index
        %get3A_1082 = tpu.vector_load %arg15[%get3A_1080, %get3A_1081] {strides = array<i32>} : memref<4096x16xf32, #tpu.memory_space<vmem>>, vector<1x16xf32>,
        %get3A_1083 = vector.shape_cast %get3A_1082 : vector<1x16xf32> to vector<16xf32>
        %mul3A_1084 = vector.broadcast %squeeze3A_1077 : f32 to vector<16xf32>
        %mul3A_1085 = arith.mulf %mul3A_1084, %get3A_1083 : vector<16xf32>
        %add3A_1086 = arith.addf %add3A_1075, %mul3A_1085 : vector<16xf32>
        %slice3A_1087 = vector.extract_strided_slice %get3A_816 {offsets = [2], sizes = [1], strides = [1]} : vector<16xf32> to vector<1xf32>
        %squeeze3A_1088 = vector.extract %slice3A_1087[0] : f32 from vector<1xf32>
        %add3A_1089 = arith.constant 1536 : i32
        %add3A_1090 = arith.addi %add3A_1089, %add3A_1049 : i32
        %get3A_1091 = arith.index_cast %add3A_1090 : i32 to index
        %get3A_1092 = arith.constant 0 : index
        %get3A_1093 = tpu.vector_load %arg15[%get3A_1091, %get3A_1092] {strides = array<i32>} : memref<4096x16xf32, #tpu.memory_space<vmem>>, vector<1x16xf32>,
        %get3A_1094 = vector.shape_cast %get3A_1093 : vector<1x16xf32> to vector<16xf32>
        %mul3A_1095 = vector.broadcast %squeeze3A_1088 : f32 to vector<16xf32>
        %mul3A_1096 = arith.mulf %mul3A_1095, %get3A_1094 : vector<16xf32>
        %add3A_1097 = arith.addf %add3A_1086, %mul3A_1096 : vector<16xf32>
        %slice3A_1098 = vector.extract_strided_slice %get3A_823 {offsets = [2], sizes = [1], strides = [1]} : vector<16xf32> to vector<1xf32>
        %squeeze3A_1099 = vector.extract %slice3A_1098[0] : f32 from vector<1xf32>
        %add3A_1100 = arith.constant 2048 : i32
        %add3A_1101 = arith.addi %add3A_1100, %add3A_1049 : i32
        %get3A_1102 = arith.index_cast %add3A_1101 : i32 to index
        %get3A_1103 = arith.constant 0 : index
        %get3A_1104 = tpu.vector_load %arg15[%get3A_1102, %get3A_1103] {strides = array<i32>} : memref<4096x16xf32, #tpu.memory_space<vmem>>, vector<1x16xf32>,
        %get3A_1105 = vector.shape_cast %get3A_1104 : vector<1x16xf32> to vector<16xf32>
        %mul3A_1106 = vector.broadcast %squeeze3A_1099 : f32 to vector<16xf32>
        %mul3A_1107 = arith.mulf %mul3A_1106, %get3A_1105 : vector<16xf32>
        %add3A_1108 = arith.addf %add3A_1097, %mul3A_1107 : vector<16xf32>
        %slice3A_1109 = vector.extract_strided_slice %get3A_830 {offsets = [2], sizes = [1], strides = [1]} : vector<16xf32> to vector<1xf32>
        %squeeze3A_1110 = vector.extract %slice3A_1109[0] : f32 from vector<1xf32>
        %add3A_1111 = arith.constant 2560 : i32
        %add3A_1112 = arith.addi %add3A_1111, %add3A_1049 : i32
        %get3A_1113 = arith.index_cast %add3A_1112 : i32 to index
        %get3A_1114 = arith.constant 0 : index
        %get3A_1115 = tpu.vector_load %arg15[%get3A_1113, %get3A_1114] {strides = array<i32>} : memref<4096x16xf32, #tpu.memory_space<vmem>>, vector<1x16xf32>,
        %get3A_1116 = vector.shape_cast %get3A_1115 : vector<1x16xf32> to vector<16xf32>
        %mul3A_1117 = vector.broadcast %squeeze3A_1110 : f32 to vector<16xf32>
        %mul3A_1118 = arith.mulf %mul3A_1117, %get3A_1116 : vector<16xf32>
        %add3A_1119 = arith.addf %add3A_1108, %mul3A_1118 : vector<16xf32>
        %slice3A_1120 = vector.extract_strided_slice %get3A_837 {offsets = [2], sizes = [1], strides = [1]} : vector<16xf32> to vector<1xf32>
        %squeeze3A_1121 = vector.extract %slice3A_1120[0] : f32 from vector<1xf32>
        %add3A_1122 = arith.constant 3072 : i32
        %add3A_1123 = arith.addi %add3A_1122, %add3A_1049 : i32
        %get3A_1124 = arith.index_cast %add3A_1123 : i32 to index
        %get3A_1125 = arith.constant 0 : index
        %get3A_1126 = tpu.vector_load %arg15[%get3A_1124, %get3A_1125] {strides = array<i32>} : memref<4096x16xf32, #tpu.memory_space<vmem>>, vector<1x16xf32>,
        %get3A_1127 = vector.shape_cast %get3A_1126 : vector<1x16xf32> to vector<16xf32>
        %mul3A_1128 = vector.broadcast %squeeze3A_1121 : f32 to vector<16xf32>
        %mul3A_1129 = arith.mulf %mul3A_1128, %get3A_1127 : vector<16xf32>
        %add3A_1130 = arith.addf %add3A_1119, %mul3A_1129 : vector<16xf32>
        %slice3A_1131 = vector.extract_strided_slice %get3A_844 {offsets = [2], sizes = [1], strides = [1]} : vector<16xf32> to vector<1xf32>
        %squeeze3A_1132 = vector.extract %slice3A_1131[0] : f32 from vector<1xf32>
        %add3A_1133 = arith.constant 3584 : i32
        %add3A_1134 = arith.addi %add3A_1133, %add3A_1049 : i32
        %get3A_1135 = arith.index_cast %add3A_1134 : i32 to index
        %get3A_1136 = arith.constant 0 : index
        %get3A_1137 = tpu.vector_load %arg15[%get3A_1135, %get3A_1136] {strides = array<i32>} : memref<4096x16xf32, #tpu.memory_space<vmem>>, vector<1x16xf32>,
        %get3A_1138 = vector.shape_cast %get3A_1137 : vector<1x16xf32> to vector<16xf32>
        %mul3A_1139 = vector.broadcast %squeeze3A_1132 : f32 to vector<16xf32>
        %mul3A_1140 = arith.mulf %mul3A_1139, %get3A_1138 : vector<16xf32>
        %add3A_1141 = arith.addf %add3A_1130, %mul3A_1140 : vector<16xf32>
        %mul3A_1142 = arith.constant 16 : i32
        %mul3A_1143 = arith.muli %add3A_1049, %mul3A_1142 : i32
        %swap3A_1144 = arith.index_cast %mul3A_1143 : i32 to index
        %swap3A_1145 = tpu.vector_load %arg17[%swap3A_1144] {strides = array<i32>} : memref<8192xf32, #tpu.memory_space<vmem>>, vector<16xf32>,
        %swap3A_1146 = vector.shape_cast %swap3A_1145 : vector<16xf32> to vector<16xf32>
        %swap3A_1147 = vector.shape_cast %add3A_1141 : vector<16xf32> to vector<16xf32>
        tpu.vector_store %arg17[%swap3A_1144], %swap3A_1147 {strides = array<i32>} : memref<8192xf32, #tpu.memory_space<vmem>>, vector<16xf32>,
        %mul3A_1148 = arith.constant 16 : i32
        %mul3A_1149 = arith.muli %scan3A_789, %mul3A_1148 : i32
        %add3A_1150 = arith.constant 3 : i32
        %add3A_1151 = arith.addi %mul3A_1149, %add3A_1150 : i32
        %get3A_1152 = arith.index_cast %add3A_1151 : i32 to index
        %get3A_1153 = arith.constant 0 : index
        %get3A_1154 = tpu.vector_load %arg16[%get3A_1152, %get3A_1153] {strides = array<i32>} : memref<512x16xf32, #tpu.memory_space<vmem>>, vector<1x16xf32>,
        %get3A_1155 = vector.shape_cast %get3A_1154 : vector<1x16xf32> to vector<16xf32>
        %slice3A_1156 = vector.extract_strided_slice %get3A_795 {offsets = [3], sizes = [1], strides = [1]} : vector<16xf32> to vector<1xf32>
        %squeeze3A_1157 = vector.extract %slice3A_1156[0] : f32 from vector<1xf32>
        %add3A_1158 = arith.constant 0 : i32
        %add3A_1159 = arith.addi %add3A_1158, %add3A_1151 : i32
        %get3A_1160 = arith.index_cast %add3A_1159 : i32 to index
        %get3A_1161 = arith.constant 0 : index
        %get3A_1162 = tpu.vector_load %arg15[%get3A_1160, %get3A_1161] {strides = array<i32>} : memref<4096x16xf32, #tpu.memory_space<vmem>>, vector<1x16xf32>,
        %get3A_1163 = vector.shape_cast %get3A_1162 : vector<1x16xf32> to vector<16xf32>
        %mul3A_1164 = vector.broadcast %squeeze3A_1157 : f32 to vector<16xf32>
        %mul3A_1165 = arith.mulf %mul3A_1164, %get3A_1163 : vector<16xf32>
        %add3A_1166 = arith.addf %get3A_1155, %mul3A_1165 : vector<16xf32>
        %slice3A_1167 = vector.extract_strided_slice %get3A_802 {offsets = [3], sizes = [1], strides = [1]} : vector<16xf32> to vector<1xf32>
        %squeeze3A_1168 = vector.extract %slice3A_1167[0] : f32 from vector<1xf32>
        %add3A_1169 = arith.constant 512 : i32
        %add3A_1170 = arith.addi %add3A_1169, %add3A_1151 : i32
        %get3A_1171 = arith.index_cast %add3A_1170 : i32 to index
        %get3A_1172 = arith.constant 0 : index
        %get3A_1173 = tpu.vector_load %arg15[%get3A_1171, %get3A_1172] {strides = array<i32>} : memref<4096x16xf32, #tpu.memory_space<vmem>>, vector<1x16xf32>,
        %get3A_1174 = vector.shape_cast %get3A_1173 : vector<1x16xf32> to vector<16xf32>
        %mul3A_1175 = vector.broadcast %squeeze3A_1168 : f32 to vector<16xf32>
        %mul3A_1176 = arith.mulf %mul3A_1175, %get3A_1174 : vector<16xf32>
        %add3A_1177 = arith.addf %add3A_1166, %mul3A_1176 : vector<16xf32>
        %slice3A_1178 = vector.extract_strided_slice %get3A_809 {offsets = [3], sizes = [1], strides = [1]} : vector<16xf32> to vector<1xf32>
        %squeeze3A_1179 = vector.extract %slice3A_1178[0] : f32 from vector<1xf32>
        %add3A_1180 = arith.constant 1024 : i32
        %add3A_1181 = arith.addi %add3A_1180, %add3A_1151 : i32
        %get3A_1182 = arith.index_cast %add3A_1181 : i32 to index
        %get3A_1183 = arith.constant 0 : index
        %get3A_1184 = tpu.vector_load %arg15[%get3A_1182, %get3A_1183] {strides = array<i32>} : memref<4096x16xf32, #tpu.memory_space<vmem>>, vector<1x16xf32>,
        %get3A_1185 = vector.shape_cast %get3A_1184 : vector<1x16xf32> to vector<16xf32>
        %mul3A_1186 = vector.broadcast %squeeze3A_1179 : f32 to vector<16xf32>
        %mul3A_1187 = arith.mulf %mul3A_1186, %get3A_1185 : vector<16xf32>
        %add3A_1188 = arith.addf %add3A_1177, %mul3A_1187 : vector<16xf32>
        %slice3A_1189 = vector.extract_strided_slice %get3A_816 {offsets = [3], sizes = [1], strides = [1]} : vector<16xf32> to vector<1xf32>
        %squeeze3A_1190 = vector.extract %slice3A_1189[0] : f32 from vector<1xf32>
        %add3A_1191 = arith.constant 1536 : i32
        %add3A_1192 = arith.addi %add3A_1191, %add3A_1151 : i32
        %get3A_1193 = arith.index_cast %add3A_1192 : i32 to index
        %get3A_1194 = arith.constant 0 : index
        %get3A_1195 = tpu.vector_load %arg15[%get3A_1193, %get3A_1194] {strides = array<i32>} : memref<4096x16xf32, #tpu.memory_space<vmem>>, vector<1x16xf32>,
        %get3A_1196 = vector.shape_cast %get3A_1195 : vector<1x16xf32> to vector<16xf32>
        %mul3A_1197 = vector.broadcast %squeeze3A_1190 : f32 to vector<16xf32>
        %mul3A_1198 = arith.mulf %mul3A_1197, %get3A_1196 : vector<16xf32>
        %add3A_1199 = arith.addf %add3A_1188, %mul3A_1198 : vector<16xf32>
        %slice3A_1200 = vector.extract_strided_slice %get3A_823 {offsets = [3], sizes = [1], strides = [1]} : vector<16xf32> to vector<1xf32>
        %squeeze3A_1201 = vector.extract %slice3A_1200[0] : f32 from vector<1xf32>
        %add3A_1202 = arith.constant 2048 : i32
        %add3A_1203 = arith.addi %add3A_1202, %add3A_1151 : i32
        %get3A_1204 = arith.index_cast %add3A_1203 : i32 to index
        %get3A_1205 = arith.constant 0 : index
        %get3A_1206 = tpu.vector_load %arg15[%get3A_1204, %get3A_1205] {strides = array<i32>} : memref<4096x16xf32, #tpu.memory_space<vmem>>, vector<1x16xf32>,
        %get3A_1207 = vector.shape_cast %get3A_1206 : vector<1x16xf32> to vector<16xf32>
        %mul3A_1208 = vector.broadcast %squeeze3A_1201 : f32 to vector<16xf32>
        %mul3A_1209 = arith.mulf %mul3A_1208, %get3A_1207 : vector<16xf32>
        %add3A_1210 = arith.addf %add3A_1199, %mul3A_1209 : vector<16xf32>
        %slice3A_1211 = vector.extract_strided_slice %get3A_830 {offsets = [3], sizes = [1], strides = [1]} : vector<16xf32> to vector<1xf32>
        %squeeze3A_1212 = vector.extract %slice3A_1211[0] : f32 from vector<1xf32>
        %add3A_1213 = arith.constant 2560 : i32
        %add3A_1214 = arith.addi %add3A_1213, %add3A_1151 : i32
        %get3A_1215 = arith.index_cast %add3A_1214 : i32 to index
        %get3A_1216 = arith.constant 0 : index
        %get3A_1217 = tpu.vector_load %arg15[%get3A_1215, %get3A_1216] {strides = array<i32>} : memref<4096x16xf32, #tpu.memory_space<vmem>>, vector<1x16xf32>,
        %get3A_1218 = vector.shape_cast %get3A_1217 : vector<1x16xf32> to vector<16xf32>
        %mul3A_1219 = vector.broadcast %squeeze3A_1212 : f32 to vector<16xf32>
        %mul3A_1220 = arith.mulf %mul3A_1219, %get3A_1218 : vector<16xf32>
        %add3A_1221 = arith.addf %add3A_1210, %mul3A_1220 : vector<16xf32>
        %slice3A_1222 = vector.extract_strided_slice %get3A_837 {offsets = [3], sizes = [1], strides = [1]} : vector<16xf32> to vector<1xf32>
        %squeeze3A_1223 = vector.extract %slice3A_1222[0] : f32 from vector<1xf32>
        %add3A_1224 = arith.constant 3072 : i32
        %add3A_1225 = arith.addi %add3A_1224, %add3A_1151 : i32
        %get3A_1226 = arith.index_cast %add3A_1225 : i32 to index
        %get3A_1227 = arith.constant 0 : index
        %get3A_1228 = tpu.vector_load %arg15[%get3A_1226, %get3A_1227] {strides = array<i32>} : memref<4096x16xf32, #tpu.memory_space<vmem>>, vector<1x16xf32>,
        %get3A_1229 = vector.shape_cast %get3A_1228 : vector<1x16xf32> to vector<16xf32>
        %mul3A_1230 = vector.broadcast %squeeze3A_1223 : f32 to vector<16xf32>
        %mul3A_1231 = arith.mulf %mul3A_1230, %get3A_1229 : vector<16xf32>
        %add3A_1232 = arith.addf %add3A_1221, %mul3A_1231 : vector<16xf32>
        %slice3A_1233 = vector.extract_strided_slice %get3A_844 {offsets = [3], sizes = [1], strides = [1]} : vector<16xf32> to vector<1xf32>
        %squeeze3A_1234 = vector.extract %slice3A_1233[0] : f32 from vector<1xf32>
        %add3A_1235 = arith.constant 3584 : i32
        %add3A_1236 = arith.addi %add3A_1235, %add3A_1151 : i32
        %get3A_1237 = arith.index_cast %add3A_1236 : i32 to index
        %get3A_1238 = arith.constant 0 : index
        %get3A_1239 = tpu.vector_load %arg15[%get3A_1237, %get3A_1238] {strides = array<i32>} : memref<4096x16xf32, #tpu.memory_space<vmem>>, vector<1x16xf32>,
        %get3A_1240 = vector.shape_cast %get3A_1239 : vector<1x16xf32> to vector<16xf32>
        %mul3A_1241 = vector.broadcast %squeeze3A_1234 : f32 to vector<16xf32>
        %mul3A_1242 = arith.mulf %mul3A_1241, %get3A_1240 : vector<16xf32>
        %add3A_1243 = arith.addf %add3A_1232, %mul3A_1242 : vector<16xf32>
        %mul3A_1244 = arith.constant 16 : i32
        %mul3A_1245 = arith.muli %add3A_1151, %mul3A_1244 : i32
        %swap3A_1246 = arith.index_cast %mul3A_1245 : i32 to index
        %swap3A_1247 = tpu.vector_load %arg17[%swap3A_1246] {strides = array<i32>} : memref<8192xf32, #tpu.memory_space<vmem>>, vector<16xf32>,
        %swap3A_1248 = vector.shape_cast %swap3A_1247 : vector<16xf32> to vector<16xf32>
        %swap3A_1249 = vector.shape_cast %add3A_1243 : vector<16xf32> to vector<16xf32>
        tpu.vector_store %arg17[%swap3A_1246], %swap3A_1249 {strides = array<i32>} : memref<8192xf32, #tpu.memory_space<vmem>>, vector<16xf32>,
        %mul3A_1250 = arith.constant 16 : i32
        %mul3A_1251 = arith.muli %scan3A_789, %mul3A_1250 : i32
        %add3A_1252 = arith.constant 4 : i32
        %add3A_1253 = arith.addi %mul3A_1251, %add3A_1252 : i32
        %get3A_1254 = arith.index_cast %add3A_1253 : i32 to index
        %get3A_1255 = arith.constant 0 : index
        %get3A_1256 = tpu.vector_load %arg16[%get3A_1254, %get3A_1255] {strides = array<i32>} : memref<512x16xf32, #tpu.memory_space<vmem>>, vector<1x16xf32>,
        %get3A_1257 = vector.shape_cast %get3A_1256 : vector<1x16xf32> to vector<16xf32>
        %slice3A_1258 = vector.extract_strided_slice %get3A_795 {offsets = [4], sizes = [1], strides = [1]} : vector<16xf32> to vector<1xf32>
        %squeeze3A_1259 = vector.extract %slice3A_1258[0] : f32 from vector<1xf32>
        %add3A_1260 = arith.constant 0 : i32
        %add3A_1261 = arith.addi %add3A_1260, %add3A_1253 : i32
        %get3A_1262 = arith.index_cast %add3A_1261 : i32 to index
        %get3A_1263 = arith.constant 0 : index
        %get3A_1264 = tpu.vector_load %arg15[%get3A_1262, %get3A_1263] {strides = array<i32>} : memref<4096x16xf32, #tpu.memory_space<vmem>>, vector<1x16xf32>,
        %get3A_1265 = vector.shape_cast %get3A_1264 : vector<1x16xf32> to vector<16xf32>
        %mul3A_1266 = vector.broadcast %squeeze3A_1259 : f32 to vector<16xf32>
        %mul3A_1267 = arith.mulf %mul3A_1266, %get3A_1265 : vector<16xf32>
        %add3A_1268 = arith.addf %get3A_1257, %mul3A_1267 : vector<16xf32>
        %slice3A_1269 = vector.extract_strided_slice %get3A_802 {offsets = [4], sizes = [1], strides = [1]} : vector<16xf32> to vector<1xf32>
        %squeeze3A_1270 = vector.extract %slice3A_1269[0] : f32 from vector<1xf32>
        %add3A_1271 = arith.constant 512 : i32
        %add3A_1272 = arith.addi %add3A_1271, %add3A_1253 : i32
        %get3A_1273 = arith.index_cast %add3A_1272 : i32 to index
        %get3A_1274 = arith.constant 0 : index
        %get3A_1275 = tpu.vector_load %arg15[%get3A_1273, %get3A_1274] {strides = array<i32>} : memref<4096x16xf32, #tpu.memory_space<vmem>>, vector<1x16xf32>,
        %get3A_1276 = vector.shape_cast %get3A_1275 : vector<1x16xf32> to vector<16xf32>
        %mul3A_1277 = vector.broadcast %squeeze3A_1270 : f32 to vector<16xf32>
        %mul3A_1278 = arith.mulf %mul3A_1277, %get3A_1276 : vector<16xf32>
        %add3A_1279 = arith.addf %add3A_1268, %mul3A_1278 : vector<16xf32>
        %slice3A_1280 = vector.extract_strided_slice %get3A_809 {offsets = [4], sizes = [1], strides = [1]} : vector<16xf32> to vector<1xf32>
        %squeeze3A_1281 = vector.extract %slice3A_1280[0] : f32 from vector<1xf32>
        %add3A_1282 = arith.constant 1024 : i32
        %add3A_1283 = arith.addi %add3A_1282, %add3A_1253 : i32
        %get3A_1284 = arith.index_cast %add3A_1283 : i32 to index
        %get3A_1285 = arith.constant 0 : index
        %get3A_1286 = tpu.vector_load %arg15[%get3A_1284, %get3A_1285] {strides = array<i32>} : memref<4096x16xf32, #tpu.memory_space<vmem>>, vector<1x16xf32>,
        %get3A_1287 = vector.shape_cast %get3A_1286 : vector<1x16xf32> to vector<16xf32>
        %mul3A_1288 = vector.broadcast %squeeze3A_1281 : f32 to vector<16xf32>
        %mul3A_1289 = arith.mulf %mul3A_1288, %get3A_1287 : vector<16xf32>
        %add3A_1290 = arith.addf %add3A_1279, %mul3A_1289 : vector<16xf32>
        %slice3A_1291 = vector.extract_strided_slice %get3A_816 {offsets = [4], sizes = [1], strides = [1]} : vector<16xf32> to vector<1xf32>
        %squeeze3A_1292 = vector.extract %slice3A_1291[0] : f32 from vector<1xf32>
        %add3A_1293 = arith.constant 1536 : i32
        %add3A_1294 = arith.addi %add3A_1293, %add3A_1253 : i32
        %get3A_1295 = arith.index_cast %add3A_1294 : i32 to index
        %get3A_1296 = arith.constant 0 : index
        %get3A_1297 = tpu.vector_load %arg15[%get3A_1295, %get3A_1296] {strides = array<i32>} : memref<4096x16xf32, #tpu.memory_space<vmem>>, vector<1x16xf32>,
        %get3A_1298 = vector.shape_cast %get3A_1297 : vector<1x16xf32> to vector<16xf32>
        %mul3A_1299 = vector.broadcast %squeeze3A_1292 : f32 to vector<16xf32>
        %mul3A_1300 = arith.mulf %mul3A_1299, %get3A_1298 : vector<16xf32>
        %add3A_1301 = arith.addf %add3A_1290, %mul3A_1300 : vector<16xf32>
        %slice3A_1302 = vector.extract_strided_slice %get3A_823 {offsets = [4], sizes = [1], strides = [1]} : vector<16xf32> to vector<1xf32>
        %squeeze3A_1303 = vector.extract %slice3A_1302[0] : f32 from vector<1xf32>
        %add3A_1304 = arith.constant 2048 : i32
        %add3A_1305 = arith.addi %add3A_1304, %add3A_1253 : i32
        %get3A_1306 = arith.index_cast %add3A_1305 : i32 to index
        %get3A_1307 = arith.constant 0 : index
        %get3A_1308 = tpu.vector_load %arg15[%get3A_1306, %get3A_1307] {strides = array<i32>} : memref<4096x16xf32, #tpu.memory_space<vmem>>, vector<1x16xf32>,
        %get3A_1309 = vector.shape_cast %get3A_1308 : vector<1x16xf32> to vector<16xf32>
        %mul3A_1310 = vector.broadcast %squeeze3A_1303 : f32 to vector<16xf32>
        %mul3A_1311 = arith.mulf %mul3A_1310, %get3A_1309 : vector<16xf32>
        %add3A_1312 = arith.addf %add3A_1301, %mul3A_1311 : vector<16xf32>
        %slice3A_1313 = vector.extract_strided_slice %get3A_830 {offsets = [4], sizes = [1], strides = [1]} : vector<16xf32> to vector<1xf32>
        %squeeze3A_1314 = vector.extract %slice3A_1313[0] : f32 from vector<1xf32>
        %add3A_1315 = arith.constant 2560 : i32
        %add3A_1316 = arith.addi %add3A_1315, %add3A_1253 : i32
        %get3A_1317 = arith.index_cast %add3A_1316 : i32 to index
        %get3A_1318 = arith.constant 0 : index
        %get3A_1319 = tpu.vector_load %arg15[%get3A_1317, %get3A_1318] {strides = array<i32>} : memref<4096x16xf32, #tpu.memory_space<vmem>>, vector<1x16xf32>,
        %get3A_1320 = vector.shape_cast %get3A_1319 : vector<1x16xf32> to vector<16xf32>
        %mul3A_1321 = vector.broadcast %squeeze3A_1314 : f32 to vector<16xf32>
        %mul3A_1322 = arith.mulf %mul3A_1321, %get3A_1320 : vector<16xf32>
        %add3A_1323 = arith.addf %add3A_1312, %mul3A_1322 : vector<16xf32>
        %slice3A_1324 = vector.extract_strided_slice %get3A_837 {offsets = [4], sizes = [1], strides = [1]} : vector<16xf32> to vector<1xf32>
        %squeeze3A_1325 = vector.extract %slice3A_1324[0] : f32 from vector<1xf32>
        %add3A_1326 = arith.constant 3072 : i32
        %add3A_1327 = arith.addi %add3A_1326, %add3A_1253 : i32
        %get3A_1328 = arith.index_cast %add3A_1327 : i32 to index
        %get3A_1329 = arith.constant 0 : index
        %get3A_1330 = tpu.vector_load %arg15[%get3A_1328, %get3A_1329] {strides = array<i32>} : memref<4096x16xf32, #tpu.memory_space<vmem>>, vector<1x16xf32>,
        %get3A_1331 = vector.shape_cast %get3A_1330 : vector<1x16xf32> to vector<16xf32>
        %mul3A_1332 = vector.broadcast %squeeze3A_1325 : f32 to vector<16xf32>
        %mul3A_1333 = arith.mulf %mul3A_1332, %get3A_1331 : vector<16xf32>
        %add3A_1334 = arith.addf %add3A_1323, %mul3A_1333 : vector<16xf32>
        %slice3A_1335 = vector.extract_strided_slice %get3A_844 {offsets = [4], sizes = [1], strides = [1]} : vector<16xf32> to vector<1xf32>
        %squeeze3A_1336 = vector.extract %slice3A_1335[0] : f32 from vector<1xf32>
        %add3A_1337 = arith.constant 3584 : i32
        %add3A_1338 = arith.addi %add3A_1337, %add3A_1253 : i32
        %get3A_1339 = arith.index_cast %add3A_1338 : i32 to index
        %get3A_1340 = arith.constant 0 : index
        %get3A_1341 = tpu.vector_load %arg15[%get3A_1339, %get3A_1340] {strides = array<i32>} : memref<4096x16xf32, #tpu.memory_space<vmem>>, vector<1x16xf32>,
        %get3A_1342 = vector.shape_cast %get3A_1341 : vector<1x16xf32> to vector<16xf32>
        %mul3A_1343 = vector.broadcast %squeeze3A_1336 : f32 to vector<16xf32>
        %mul3A_1344 = arith.mulf %mul3A_1343, %get3A_1342 : vector<16xf32>
        %add3A_1345 = arith.addf %add3A_1334, %mul3A_1344 : vector<16xf32>
        %mul3A_1346 = arith.constant 16 : i32
        %mul3A_1347 = arith.muli %add3A_1253, %mul3A_1346 : i32
        %swap3A_1348 = arith.index_cast %mul3A_1347 : i32 to index
        %swap3A_1349 = tpu.vector_load %arg17[%swap3A_1348] {strides = array<i32>} : memref<8192xf32, #tpu.memory_space<vmem>>, vector<16xf32>,
        %swap3A_1350 = vector.shape_cast %swap3A_1349 : vector<16xf32> to vector<16xf32>
        %swap3A_1351 = vector.shape_cast %add3A_1345 : vector<16xf32> to vector<16xf32>
        tpu.vector_store %arg17[%swap3A_1348], %swap3A_1351 {strides = array<i32>} : memref<8192xf32, #tpu.memory_space<vmem>>, vector<16xf32>,
        %mul3A_1352 = arith.constant 16 : i32
        %mul3A_1353 = arith.muli %scan3A_789, %mul3A_1352 : i32
        %add3A_1354 = arith.constant 5 : i32
        %add3A_1355 = arith.addi %mul3A_1353, %add3A_1354 : i32
        %get3A_1356 = arith.index_cast %add3A_1355 : i32 to index
        %get3A_1357 = arith.constant 0 : index
        %get3A_1358 = tpu.vector_load %arg16[%get3A_1356, %get3A_1357] {strides = array<i32>} : memref<512x16xf32, #tpu.memory_space<vmem>>, vector<1x16xf32>,
        %get3A_1359 = vector.shape_cast %get3A_1358 : vector<1x16xf32> to vector<16xf32>
        %slice3A_1360 = vector.extract_strided_slice %get3A_795 {offsets = [5], sizes = [1], strides = [1]} : vector<16xf32> to vector<1xf32>
        %squeeze3A_1361 = vector.extract %slice3A_1360[0] : f32 from vector<1xf32>
        %add3A_1362 = arith.constant 0 : i32
        %add3A_1363 = arith.addi %add3A_1362, %add3A_1355 : i32
        %get3A_1364 = arith.index_cast %add3A_1363 : i32 to index
        %get3A_1365 = arith.constant 0 : index
        %get3A_1366 = tpu.vector_load %arg15[%get3A_1364, %get3A_1365] {strides = array<i32>} : memref<4096x16xf32, #tpu.memory_space<vmem>>, vector<1x16xf32>,
        %get3A_1367 = vector.shape_cast %get3A_1366 : vector<1x16xf32> to vector<16xf32>
        %mul3A_1368 = vector.broadcast %squeeze3A_1361 : f32 to vector<16xf32>
        %mul3A_1369 = arith.mulf %mul3A_1368, %get3A_1367 : vector<16xf32>
        %add3A_1370 = arith.addf %get3A_1359, %mul3A_1369 : vector<16xf32>
        %slice3A_1371 = vector.extract_strided_slice %get3A_802 {offsets = [5], sizes = [1], strides = [1]} : vector<16xf32> to vector<1xf32>
        %squeeze3A_1372 = vector.extract %slice3A_1371[0] : f32 from vector<1xf32>
        %add3A_1373 = arith.constant 512 : i32
        %add3A_1374 = arith.addi %add3A_1373, %add3A_1355 : i32
        %get3A_1375 = arith.index_cast %add3A_1374 : i32 to index
        %get3A_1376 = arith.constant 0 : index
        %get3A_1377 = tpu.vector_load %arg15[%get3A_1375, %get3A_1376] {strides = array<i32>} : memref<4096x16xf32, #tpu.memory_space<vmem>>, vector<1x16xf32>,
        %get3A_1378 = vector.shape_cast %get3A_1377 : vector<1x16xf32> to vector<16xf32>
        %mul3A_1379 = vector.broadcast %squeeze3A_1372 : f32 to vector<16xf32>
        %mul3A_1380 = arith.mulf %mul3A_1379, %get3A_1378 : vector<16xf32>
        %add3A_1381 = arith.addf %add3A_1370, %mul3A_1380 : vector<16xf32>
        %slice3A_1382 = vector.extract_strided_slice %get3A_809 {offsets = [5], sizes = [1], strides = [1]} : vector<16xf32> to vector<1xf32>
        %squeeze3A_1383 = vector.extract %slice3A_1382[0] : f32 from vector<1xf32>
        %add3A_1384 = arith.constant 1024 : i32
        %add3A_1385 = arith.addi %add3A_1384, %add3A_1355 : i32
        %get3A_1386 = arith.index_cast %add3A_1385 : i32 to index
        %get3A_1387 = arith.constant 0 : index
        %get3A_1388 = tpu.vector_load %arg15[%get3A_1386, %get3A_1387] {strides = array<i32>} : memref<4096x16xf32, #tpu.memory_space<vmem>>, vector<1x16xf32>,
        %get3A_1389 = vector.shape_cast %get3A_1388 : vector<1x16xf32> to vector<16xf32>
        %mul3A_1390 = vector.broadcast %squeeze3A_1383 : f32 to vector<16xf32>
        %mul3A_1391 = arith.mulf %mul3A_1390, %get3A_1389 : vector<16xf32>
        %add3A_1392 = arith.addf %add3A_1381, %mul3A_1391 : vector<16xf32>
        %slice3A_1393 = vector.extract_strided_slice %get3A_816 {offsets = [5], sizes = [1], strides = [1]} : vector<16xf32> to vector<1xf32>
        %squeeze3A_1394 = vector.extract %slice3A_1393[0] : f32 from vector<1xf32>
        %add3A_1395 = arith.constant 1536 : i32
        %add3A_1396 = arith.addi %add3A_1395, %add3A_1355 : i32
        %get3A_1397 = arith.index_cast %add3A_1396 : i32 to index
        %get3A_1398 = arith.constant 0 : index
        %get3A_1399 = tpu.vector_load %arg15[%get3A_1397, %get3A_1398] {strides = array<i32>} : memref<4096x16xf32, #tpu.memory_space<vmem>>, vector<1x16xf32>,
        %get3A_1400 = vector.shape_cast %get3A_1399 : vector<1x16xf32> to vector<16xf32>
        %mul3A_1401 = vector.broadcast %squeeze3A_1394 : f32 to vector<16xf32>
        %mul3A_1402 = arith.mulf %mul3A_1401, %get3A_1400 : vector<16xf32>
        %add3A_1403 = arith.addf %add3A_1392, %mul3A_1402 : vector<16xf32>
        %slice3A_1404 = vector.extract_strided_slice %get3A_823 {offsets = [5], sizes = [1], strides = [1]} : vector<16xf32> to vector<1xf32>
        %squeeze3A_1405 = vector.extract %slice3A_1404[0] : f32 from vector<1xf32>
        %add3A_1406 = arith.constant 2048 : i32
        %add3A_1407 = arith.addi %add3A_1406, %add3A_1355 : i32
        %get3A_1408 = arith.index_cast %add3A_1407 : i32 to index
        %get3A_1409 = arith.constant 0 : index
        %get3A_1410 = tpu.vector_load %arg15[%get3A_1408, %get3A_1409] {strides = array<i32>} : memref<4096x16xf32, #tpu.memory_space<vmem>>, vector<1x16xf32>,
        %get3A_1411 = vector.shape_cast %get3A_1410 : vector<1x16xf32> to vector<16xf32>
        %mul3A_1412 = vector.broadcast %squeeze3A_1405 : f32 to vector<16xf32>
        %mul3A_1413 = arith.mulf %mul3A_1412, %get3A_1411 : vector<16xf32>
        %add3A_1414 = arith.addf %add3A_1403, %mul3A_1413 : vector<16xf32>
        %slice3A_1415 = vector.extract_strided_slice %get3A_830 {offsets = [5], sizes = [1], strides = [1]} : vector<16xf32> to vector<1xf32>
        %squeeze3A_1416 = vector.extract %slice3A_1415[0] : f32 from vector<1xf32>
        %add3A_1417 = arith.constant 2560 : i32
        %add3A_1418 = arith.addi %add3A_1417, %add3A_1355 : i32
        %get3A_1419 = arith.index_cast %add3A_1418 : i32 to index
        %get3A_1420 = arith.constant 0 : index
        %get3A_1421 = tpu.vector_load %arg15[%get3A_1419, %get3A_1420] {strides = array<i32>} : memref<4096x16xf32, #tpu.memory_space<vmem>>, vector<1x16xf32>,
        %get3A_1422 = vector.shape_cast %get3A_1421 : vector<1x16xf32> to vector<16xf32>
        %mul3A_1423 = vector.broadcast %squeeze3A_1416 : f32 to vector<16xf32>
        %mul3A_1424 = arith.mulf %mul3A_1423, %get3A_1422 : vector<16xf32>
        %add3A_1425 = arith.addf %add3A_1414, %mul3A_1424 : vector<16xf32>
        %slice3A_1426 = vector.extract_strided_slice %get3A_837 {offsets = [5], sizes = [1], strides = [1]} : vector<16xf32> to vector<1xf32>
        %squeeze3A_1427 = vector.extract %slice3A_1426[0] : f32 from vector<1xf32>
        %add3A_1428 = arith.constant 3072 : i32
        %add3A_1429 = arith.addi %add3A_1428, %add3A_1355 : i32
        %get3A_1430 = arith.index_cast %add3A_1429 : i32 to index
        %get3A_1431 = arith.constant 0 : index
        %get3A_1432 = tpu.vector_load %arg15[%get3A_1430, %get3A_1431] {strides = array<i32>} : memref<4096x16xf32, #tpu.memory_space<vmem>>, vector<1x16xf32>,
        %get3A_1433 = vector.shape_cast %get3A_1432 : vector<1x16xf32> to vector<16xf32>
        %mul3A_1434 = vector.broadcast %squeeze3A_1427 : f32 to vector<16xf32>
        %mul3A_1435 = arith.mulf %mul3A_1434, %get3A_1433 : vector<16xf32>
        %add3A_1436 = arith.addf %add3A_1425, %mul3A_1435 : vector<16xf32>
        %slice3A_1437 = vector.extract_strided_slice %get3A_844 {offsets = [5], sizes = [1], strides = [1]} : vector<16xf32> to vector<1xf32>
        %squeeze3A_1438 = vector.extract %slice3A_1437[0] : f32 from vector<1xf32>
        %add3A_1439 = arith.constant 3584 : i32
        %add3A_1440 = arith.addi %add3A_1439, %add3A_1355 : i32
        %get3A_1441 = arith.index_cast %add3A_1440 : i32 to index
        %get3A_1442 = arith.constant 0 : index
        %get3A_1443 = tpu.vector_load %arg15[%get3A_1441, %get3A_1442] {strides = array<i32>} : memref<4096x16xf32, #tpu.memory_space<vmem>>, vector<1x16xf32>,
        %get3A_1444 = vector.shape_cast %get3A_1443 : vector<1x16xf32> to vector<16xf32>
        %mul3A_1445 = vector.broadcast %squeeze3A_1438 : f32 to vector<16xf32>
        %mul3A_1446 = arith.mulf %mul3A_1445, %get3A_1444 : vector<16xf32>
        %add3A_1447 = arith.addf %add3A_1436, %mul3A_1446 : vector<16xf32>
        %mul3A_1448 = arith.constant 16 : i32
        %mul3A_1449 = arith.muli %add3A_1355, %mul3A_1448 : i32
        %swap3A_1450 = arith.index_cast %mul3A_1449 : i32 to index
        %swap3A_1451 = tpu.vector_load %arg17[%swap3A_1450] {strides = array<i32>} : memref<8192xf32, #tpu.memory_space<vmem>>, vector<16xf32>,
        %swap3A_1452 = vector.shape_cast %swap3A_1451 : vector<16xf32> to vector<16xf32>
        %swap3A_1453 = vector.shape_cast %add3A_1447 : vector<16xf32> to vector<16xf32>
        tpu.vector_store %arg17[%swap3A_1450], %swap3A_1453 {strides = array<i32>} : memref<8192xf32, #tpu.memory_space<vmem>>, vector<16xf32>,
        %mul3A_1454 = arith.constant 16 : i32
        %mul3A_1455 = arith.muli %scan3A_789, %mul3A_1454 : i32
        %add3A_1456 = arith.constant 6 : i32
        %add3A_1457 = arith.addi %mul3A_1455, %add3A_1456 : i32
        %get3A_1458 = arith.index_cast %add3A_1457 : i32 to index
        %get3A_1459 = arith.constant 0 : index
        %get3A_1460 = tpu.vector_load %arg16[%get3A_1458, %get3A_1459] {strides = array<i32>} : memref<512x16xf32, #tpu.memory_space<vmem>>, vector<1x16xf32>,
        %get3A_1461 = vector.shape_cast %get3A_1460 : vector<1x16xf32> to vector<16xf32>
        %slice3A_1462 = vector.extract_strided_slice %get3A_795 {offsets = [6], sizes = [1], strides = [1]} : vector<16xf32> to vector<1xf32>
        %squeeze3A_1463 = vector.extract %slice3A_1462[0] : f32 from vector<1xf32>
        %add3A_1464 = arith.constant 0 : i32
        %add3A_1465 = arith.addi %add3A_1464, %add3A_1457 : i32
        %get3A_1466 = arith.index_cast %add3A_1465 : i32 to index
        %get3A_1467 = arith.constant 0 : index
        %get3A_1468 = tpu.vector_load %arg15[%get3A_1466, %get3A_1467] {strides = array<i32>} : memref<4096x16xf32, #tpu.memory_space<vmem>>, vector<1x16xf32>,
        %get3A_1469 = vector.shape_cast %get3A_1468 : vector<1x16xf32> to vector<16xf32>
        %mul3A_1470 = vector.broadcast %squeeze3A_1463 : f32 to vector<16xf32>
        %mul3A_1471 = arith.mulf %mul3A_1470, %get3A_1469 : vector<16xf32>
        %add3A_1472 = arith.addf %get3A_1461, %mul3A_1471 : vector<16xf32>
        %slice3A_1473 = vector.extract_strided_slice %get3A_802 {offsets = [6], sizes = [1], strides = [1]} : vector<16xf32> to vector<1xf32>
        %squeeze3A_1474 = vector.extract %slice3A_1473[0] : f32 from vector<1xf32>
        %add3A_1475 = arith.constant 512 : i32
        %add3A_1476 = arith.addi %add3A_1475, %add3A_1457 : i32
        %get3A_1477 = arith.index_cast %add3A_1476 : i32 to index
        %get3A_1478 = arith.constant 0 : index
        %get3A_1479 = tpu.vector_load %arg15[%get3A_1477, %get3A_1478] {strides = array<i32>} : memref<4096x16xf32, #tpu.memory_space<vmem>>, vector<1x16xf32>,
        %get3A_1480 = vector.shape_cast %get3A_1479 : vector<1x16xf32> to vector<16xf32>
        %mul3A_1481 = vector.broadcast %squeeze3A_1474 : f32 to vector<16xf32>
        %mul3A_1482 = arith.mulf %mul3A_1481, %get3A_1480 : vector<16xf32>
        %add3A_1483 = arith.addf %add3A_1472, %mul3A_1482 : vector<16xf32>
        %slice3A_1484 = vector.extract_strided_slice %get3A_809 {offsets = [6], sizes = [1], strides = [1]} : vector<16xf32> to vector<1xf32>
        %squeeze3A_1485 = vector.extract %slice3A_1484[0] : f32 from vector<1xf32>
        %add3A_1486 = arith.constant 1024 : i32
        %add3A_1487 = arith.addi %add3A_1486, %add3A_1457 : i32
        %get3A_1488 = arith.index_cast %add3A_1487 : i32 to index
        %get3A_1489 = arith.constant 0 : index
        %get3A_1490 = tpu.vector_load %arg15[%get3A_1488, %get3A_1489] {strides = array<i32>} : memref<4096x16xf32, #tpu.memory_space<vmem>>, vector<1x16xf32>,
        %get3A_1491 = vector.shape_cast %get3A_1490 : vector<1x16xf32> to vector<16xf32>
        %mul3A_1492 = vector.broadcast %squeeze3A_1485 : f32 to vector<16xf32>
        %mul3A_1493 = arith.mulf %mul3A_1492, %get3A_1491 : vector<16xf32>
        %add3A_1494 = arith.addf %add3A_1483, %mul3A_1493 : vector<16xf32>
        %slice3A_1495 = vector.extract_strided_slice %get3A_816 {offsets = [6], sizes = [1], strides = [1]} : vector<16xf32> to vector<1xf32>
        %squeeze3A_1496 = vector.extract %slice3A_1495[0] : f32 from vector<1xf32>
        %add3A_1497 = arith.constant 1536 : i32
        %add3A_1498 = arith.addi %add3A_1497, %add3A_1457 : i32
        %get3A_1499 = arith.index_cast %add3A_1498 : i32 to index
        %get3A_1500 = arith.constant 0 : index
        %get3A_1501 = tpu.vector_load %arg15[%get3A_1499, %get3A_1500] {strides = array<i32>} : memref<4096x16xf32, #tpu.memory_space<vmem>>, vector<1x16xf32>,
        %get3A_1502 = vector.shape_cast %get3A_1501 : vector<1x16xf32> to vector<16xf32>
        %mul3A_1503 = vector.broadcast %squeeze3A_1496 : f32 to vector<16xf32>
        %mul3A_1504 = arith.mulf %mul3A_1503, %get3A_1502 : vector<16xf32>
        %add3A_1505 = arith.addf %add3A_1494, %mul3A_1504 : vector<16xf32>
        %slice3A_1506 = vector.extract_strided_slice %get3A_823 {offsets = [6], sizes = [1], strides = [1]} : vector<16xf32> to vector<1xf32>
        %squeeze3A_1507 = vector.extract %slice3A_1506[0] : f32 from vector<1xf32>
        %add3A_1508 = arith.constant 2048 : i32
        %add3A_1509 = arith.addi %add3A_1508, %add3A_1457 : i32
        %get3A_1510 = arith.index_cast %add3A_1509 : i32 to index
        %get3A_1511 = arith.constant 0 : index
        %get3A_1512 = tpu.vector_load %arg15[%get3A_1510, %get3A_1511] {strides = array<i32>} : memref<4096x16xf32, #tpu.memory_space<vmem>>, vector<1x16xf32>,
        %get3A_1513 = vector.shape_cast %get3A_1512 : vector<1x16xf32> to vector<16xf32>
        %mul3A_1514 = vector.broadcast %squeeze3A_1507 : f32 to vector<16xf32>
        %mul3A_1515 = arith.mulf %mul3A_1514, %get3A_1513 : vector<16xf32>
        %add3A_1516 = arith.addf %add3A_1505, %mul3A_1515 : vector<16xf32>
        %slice3A_1517 = vector.extract_strided_slice %get3A_830 {offsets = [6], sizes = [1], strides = [1]} : vector<16xf32> to vector<1xf32>
        %squeeze3A_1518 = vector.extract %slice3A_1517[0] : f32 from vector<1xf32>
        %add3A_1519 = arith.constant 2560 : i32
        %add3A_1520 = arith.addi %add3A_1519, %add3A_1457 : i32
        %get3A_1521 = arith.index_cast %add3A_1520 : i32 to index
        %get3A_1522 = arith.constant 0 : index
        %get3A_1523 = tpu.vector_load %arg15[%get3A_1521, %get3A_1522] {strides = array<i32>} : memref<4096x16xf32, #tpu.memory_space<vmem>>, vector<1x16xf32>,
        %get3A_1524 = vector.shape_cast %get3A_1523 : vector<1x16xf32> to vector<16xf32>
        %mul3A_1525 = vector.broadcast %squeeze3A_1518 : f32 to vector<16xf32>
        %mul3A_1526 = arith.mulf %mul3A_1525, %get3A_1524 : vector<16xf32>
        %add3A_1527 = arith.addf %add3A_1516, %mul3A_1526 : vector<16xf32>
        %slice3A_1528 = vector.extract_strided_slice %get3A_837 {offsets = [6], sizes = [1], strides = [1]} : vector<16xf32> to vector<1xf32>
        %squeeze3A_1529 = vector.extract %slice3A_1528[0] : f32 from vector<1xf32>
        %add3A_1530 = arith.constant 3072 : i32
        %add3A_1531 = arith.addi %add3A_1530, %add3A_1457 : i32
        %get3A_1532 = arith.index_cast %add3A_1531 : i32 to index
        %get3A_1533 = arith.constant 0 : index
        %get3A_1534 = tpu.vector_load %arg15[%get3A_1532, %get3A_1533] {strides = array<i32>} : memref<4096x16xf32, #tpu.memory_space<vmem>>, vector<1x16xf32>,
        %get3A_1535 = vector.shape_cast %get3A_1534 : vector<1x16xf32> to vector<16xf32>
        %mul3A_1536 = vector.broadcast %squeeze3A_1529 : f32 to vector<16xf32>
        %mul3A_1537 = arith.mulf %mul3A_1536, %get3A_1535 : vector<16xf32>
        %add3A_1538 = arith.addf %add3A_1527, %mul3A_1537 : vector<16xf32>
        %slice3A_1539 = vector.extract_strided_slice %get3A_844 {offsets = [6], sizes = [1], strides = [1]} : vector<16xf32> to vector<1xf32>
        %squeeze3A_1540 = vector.extract %slice3A_1539[0] : f32 from vector<1xf32>
        %add3A_1541 = arith.constant 3584 : i32
        %add3A_1542 = arith.addi %add3A_1541, %add3A_1457 : i32
        %get3A_1543 = arith.index_cast %add3A_1542 : i32 to index
        %get3A_1544 = arith.constant 0 : index
        %get3A_1545 = tpu.vector_load %arg15[%get3A_1543, %get3A_1544] {strides = array<i32>} : memref<4096x16xf32, #tpu.memory_space<vmem>>, vector<1x16xf32>,
        %get3A_1546 = vector.shape_cast %get3A_1545 : vector<1x16xf32> to vector<16xf32>
        %mul3A_1547 = vector.broadcast %squeeze3A_1540 : f32 to vector<16xf32>
        %mul3A_1548 = arith.mulf %mul3A_1547, %get3A_1546 : vector<16xf32>
        %add3A_1549 = arith.addf %add3A_1538, %mul3A_1548 : vector<16xf32>
        %mul3A_1550 = arith.constant 16 : i32
        %mul3A_1551 = arith.muli %add3A_1457, %mul3A_1550 : i32
        %swap3A_1552 = arith.index_cast %mul3A_1551 : i32 to index
        %swap3A_1553 = tpu.vector_load %arg17[%swap3A_1552] {strides = array<i32>} : memref<8192xf32, #tpu.memory_space<vmem>>, vector<16xf32>,
        %swap3A_1554 = vector.shape_cast %swap3A_1553 : vector<16xf32> to vector<16xf32>
        %swap3A_1555 = vector.shape_cast %add3A_1549 : vector<16xf32> to vector<16xf32>
        tpu.vector_store %arg17[%swap3A_1552], %swap3A_1555 {strides = array<i32>} : memref<8192xf32, #tpu.memory_space<vmem>>, vector<16xf32>,
        %mul3A_1556 = arith.constant 16 : i32
        %mul3A_1557 = arith.muli %scan3A_789, %mul3A_1556 : i32
        %add3A_1558 = arith.constant 7 : i32
        %add3A_1559 = arith.addi %mul3A_1557, %add3A_1558 : i32
        %get3A_1560 = arith.index_cast %add3A_1559 : i32 to index
        %get3A_1561 = arith.constant 0 : index
        %get3A_1562 = tpu.vector_load %arg16[%get3A_1560, %get3A_1561] {strides = array<i32>} : memref<512x16xf32, #tpu.memory_space<vmem>>, vector<1x16xf32>,
        %get3A_1563 = vector.shape_cast %get3A_1562 : vector<1x16xf32> to vector<16xf32>
        %slice3A_1564 = vector.extract_strided_slice %get3A_795 {offsets = [7], sizes = [1], strides = [1]} : vector<16xf32> to vector<1xf32>
        %squeeze3A_1565 = vector.extract %slice3A_1564[0] : f32 from vector<1xf32>
        %add3A_1566 = arith.constant 0 : i32
        %add3A_1567 = arith.addi %add3A_1566, %add3A_1559 : i32
        %get3A_1568 = arith.index_cast %add3A_1567 : i32 to index
        %get3A_1569 = arith.constant 0 : index
        %get3A_1570 = tpu.vector_load %arg15[%get3A_1568, %get3A_1569] {strides = array<i32>} : memref<4096x16xf32, #tpu.memory_space<vmem>>, vector<1x16xf32>,
        %get3A_1571 = vector.shape_cast %get3A_1570 : vector<1x16xf32> to vector<16xf32>
        %mul3A_1572 = vector.broadcast %squeeze3A_1565 : f32 to vector<16xf32>
        %mul3A_1573 = arith.mulf %mul3A_1572, %get3A_1571 : vector<16xf32>
        %add3A_1574 = arith.addf %get3A_1563, %mul3A_1573 : vector<16xf32>
        %slice3A_1575 = vector.extract_strided_slice %get3A_802 {offsets = [7], sizes = [1], strides = [1]} : vector<16xf32> to vector<1xf32>
        %squeeze3A_1576 = vector.extract %slice3A_1575[0] : f32 from vector<1xf32>
        %add3A_1577 = arith.constant 512 : i32
        %add3A_1578 = arith.addi %add3A_1577, %add3A_1559 : i32
        %get3A_1579 = arith.index_cast %add3A_1578 : i32 to index
        %get3A_1580 = arith.constant 0 : index
        %get3A_1581 = tpu.vector_load %arg15[%get3A_1579, %get3A_1580] {strides = array<i32>} : memref<4096x16xf32, #tpu.memory_space<vmem>>, vector<1x16xf32>,
        %get3A_1582 = vector.shape_cast %get3A_1581 : vector<1x16xf32> to vector<16xf32>
        %mul3A_1583 = vector.broadcast %squeeze3A_1576 : f32 to vector<16xf32>
        %mul3A_1584 = arith.mulf %mul3A_1583, %get3A_1582 : vector<16xf32>
        %add3A_1585 = arith.addf %add3A_1574, %mul3A_1584 : vector<16xf32>
        %slice3A_1586 = vector.extract_strided_slice %get3A_809 {offsets = [7], sizes = [1], strides = [1]} : vector<16xf32> to vector<1xf32>
        %squeeze3A_1587 = vector.extract %slice3A_1586[0] : f32 from vector<1xf32>
        %add3A_1588 = arith.constant 1024 : i32
        %add3A_1589 = arith.addi %add3A_1588, %add3A_1559 : i32
        %get3A_1590 = arith.index_cast %add3A_1589 : i32 to index
        %get3A_1591 = arith.constant 0 : index
        %get3A_1592 = tpu.vector_load %arg15[%get3A_1590, %get3A_1591] {strides = array<i32>} : memref<4096x16xf32, #tpu.memory_space<vmem>>, vector<1x16xf32>,
        %get3A_1593 = vector.shape_cast %get3A_1592 : vector<1x16xf32> to vector<16xf32>
        %mul3A_1594 = vector.broadcast %squeeze3A_1587 : f32 to vector<16xf32>
        %mul3A_1595 = arith.mulf %mul3A_1594, %get3A_1593 : vector<16xf32>
        %add3A_1596 = arith.addf %add3A_1585, %mul3A_1595 : vector<16xf32>
        %slice3A_1597 = vector.extract_strided_slice %get3A_816 {offsets = [7], sizes = [1], strides = [1]} : vector<16xf32> to vector<1xf32>
        %squeeze3A_1598 = vector.extract %slice3A_1597[0] : f32 from vector<1xf32>
        %add3A_1599 = arith.constant 1536 : i32
        %add3A_1600 = arith.addi %add3A_1599, %add3A_1559 : i32
        %get3A_1601 = arith.index_cast %add3A_1600 : i32 to index
        %get3A_1602 = arith.constant 0 : index
        %get3A_1603 = tpu.vector_load %arg15[%get3A_1601, %get3A_1602] {strides = array<i32>} : memref<4096x16xf32, #tpu.memory_space<vmem>>, vector<1x16xf32>,
        %get3A_1604 = vector.shape_cast %get3A_1603 : vector<1x16xf32> to vector<16xf32>
        %mul3A_1605 = vector.broadcast %squeeze3A_1598 : f32 to vector<16xf32>
        %mul3A_1606 = arith.mulf %mul3A_1605, %get3A_1604 : vector<16xf32>
        %add3A_1607 = arith.addf %add3A_1596, %mul3A_1606 : vector<16xf32>
        %slice3A_1608 = vector.extract_strided_slice %get3A_823 {offsets = [7], sizes = [1], strides = [1]} : vector<16xf32> to vector<1xf32>
        %squeeze3A_1609 = vector.extract %slice3A_1608[0] : f32 from vector<1xf32>
        %add3A_1610 = arith.constant 2048 : i32
        %add3A_1611 = arith.addi %add3A_1610, %add3A_1559 : i32
        %get3A_1612 = arith.index_cast %add3A_1611 : i32 to index
        %get3A_1613 = arith.constant 0 : index
        %get3A_1614 = tpu.vector_load %arg15[%get3A_1612, %get3A_1613] {strides = array<i32>} : memref<4096x16xf32, #tpu.memory_space<vmem>>, vector<1x16xf32>,
        %get3A_1615 = vector.shape_cast %get3A_1614 : vector<1x16xf32> to vector<16xf32>
        %mul3A_1616 = vector.broadcast %squeeze3A_1609 : f32 to vector<16xf32>
        %mul3A_1617 = arith.mulf %mul3A_1616, %get3A_1615 : vector<16xf32>
        %add3A_1618 = arith.addf %add3A_1607, %mul3A_1617 : vector<16xf32>
        %slice3A_1619 = vector.extract_strided_slice %get3A_830 {offsets = [7], sizes = [1], strides = [1]} : vector<16xf32> to vector<1xf32>
        %squeeze3A_1620 = vector.extract %slice3A_1619[0] : f32 from vector<1xf32>
        %add3A_1621 = arith.constant 2560 : i32
        %add3A_1622 = arith.addi %add3A_1621, %add3A_1559 : i32
        %get3A_1623 = arith.index_cast %add3A_1622 : i32 to index
        %get3A_1624 = arith.constant 0 : index
        %get3A_1625 = tpu.vector_load %arg15[%get3A_1623, %get3A_1624] {strides = array<i32>} : memref<4096x16xf32, #tpu.memory_space<vmem>>, vector<1x16xf32>,
        %get3A_1626 = vector.shape_cast %get3A_1625 : vector<1x16xf32> to vector<16xf32>
        %mul3A_1627 = vector.broadcast %squeeze3A_1620 : f32 to vector<16xf32>
        %mul3A_1628 = arith.mulf %mul3A_1627, %get3A_1626 : vector<16xf32>
        %add3A_1629 = arith.addf %add3A_1618, %mul3A_1628 : vector<16xf32>
        %slice3A_1630 = vector.extract_strided_slice %get3A_837 {offsets = [7], sizes = [1], strides = [1]} : vector<16xf32> to vector<1xf32>
        %squeeze3A_1631 = vector.extract %slice3A_1630[0] : f32 from vector<1xf32>
        %add3A_1632 = arith.constant 3072 : i32
        %add3A_1633 = arith.addi %add3A_1632, %add3A_1559 : i32
        %get3A_1634 = arith.index_cast %add3A_1633 : i32 to index
        %get3A_1635 = arith.constant 0 : index
        %get3A_1636 = tpu.vector_load %arg15[%get3A_1634, %get3A_1635] {strides = array<i32>} : memref<4096x16xf32, #tpu.memory_space<vmem>>, vector<1x16xf32>,
        %get3A_1637 = vector.shape_cast %get3A_1636 : vector<1x16xf32> to vector<16xf32>
        %mul3A_1638 = vector.broadcast %squeeze3A_1631 : f32 to vector<16xf32>
        %mul3A_1639 = arith.mulf %mul3A_1638, %get3A_1637 : vector<16xf32>
        %add3A_1640 = arith.addf %add3A_1629, %mul3A_1639 : vector<16xf32>
        %slice3A_1641 = vector.extract_strided_slice %get3A_844 {offsets = [7], sizes = [1], strides = [1]} : vector<16xf32> to vector<1xf32>
        %squeeze3A_1642 = vector.extract %slice3A_1641[0] : f32 from vector<1xf32>
        %add3A_1643 = arith.constant 3584 : i32
        %add3A_1644 = arith.addi %add3A_1643, %add3A_1559 : i32
        %get3A_1645 = arith.index_cast %add3A_1644 : i32 to index
        %get3A_1646 = arith.constant 0 : index
        %get3A_1647 = tpu.vector_load %arg15[%get3A_1645, %get3A_1646] {strides = array<i32>} : memref<4096x16xf32, #tpu.memory_space<vmem>>, vector<1x16xf32>,
        %get3A_1648 = vector.shape_cast %get3A_1647 : vector<1x16xf32> to vector<16xf32>
        %mul3A_1649 = vector.broadcast %squeeze3A_1642 : f32 to vector<16xf32>
        %mul3A_1650 = arith.mulf %mul3A_1649, %get3A_1648 : vector<16xf32>
        %add3A_1651 = arith.addf %add3A_1640, %mul3A_1650 : vector<16xf32>
        %mul3A_1652 = arith.constant 16 : i32
        %mul3A_1653 = arith.muli %add3A_1559, %mul3A_1652 : i32
        %swap3A_1654 = arith.index_cast %mul3A_1653 : i32 to index
        %swap3A_1655 = tpu.vector_load %arg17[%swap3A_1654] {strides = array<i32>} : memref<8192xf32, #tpu.memory_space<vmem>>, vector<16xf32>,
        %swap3A_1656 = vector.shape_cast %swap3A_1655 : vector<16xf32> to vector<16xf32>
        %swap3A_1657 = vector.shape_cast %add3A_1651 : vector<16xf32> to vector<16xf32>
        tpu.vector_store %arg17[%swap3A_1654], %swap3A_1657 {strides = array<i32>} : memref<8192xf32, #tpu.memory_space<vmem>>, vector<16xf32>,
        %mul3A_1658 = arith.constant 16 : i32
        %mul3A_1659 = arith.muli %scan3A_789, %mul3A_1658 : i32
        %add3A_1660 = arith.constant 8 : i32
        %add3A_1661 = arith.addi %mul3A_1659, %add3A_1660 : i32
        %get3A_1662 = arith.index_cast %add3A_1661 : i32 to index
        %get3A_1663 = arith.constant 0 : index
        %get3A_1664 = tpu.vector_load %arg16[%get3A_1662, %get3A_1663] {strides = array<i32>} : memref<512x16xf32, #tpu.memory_space<vmem>>, vector<1x16xf32>,
        %get3A_1665 = vector.shape_cast %get3A_1664 : vector<1x16xf32> to vector<16xf32>
        %slice3A_1666 = vector.extract_strided_slice %get3A_795 {offsets = [8], sizes = [1], strides = [1]} : vector<16xf32> to vector<1xf32>
        %squeeze3A_1667 = vector.extract %slice3A_1666[0] : f32 from vector<1xf32>
        %add3A_1668 = arith.constant 0 : i32
        %add3A_1669 = arith.addi %add3A_1668, %add3A_1661 : i32
        %get3A_1670 = arith.index_cast %add3A_1669 : i32 to index
        %get3A_1671 = arith.constant 0 : index
        %get3A_1672 = tpu.vector_load %arg15[%get3A_1670, %get3A_1671] {strides = array<i32>} : memref<4096x16xf32, #tpu.memory_space<vmem>>, vector<1x16xf32>,
        %get3A_1673 = vector.shape_cast %get3A_1672 : vector<1x16xf32> to vector<16xf32>
        %mul3A_1674 = vector.broadcast %squeeze3A_1667 : f32 to vector<16xf32>
        %mul3A_1675 = arith.mulf %mul3A_1674, %get3A_1673 : vector<16xf32>
        %add3A_1676 = arith.addf %get3A_1665, %mul3A_1675 : vector<16xf32>
        %slice3A_1677 = vector.extract_strided_slice %get3A_802 {offsets = [8], sizes = [1], strides = [1]} : vector<16xf32> to vector<1xf32>
        %squeeze3A_1678 = vector.extract %slice3A_1677[0] : f32 from vector<1xf32>
        %add3A_1679 = arith.constant 512 : i32
        %add3A_1680 = arith.addi %add3A_1679, %add3A_1661 : i32
        %get3A_1681 = arith.index_cast %add3A_1680 : i32 to index
        %get3A_1682 = arith.constant 0 : index
        %get3A_1683 = tpu.vector_load %arg15[%get3A_1681, %get3A_1682] {strides = array<i32>} : memref<4096x16xf32, #tpu.memory_space<vmem>>, vector<1x16xf32>,
        %get3A_1684 = vector.shape_cast %get3A_1683 : vector<1x16xf32> to vector<16xf32>
        %mul3A_1685 = vector.broadcast %squeeze3A_1678 : f32 to vector<16xf32>
        %mul3A_1686 = arith.mulf %mul3A_1685, %get3A_1684 : vector<16xf32>
        %add3A_1687 = arith.addf %add3A_1676, %mul3A_1686 : vector<16xf32>
        %slice3A_1688 = vector.extract_strided_slice %get3A_809 {offsets = [8], sizes = [1], strides = [1]} : vector<16xf32> to vector<1xf32>
        %squeeze3A_1689 = vector.extract %slice3A_1688[0] : f32 from vector<1xf32>
        %add3A_1690 = arith.constant 1024 : i32
        %add3A_1691 = arith.addi %add3A_1690, %add3A_1661 : i32
        %get3A_1692 = arith.index_cast %add3A_1691 : i32 to index
        %get3A_1693 = arith.constant 0 : index
        %get3A_1694 = tpu.vector_load %arg15[%get3A_1692, %get3A_1693] {strides = array<i32>} : memref<4096x16xf32, #tpu.memory_space<vmem>>, vector<1x16xf32>,
        %get3A_1695 = vector.shape_cast %get3A_1694 : vector<1x16xf32> to vector<16xf32>
        %mul3A_1696 = vector.broadcast %squeeze3A_1689 : f32 to vector<16xf32>
        %mul3A_1697 = arith.mulf %mul3A_1696, %get3A_1695 : vector<16xf32>
        %add3A_1698 = arith.addf %add3A_1687, %mul3A_1697 : vector<16xf32>
        %slice3A_1699 = vector.extract_strided_slice %get3A_816 {offsets = [8], sizes = [1], strides = [1]} : vector<16xf32> to vector<1xf32>
        %squeeze3A_1700 = vector.extract %slice3A_1699[0] : f32 from vector<1xf32>
        %add3A_1701 = arith.constant 1536 : i32
        %add3A_1702 = arith.addi %add3A_1701, %add3A_1661 : i32
        %get3A_1703 = arith.index_cast %add3A_1702 : i32 to index
        %get3A_1704 = arith.constant 0 : index
        %get3A_1705 = tpu.vector_load %arg15[%get3A_1703, %get3A_1704] {strides = array<i32>} : memref<4096x16xf32, #tpu.memory_space<vmem>>, vector<1x16xf32>,
        %get3A_1706 = vector.shape_cast %get3A_1705 : vector<1x16xf32> to vector<16xf32>
        %mul3A_1707 = vector.broadcast %squeeze3A_1700 : f32 to vector<16xf32>
        %mul3A_1708 = arith.mulf %mul3A_1707, %get3A_1706 : vector<16xf32>
        %add3A_1709 = arith.addf %add3A_1698, %mul3A_1708 : vector<16xf32>
        %slice3A_1710 = vector.extract_strided_slice %get3A_823 {offsets = [8], sizes = [1], strides = [1]} : vector<16xf32> to vector<1xf32>
        %squeeze3A_1711 = vector.extract %slice3A_1710[0] : f32 from vector<1xf32>
        %add3A_1712 = arith.constant 2048 : i32
        %add3A_1713 = arith.addi %add3A_1712, %add3A_1661 : i32
        %get3A_1714 = arith.index_cast %add3A_1713 : i32 to index
        %get3A_1715 = arith.constant 0 : index
        %get3A_1716 = tpu.vector_load %arg15[%get3A_1714, %get3A_1715] {strides = array<i32>} : memref<4096x16xf32, #tpu.memory_space<vmem>>, vector<1x16xf32>,
        %get3A_1717 = vector.shape_cast %get3A_1716 : vector<1x16xf32> to vector<16xf32>
        %mul3A_1718 = vector.broadcast %squeeze3A_1711 : f32 to vector<16xf32>
        %mul3A_1719 = arith.mulf %mul3A_1718, %get3A_1717 : vector<16xf32>
        %add3A_1720 = arith.addf %add3A_1709, %mul3A_1719 : vector<16xf32>
        %slice3A_1721 = vector.extract_strided_slice %get3A_830 {offsets = [8], sizes = [1], strides = [1]} : vector<16xf32> to vector<1xf32>
        %squeeze3A_1722 = vector.extract %slice3A_1721[0] : f32 from vector<1xf32>
        %add3A_1723 = arith.constant 2560 : i32
        %add3A_1724 = arith.addi %add3A_1723, %add3A_1661 : i32
        %get3A_1725 = arith.index_cast %add3A_1724 : i32 to index
        %get3A_1726 = arith.constant 0 : index
        %get3A_1727 = tpu.vector_load %arg15[%get3A_1725, %get3A_1726] {strides = array<i32>} : memref<4096x16xf32, #tpu.memory_space<vmem>>, vector<1x16xf32>,
        %get3A_1728 = vector.shape_cast %get3A_1727 : vector<1x16xf32> to vector<16xf32>
        %mul3A_1729 = vector.broadcast %squeeze3A_1722 : f32 to vector<16xf32>
        %mul3A_1730 = arith.mulf %mul3A_1729, %get3A_1728 : vector<16xf32>
        %add3A_1731 = arith.addf %add3A_1720, %mul3A_1730 : vector<16xf32>
        %slice3A_1732 = vector.extract_strided_slice %get3A_837 {offsets = [8], sizes = [1], strides = [1]} : vector<16xf32> to vector<1xf32>
        %squeeze3A_1733 = vector.extract %slice3A_1732[0] : f32 from vector<1xf32>
        %add3A_1734 = arith.constant 3072 : i32
        %add3A_1735 = arith.addi %add3A_1734, %add3A_1661 : i32
        %get3A_1736 = arith.index_cast %add3A_1735 : i32 to index
        %get3A_1737 = arith.constant 0 : index
        %get3A_1738 = tpu.vector_load %arg15[%get3A_1736, %get3A_1737] {strides = array<i32>} : memref<4096x16xf32, #tpu.memory_space<vmem>>, vector<1x16xf32>,
        %get3A_1739 = vector.shape_cast %get3A_1738 : vector<1x16xf32> to vector<16xf32>
        %mul3A_1740 = vector.broadcast %squeeze3A_1733 : f32 to vector<16xf32>
        %mul3A_1741 = arith.mulf %mul3A_1740, %get3A_1739 : vector<16xf32>
        %add3A_1742 = arith.addf %add3A_1731, %mul3A_1741 : vector<16xf32>
        %slice3A_1743 = vector.extract_strided_slice %get3A_844 {offsets = [8], sizes = [1], strides = [1]} : vector<16xf32> to vector<1xf32>
        %squeeze3A_1744 = vector.extract %slice3A_1743[0] : f32 from vector<1xf32>
        %add3A_1745 = arith.constant 3584 : i32
        %add3A_1746 = arith.addi %add3A_1745, %add3A_1661 : i32
        %get3A_1747 = arith.index_cast %add3A_1746 : i32 to index
        %get3A_1748 = arith.constant 0 : index
        %get3A_1749 = tpu.vector_load %arg15[%get3A_1747, %get3A_1748] {strides = array<i32>} : memref<4096x16xf32, #tpu.memory_space<vmem>>, vector<1x16xf32>,
        %get3A_1750 = vector.shape_cast %get3A_1749 : vector<1x16xf32> to vector<16xf32>
        %mul3A_1751 = vector.broadcast %squeeze3A_1744 : f32 to vector<16xf32>
        %mul3A_1752 = arith.mulf %mul3A_1751, %get3A_1750 : vector<16xf32>
        %add3A_1753 = arith.addf %add3A_1742, %mul3A_1752 : vector<16xf32>
        %mul3A_1754 = arith.constant 16 : i32
        %mul3A_1755 = arith.muli %add3A_1661, %mul3A_1754 : i32
        %swap3A_1756 = arith.index_cast %mul3A_1755 : i32 to index
        %swap3A_1757 = tpu.vector_load %arg17[%swap3A_1756] {strides = array<i32>} : memref<8192xf32, #tpu.memory_space<vmem>>, vector<16xf32>,
        %swap3A_1758 = vector.shape_cast %swap3A_1757 : vector<16xf32> to vector<16xf32>
        %swap3A_1759 = vector.shape_cast %add3A_1753 : vector<16xf32> to vector<16xf32>
        tpu.vector_store %arg17[%swap3A_1756], %swap3A_1759 {strides = array<i32>} : memref<8192xf32, #tpu.memory_space<vmem>>, vector<16xf32>,
        %mul3A_1760 = arith.constant 16 : i32
        %mul3A_1761 = arith.muli %scan3A_789, %mul3A_1760 : i32
        %add3A_1762 = arith.constant 9 : i32
        %add3A_1763 = arith.addi %mul3A_1761, %add3A_1762 : i32
        %get3A_1764 = arith.index_cast %add3A_1763 : i32 to index
        %get3A_1765 = arith.constant 0 : index
        %get3A_1766 = tpu.vector_load %arg16[%get3A_1764, %get3A_1765] {strides = array<i32>} : memref<512x16xf32, #tpu.memory_space<vmem>>, vector<1x16xf32>,
        %get3A_1767 = vector.shape_cast %get3A_1766 : vector<1x16xf32> to vector<16xf32>
        %slice3A_1768 = vector.extract_strided_slice %get3A_795 {offsets = [9], sizes = [1], strides = [1]} : vector<16xf32> to vector<1xf32>
        %squeeze3A_1769 = vector.extract %slice3A_1768[0] : f32 from vector<1xf32>
        %add3A_1770 = arith.constant 0 : i32
        %add3A_1771 = arith.addi %add3A_1770, %add3A_1763 : i32
        %get3A_1772 = arith.index_cast %add3A_1771 : i32 to index
        %get3A_1773 = arith.constant 0 : index
        %get3A_1774 = tpu.vector_load %arg15[%get3A_1772, %get3A_1773] {strides = array<i32>} : memref<4096x16xf32, #tpu.memory_space<vmem>>, vector<1x16xf32>,
        %get3A_1775 = vector.shape_cast %get3A_1774 : vector<1x16xf32> to vector<16xf32>
        %mul3A_1776 = vector.broadcast %squeeze3A_1769 : f32 to vector<16xf32>
        %mul3A_1777 = arith.mulf %mul3A_1776, %get3A_1775 : vector<16xf32>
        %add3A_1778 = arith.addf %get3A_1767, %mul3A_1777 : vector<16xf32>
        %slice3A_1779 = vector.extract_strided_slice %get3A_802 {offsets = [9], sizes = [1], strides = [1]} : vector<16xf32> to vector<1xf32>
        %squeeze3A_1780 = vector.extract %slice3A_1779[0] : f32 from vector<1xf32>
        %add3A_1781 = arith.constant 512 : i32
        %add3A_1782 = arith.addi %add3A_1781, %add3A_1763 : i32
        %get3A_1783 = arith.index_cast %add3A_1782 : i32 to index
        %get3A_1784 = arith.constant 0 : index
        %get3A_1785 = tpu.vector_load %arg15[%get3A_1783, %get3A_1784] {strides = array<i32>} : memref<4096x16xf32, #tpu.memory_space<vmem>>, vector<1x16xf32>,
        %get3A_1786 = vector.shape_cast %get3A_1785 : vector<1x16xf32> to vector<16xf32>
        %mul3A_1787 = vector.broadcast %squeeze3A_1780 : f32 to vector<16xf32>
        %mul3A_1788 = arith.mulf %mul3A_1787, %get3A_1786 : vector<16xf32>
        %add3A_1789 = arith.addf %add3A_1778, %mul3A_1788 : vector<16xf32>
        %slice3A_1790 = vector.extract_strided_slice %get3A_809 {offsets = [9], sizes = [1], strides = [1]} : vector<16xf32> to vector<1xf32>
        %squeeze3A_1791 = vector.extract %slice3A_1790[0] : f32 from vector<1xf32>
        %add3A_1792 = arith.constant 1024 : i32
        %add3A_1793 = arith.addi %add3A_1792, %add3A_1763 : i32
        %get3A_1794 = arith.index_cast %add3A_1793 : i32 to index
        %get3A_1795 = arith.constant 0 : index
        %get3A_1796 = tpu.vector_load %arg15[%get3A_1794, %get3A_1795] {strides = array<i32>} : memref<4096x16xf32, #tpu.memory_space<vmem>>, vector<1x16xf32>,
        %get3A_1797 = vector.shape_cast %get3A_1796 : vector<1x16xf32> to vector<16xf32>
        %mul3A_1798 = vector.broadcast %squeeze3A_1791 : f32 to vector<16xf32>
        %mul3A_1799 = arith.mulf %mul3A_1798, %get3A_1797 : vector<16xf32>
        %add3A_1800 = arith.addf %add3A_1789, %mul3A_1799 : vector<16xf32>
        %slice3A_1801 = vector.extract_strided_slice %get3A_816 {offsets = [9], sizes = [1], strides = [1]} : vector<16xf32> to vector<1xf32>
        %squeeze3A_1802 = vector.extract %slice3A_1801[0] : f32 from vector<1xf32>
        %add3A_1803 = arith.constant 1536 : i32
        %add3A_1804 = arith.addi %add3A_1803, %add3A_1763 : i32
        %get3A_1805 = arith.index_cast %add3A_1804 : i32 to index
        %get3A_1806 = arith.constant 0 : index
        %get3A_1807 = tpu.vector_load %arg15[%get3A_1805, %get3A_1806] {strides = array<i32>} : memref<4096x16xf32, #tpu.memory_space<vmem>>, vector<1x16xf32>,
        %get3A_1808 = vector.shape_cast %get3A_1807 : vector<1x16xf32> to vector<16xf32>
        %mul3A_1809 = vector.broadcast %squeeze3A_1802 : f32 to vector<16xf32>
        %mul3A_1810 = arith.mulf %mul3A_1809, %get3A_1808 : vector<16xf32>
        %add3A_1811 = arith.addf %add3A_1800, %mul3A_1810 : vector<16xf32>
        %slice3A_1812 = vector.extract_strided_slice %get3A_823 {offsets = [9], sizes = [1], strides = [1]} : vector<16xf32> to vector<1xf32>
        %squeeze3A_1813 = vector.extract %slice3A_1812[0] : f32 from vector<1xf32>
        %add3A_1814 = arith.constant 2048 : i32
        %add3A_1815 = arith.addi %add3A_1814, %add3A_1763 : i32
        %get3A_1816 = arith.index_cast %add3A_1815 : i32 to index
        %get3A_1817 = arith.constant 0 : index
        %get3A_1818 = tpu.vector_load %arg15[%get3A_1816, %get3A_1817] {strides = array<i32>} : memref<4096x16xf32, #tpu.memory_space<vmem>>, vector<1x16xf32>,
        %get3A_1819 = vector.shape_cast %get3A_1818 : vector<1x16xf32> to vector<16xf32>
        %mul3A_1820 = vector.broadcast %squeeze3A_1813 : f32 to vector<16xf32>
        %mul3A_1821 = arith.mulf %mul3A_1820, %get3A_1819 : vector<16xf32>
        %add3A_1822 = arith.addf %add3A_1811, %mul3A_1821 : vector<16xf32>
        %slice3A_1823 = vector.extract_strided_slice %get3A_830 {offsets = [9], sizes = [1], strides = [1]} : vector<16xf32> to vector<1xf32>
        %squeeze3A_1824 = vector.extract %slice3A_1823[0] : f32 from vector<1xf32>
        %add3A_1825 = arith.constant 2560 : i32
        %add3A_1826 = arith.addi %add3A_1825, %add3A_1763 : i32
        %get3A_1827 = arith.index_cast %add3A_1826 : i32 to index
        %get3A_1828 = arith.constant 0 : index
        %get3A_1829 = tpu.vector_load %arg15[%get3A_1827, %get3A_1828] {strides = array<i32>} : memref<4096x16xf32, #tpu.memory_space<vmem>>, vector<1x16xf32>,
        %get3A_1830 = vector.shape_cast %get3A_1829 : vector<1x16xf32> to vector<16xf32>
        %mul3A_1831 = vector.broadcast %squeeze3A_1824 : f32 to vector<16xf32>
        %mul3A_1832 = arith.mulf %mul3A_1831, %get3A_1830 : vector<16xf32>
        %add3A_1833 = arith.addf %add3A_1822, %mul3A_1832 : vector<16xf32>
        %slice3A_1834 = vector.extract_strided_slice %get3A_837 {offsets = [9], sizes = [1], strides = [1]} : vector<16xf32> to vector<1xf32>
        %squeeze3A_1835 = vector.extract %slice3A_1834[0] : f32 from vector<1xf32>
        %add3A_1836 = arith.constant 3072 : i32
        %add3A_1837 = arith.addi %add3A_1836, %add3A_1763 : i32
        %get3A_1838 = arith.index_cast %add3A_1837 : i32 to index
        %get3A_1839 = arith.constant 0 : index
        %get3A_1840 = tpu.vector_load %arg15[%get3A_1838, %get3A_1839] {strides = array<i32>} : memref<4096x16xf32, #tpu.memory_space<vmem>>, vector<1x16xf32>,
        %get3A_1841 = vector.shape_cast %get3A_1840 : vector<1x16xf32> to vector<16xf32>
        %mul3A_1842 = vector.broadcast %squeeze3A_1835 : f32 to vector<16xf32>
        %mul3A_1843 = arith.mulf %mul3A_1842, %get3A_1841 : vector<16xf32>
        %add3A_1844 = arith.addf %add3A_1833, %mul3A_1843 : vector<16xf32>
        %slice3A_1845 = vector.extract_strided_slice %get3A_844 {offsets = [9], sizes = [1], strides = [1]} : vector<16xf32> to vector<1xf32>
        %squeeze3A_1846 = vector.extract %slice3A_1845[0] : f32 from vector<1xf32>
        %add3A_1847 = arith.constant 3584 : i32
        %add3A_1848 = arith.addi %add3A_1847, %add3A_1763 : i32
        %get3A_1849 = arith.index_cast %add3A_1848 : i32 to index
        %get3A_1850 = arith.constant 0 : index
        %get3A_1851 = tpu.vector_load %arg15[%get3A_1849, %get3A_1850] {strides = array<i32>} : memref<4096x16xf32, #tpu.memory_space<vmem>>, vector<1x16xf32>,
        %get3A_1852 = vector.shape_cast %get3A_1851 : vector<1x16xf32> to vector<16xf32>
        %mul3A_1853 = vector.broadcast %squeeze3A_1846 : f32 to vector<16xf32>
        %mul3A_1854 = arith.mulf %mul3A_1853, %get3A_1852 : vector<16xf32>
        %add3A_1855 = arith.addf %add3A_1844, %mul3A_1854 : vector<16xf32>
        %mul3A_1856 = arith.constant 16 : i32
        %mul3A_1857 = arith.muli %add3A_1763, %mul3A_1856 : i32
        %swap3A_1858 = arith.index_cast %mul3A_1857 : i32 to index
        %swap3A_1859 = tpu.vector_load %arg17[%swap3A_1858] {strides = array<i32>} : memref<8192xf32, #tpu.memory_space<vmem>>, vector<16xf32>,
        %swap3A_1860 = vector.shape_cast %swap3A_1859 : vector<16xf32> to vector<16xf32>
        %swap3A_1861 = vector.shape_cast %add3A_1855 : vector<16xf32> to vector<16xf32>
        tpu.vector_store %arg17[%swap3A_1858], %swap3A_1861 {strides = array<i32>} : memref<8192xf32, #tpu.memory_space<vmem>>, vector<16xf32>,
        %mul3A_1862 = arith.constant 16 : i32
        %mul3A_1863 = arith.muli %scan3A_789, %mul3A_1862 : i32
        %add3A_1864 = arith.constant 10 : i32
        %add3A_1865 = arith.addi %mul3A_1863, %add3A_1864 : i32
        %get3A_1866 = arith.index_cast %add3A_1865 : i32 to index
        %get3A_1867 = arith.constant 0 : index
        %get3A_1868 = tpu.vector_load %arg16[%get3A_1866, %get3A_1867] {strides = array<i32>} : memref<512x16xf32, #tpu.memory_space<vmem>>, vector<1x16xf32>,
        %get3A_1869 = vector.shape_cast %get3A_1868 : vector<1x16xf32> to vector<16xf32>
        %slice3A_1870 = vector.extract_strided_slice %get3A_795 {offsets = [10], sizes = [1], strides = [1]} : vector<16xf32> to vector<1xf32>
        %squeeze3A_1871 = vector.extract %slice3A_1870[0] : f32 from vector<1xf32>
        %add3A_1872 = arith.constant 0 : i32
        %add3A_1873 = arith.addi %add3A_1872, %add3A_1865 : i32
        %get3A_1874 = arith.index_cast %add3A_1873 : i32 to index
        %get3A_1875 = arith.constant 0 : index
        %get3A_1876 = tpu.vector_load %arg15[%get3A_1874, %get3A_1875] {strides = array<i32>} : memref<4096x16xf32, #tpu.memory_space<vmem>>, vector<1x16xf32>,
        %get3A_1877 = vector.shape_cast %get3A_1876 : vector<1x16xf32> to vector<16xf32>
        %mul3A_1878 = vector.broadcast %squeeze3A_1871 : f32 to vector<16xf32>
        %mul3A_1879 = arith.mulf %mul3A_1878, %get3A_1877 : vector<16xf32>
        %add3A_1880 = arith.addf %get3A_1869, %mul3A_1879 : vector<16xf32>
        %slice3A_1881 = vector.extract_strided_slice %get3A_802 {offsets = [10], sizes = [1], strides = [1]} : vector<16xf32> to vector<1xf32>
        %squeeze3A_1882 = vector.extract %slice3A_1881[0] : f32 from vector<1xf32>
        %add3A_1883 = arith.constant 512 : i32
        %add3A_1884 = arith.addi %add3A_1883, %add3A_1865 : i32
        %get3A_1885 = arith.index_cast %add3A_1884 : i32 to index
        %get3A_1886 = arith.constant 0 : index
        %get3A_1887 = tpu.vector_load %arg15[%get3A_1885, %get3A_1886] {strides = array<i32>} : memref<4096x16xf32, #tpu.memory_space<vmem>>, vector<1x16xf32>,
        %get3A_1888 = vector.shape_cast %get3A_1887 : vector<1x16xf32> to vector<16xf32>
        %mul3A_1889 = vector.broadcast %squeeze3A_1882 : f32 to vector<16xf32>
        %mul3A_1890 = arith.mulf %mul3A_1889, %get3A_1888 : vector<16xf32>
        %add3A_1891 = arith.addf %add3A_1880, %mul3A_1890 : vector<16xf32>
        %slice3A_1892 = vector.extract_strided_slice %get3A_809 {offsets = [10], sizes = [1], strides = [1]} : vector<16xf32> to vector<1xf32>
        %squeeze3A_1893 = vector.extract %slice3A_1892[0] : f32 from vector<1xf32>
        %add3A_1894 = arith.constant 1024 : i32
        %add3A_1895 = arith.addi %add3A_1894, %add3A_1865 : i32
        %get3A_1896 = arith.index_cast %add3A_1895 : i32 to index
        %get3A_1897 = arith.constant 0 : index
        %get3A_1898 = tpu.vector_load %arg15[%get3A_1896, %get3A_1897] {strides = array<i32>} : memref<4096x16xf32, #tpu.memory_space<vmem>>, vector<1x16xf32>,
        %get3A_1899 = vector.shape_cast %get3A_1898 : vector<1x16xf32> to vector<16xf32>
        %mul3A_1900 = vector.broadcast %squeeze3A_1893 : f32 to vector<16xf32>
        %mul3A_1901 = arith.mulf %mul3A_1900, %get3A_1899 : vector<16xf32>
        %add3A_1902 = arith.addf %add3A_1891, %mul3A_1901 : vector<16xf32>
        %slice3A_1903 = vector.extract_strided_slice %get3A_816 {offsets = [10], sizes = [1], strides = [1]} : vector<16xf32> to vector<1xf32>
        %squeeze3A_1904 = vector.extract %slice3A_1903[0] : f32 from vector<1xf32>
        %add3A_1905 = arith.constant 1536 : i32
        %add3A_1906 = arith.addi %add3A_1905, %add3A_1865 : i32
        %get3A_1907 = arith.index_cast %add3A_1906 : i32 to index
        %get3A_1908 = arith.constant 0 : index
        %get3A_1909 = tpu.vector_load %arg15[%get3A_1907, %get3A_1908] {strides = array<i32>} : memref<4096x16xf32, #tpu.memory_space<vmem>>, vector<1x16xf32>,
        %get3A_1910 = vector.shape_cast %get3A_1909 : vector<1x16xf32> to vector<16xf32>
        %mul3A_1911 = vector.broadcast %squeeze3A_1904 : f32 to vector<16xf32>
        %mul3A_1912 = arith.mulf %mul3A_1911, %get3A_1910 : vector<16xf32>
        %add3A_1913 = arith.addf %add3A_1902, %mul3A_1912 : vector<16xf32>
        %slice3A_1914 = vector.extract_strided_slice %get3A_823 {offsets = [10], sizes = [1], strides = [1]} : vector<16xf32> to vector<1xf32>
        %squeeze3A_1915 = vector.extract %slice3A_1914[0] : f32 from vector<1xf32>
        %add3A_1916 = arith.constant 2048 : i32
        %add3A_1917 = arith.addi %add3A_1916, %add3A_1865 : i32
        %get3A_1918 = arith.index_cast %add3A_1917 : i32 to index
        %get3A_1919 = arith.constant 0 : index
        %get3A_1920 = tpu.vector_load %arg15[%get3A_1918, %get3A_1919] {strides = array<i32>} : memref<4096x16xf32, #tpu.memory_space<vmem>>, vector<1x16xf32>,
        %get3A_1921 = vector.shape_cast %get3A_1920 : vector<1x16xf32> to vector<16xf32>
        %mul3A_1922 = vector.broadcast %squeeze3A_1915 : f32 to vector<16xf32>
        %mul3A_1923 = arith.mulf %mul3A_1922, %get3A_1921 : vector<16xf32>
        %add3A_1924 = arith.addf %add3A_1913, %mul3A_1923 : vector<16xf32>
        %slice3A_1925 = vector.extract_strided_slice %get3A_830 {offsets = [10], sizes = [1], strides = [1]} : vector<16xf32> to vector<1xf32>
        %squeeze3A_1926 = vector.extract %slice3A_1925[0] : f32 from vector<1xf32>
        %add3A_1927 = arith.constant 2560 : i32
        %add3A_1928 = arith.addi %add3A_1927, %add3A_1865 : i32
        %get3A_1929 = arith.index_cast %add3A_1928 : i32 to index
        %get3A_1930 = arith.constant 0 : index
        %get3A_1931 = tpu.vector_load %arg15[%get3A_1929, %get3A_1930] {strides = array<i32>} : memref<4096x16xf32, #tpu.memory_space<vmem>>, vector<1x16xf32>,
        %get3A_1932 = vector.shape_cast %get3A_1931 : vector<1x16xf32> to vector<16xf32>
        %mul3A_1933 = vector.broadcast %squeeze3A_1926 : f32 to vector<16xf32>
        %mul3A_1934 = arith.mulf %mul3A_1933, %get3A_1932 : vector<16xf32>
        %add3A_1935 = arith.addf %add3A_1924, %mul3A_1934 : vector<16xf32>
        %slice3A_1936 = vector.extract_strided_slice %get3A_837 {offsets = [10], sizes = [1], strides = [1]} : vector<16xf32> to vector<1xf32>
        %squeeze3A_1937 = vector.extract %slice3A_1936[0] : f32 from vector<1xf32>
        %add3A_1938 = arith.constant 3072 : i32
        %add3A_1939 = arith.addi %add3A_1938, %add3A_1865 : i32
        %get3A_1940 = arith.index_cast %add3A_1939 : i32 to index
        %get3A_1941 = arith.constant 0 : index
        %get3A_1942 = tpu.vector_load %arg15[%get3A_1940, %get3A_1941] {strides = array<i32>} : memref<4096x16xf32, #tpu.memory_space<vmem>>, vector<1x16xf32>,
        %get3A_1943 = vector.shape_cast %get3A_1942 : vector<1x16xf32> to vector<16xf32>
        %mul3A_1944 = vector.broadcast %squeeze3A_1937 : f32 to vector<16xf32>
        %mul3A_1945 = arith.mulf %mul3A_1944, %get3A_1943 : vector<16xf32>
        %add3A_1946 = arith.addf %add3A_1935, %mul3A_1945 : vector<16xf32>
        %slice3A_1947 = vector.extract_strided_slice %get3A_844 {offsets = [10], sizes = [1], strides = [1]} : vector<16xf32> to vector<1xf32>
        %squeeze3A_1948 = vector.extract %slice3A_1947[0] : f32 from vector<1xf32>
        %add3A_1949 = arith.constant 3584 : i32
        %add3A_1950 = arith.addi %add3A_1949, %add3A_1865 : i32
        %get3A_1951 = arith.index_cast %add3A_1950 : i32 to index
        %get3A_1952 = arith.constant 0 : index
        %get3A_1953 = tpu.vector_load %arg15[%get3A_1951, %get3A_1952] {strides = array<i32>} : memref<4096x16xf32, #tpu.memory_space<vmem>>, vector<1x16xf32>,
        %get3A_1954 = vector.shape_cast %get3A_1953 : vector<1x16xf32> to vector<16xf32>
        %mul3A_1955 = vector.broadcast %squeeze3A_1948 : f32 to vector<16xf32>
        %mul3A_1956 = arith.mulf %mul3A_1955, %get3A_1954 : vector<16xf32>
        %add3A_1957 = arith.addf %add3A_1946, %mul3A_1956 : vector<16xf32>
        %mul3A_1958 = arith.constant 16 : i32
        %mul3A_1959 = arith.muli %add3A_1865, %mul3A_1958 : i32
        %swap3A_1960 = arith.index_cast %mul3A_1959 : i32 to index
        %swap3A_1961 = tpu.vector_load %arg17[%swap3A_1960] {strides = array<i32>} : memref<8192xf32, #tpu.memory_space<vmem>>, vector<16xf32>,
        %swap3A_1962 = vector.shape_cast %swap3A_1961 : vector<16xf32> to vector<16xf32>
        %swap3A_1963 = vector.shape_cast %add3A_1957 : vector<16xf32> to vector<16xf32>
        tpu.vector_store %arg17[%swap3A_1960], %swap3A_1963 {strides = array<i32>} : memref<8192xf32, #tpu.memory_space<vmem>>, vector<16xf32>,
        %mul3A_1964 = arith.constant 16 : i32
        %mul3A_1965 = arith.muli %scan3A_789, %mul3A_1964 : i32
        %add3A_1966 = arith.constant 11 : i32
        %add3A_1967 = arith.addi %mul3A_1965, %add3A_1966 : i32
        %get3A_1968 = arith.index_cast %add3A_1967 : i32 to index
        %get3A_1969 = arith.constant 0 : index
        %get3A_1970 = tpu.vector_load %arg16[%get3A_1968, %get3A_1969] {strides = array<i32>} : memref<512x16xf32, #tpu.memory_space<vmem>>, vector<1x16xf32>,
        %get3A_1971 = vector.shape_cast %get3A_1970 : vector<1x16xf32> to vector<16xf32>
        %slice3A_1972 = vector.extract_strided_slice %get3A_795 {offsets = [11], sizes = [1], strides = [1]} : vector<16xf32> to vector<1xf32>
        %squeeze3A_1973 = vector.extract %slice3A_1972[0] : f32 from vector<1xf32>
        %add3A_1974 = arith.constant 0 : i32
        %add3A_1975 = arith.addi %add3A_1974, %add3A_1967 : i32
        %get3A_1976 = arith.index_cast %add3A_1975 : i32 to index
        %get3A_1977 = arith.constant 0 : index
        %get3A_1978 = tpu.vector_load %arg15[%get3A_1976, %get3A_1977] {strides = array<i32>} : memref<4096x16xf32, #tpu.memory_space<vmem>>, vector<1x16xf32>,
        %get3A_1979 = vector.shape_cast %get3A_1978 : vector<1x16xf32> to vector<16xf32>
        %mul3A_1980 = vector.broadcast %squeeze3A_1973 : f32 to vector<16xf32>
        %mul3A_1981 = arith.mulf %mul3A_1980, %get3A_1979 : vector<16xf32>
        %add3A_1982 = arith.addf %get3A_1971, %mul3A_1981 : vector<16xf32>
        %slice3A_1983 = vector.extract_strided_slice %get3A_802 {offsets = [11], sizes = [1], strides = [1]} : vector<16xf32> to vector<1xf32>
        %squeeze3A_1984 = vector.extract %slice3A_1983[0] : f32 from vector<1xf32>
        %add3A_1985 = arith.constant 512 : i32
        %add3A_1986 = arith.addi %add3A_1985, %add3A_1967 : i32
        %get3A_1987 = arith.index_cast %add3A_1986 : i32 to index
        %get3A_1988 = arith.constant 0 : index
        %get3A_1989 = tpu.vector_load %arg15[%get3A_1987, %get3A_1988] {strides = array<i32>} : memref<4096x16xf32, #tpu.memory_space<vmem>>, vector<1x16xf32>,
        %get3A_1990 = vector.shape_cast %get3A_1989 : vector<1x16xf32> to vector<16xf32>
        %mul3A_1991 = vector.broadcast %squeeze3A_1984 : f32 to vector<16xf32>
        %mul3A_1992 = arith.mulf %mul3A_1991, %get3A_1990 : vector<16xf32>
        %add3A_1993 = arith.addf %add3A_1982, %mul3A_1992 : vector<16xf32>
        %slice3A_1994 = vector.extract_strided_slice %get3A_809 {offsets = [11], sizes = [1], strides = [1]} : vector<16xf32> to vector<1xf32>
        %squeeze3A_1995 = vector.extract %slice3A_1994[0] : f32 from vector<1xf32>
        %add3A_1996 = arith.constant 1024 : i32
        %add3A_1997 = arith.addi %add3A_1996, %add3A_1967 : i32
        %get3A_1998 = arith.index_cast %add3A_1997 : i32 to index
        %get3A_1999 = arith.constant 0 : index
        %get3A_2000 = tpu.vector_load %arg15[%get3A_1998, %get3A_1999] {strides = array<i32>} : memref<4096x16xf32, #tpu.memory_space<vmem>>, vector<1x16xf32>,
        %get3A_2001 = vector.shape_cast %get3A_2000 : vector<1x16xf32> to vector<16xf32>
        %mul3A_2002 = vector.broadcast %squeeze3A_1995 : f32 to vector<16xf32>
        %mul3A_2003 = arith.mulf %mul3A_2002, %get3A_2001 : vector<16xf32>
        %add3A_2004 = arith.addf %add3A_1993, %mul3A_2003 : vector<16xf32>
        %slice3A_2005 = vector.extract_strided_slice %get3A_816 {offsets = [11], sizes = [1], strides = [1]} : vector<16xf32> to vector<1xf32>
        %squeeze3A_2006 = vector.extract %slice3A_2005[0] : f32 from vector<1xf32>
        %add3A_2007 = arith.constant 1536 : i32
        %add3A_2008 = arith.addi %add3A_2007, %add3A_1967 : i32
        %get3A_2009 = arith.index_cast %add3A_2008 : i32 to index
        %get3A_2010 = arith.constant 0 : index
        %get3A_2011 = tpu.vector_load %arg15[%get3A_2009, %get3A_2010] {strides = array<i32>} : memref<4096x16xf32, #tpu.memory_space<vmem>>, vector<1x16xf32>,
        %get3A_2012 = vector.shape_cast %get3A_2011 : vector<1x16xf32> to vector<16xf32>
        %mul3A_2013 = vector.broadcast %squeeze3A_2006 : f32 to vector<16xf32>
        %mul3A_2014 = arith.mulf %mul3A_2013, %get3A_2012 : vector<16xf32>
        %add3A_2015 = arith.addf %add3A_2004, %mul3A_2014 : vector<16xf32>
        %slice3A_2016 = vector.extract_strided_slice %get3A_823 {offsets = [11], sizes = [1], strides = [1]} : vector<16xf32> to vector<1xf32>
        %squeeze3A_2017 = vector.extract %slice3A_2016[0] : f32 from vector<1xf32>
        %add3A_2018 = arith.constant 2048 : i32
        %add3A_2019 = arith.addi %add3A_2018, %add3A_1967 : i32
        %get3A_2020 = arith.index_cast %add3A_2019 : i32 to index
        %get3A_2021 = arith.constant 0 : index
        %get3A_2022 = tpu.vector_load %arg15[%get3A_2020, %get3A_2021] {strides = array<i32>} : memref<4096x16xf32, #tpu.memory_space<vmem>>, vector<1x16xf32>,
        %get3A_2023 = vector.shape_cast %get3A_2022 : vector<1x16xf32> to vector<16xf32>
        %mul3A_2024 = vector.broadcast %squeeze3A_2017 : f32 to vector<16xf32>
        %mul3A_2025 = arith.mulf %mul3A_2024, %get3A_2023 : vector<16xf32>
        %add3A_2026 = arith.addf %add3A_2015, %mul3A_2025 : vector<16xf32>
        %slice3A_2027 = vector.extract_strided_slice %get3A_830 {offsets = [11], sizes = [1], strides = [1]} : vector<16xf32> to vector<1xf32>
        %squeeze3A_2028 = vector.extract %slice3A_2027[0] : f32 from vector<1xf32>
        %add3A_2029 = arith.constant 2560 : i32
        %add3A_2030 = arith.addi %add3A_2029, %add3A_1967 : i32
        %get3A_2031 = arith.index_cast %add3A_2030 : i32 to index
        %get3A_2032 = arith.constant 0 : index
        %get3A_2033 = tpu.vector_load %arg15[%get3A_2031, %get3A_2032] {strides = array<i32>} : memref<4096x16xf32, #tpu.memory_space<vmem>>, vector<1x16xf32>,
        %get3A_2034 = vector.shape_cast %get3A_2033 : vector<1x16xf32> to vector<16xf32>
        %mul3A_2035 = vector.broadcast %squeeze3A_2028 : f32 to vector<16xf32>
        %mul3A_2036 = arith.mulf %mul3A_2035, %get3A_2034 : vector<16xf32>
        %add3A_2037 = arith.addf %add3A_2026, %mul3A_2036 : vector<16xf32>
        %slice3A_2038 = vector.extract_strided_slice %get3A_837 {offsets = [11], sizes = [1], strides = [1]} : vector<16xf32> to vector<1xf32>
        %squeeze3A_2039 = vector.extract %slice3A_2038[0] : f32 from vector<1xf32>
        %add3A_2040 = arith.constant 3072 : i32
        %add3A_2041 = arith.addi %add3A_2040, %add3A_1967 : i32
        %get3A_2042 = arith.index_cast %add3A_2041 : i32 to index
        %get3A_2043 = arith.constant 0 : index
        %get3A_2044 = tpu.vector_load %arg15[%get3A_2042, %get3A_2043] {strides = array<i32>} : memref<4096x16xf32, #tpu.memory_space<vmem>>, vector<1x16xf32>,
        %get3A_2045 = vector.shape_cast %get3A_2044 : vector<1x16xf32> to vector<16xf32>
        %mul3A_2046 = vector.broadcast %squeeze3A_2039 : f32 to vector<16xf32>
        %mul3A_2047 = arith.mulf %mul3A_2046, %get3A_2045 : vector<16xf32>
        %add3A_2048 = arith.addf %add3A_2037, %mul3A_2047 : vector<16xf32>
        %slice3A_2049 = vector.extract_strided_slice %get3A_844 {offsets = [11], sizes = [1], strides = [1]} : vector<16xf32> to vector<1xf32>
        %squeeze3A_2050 = vector.extract %slice3A_2049[0] : f32 from vector<1xf32>
        %add3A_2051 = arith.constant 3584 : i32
        %add3A_2052 = arith.addi %add3A_2051, %add3A_1967 : i32
        %get3A_2053 = arith.index_cast %add3A_2052 : i32 to index
        %get3A_2054 = arith.constant 0 : index
        %get3A_2055 = tpu.vector_load %arg15[%get3A_2053, %get3A_2054] {strides = array<i32>} : memref<4096x16xf32, #tpu.memory_space<vmem>>, vector<1x16xf32>,
        %get3A_2056 = vector.shape_cast %get3A_2055 : vector<1x16xf32> to vector<16xf32>
        %mul3A_2057 = vector.broadcast %squeeze3A_2050 : f32 to vector<16xf32>
        %mul3A_2058 = arith.mulf %mul3A_2057, %get3A_2056 : vector<16xf32>
        %add3A_2059 = arith.addf %add3A_2048, %mul3A_2058 : vector<16xf32>
        %mul3A_2060 = arith.constant 16 : i32
        %mul3A_2061 = arith.muli %add3A_1967, %mul3A_2060 : i32
        %swap3A_2062 = arith.index_cast %mul3A_2061 : i32 to index
        %swap3A_2063 = tpu.vector_load %arg17[%swap3A_2062] {strides = array<i32>} : memref<8192xf32, #tpu.memory_space<vmem>>, vector<16xf32>,
        %swap3A_2064 = vector.shape_cast %swap3A_2063 : vector<16xf32> to vector<16xf32>
        %swap3A_2065 = vector.shape_cast %add3A_2059 : vector<16xf32> to vector<16xf32>
        tpu.vector_store %arg17[%swap3A_2062], %swap3A_2065 {strides = array<i32>} : memref<8192xf32, #tpu.memory_space<vmem>>, vector<16xf32>,
        %mul3A_2066 = arith.constant 16 : i32
        %mul3A_2067 = arith.muli %scan3A_789, %mul3A_2066 : i32
        %add3A_2068 = arith.constant 12 : i32
        %add3A_2069 = arith.addi %mul3A_2067, %add3A_2068 : i32
        %get3A_2070 = arith.index_cast %add3A_2069 : i32 to index
        %get3A_2071 = arith.constant 0 : index
        %get3A_2072 = tpu.vector_load %arg16[%get3A_2070, %get3A_2071] {strides = array<i32>} : memref<512x16xf32, #tpu.memory_space<vmem>>, vector<1x16xf32>,
        %get3A_2073 = vector.shape_cast %get3A_2072 : vector<1x16xf32> to vector<16xf32>
        %slice3A_2074 = vector.extract_strided_slice %get3A_795 {offsets = [12], sizes = [1], strides = [1]} : vector<16xf32> to vector<1xf32>
        %squeeze3A_2075 = vector.extract %slice3A_2074[0] : f32 from vector<1xf32>
        %add3A_2076 = arith.constant 0 : i32
        %add3A_2077 = arith.addi %add3A_2076, %add3A_2069 : i32
        %get3A_2078 = arith.index_cast %add3A_2077 : i32 to index
        %get3A_2079 = arith.constant 0 : index
        %get3A_2080 = tpu.vector_load %arg15[%get3A_2078, %get3A_2079] {strides = array<i32>} : memref<4096x16xf32, #tpu.memory_space<vmem>>, vector<1x16xf32>,
        %get3A_2081 = vector.shape_cast %get3A_2080 : vector<1x16xf32> to vector<16xf32>
        %mul3A_2082 = vector.broadcast %squeeze3A_2075 : f32 to vector<16xf32>
        %mul3A_2083 = arith.mulf %mul3A_2082, %get3A_2081 : vector<16xf32>
        %add3A_2084 = arith.addf %get3A_2073, %mul3A_2083 : vector<16xf32>
        %slice3A_2085 = vector.extract_strided_slice %get3A_802 {offsets = [12], sizes = [1], strides = [1]} : vector<16xf32> to vector<1xf32>
        %squeeze3A_2086 = vector.extract %slice3A_2085[0] : f32 from vector<1xf32>
        %add3A_2087 = arith.constant 512 : i32
        %add3A_2088 = arith.addi %add3A_2087, %add3A_2069 : i32
        %get3A_2089 = arith.index_cast %add3A_2088 : i32 to index
        %get3A_2090 = arith.constant 0 : index
        %get3A_2091 = tpu.vector_load %arg15[%get3A_2089, %get3A_2090] {strides = array<i32>} : memref<4096x16xf32, #tpu.memory_space<vmem>>, vector<1x16xf32>,
        %get3A_2092 = vector.shape_cast %get3A_2091 : vector<1x16xf32> to vector<16xf32>
        %mul3A_2093 = vector.broadcast %squeeze3A_2086 : f32 to vector<16xf32>
        %mul3A_2094 = arith.mulf %mul3A_2093, %get3A_2092 : vector<16xf32>
        %add3A_2095 = arith.addf %add3A_2084, %mul3A_2094 : vector<16xf32>
        %slice3A_2096 = vector.extract_strided_slice %get3A_809 {offsets = [12], sizes = [1], strides = [1]} : vector<16xf32> to vector<1xf32>
        %squeeze3A_2097 = vector.extract %slice3A_2096[0] : f32 from vector<1xf32>
        %add3A_2098 = arith.constant 1024 : i32
        %add3A_2099 = arith.addi %add3A_2098, %add3A_2069 : i32
        %get3A_2100 = arith.index_cast %add3A_2099 : i32 to index
        %get3A_2101 = arith.constant 0 : index
        %get3A_2102 = tpu.vector_load %arg15[%get3A_2100, %get3A_2101] {strides = array<i32>} : memref<4096x16xf32, #tpu.memory_space<vmem>>, vector<1x16xf32>,
        %get3A_2103 = vector.shape_cast %get3A_2102 : vector<1x16xf32> to vector<16xf32>
        %mul3A_2104 = vector.broadcast %squeeze3A_2097 : f32 to vector<16xf32>
        %mul3A_2105 = arith.mulf %mul3A_2104, %get3A_2103 : vector<16xf32>
        %add3A_2106 = arith.addf %add3A_2095, %mul3A_2105 : vector<16xf32>
        %slice3A_2107 = vector.extract_strided_slice %get3A_816 {offsets = [12], sizes = [1], strides = [1]} : vector<16xf32> to vector<1xf32>
        %squeeze3A_2108 = vector.extract %slice3A_2107[0] : f32 from vector<1xf32>
        %add3A_2109 = arith.constant 1536 : i32
        %add3A_2110 = arith.addi %add3A_2109, %add3A_2069 : i32
        %get3A_2111 = arith.index_cast %add3A_2110 : i32 to index
        %get3A_2112 = arith.constant 0 : index
        %get3A_2113 = tpu.vector_load %arg15[%get3A_2111, %get3A_2112] {strides = array<i32>} : memref<4096x16xf32, #tpu.memory_space<vmem>>, vector<1x16xf32>,
        %get3A_2114 = vector.shape_cast %get3A_2113 : vector<1x16xf32> to vector<16xf32>
        %mul3A_2115 = vector.broadcast %squeeze3A_2108 : f32 to vector<16xf32>
        %mul3A_2116 = arith.mulf %mul3A_2115, %get3A_2114 : vector<16xf32>
        %add3A_2117 = arith.addf %add3A_2106, %mul3A_2116 : vector<16xf32>
        %slice3A_2118 = vector.extract_strided_slice %get3A_823 {offsets = [12], sizes = [1], strides = [1]} : vector<16xf32> to vector<1xf32>
        %squeeze3A_2119 = vector.extract %slice3A_2118[0] : f32 from vector<1xf32>
        %add3A_2120 = arith.constant 2048 : i32
        %add3A_2121 = arith.addi %add3A_2120, %add3A_2069 : i32
        %get3A_2122 = arith.index_cast %add3A_2121 : i32 to index
        %get3A_2123 = arith.constant 0 : index
        %get3A_2124 = tpu.vector_load %arg15[%get3A_2122, %get3A_2123] {strides = array<i32>} : memref<4096x16xf32, #tpu.memory_space<vmem>>, vector<1x16xf32>,
        %get3A_2125 = vector.shape_cast %get3A_2124 : vector<1x16xf32> to vector<16xf32>
        %mul3A_2126 = vector.broadcast %squeeze3A_2119 : f32 to vector<16xf32>
        %mul3A_2127 = arith.mulf %mul3A_2126, %get3A_2125 : vector<16xf32>
        %add3A_2128 = arith.addf %add3A_2117, %mul3A_2127 : vector<16xf32>
        %slice3A_2129 = vector.extract_strided_slice %get3A_830 {offsets = [12], sizes = [1], strides = [1]} : vector<16xf32> to vector<1xf32>
        %squeeze3A_2130 = vector.extract %slice3A_2129[0] : f32 from vector<1xf32>
        %add3A_2131 = arith.constant 2560 : i32
        %add3A_2132 = arith.addi %add3A_2131, %add3A_2069 : i32
        %get3A_2133 = arith.index_cast %add3A_2132 : i32 to index
        %get3A_2134 = arith.constant 0 : index
        %get3A_2135 = tpu.vector_load %arg15[%get3A_2133, %get3A_2134] {strides = array<i32>} : memref<4096x16xf32, #tpu.memory_space<vmem>>, vector<1x16xf32>,
        %get3A_2136 = vector.shape_cast %get3A_2135 : vector<1x16xf32> to vector<16xf32>
        %mul3A_2137 = vector.broadcast %squeeze3A_2130 : f32 to vector<16xf32>
        %mul3A_2138 = arith.mulf %mul3A_2137, %get3A_2136 : vector<16xf32>
        %add3A_2139 = arith.addf %add3A_2128, %mul3A_2138 : vector<16xf32>
        %slice3A_2140 = vector.extract_strided_slice %get3A_837 {offsets = [12], sizes = [1], strides = [1]} : vector<16xf32> to vector<1xf32>
        %squeeze3A_2141 = vector.extract %slice3A_2140[0] : f32 from vector<1xf32>
        %add3A_2142 = arith.constant 3072 : i32
        %add3A_2143 = arith.addi %add3A_2142, %add3A_2069 : i32
        %get3A_2144 = arith.index_cast %add3A_2143 : i32 to index
        %get3A_2145 = arith.constant 0 : index
        %get3A_2146 = tpu.vector_load %arg15[%get3A_2144, %get3A_2145] {strides = array<i32>} : memref<4096x16xf32, #tpu.memory_space<vmem>>, vector<1x16xf32>,
        %get3A_2147 = vector.shape_cast %get3A_2146 : vector<1x16xf32> to vector<16xf32>
        %mul3A_2148 = vector.broadcast %squeeze3A_2141 : f32 to vector<16xf32>
        %mul3A_2149 = arith.mulf %mul3A_2148, %get3A_2147 : vector<16xf32>
        %add3A_2150 = arith.addf %add3A_2139, %mul3A_2149 : vector<16xf32>
        %slice3A_2151 = vector.extract_strided_slice %get3A_844 {offsets = [12], sizes = [1], strides = [1]} : vector<16xf32> to vector<1xf32>
        %squeeze3A_2152 = vector.extract %slice3A_2151[0] : f32 from vector<1xf32>
        %add3A_2153 = arith.constant 3584 : i32
        %add3A_2154 = arith.addi %add3A_2153, %add3A_2069 : i32
        %get3A_2155 = arith.index_cast %add3A_2154 : i32 to index
        %get3A_2156 = arith.constant 0 : index
        %get3A_2157 = tpu.vector_load %arg15[%get3A_2155, %get3A_2156] {strides = array<i32>} : memref<4096x16xf32, #tpu.memory_space<vmem>>, vector<1x16xf32>,
        %get3A_2158 = vector.shape_cast %get3A_2157 : vector<1x16xf32> to vector<16xf32>
        %mul3A_2159 = vector.broadcast %squeeze3A_2152 : f32 to vector<16xf32>
        %mul3A_2160 = arith.mulf %mul3A_2159, %get3A_2158 : vector<16xf32>
        %add3A_2161 = arith.addf %add3A_2150, %mul3A_2160 : vector<16xf32>
        %mul3A_2162 = arith.constant 16 : i32
        %mul3A_2163 = arith.muli %add3A_2069, %mul3A_2162 : i32
        %swap3A_2164 = arith.index_cast %mul3A_2163 : i32 to index
        %swap3A_2165 = tpu.vector_load %arg17[%swap3A_2164] {strides = array<i32>} : memref<8192xf32, #tpu.memory_space<vmem>>, vector<16xf32>,
        %swap3A_2166 = vector.shape_cast %swap3A_2165 : vector<16xf32> to vector<16xf32>
        %swap3A_2167 = vector.shape_cast %add3A_2161 : vector<16xf32> to vector<16xf32>
        tpu.vector_store %arg17[%swap3A_2164], %swap3A_2167 {strides = array<i32>} : memref<8192xf32, #tpu.memory_space<vmem>>, vector<16xf32>,
        %mul3A_2168 = arith.constant 16 : i32
        %mul3A_2169 = arith.muli %scan3A_789, %mul3A_2168 : i32
        %add3A_2170 = arith.constant 13 : i32
        %add3A_2171 = arith.addi %mul3A_2169, %add3A_2170 : i32
        %get3A_2172 = arith.index_cast %add3A_2171 : i32 to index
        %get3A_2173 = arith.constant 0 : index
        %get3A_2174 = tpu.vector_load %arg16[%get3A_2172, %get3A_2173] {strides = array<i32>} : memref<512x16xf32, #tpu.memory_space<vmem>>, vector<1x16xf32>,
        %get3A_2175 = vector.shape_cast %get3A_2174 : vector<1x16xf32> to vector<16xf32>
        %slice3A_2176 = vector.extract_strided_slice %get3A_795 {offsets = [13], sizes = [1], strides = [1]} : vector<16xf32> to vector<1xf32>
        %squeeze3A_2177 = vector.extract %slice3A_2176[0] : f32 from vector<1xf32>
        %add3A_2178 = arith.constant 0 : i32
        %add3A_2179 = arith.addi %add3A_2178, %add3A_2171 : i32
        %get3A_2180 = arith.index_cast %add3A_2179 : i32 to index
        %get3A_2181 = arith.constant 0 : index
        %get3A_2182 = tpu.vector_load %arg15[%get3A_2180, %get3A_2181] {strides = array<i32>} : memref<4096x16xf32, #tpu.memory_space<vmem>>, vector<1x16xf32>,
        %get3A_2183 = vector.shape_cast %get3A_2182 : vector<1x16xf32> to vector<16xf32>
        %mul3A_2184 = vector.broadcast %squeeze3A_2177 : f32 to vector<16xf32>
        %mul3A_2185 = arith.mulf %mul3A_2184, %get3A_2183 : vector<16xf32>
        %add3A_2186 = arith.addf %get3A_2175, %mul3A_2185 : vector<16xf32>
        %slice3A_2187 = vector.extract_strided_slice %get3A_802 {offsets = [13], sizes = [1], strides = [1]} : vector<16xf32> to vector<1xf32>
        %squeeze3A_2188 = vector.extract %slice3A_2187[0] : f32 from vector<1xf32>
        %add3A_2189 = arith.constant 512 : i32
        %add3A_2190 = arith.addi %add3A_2189, %add3A_2171 : i32
        %get3A_2191 = arith.index_cast %add3A_2190 : i32 to index
        %get3A_2192 = arith.constant 0 : index
        %get3A_2193 = tpu.vector_load %arg15[%get3A_2191, %get3A_2192] {strides = array<i32>} : memref<4096x16xf32, #tpu.memory_space<vmem>>, vector<1x16xf32>,
        %get3A_2194 = vector.shape_cast %get3A_2193 : vector<1x16xf32> to vector<16xf32>
        %mul3A_2195 = vector.broadcast %squeeze3A_2188 : f32 to vector<16xf32>
        %mul3A_2196 = arith.mulf %mul3A_2195, %get3A_2194 : vector<16xf32>
        %add3A_2197 = arith.addf %add3A_2186, %mul3A_2196 : vector<16xf32>
        %slice3A_2198 = vector.extract_strided_slice %get3A_809 {offsets = [13], sizes = [1], strides = [1]} : vector<16xf32> to vector<1xf32>
        %squeeze3A_2199 = vector.extract %slice3A_2198[0] : f32 from vector<1xf32>
        %add3A_2200 = arith.constant 1024 : i32
        %add3A_2201 = arith.addi %add3A_2200, %add3A_2171 : i32
        %get3A_2202 = arith.index_cast %add3A_2201 : i32 to index
        %get3A_2203 = arith.constant 0 : index
        %get3A_2204 = tpu.vector_load %arg15[%get3A_2202, %get3A_2203] {strides = array<i32>} : memref<4096x16xf32, #tpu.memory_space<vmem>>, vector<1x16xf32>,
        %get3A_2205 = vector.shape_cast %get3A_2204 : vector<1x16xf32> to vector<16xf32>
        %mul3A_2206 = vector.broadcast %squeeze3A_2199 : f32 to vector<16xf32>
        %mul3A_2207 = arith.mulf %mul3A_2206, %get3A_2205 : vector<16xf32>
        %add3A_2208 = arith.addf %add3A_2197, %mul3A_2207 : vector<16xf32>
        %slice3A_2209 = vector.extract_strided_slice %get3A_816 {offsets = [13], sizes = [1], strides = [1]} : vector<16xf32> to vector<1xf32>
        %squeeze3A_2210 = vector.extract %slice3A_2209[0] : f32 from vector<1xf32>
        %add3A_2211 = arith.constant 1536 : i32
        %add3A_2212 = arith.addi %add3A_2211, %add3A_2171 : i32
        %get3A_2213 = arith.index_cast %add3A_2212 : i32 to index
        %get3A_2214 = arith.constant 0 : index
        %get3A_2215 = tpu.vector_load %arg15[%get3A_2213, %get3A_2214] {strides = array<i32>} : memref<4096x16xf32, #tpu.memory_space<vmem>>, vector<1x16xf32>,
        %get3A_2216 = vector.shape_cast %get3A_2215 : vector<1x16xf32> to vector<16xf32>
        %mul3A_2217 = vector.broadcast %squeeze3A_2210 : f32 to vector<16xf32>
        %mul3A_2218 = arith.mulf %mul3A_2217, %get3A_2216 : vector<16xf32>
        %add3A_2219 = arith.addf %add3A_2208, %mul3A_2218 : vector<16xf32>
        %slice3A_2220 = vector.extract_strided_slice %get3A_823 {offsets = [13], sizes = [1], strides = [1]} : vector<16xf32> to vector<1xf32>
        %squeeze3A_2221 = vector.extract %slice3A_2220[0] : f32 from vector<1xf32>
        %add3A_2222 = arith.constant 2048 : i32
        %add3A_2223 = arith.addi %add3A_2222, %add3A_2171 : i32
        %get3A_2224 = arith.index_cast %add3A_2223 : i32 to index
        %get3A_2225 = arith.constant 0 : index
        %get3A_2226 = tpu.vector_load %arg15[%get3A_2224, %get3A_2225] {strides = array<i32>} : memref<4096x16xf32, #tpu.memory_space<vmem>>, vector<1x16xf32>,
        %get3A_2227 = vector.shape_cast %get3A_2226 : vector<1x16xf32> to vector<16xf32>
        %mul3A_2228 = vector.broadcast %squeeze3A_2221 : f32 to vector<16xf32>
        %mul3A_2229 = arith.mulf %mul3A_2228, %get3A_2227 : vector<16xf32>
        %add3A_2230 = arith.addf %add3A_2219, %mul3A_2229 : vector<16xf32>
        %slice3A_2231 = vector.extract_strided_slice %get3A_830 {offsets = [13], sizes = [1], strides = [1]} : vector<16xf32> to vector<1xf32>
        %squeeze3A_2232 = vector.extract %slice3A_2231[0] : f32 from vector<1xf32>
        %add3A_2233 = arith.constant 2560 : i32
        %add3A_2234 = arith.addi %add3A_2233, %add3A_2171 : i32
        %get3A_2235 = arith.index_cast %add3A_2234 : i32 to index
        %get3A_2236 = arith.constant 0 : index
        %get3A_2237 = tpu.vector_load %arg15[%get3A_2235, %get3A_2236] {strides = array<i32>} : memref<4096x16xf32, #tpu.memory_space<vmem>>, vector<1x16xf32>,
        %get3A_2238 = vector.shape_cast %get3A_2237 : vector<1x16xf32> to vector<16xf32>
        %mul3A_2239 = vector.broadcast %squeeze3A_2232 : f32 to vector<16xf32>
        %mul3A_2240 = arith.mulf %mul3A_2239, %get3A_2238 : vector<16xf32>
        %add3A_2241 = arith.addf %add3A_2230, %mul3A_2240 : vector<16xf32>
        %slice3A_2242 = vector.extract_strided_slice %get3A_837 {offsets = [13], sizes = [1], strides = [1]} : vector<16xf32> to vector<1xf32>
        %squeeze3A_2243 = vector.extract %slice3A_2242[0] : f32 from vector<1xf32>
        %add3A_2244 = arith.constant 3072 : i32
        %add3A_2245 = arith.addi %add3A_2244, %add3A_2171 : i32
        %get3A_2246 = arith.index_cast %add3A_2245 : i32 to index
        %get3A_2247 = arith.constant 0 : index
        %get3A_2248 = tpu.vector_load %arg15[%get3A_2246, %get3A_2247] {strides = array<i32>} : memref<4096x16xf32, #tpu.memory_space<vmem>>, vector<1x16xf32>,
        %get3A_2249 = vector.shape_cast %get3A_2248 : vector<1x16xf32> to vector<16xf32>
        %mul3A_2250 = vector.broadcast %squeeze3A_2243 : f32 to vector<16xf32>
        %mul3A_2251 = arith.mulf %mul3A_2250, %get3A_2249 : vector<16xf32>
        %add3A_2252 = arith.addf %add3A_2241, %mul3A_2251 : vector<16xf32>
        %slice3A_2253 = vector.extract_strided_slice %get3A_844 {offsets = [13], sizes = [1], strides = [1]} : vector<16xf32> to vector<1xf32>
        %squeeze3A_2254 = vector.extract %slice3A_2253[0] : f32 from vector<1xf32>
        %add3A_2255 = arith.constant 3584 : i32
        %add3A_2256 = arith.addi %add3A_2255, %add3A_2171 : i32
        %get3A_2257 = arith.index_cast %add3A_2256 : i32 to index
        %get3A_2258 = arith.constant 0 : index
        %get3A_2259 = tpu.vector_load %arg15[%get3A_2257, %get3A_2258] {strides = array<i32>} : memref<4096x16xf32, #tpu.memory_space<vmem>>, vector<1x16xf32>,
        %get3A_2260 = vector.shape_cast %get3A_2259 : vector<1x16xf32> to vector<16xf32>
        %mul3A_2261 = vector.broadcast %squeeze3A_2254 : f32 to vector<16xf32>
        %mul3A_2262 = arith.mulf %mul3A_2261, %get3A_2260 : vector<16xf32>
        %add3A_2263 = arith.addf %add3A_2252, %mul3A_2262 : vector<16xf32>
        %mul3A_2264 = arith.constant 16 : i32
        %mul3A_2265 = arith.muli %add3A_2171, %mul3A_2264 : i32
        %swap3A_2266 = arith.index_cast %mul3A_2265 : i32 to index
        %swap3A_2267 = tpu.vector_load %arg17[%swap3A_2266] {strides = array<i32>} : memref<8192xf32, #tpu.memory_space<vmem>>, vector<16xf32>,
        %swap3A_2268 = vector.shape_cast %swap3A_2267 : vector<16xf32> to vector<16xf32>
        %swap3A_2269 = vector.shape_cast %add3A_2263 : vector<16xf32> to vector<16xf32>
        tpu.vector_store %arg17[%swap3A_2266], %swap3A_2269 {strides = array<i32>} : memref<8192xf32, #tpu.memory_space<vmem>>, vector<16xf32>,
        %mul3A_2270 = arith.constant 16 : i32
        %mul3A_2271 = arith.muli %scan3A_789, %mul3A_2270 : i32
        %add3A_2272 = arith.constant 14 : i32
        %add3A_2273 = arith.addi %mul3A_2271, %add3A_2272 : i32
        %get3A_2274 = arith.index_cast %add3A_2273 : i32 to index
        %get3A_2275 = arith.constant 0 : index
        %get3A_2276 = tpu.vector_load %arg16[%get3A_2274, %get3A_2275] {strides = array<i32>} : memref<512x16xf32, #tpu.memory_space<vmem>>, vector<1x16xf32>,
        %get3A_2277 = vector.shape_cast %get3A_2276 : vector<1x16xf32> to vector<16xf32>
        %slice3A_2278 = vector.extract_strided_slice %get3A_795 {offsets = [14], sizes = [1], strides = [1]} : vector<16xf32> to vector<1xf32>
        %squeeze3A_2279 = vector.extract %slice3A_2278[0] : f32 from vector<1xf32>
        %add3A_2280 = arith.constant 0 : i32
        %add3A_2281 = arith.addi %add3A_2280, %add3A_2273 : i32
        %get3A_2282 = arith.index_cast %add3A_2281 : i32 to index
        %get3A_2283 = arith.constant 0 : index
        %get3A_2284 = tpu.vector_load %arg15[%get3A_2282, %get3A_2283] {strides = array<i32>} : memref<4096x16xf32, #tpu.memory_space<vmem>>, vector<1x16xf32>,
        %get3A_2285 = vector.shape_cast %get3A_2284 : vector<1x16xf32> to vector<16xf32>
        %mul3A_2286 = vector.broadcast %squeeze3A_2279 : f32 to vector<16xf32>
        %mul3A_2287 = arith.mulf %mul3A_2286, %get3A_2285 : vector<16xf32>
        %add3A_2288 = arith.addf %get3A_2277, %mul3A_2287 : vector<16xf32>
        %slice3A_2289 = vector.extract_strided_slice %get3A_802 {offsets = [14], sizes = [1], strides = [1]} : vector<16xf32> to vector<1xf32>
        %squeeze3A_2290 = vector.extract %slice3A_2289[0] : f32 from vector<1xf32>
        %add3A_2291 = arith.constant 512 : i32
        %add3A_2292 = arith.addi %add3A_2291, %add3A_2273 : i32
        %get3A_2293 = arith.index_cast %add3A_2292 : i32 to index
        %get3A_2294 = arith.constant 0 : index
        %get3A_2295 = tpu.vector_load %arg15[%get3A_2293, %get3A_2294] {strides = array<i32>} : memref<4096x16xf32, #tpu.memory_space<vmem>>, vector<1x16xf32>,
        %get3A_2296 = vector.shape_cast %get3A_2295 : vector<1x16xf32> to vector<16xf32>
        %mul3A_2297 = vector.broadcast %squeeze3A_2290 : f32 to vector<16xf32>
        %mul3A_2298 = arith.mulf %mul3A_2297, %get3A_2296 : vector<16xf32>
        %add3A_2299 = arith.addf %add3A_2288, %mul3A_2298 : vector<16xf32>
        %slice3A_2300 = vector.extract_strided_slice %get3A_809 {offsets = [14], sizes = [1], strides = [1]} : vector<16xf32> to vector<1xf32>
        %squeeze3A_2301 = vector.extract %slice3A_2300[0] : f32 from vector<1xf32>
        %add3A_2302 = arith.constant 1024 : i32
        %add3A_2303 = arith.addi %add3A_2302, %add3A_2273 : i32
        %get3A_2304 = arith.index_cast %add3A_2303 : i32 to index
        %get3A_2305 = arith.constant 0 : index
        %get3A_2306 = tpu.vector_load %arg15[%get3A_2304, %get3A_2305] {strides = array<i32>} : memref<4096x16xf32, #tpu.memory_space<vmem>>, vector<1x16xf32>,
        %get3A_2307 = vector.shape_cast %get3A_2306 : vector<1x16xf32> to vector<16xf32>
        %mul3A_2308 = vector.broadcast %squeeze3A_2301 : f32 to vector<16xf32>
        %mul3A_2309 = arith.mulf %mul3A_2308, %get3A_2307 : vector<16xf32>
        %add3A_2310 = arith.addf %add3A_2299, %mul3A_2309 : vector<16xf32>
        %slice3A_2311 = vector.extract_strided_slice %get3A_816 {offsets = [14], sizes = [1], strides = [1]} : vector<16xf32> to vector<1xf32>
        %squeeze3A_2312 = vector.extract %slice3A_2311[0] : f32 from vector<1xf32>
        %add3A_2313 = arith.constant 1536 : i32
        %add3A_2314 = arith.addi %add3A_2313, %add3A_2273 : i32
        %get3A_2315 = arith.index_cast %add3A_2314 : i32 to index
        %get3A_2316 = arith.constant 0 : index
        %get3A_2317 = tpu.vector_load %arg15[%get3A_2315, %get3A_2316] {strides = array<i32>} : memref<4096x16xf32, #tpu.memory_space<vmem>>, vector<1x16xf32>,
        %get3A_2318 = vector.shape_cast %get3A_2317 : vector<1x16xf32> to vector<16xf32>
        %mul3A_2319 = vector.broadcast %squeeze3A_2312 : f32 to vector<16xf32>
        %mul3A_2320 = arith.mulf %mul3A_2319, %get3A_2318 : vector<16xf32>
        %add3A_2321 = arith.addf %add3A_2310, %mul3A_2320 : vector<16xf32>
        %slice3A_2322 = vector.extract_strided_slice %get3A_823 {offsets = [14], sizes = [1], strides = [1]} : vector<16xf32> to vector<1xf32>
        %squeeze3A_2323 = vector.extract %slice3A_2322[0] : f32 from vector<1xf32>
        %add3A_2324 = arith.constant 2048 : i32
        %add3A_2325 = arith.addi %add3A_2324, %add3A_2273 : i32
        %get3A_2326 = arith.index_cast %add3A_2325 : i32 to index
        %get3A_2327 = arith.constant 0 : index
        %get3A_2328 = tpu.vector_load %arg15[%get3A_2326, %get3A_2327] {strides = array<i32>} : memref<4096x16xf32, #tpu.memory_space<vmem>>, vector<1x16xf32>,
        %get3A_2329 = vector.shape_cast %get3A_2328 : vector<1x16xf32> to vector<16xf32>
        %mul3A_2330 = vector.broadcast %squeeze3A_2323 : f32 to vector<16xf32>
        %mul3A_2331 = arith.mulf %mul3A_2330, %get3A_2329 : vector<16xf32>
        %add3A_2332 = arith.addf %add3A_2321, %mul3A_2331 : vector<16xf32>
        %slice3A_2333 = vector.extract_strided_slice %get3A_830 {offsets = [14], sizes = [1], strides = [1]} : vector<16xf32> to vector<1xf32>
        %squeeze3A_2334 = vector.extract %slice3A_2333[0] : f32 from vector<1xf32>
        %add3A_2335 = arith.constant 2560 : i32
        %add3A_2336 = arith.addi %add3A_2335, %add3A_2273 : i32
        %get3A_2337 = arith.index_cast %add3A_2336 : i32 to index
        %get3A_2338 = arith.constant 0 : index
        %get3A_2339 = tpu.vector_load %arg15[%get3A_2337, %get3A_2338] {strides = array<i32>} : memref<4096x16xf32, #tpu.memory_space<vmem>>, vector<1x16xf32>,
        %get3A_2340 = vector.shape_cast %get3A_2339 : vector<1x16xf32> to vector<16xf32>
        %mul3A_2341 = vector.broadcast %squeeze3A_2334 : f32 to vector<16xf32>
        %mul3A_2342 = arith.mulf %mul3A_2341, %get3A_2340 : vector<16xf32>
        %add3A_2343 = arith.addf %add3A_2332, %mul3A_2342 : vector<16xf32>
        %slice3A_2344 = vector.extract_strided_slice %get3A_837 {offsets = [14], sizes = [1], strides = [1]} : vector<16xf32> to vector<1xf32>
        %squeeze3A_2345 = vector.extract %slice3A_2344[0] : f32 from vector<1xf32>
        %add3A_2346 = arith.constant 3072 : i32
        %add3A_2347 = arith.addi %add3A_2346, %add3A_2273 : i32
        %get3A_2348 = arith.index_cast %add3A_2347 : i32 to index
        %get3A_2349 = arith.constant 0 : index
        %get3A_2350 = tpu.vector_load %arg15[%get3A_2348, %get3A_2349] {strides = array<i32>} : memref<4096x16xf32, #tpu.memory_space<vmem>>, vector<1x16xf32>,
        %get3A_2351 = vector.shape_cast %get3A_2350 : vector<1x16xf32> to vector<16xf32>
        %mul3A_2352 = vector.broadcast %squeeze3A_2345 : f32 to vector<16xf32>
        %mul3A_2353 = arith.mulf %mul3A_2352, %get3A_2351 : vector<16xf32>
        %add3A_2354 = arith.addf %add3A_2343, %mul3A_2353 : vector<16xf32>
        %slice3A_2355 = vector.extract_strided_slice %get3A_844 {offsets = [14], sizes = [1], strides = [1]} : vector<16xf32> to vector<1xf32>
        %squeeze3A_2356 = vector.extract %slice3A_2355[0] : f32 from vector<1xf32>
        %add3A_2357 = arith.constant 3584 : i32
        %add3A_2358 = arith.addi %add3A_2357, %add3A_2273 : i32
        %get3A_2359 = arith.index_cast %add3A_2358 : i32 to index
        %get3A_2360 = arith.constant 0 : index
        %get3A_2361 = tpu.vector_load %arg15[%get3A_2359, %get3A_2360] {strides = array<i32>} : memref<4096x16xf32, #tpu.memory_space<vmem>>, vector<1x16xf32>,
        %get3A_2362 = vector.shape_cast %get3A_2361 : vector<1x16xf32> to vector<16xf32>
        %mul3A_2363 = vector.broadcast %squeeze3A_2356 : f32 to vector<16xf32>
        %mul3A_2364 = arith.mulf %mul3A_2363, %get3A_2362 : vector<16xf32>
        %add3A_2365 = arith.addf %add3A_2354, %mul3A_2364 : vector<16xf32>
        %mul3A_2366 = arith.constant 16 : i32
        %mul3A_2367 = arith.muli %add3A_2273, %mul3A_2366 : i32
        %swap3A_2368 = arith.index_cast %mul3A_2367 : i32 to index
        %swap3A_2369 = tpu.vector_load %arg17[%swap3A_2368] {strides = array<i32>} : memref<8192xf32, #tpu.memory_space<vmem>>, vector<16xf32>,
        %swap3A_2370 = vector.shape_cast %swap3A_2369 : vector<16xf32> to vector<16xf32>
        %swap3A_2371 = vector.shape_cast %add3A_2365 : vector<16xf32> to vector<16xf32>
        tpu.vector_store %arg17[%swap3A_2368], %swap3A_2371 {strides = array<i32>} : memref<8192xf32, #tpu.memory_space<vmem>>, vector<16xf32>,
        %mul3A_2372 = arith.constant 16 : i32
        %mul3A_2373 = arith.muli %scan3A_789, %mul3A_2372 : i32
        %add3A_2374 = arith.constant 15 : i32
        %add3A_2375 = arith.addi %mul3A_2373, %add3A_2374 : i32
        %get3A_2376 = arith.index_cast %add3A_2375 : i32 to index
        %get3A_2377 = arith.constant 0 : index
        %get3A_2378 = tpu.vector_load %arg16[%get3A_2376, %get3A_2377] {strides = array<i32>} : memref<512x16xf32, #tpu.memory_space<vmem>>, vector<1x16xf32>,
        %get3A_2379 = vector.shape_cast %get3A_2378 : vector<1x16xf32> to vector<16xf32>
        %slice3A_2380 = vector.extract_strided_slice %get3A_795 {offsets = [15], sizes = [1], strides = [1]} : vector<16xf32> to vector<1xf32>
        %squeeze3A_2381 = vector.extract %slice3A_2380[0] : f32 from vector<1xf32>
        %add3A_2382 = arith.constant 0 : i32
        %add3A_2383 = arith.addi %add3A_2382, %add3A_2375 : i32
        %get3A_2384 = arith.index_cast %add3A_2383 : i32 to index
        %get3A_2385 = arith.constant 0 : index
        %get3A_2386 = tpu.vector_load %arg15[%get3A_2384, %get3A_2385] {strides = array<i32>} : memref<4096x16xf32, #tpu.memory_space<vmem>>, vector<1x16xf32>,
        %get3A_2387 = vector.shape_cast %get3A_2386 : vector<1x16xf32> to vector<16xf32>
        %mul3A_2388 = vector.broadcast %squeeze3A_2381 : f32 to vector<16xf32>
        %mul3A_2389 = arith.mulf %mul3A_2388, %get3A_2387 : vector<16xf32>
        %add3A_2390 = arith.addf %get3A_2379, %mul3A_2389 : vector<16xf32>
        %slice3A_2391 = vector.extract_strided_slice %get3A_802 {offsets = [15], sizes = [1], strides = [1]} : vector<16xf32> to vector<1xf32>
        %squeeze3A_2392 = vector.extract %slice3A_2391[0] : f32 from vector<1xf32>
        %add3A_2393 = arith.constant 512 : i32
        %add3A_2394 = arith.addi %add3A_2393, %add3A_2375 : i32
        %get3A_2395 = arith.index_cast %add3A_2394 : i32 to index
        %get3A_2396 = arith.constant 0 : index
        %get3A_2397 = tpu.vector_load %arg15[%get3A_2395, %get3A_2396] {strides = array<i32>} : memref<4096x16xf32, #tpu.memory_space<vmem>>, vector<1x16xf32>,
        %get3A_2398 = vector.shape_cast %get3A_2397 : vector<1x16xf32> to vector<16xf32>
        %mul3A_2399 = vector.broadcast %squeeze3A_2392 : f32 to vector<16xf32>
        %mul3A_2400 = arith.mulf %mul3A_2399, %get3A_2398 : vector<16xf32>
        %add3A_2401 = arith.addf %add3A_2390, %mul3A_2400 : vector<16xf32>
        %slice3A_2402 = vector.extract_strided_slice %get3A_809 {offsets = [15], sizes = [1], strides = [1]} : vector<16xf32> to vector<1xf32>
        %squeeze3A_2403 = vector.extract %slice3A_2402[0] : f32 from vector<1xf32>
        %add3A_2404 = arith.constant 1024 : i32
        %add3A_2405 = arith.addi %add3A_2404, %add3A_2375 : i32
        %get3A_2406 = arith.index_cast %add3A_2405 : i32 to index
        %get3A_2407 = arith.constant 0 : index
        %get3A_2408 = tpu.vector_load %arg15[%get3A_2406, %get3A_2407] {strides = array<i32>} : memref<4096x16xf32, #tpu.memory_space<vmem>>, vector<1x16xf32>,
        %get3A_2409 = vector.shape_cast %get3A_2408 : vector<1x16xf32> to vector<16xf32>
        %mul3A_2410 = vector.broadcast %squeeze3A_2403 : f32 to vector<16xf32>
        %mul3A_2411 = arith.mulf %mul3A_2410, %get3A_2409 : vector<16xf32>
        %add3A_2412 = arith.addf %add3A_2401, %mul3A_2411 : vector<16xf32>
        %slice3A_2413 = vector.extract_strided_slice %get3A_816 {offsets = [15], sizes = [1], strides = [1]} : vector<16xf32> to vector<1xf32>
        %squeeze3A_2414 = vector.extract %slice3A_2413[0] : f32 from vector<1xf32>
        %add3A_2415 = arith.constant 1536 : i32
        %add3A_2416 = arith.addi %add3A_2415, %add3A_2375 : i32
        %get3A_2417 = arith.index_cast %add3A_2416 : i32 to index
        %get3A_2418 = arith.constant 0 : index
        %get3A_2419 = tpu.vector_load %arg15[%get3A_2417, %get3A_2418] {strides = array<i32>} : memref<4096x16xf32, #tpu.memory_space<vmem>>, vector<1x16xf32>,
        %get3A_2420 = vector.shape_cast %get3A_2419 : vector<1x16xf32> to vector<16xf32>
        %mul3A_2421 = vector.broadcast %squeeze3A_2414 : f32 to vector<16xf32>
        %mul3A_2422 = arith.mulf %mul3A_2421, %get3A_2420 : vector<16xf32>
        %add3A_2423 = arith.addf %add3A_2412, %mul3A_2422 : vector<16xf32>
        %slice3A_2424 = vector.extract_strided_slice %get3A_823 {offsets = [15], sizes = [1], strides = [1]} : vector<16xf32> to vector<1xf32>
        %squeeze3A_2425 = vector.extract %slice3A_2424[0] : f32 from vector<1xf32>
        %add3A_2426 = arith.constant 2048 : i32
        %add3A_2427 = arith.addi %add3A_2426, %add3A_2375 : i32
        %get3A_2428 = arith.index_cast %add3A_2427 : i32 to index
        %get3A_2429 = arith.constant 0 : index
        %get3A_2430 = tpu.vector_load %arg15[%get3A_2428, %get3A_2429] {strides = array<i32>} : memref<4096x16xf32, #tpu.memory_space<vmem>>, vector<1x16xf32>,
        %get3A_2431 = vector.shape_cast %get3A_2430 : vector<1x16xf32> to vector<16xf32>
        %mul3A_2432 = vector.broadcast %squeeze3A_2425 : f32 to vector<16xf32>
        %mul3A_2433 = arith.mulf %mul3A_2432, %get3A_2431 : vector<16xf32>
        %add3A_2434 = arith.addf %add3A_2423, %mul3A_2433 : vector<16xf32>
        %slice3A_2435 = vector.extract_strided_slice %get3A_830 {offsets = [15], sizes = [1], strides = [1]} : vector<16xf32> to vector<1xf32>
        %squeeze3A_2436 = vector.extract %slice3A_2435[0] : f32 from vector<1xf32>
        %add3A_2437 = arith.constant 2560 : i32
        %add3A_2438 = arith.addi %add3A_2437, %add3A_2375 : i32
        %get3A_2439 = arith.index_cast %add3A_2438 : i32 to index
        %get3A_2440 = arith.constant 0 : index
        %get3A_2441 = tpu.vector_load %arg15[%get3A_2439, %get3A_2440] {strides = array<i32>} : memref<4096x16xf32, #tpu.memory_space<vmem>>, vector<1x16xf32>,
        %get3A_2442 = vector.shape_cast %get3A_2441 : vector<1x16xf32> to vector<16xf32>
        %mul3A_2443 = vector.broadcast %squeeze3A_2436 : f32 to vector<16xf32>
        %mul3A_2444 = arith.mulf %mul3A_2443, %get3A_2442 : vector<16xf32>
        %add3A_2445 = arith.addf %add3A_2434, %mul3A_2444 : vector<16xf32>
        %slice3A_2446 = vector.extract_strided_slice %get3A_837 {offsets = [15], sizes = [1], strides = [1]} : vector<16xf32> to vector<1xf32>
        %squeeze3A_2447 = vector.extract %slice3A_2446[0] : f32 from vector<1xf32>
        %add3A_2448 = arith.constant 3072 : i32
        %add3A_2449 = arith.addi %add3A_2448, %add3A_2375 : i32
        %get3A_2450 = arith.index_cast %add3A_2449 : i32 to index
        %get3A_2451 = arith.constant 0 : index
        %get3A_2452 = tpu.vector_load %arg15[%get3A_2450, %get3A_2451] {strides = array<i32>} : memref<4096x16xf32, #tpu.memory_space<vmem>>, vector<1x16xf32>,
        %get3A_2453 = vector.shape_cast %get3A_2452 : vector<1x16xf32> to vector<16xf32>
        %mul3A_2454 = vector.broadcast %squeeze3A_2447 : f32 to vector<16xf32>
        %mul3A_2455 = arith.mulf %mul3A_2454, %get3A_2453 : vector<16xf32>
        %add3A_2456 = arith.addf %add3A_2445, %mul3A_2455 : vector<16xf32>
        %slice3A_2457 = vector.extract_strided_slice %get3A_844 {offsets = [15], sizes = [1], strides = [1]} : vector<16xf32> to vector<1xf32>
        %squeeze3A_2458 = vector.extract %slice3A_2457[0] : f32 from vector<1xf32>
        %add3A_2459 = arith.constant 3584 : i32
        %add3A_2460 = arith.addi %add3A_2459, %add3A_2375 : i32
        %get3A_2461 = arith.index_cast %add3A_2460 : i32 to index
        %get3A_2462 = arith.constant 0 : index
        %get3A_2463 = tpu.vector_load %arg15[%get3A_2461, %get3A_2462] {strides = array<i32>} : memref<4096x16xf32, #tpu.memory_space<vmem>>, vector<1x16xf32>,
        %get3A_2464 = vector.shape_cast %get3A_2463 : vector<1x16xf32> to vector<16xf32>
        %mul3A_2465 = vector.broadcast %squeeze3A_2458 : f32 to vector<16xf32>
        %mul3A_2466 = arith.mulf %mul3A_2465, %get3A_2464 : vector<16xf32>
        %add3A_2467 = arith.addf %add3A_2456, %mul3A_2466 : vector<16xf32>
        %mul3A_2468 = arith.constant 16 : i32
        %mul3A_2469 = arith.muli %add3A_2375, %mul3A_2468 : i32
        %swap3A_2470 = arith.index_cast %mul3A_2469 : i32 to index
        %swap3A_2471 = tpu.vector_load %arg17[%swap3A_2470] {strides = array<i32>} : memref<8192xf32, #tpu.memory_space<vmem>>, vector<16xf32>,
        %swap3A_2472 = vector.shape_cast %swap3A_2471 : vector<16xf32> to vector<16xf32>
        %swap3A_2473 = vector.shape_cast %add3A_2467 : vector<16xf32> to vector<16xf32>
        tpu.vector_store %arg17[%swap3A_2470], %swap3A_2473 {strides = array<i32>} : memref<8192xf32, #tpu.memory_space<vmem>>, vector<16xf32>,
      }
      %scan3A_786 = arith.constant 32 : i32
      %mul3A_787 = arith.constant 16 : i32
      %mul3A_788 = arith.muli %add3A_10, %mul3A_787 : i32
      "tpu.region"() ({
        %run_scoped3A = tpu.sem_alloc : memref<!tpu.dma_semaphore, #tpu.memory_space<semaphore_mem>>
        %dma_start3A_789 = tpu.memref_slice %arg8[%mul3A_788] : memref<8388608xf32, #tpu.memory_space<hbm>> -> memref<8192xf32, #tpu.memory_space<hbm>>
        %dma_start3A_790 = tpu.memref_slice %arg8[%mul3A_788] : memref<8388608xf32, #tpu.memory_space<hbm>> -> memref<8192xf32, #tpu.memory_space<hbm>>
        tpu.enqueue_dma source(%arg17 : memref<8192xf32, #tpu.memory_space<vmem>>) target(%dma_start3A_790 : memref<8192xf32, #tpu.memory_space<hbm>>) target_semaphore(%run_scoped3A : memref<!tpu.dma_semaphore, #tpu.memory_space<semaphore_mem>>)
        %dma_wait3A_791 = tpu.memref_slice %arg8[%mul3A_788] : memref<8388608xf32, #tpu.memory_space<hbm>> -> memref<8192xf32, #tpu.memory_space<hbm>>
        %dma_wait3A_792 = tpu.memref_slice %arg8[%mul3A_788] : memref<8388608xf32, #tpu.memory_space<hbm>> -> memref<8192xf32, #tpu.memory_space<hbm>>
        tpu.wait_dma2 semaphore(%run_scoped3A : memref<!tpu.dma_semaphore, #tpu.memory_space<semaphore_mem>>) src(%arg17 : memref<8192xf32, #tpu.memory_space<vmem>>) dst(%dma_wait3A_792 : memref<8192xf32, #tpu.memory_space<hbm>>)
        tpu.yield
      }) : () -> ()
    }
    %scan3A_4 = arith.constant 32 : i32
    return
  }
}

module attributes {stable_mosaic.version = 14 : i64} {
  func.func @_b_kernel(%arg0: i32, %arg1: memref<256x16xf32, #tpu.memory_space<vmem>>, %arg2: memref<256x1xi32, #tpu.memory_space<vmem>>, %arg3: memref<1x1x256xi32, #tpu.memory_space<vmem>>, %arg4: memref<16x128xf32, #tpu.memory_space<vmem>>, %arg5: memref<12x128xf32, #tpu.memory_space<vmem>>, %arg6: memref<12x128xf32, #tpu.memory_space<vmem>>, %arg7: memref<1x128xf32, #tpu.memory_space<vmem>>, %arg8: memref<128x128xf32, #tpu.memory_space<vmem>>, %arg9: memref<1x128xf32, #tpu.memory_space<vmem>>, %arg10: memref<128x3xf32, #tpu.memory_space<vmem>>, %arg11: memref<1x3xf32, #tpu.memory_space<vmem>>, %arg12: memref<256x8xf32, #tpu.memory_space<vmem>>, %arg13: memref<1xf32, #tpu.memory_space<smem>>, %arg14: memref<1xi32, #tpu.memory_space<smem>>) attributes {dimension_semantics = [#tpu.dimension_semantics<arbitrary>], iteration_bounds = array<i64: 2048>, scalar_prefetch = 0 : i64, scratch_operands = 2 : i64, tpu.core_type = #tpu.core_type<tc>, window_params = [{transform_indices = @transform_0, window_bounds = array<i64: 256, 16>}, {transform_indices = @transform_1, window_bounds = array<i64: 256, 1>}, {transform_indices = @transform_2, window_bounds = array<i64: 1, 1, 256>}, {pipeline_mode = #tpu.pipeline_mode<synchronous>, transform_indices = @transform_3, window_bounds = array<i64: 16, 128>}, {pipeline_mode = #tpu.pipeline_mode<synchronous>, transform_indices = @transform_4, window_bounds = array<i64: 12, 128>}, {pipeline_mode = #tpu.pipeline_mode<synchronous>, transform_indices = @transform_5, window_bounds = array<i64: 12, 128>}, {pipeline_mode = #tpu.pipeline_mode<synchronous>, transform_indices = @transform_6, window_bounds = array<i64: 1, 128>}, {pipeline_mode = #tpu.pipeline_mode<synchronous>, transform_indices = @transform_7, window_bounds = array<i64: 128, 128>}, {pipeline_mode = #tpu.pipeline_mode<synchronous>, transform_indices = @transform_8, window_bounds = array<i64: 1, 128>}, {pipeline_mode = #tpu.pipeline_mode<synchronous>, transform_indices = @transform_9, window_bounds = array<i64: 128, 3>}, {pipeline_mode = #tpu.pipeline_mode<synchronous>, transform_indices = @transform_10, window_bounds = array<i64: 1, 3>}, {transform_indices = @transform_11, window_bounds = array<i64: 256, 8>}]} {
    %eq3A = arith.constant 0 : i32
    %eq3A_0 = arith.cmpi eq, %arg0, %eq3A : i32
    %convert_element_type3A = arith.extui %eq3A_0 : i1 to i32
    %cond3A = arith.constant 0 : i32
    %cond3A_1 = arith.cmpi ne, %convert_element_type3A, %cond3A : i32
    scf.if %cond3A_1 {
      %swap3A_198 = arith.constant 0.000000e+00 : f32
      %swap3A_199 = arith.constant 0 : index
      %swap3A_200 = memref.load %arg13[%swap3A_199] : memref<1xf32, #tpu.memory_space<smem>>
      memref.store %swap3A_198, %arg13[%swap3A_199] : memref<1xf32, #tpu.memory_space<smem>>
      %swap3A_201 = arith.constant -1 : i32
      %swap3A_202 = arith.constant 0 : index
      %swap3A_203 = memref.load %arg14[%swap3A_202] : memref<1xi32, #tpu.memory_space<smem>>
      memref.store %swap3A_201, %arg14[%swap3A_202] : memref<1xi32, #tpu.memory_space<smem>>
    } else {
    }
    %get3A = arith.constant 0 : index
    %get3A_2 = arith.constant 0 : index
    %get3A_3 = vector.load %arg1[%get3A, %get3A_2] : memref<256x16xf32, #tpu.memory_space<vmem>>, vector<256x16xf32>
    %get3A_4 = arith.constant 0 : index
    %get3A_5 = arith.constant 0 : index
    %get3A_6 = vector.load %arg2[%get3A_4, %get3A_5] : memref<256x1xi32, #tpu.memory_space<vmem>>, vector<256x1xi32>
    %get3A_7 = arith.constant 0 : index
    %get3A_8 = arith.constant 0 : index
    %get3A_9 = arith.constant 0 : index
    %get3A_10 = vector.load %arg3[%get3A_7, %get3A_8, %get3A_9] : memref<1x1x256xi32, #tpu.memory_space<vmem>>, vector<1x1x256xi32>
    %get3A_11 = vector.shape_cast %get3A_10 : vector<1x1x256xi32> to vector<1x256xi32>
    %slice3A = vector.extract_strided_slice %get3A_3 {offsets = [0, 0], sizes = [256, 1], strides = [1, 1]} : vector<256x16xf32> to vector<256x1xf32>
    %add3A = arith.constant -13.8155098 : f32
    %add3A_12 = vector.broadcast %add3A : f32 to vector<256x1xf32>
    %add3A_13 = arith.addf %slice3A, %add3A_12 : vector<256x1xf32>
    %exp3A = math.exp %add3A_13 : vector<256x1xf32>
    %add3A_14 = arith.constant 1.000000e+00 : f32
    %add3A_15 = vector.broadcast %add3A_14 : f32 to vector<256x1xf32>
    %add3A_16 = arith.addf %add3A_15, %exp3A : vector<256x1xf32>
    %pow3A = arith.constant -5.000000e-01 : f32
    %pow3A_17 = vector.broadcast %pow3A : f32 to vector<256x1xf32>
    %pow3A_18 = math.powf %add3A_16, %pow3A_17 : vector<256x1xf32>
    %sub3A = arith.constant 1.000000e+00 : f32
    %sub3A_19 = vector.broadcast %sub3A : f32 to vector<256x1xf32>
    %sub3A_20 = arith.subf %sub3A_19, %pow3A_18 : vector<256x1xf32>
    %sub3A_21 = arith.constant 1.000000e+00 : f32
    %sub3A_22 = vector.broadcast %sub3A_21 : f32 to vector<256x1xf32>
    %sub3A_23 = arith.subf %sub3A_22, %sub3A_20 : vector<256x1xf32>
    %jit3A = arith.constant 1.000000e-10 : f32
    %jit3A_24 = arith.constant 1.000000e+00 : f32
    %max3A = vector.broadcast %jit3A : f32 to vector<256x1xf32>
    %max3A_25 = arith.maximumf %max3A, %sub3A_23 : vector<256x1xf32>
    %min3A = vector.broadcast %jit3A_24 : f32 to vector<256x1xf32>
    %min3A_26 = arith.minimumf %min3A, %max3A_25 : vector<256x1xf32>
    %log3A = math.log %min3A_26 : vector<256x1xf32>
    %iota3A = tpu.iota {dimensions = array<i32: 0>} : vector<256x256xi32>
    %iota3A_27 = tpu.iota {dimensions = array<i32: 1>} : vector<256x256xi32>
    %eq3A_28 = vector.broadcast %get3A_6 : vector<256x1xi32> to vector<256x256xi32>
    %eq3A_29 = vector.broadcast %get3A_11 : vector<1x256xi32> to vector<256x256xi32>
    %eq3A_30 = arith.cmpi eq, %eq3A_28, %eq3A_29 : vector<256x256xi32>
    %lt3A = arith.cmpi slt, %iota3A_27, %iota3A : vector<256x256xi32>
    %and3A = arith.andi %eq3A_30, %lt3A : vector<256x256xi1>
    %jit3A_31 = arith.constant 1.000000e+00 : f32
    %jit3A_32 = arith.constant 0.000000e+00 : f32
    %broadcast_in_dim3A = vector.broadcast %jit3A_31 : f32 to vector<256x256xf32>
    %broadcast_in_dim3A_33 = vector.broadcast %jit3A_32 : f32 to vector<256x256xf32>
    %select_n3A = arith.select %and3A, %broadcast_in_dim3A, %broadcast_in_dim3A_33 : vector<256x256xi1>, vector<256x256xf32>
    %dot_general3A = arith.constant dense<0.000000e+00> : vector<256x1xf32>
    %dot_general3A_34 = tpu.matmul %select_n3A, %log3A, %dot_general3A {dimension_numbers = #tpu.dot_dimension_numbers<[1], [0], [0], [1], [0, 0, 1, 1], [], []>, transpose_lhs_hint = false} : vector<256x256xf32>, vector<256x1xf32>, vector<256x1xf32> -> vector<256x1xf32>
    %get3A_35 = arith.constant 0 : index
    %get3A_36 = memref.load %arg14[%get3A_35] : memref<1xi32, #tpu.memory_space<smem>>
    %eq3A_37 = vector.broadcast %get3A_36 : i32 to vector<256x1xi32>
    %eq3A_38 = arith.cmpi eq, %get3A_6, %eq3A_37 : vector<256x1xi32>
    %convert_element_type3A_39 = arith.extui %eq3A_38 : vector<256x1xi1> to vector<256x1xi32>
    %convert_element_type3A_40 = arith.sitofp %convert_element_type3A_39 : vector<256x1xi32> to vector<256x1xf32>
    %get3A_41 = arith.constant 0 : index
    %get3A_42 = memref.load %arg13[%get3A_41] : memref<1xf32, #tpu.memory_space<smem>>
    %mul3A = vector.broadcast %get3A_42 : f32 to vector<256x1xf32>
    %mul3A_43 = arith.mulf %mul3A, %convert_element_type3A_40 : vector<256x1xf32>
    %add3A_44 = arith.addf %dot_general3A_34, %mul3A_43 : vector<256x1xf32>
    %exp3A_45 = math.exp %add3A_44 : vector<256x1xf32>
    %mul3A_46 = arith.mulf %sub3A_20, %exp3A_45 : vector<256x1xf32>
    %add3A_47 = arith.addf %add3A_44, %log3A : vector<256x1xf32>
    %iota3A_48 = tpu.iota {dimensions = array<i32: 0>} : vector<256x1xi32>
    %eq3A_49 = arith.constant 255 : i32
    %eq3A_50 = vector.broadcast %eq3A_49 : i32 to vector<256x1xi32>
    %eq3A_51 = arith.cmpi eq, %iota3A_48, %eq3A_50 : vector<256x1xi32>
    %jit3A_52 = arith.constant 0.000000e+00 : f32
    %broadcast_in_dim3A_53 = vector.broadcast %jit3A_52 : f32 to vector<256x1xf32>
    %select_n3A_54 = arith.select %eq3A_51, %add3A_47, %broadcast_in_dim3A_53 : vector<256x1xi1>, vector<256x1xf32>
    %reduce_sum3A = vector.shape_cast %select_n3A_54 : vector<256x1xf32> to vector<1x256x1xf32>
    %reduce_sum3A_55 = arith.constant dense<0.000000e+00> : vector<1xf32>
    %reduce_sum3A_56 = vector.multi_reduction <add>, %reduce_sum3A, %reduce_sum3A_55 [1, 2] : vector<1x256x1xf32> to vector<1xf32>
    %reduce_sum3A_57 = vector.shape_cast %reduce_sum3A_56 : vector<1xf32> to vector<1x1x1xf32>
    %reduce_sum3A_58 = vector.extract %reduce_sum3A_57[0, 0, 0] : f32 from vector<1x1x1xf32>
    %swap3A = arith.constant 0 : index
    %swap3A_59 = memref.load %arg13[%swap3A] : memref<1xf32, #tpu.memory_space<smem>>
    memref.store %reduce_sum3A_58, %arg13[%swap3A] : memref<1xf32, #tpu.memory_space<smem>>
    %jit3A_60 = arith.constant 0 : i32
    %broadcast_in_dim3A_61 = vector.broadcast %jit3A_60 : i32 to vector<256x1xi32>
    %select_n3A_62 = arith.select %eq3A_51, %get3A_6, %broadcast_in_dim3A_61 : vector<256x1xi1>, vector<256x1xi32>
    %reduce_sum3A_63 = vector.shape_cast %select_n3A_62 : vector<256x1xi32> to vector<1x256x1xi32>
    %reduce_sum3A_64 = arith.constant dense<0> : vector<1xi32>
    %reduce_sum3A_65 = vector.multi_reduction <add>, %reduce_sum3A_63, %reduce_sum3A_64 [1, 2] : vector<1x256x1xi32> to vector<1xi32>
    %reduce_sum3A_66 = vector.shape_cast %reduce_sum3A_65 : vector<1xi32> to vector<1x1x1xi32>
    %reduce_sum3A_67 = vector.extract %reduce_sum3A_66[0, 0, 0] : i32 from vector<1x1x1xi32>
    %swap3A_68 = arith.constant 0 : index
    %swap3A_69 = memref.load %arg14[%swap3A_68] : memref<1xi32, #tpu.memory_space<smem>>
    memref.store %reduce_sum3A_67, %arg14[%swap3A_68] : memref<1xi32, #tpu.memory_space<smem>>
    %iota3A_70 = tpu.iota {dimensions = array<i32: 1>} : vector<1x12xi32>
    %jit3A_71 = arith.constant 4 : i32
    %eq3A_72 = arith.constant 0 : i32
    %eq3A_73 = arith.cmpi eq, %jit3A_71, %eq3A_72 : i32
    %jit3A_74 = arith.constant 1 : i32
    %select_n3A_75 = arith.select %eq3A_73, %jit3A_74, %jit3A_71 : i32
    %rem3A = vector.broadcast %select_n3A_75 : i32 to vector<1x12xi32>
    %rem3A_76 = arith.remsi %iota3A_70, %rem3A : vector<1x12xi32>
    %ne3A = arith.constant 0 : i32
    %ne3A_77 = vector.broadcast %ne3A : i32 to vector<1x12xi32>
    %ne3A_78 = arith.cmpi ne, %rem3A_76, %ne3A_77 : vector<1x12xi32>
    %lt3A_79 = arith.constant 0 : i32
    %lt3A_80 = vector.broadcast %lt3A_79 : i32 to vector<1x12xi32>
    %lt3A_81 = arith.cmpi slt, %rem3A_76, %lt3A_80 : vector<1x12xi32>
    %lt3A_82 = arith.constant 0 : i32
    %lt3A_83 = arith.cmpi slt, %select_n3A_75, %lt3A_82 : i32
    %ne3A_84 = vector.broadcast %lt3A_83 : i1 to vector<1x12xi1>
    %ne3A_85 = vector.broadcast %ne3A_84 : vector<1x12xi1> to vector<1x12xi1>
    %ne3A_86 = arith.xori %lt3A_81, %ne3A_85 : vector<1x12xi1>
    %and3A_87 = arith.andi %ne3A_86, %ne3A_78 : vector<1x12xi1>
    %add3A_88 = vector.broadcast %select_n3A_75 : i32 to vector<1x12xi32>
    %add3A_89 = arith.addi %rem3A_76, %add3A_88 : vector<1x12xi32>
    %select_n3A_90 = arith.select %and3A_87, %add3A_89, %rem3A_76 : vector<1x12xi1>, vector<1x12xi32>
    %shift_left3A = arith.constant 1 : i32
    %shift_left3A_91 = vector.broadcast %shift_left3A : i32 to vector<1x12xi32>
    %shift_left3A_92 = arith.shli %shift_left3A_91, %select_n3A_90 : vector<1x12xi32>
    %convert_element_type3A_93 = arith.sitofp %shift_left3A_92 : vector<1x12xi32> to vector<1x12xf32>
    %iota3A_94 = tpu.iota {dimensions = array<i32: 0>} : vector<16x12xi32>
    %iota3A_95 = tpu.iota {dimensions = array<i32: 1>} : vector<16x12xi32>
    %jit3A_96 = arith.constant 4 : i32
    %div3A = vector.broadcast %jit3A_96 : i32 to vector<16x12xi32>
    %div3A_97 = arith.divsi %iota3A_95, %div3A : vector<16x12xi32>
    %sign3A = arith.constant 0 : i32
    %sign3A_98 = vector.broadcast %sign3A : i32 to vector<16x12xi32>
    %sign3A_99 = arith.cmpi sgt, %iota3A_95, %sign3A_98 : vector<16x12xi32>
    %sign3A_100 = arith.extui %sign3A_99 : vector<16x12xi1> to vector<16x12xi32>
    %sign3A_101 = arith.constant 0 : i32
    %sign3A_102 = vector.broadcast %sign3A_101 : i32 to vector<16x12xi32>
    %sign3A_103 = arith.cmpi slt, %iota3A_95, %sign3A_102 : vector<16x12xi32>
    %sign3A_104 = arith.extui %sign3A_103 : vector<16x12xi1> to vector<16x12xi32>
    %sign3A_105 = arith.subi %sign3A_100, %sign3A_104 : vector<16x12xi32>
    %sign3A_106 = arith.constant 0 : i32
    %sign3A_107 = arith.cmpi sgt, %jit3A_96, %sign3A_106 : i32
    %sign3A_108 = arith.extui %sign3A_107 : i1 to i32
    %sign3A_109 = arith.constant 0 : i32
    %sign3A_110 = arith.cmpi slt, %jit3A_96, %sign3A_109 : i32
    %sign3A_111 = arith.extui %sign3A_110 : i1 to i32
    %sign3A_112 = arith.subi %sign3A_108, %sign3A_111 : i32
    %ne3A_113 = vector.broadcast %sign3A_112 : i32 to vector<16x12xi32>
    %ne3A_114 = arith.cmpi ne, %sign3A_105, %ne3A_113 : vector<16x12xi32>
    %rem3A_115 = vector.broadcast %jit3A_96 : i32 to vector<16x12xi32>
    %rem3A_116 = arith.remsi %iota3A_95, %rem3A_115 : vector<16x12xi32>
    %ne3A_117 = arith.constant 0 : i32
    %ne3A_118 = vector.broadcast %ne3A_117 : i32 to vector<16x12xi32>
    %ne3A_119 = arith.cmpi ne, %rem3A_116, %ne3A_118 : vector<16x12xi32>
    %and3A_120 = arith.andi %ne3A_114, %ne3A_119 : vector<16x12xi1>
    %sub3A_121 = arith.constant 1 : i32
    %sub3A_122 = vector.broadcast %sub3A_121 : i32 to vector<16x12xi32>
    %sub3A_123 = arith.subi %div3A_97, %sub3A_122 : vector<16x12xi32>
    %select_n3A_124 = arith.select %and3A_120, %sub3A_123, %div3A_97 : vector<16x12xi1>, vector<16x12xi32>
    %add3A_125 = arith.constant 13 : i32
    %add3A_126 = vector.broadcast %add3A_125 : i32 to vector<16x12xi32>
    %add3A_127 = arith.addi %add3A_126, %select_n3A_124 : vector<16x12xi32>
    %eq3A_128 = arith.cmpi eq, %iota3A_94, %add3A_127 : vector<16x12xi32>
    %jit3A_129 = arith.constant 1.000000e+00 : f32
    %jit3A_130 = arith.constant 0.000000e+00 : f32
    %broadcast_in_dim3A_131 = vector.broadcast %jit3A_129 : f32 to vector<16x12xf32>
    %broadcast_in_dim3A_132 = vector.broadcast %jit3A_130 : f32 to vector<16x12xf32>
    %select_n3A_133 = arith.select %eq3A_128, %broadcast_in_dim3A_131, %broadcast_in_dim3A_132 : vector<16x12xi1>, vector<16x12xf32>
    %dot_general3A_134 = arith.constant dense<0.000000e+00> : vector<256x12xf32>
    %dot_general3A_135 = tpu.matmul %get3A_3, %select_n3A_133, %dot_general3A_134 {dimension_numbers = #tpu.dot_dimension_numbers<[1], [0], [0], [1], [0, 0, 1, 1], [], []>, transpose_lhs_hint = false} : vector<256x16xf32>, vector<16x12xf32>, vector<256x12xf32> -> vector<256x12xf32>
    %mul3A_136 = vector.broadcast %convert_element_type3A_93 : vector<1x12xf32> to vector<256x12xf32>
    %mul3A_137 = arith.mulf %dot_general3A_135, %mul3A_136 : vector<256x12xf32>
    %sin3A = math.sin %mul3A_137 : vector<256x12xf32>
    %cos3A = math.cos %mul3A_137 : vector<256x12xf32>
    %get3A_138 = arith.constant 0 : index
    %get3A_139 = arith.constant 0 : index
    %get3A_140 = vector.load %arg4[%get3A_138, %get3A_139] : memref<16x128xf32, #tpu.memory_space<vmem>>, vector<16x128xf32>
    %dot_general3A_141 = arith.constant dense<0.000000e+00> : vector<256x128xf32>
    %dot_general3A_142 = tpu.matmul %get3A_3, %get3A_140, %dot_general3A_141 {dimension_numbers = #tpu.dot_dimension_numbers<[1], [0], [0], [1], [0, 0, 1, 1], [], []>, transpose_lhs_hint = false} : vector<256x16xf32>, vector<16x128xf32>, vector<256x128xf32> -> vector<256x128xf32>
    %get3A_143 = arith.constant 0 : index
    %get3A_144 = arith.constant 0 : index
    %get3A_145 = vector.load %arg5[%get3A_143, %get3A_144] : memref<12x128xf32, #tpu.memory_space<vmem>>, vector<12x128xf32>
    %dot_general3A_146 = arith.constant dense<0.000000e+00> : vector<256x128xf32>
    %dot_general3A_147 = tpu.matmul %sin3A, %get3A_145, %dot_general3A_146 {dimension_numbers = #tpu.dot_dimension_numbers<[1], [0], [0], [1], [0, 0, 1, 1], [], []>, transpose_lhs_hint = false} : vector<256x12xf32>, vector<12x128xf32>, vector<256x128xf32> -> vector<256x128xf32>
    %add3A_148 = arith.addf %dot_general3A_142, %dot_general3A_147 : vector<256x128xf32>
    %get3A_149 = arith.constant 0 : index
    %get3A_150 = arith.constant 0 : index
    %get3A_151 = vector.load %arg6[%get3A_149, %get3A_150] : memref<12x128xf32, #tpu.memory_space<vmem>>, vector<12x128xf32>
    %dot_general3A_152 = arith.constant dense<0.000000e+00> : vector<256x128xf32>
    %dot_general3A_153 = tpu.matmul %cos3A, %get3A_151, %dot_general3A_152 {dimension_numbers = #tpu.dot_dimension_numbers<[1], [0], [0], [1], [0, 0, 1, 1], [], []>, transpose_lhs_hint = false} : vector<256x12xf32>, vector<12x128xf32>, vector<256x128xf32> -> vector<256x128xf32>
    %add3A_154 = arith.addf %add3A_148, %dot_general3A_153 : vector<256x128xf32>
    %get3A_155 = arith.constant 0 : index
    %get3A_156 = arith.constant 0 : index
    %get3A_157 = vector.load %arg7[%get3A_155, %get3A_156] : memref<1x128xf32, #tpu.memory_space<vmem>>, vector<1x128xf32>
    %add3A_158 = vector.broadcast %get3A_157 : vector<1x128xf32> to vector<256x128xf32>
    %add3A_159 = arith.addf %add3A_154, %add3A_158 : vector<256x128xf32>
    %max3A_160 = arith.constant 0.000000e+00 : f32
    %max3A_161 = vector.broadcast %max3A_160 : f32 to vector<256x128xf32>
    %max3A_162 = arith.maximumf %add3A_159, %max3A_161 : vector<256x128xf32>
    %get3A_163 = arith.constant 0 : index
    %get3A_164 = arith.constant 0 : index
    %get3A_165 = vector.load %arg8[%get3A_163, %get3A_164] : memref<128x128xf32, #tpu.memory_space<vmem>>, vector<128x128xf32>
    %dot_general3A_166 = arith.constant dense<0.000000e+00> : vector<256x128xf32>
    %dot_general3A_167 = tpu.matmul %max3A_162, %get3A_165, %dot_general3A_166 {dimension_numbers = #tpu.dot_dimension_numbers<[1], [0], [0], [1], [0, 0, 1, 1], [], []>, transpose_lhs_hint = false} : vector<256x128xf32>, vector<128x128xf32>, vector<256x128xf32> -> vector<256x128xf32>
    %get3A_168 = arith.constant 0 : index
    %get3A_169 = arith.constant 0 : index
    %get3A_170 = vector.load %arg9[%get3A_168, %get3A_169] : memref<1x128xf32, #tpu.memory_space<vmem>>, vector<1x128xf32>
    %add3A_171 = vector.broadcast %get3A_170 : vector<1x128xf32> to vector<256x128xf32>
    %add3A_172 = arith.addf %dot_general3A_167, %add3A_171 : vector<256x128xf32>
    %max3A_173 = arith.constant 0.000000e+00 : f32
    %max3A_174 = vector.broadcast %max3A_173 : f32 to vector<256x128xf32>
    %max3A_175 = arith.maximumf %add3A_172, %max3A_174 : vector<256x128xf32>
    %get3A_176 = arith.constant 0 : index
    %get3A_177 = arith.constant 0 : index
    %get3A_178 = vector.load %arg10[%get3A_176, %get3A_177] : memref<128x3xf32, #tpu.memory_space<vmem>>, vector<128x3xf32>
    %dot_general3A_179 = arith.constant dense<0.000000e+00> : vector<256x3xf32>
    %dot_general3A_180 = tpu.matmul %max3A_175, %get3A_178, %dot_general3A_179 {dimension_numbers = #tpu.dot_dimension_numbers<[1], [0], [0], [1], [0, 0, 1, 1], [], []>, transpose_lhs_hint = false} : vector<256x128xf32>, vector<128x3xf32>, vector<256x3xf32> -> vector<256x3xf32>
    %get3A_181 = arith.constant 0 : index
    %get3A_182 = arith.constant 0 : index
    %get3A_183 = vector.load %arg11[%get3A_181, %get3A_182] : memref<1x3xf32, #tpu.memory_space<vmem>>, vector<1x3xf32>
    %add3A_184 = vector.broadcast %get3A_183 : vector<1x3xf32> to vector<256x3xf32>
    %add3A_185 = arith.addf %dot_general3A_180, %add3A_184 : vector<256x3xf32>
    %logistic3A = arith.negf %add3A_185 : vector<256x3xf32>
    %logistic3A_186 = math.exp %logistic3A : vector<256x3xf32>
    %logistic3A_187 = arith.constant 1.000000e+00 : f32
    %logistic3A_188 = vector.broadcast %logistic3A_187 : f32 to vector<256x3xf32>
    %logistic3A_189 = arith.addf %logistic3A_188, %logistic3A_186 : vector<256x3xf32>
    %logistic3A_190 = arith.divf %logistic3A_188, %logistic3A_189 : vector<256x3xf32>
    %broadcast_in_dim3A_191 = arith.constant 0.000000e+00 : f32
    %broadcast_in_dim3A_192 = vector.broadcast %broadcast_in_dim3A_191 : f32 to vector<256x4xf32>
    %mul3A_193 = vector.broadcast %mul3A_46 : vector<256x1xf32> to vector<256x3xf32>
    %mul3A_194 = arith.mulf %mul3A_193, %logistic3A_190 : vector<256x3xf32>
    %concatenate3A = tpu.concatenate %mul3A_194, %log3A, %broadcast_in_dim3A_192 in 1 : vector<256x3xf32>, vector<256x1xf32>, vector<256x4xf32> -> vector<256x8xf32>
    %swap3A_195 = arith.constant 0 : index
    %swap3A_196 = arith.constant 0 : index
    %swap3A_197 = vector.load %arg12[%swap3A_195, %swap3A_196] : memref<256x8xf32, #tpu.memory_space<vmem>>, vector<256x8xf32>
    tpu.vector_store %arg12[%swap3A_195, %swap3A_196], %concatenate3A {strides = array<i32>} : memref<256x8xf32, #tpu.memory_space<vmem>>, vector<256x8xf32>,
    return
  }
  func.func @transform_0(%arg0: i32) -> (i32, i32) {
    %c0_i32 = arith.constant 0 : i32
    %c0_i32_0 = arith.constant 0 : i32
    return %arg0, %c0_i32 : i32, i32
  }
  func.func @transform_1(%arg0: i32) -> (i32, i32) {
    %c0_i32 = arith.constant 0 : i32
    %c0_i32_0 = arith.constant 0 : i32
    return %arg0, %c0_i32 : i32, i32
  }
  func.func @transform_2(%arg0: i32) -> (i32, i32, i32) {
    %c0_i32 = arith.constant 0 : i32
    %c0_i32_0 = arith.constant 0 : i32
    %c0_i32_1 = arith.constant 0 : i32
    return %arg0, %c0_i32, %c0_i32_0 : i32, i32, i32
  }
  func.func @transform_3(%arg0: i32) -> (i32, i32) {
    %c0_i32 = arith.constant 0 : i32
    %c0_i32_0 = arith.constant 0 : i32
    %c0_i32_1 = arith.constant 0 : i32
    return %c0_i32, %c0_i32_0 : i32, i32
  }
  func.func @transform_4(%arg0: i32) -> (i32, i32) {
    %c0_i32 = arith.constant 0 : i32
    %c0_i32_0 = arith.constant 0 : i32
    %c0_i32_1 = arith.constant 0 : i32
    return %c0_i32, %c0_i32_0 : i32, i32
  }
  func.func @transform_5(%arg0: i32) -> (i32, i32) {
    %c0_i32 = arith.constant 0 : i32
    %c0_i32_0 = arith.constant 0 : i32
    %c0_i32_1 = arith.constant 0 : i32
    return %c0_i32, %c0_i32_0 : i32, i32
  }
  func.func @transform_6(%arg0: i32) -> (i32, i32) {
    %c0_i32 = arith.constant 0 : i32
    %c0_i32_0 = arith.constant 0 : i32
    %c0_i32_1 = arith.constant 0 : i32
    return %c0_i32, %c0_i32_0 : i32, i32
  }
  func.func @transform_7(%arg0: i32) -> (i32, i32) {
    %c0_i32 = arith.constant 0 : i32
    %c0_i32_0 = arith.constant 0 : i32
    %c0_i32_1 = arith.constant 0 : i32
    return %c0_i32, %c0_i32_0 : i32, i32
  }
  func.func @transform_8(%arg0: i32) -> (i32, i32) {
    %c0_i32 = arith.constant 0 : i32
    %c0_i32_0 = arith.constant 0 : i32
    %c0_i32_1 = arith.constant 0 : i32
    return %c0_i32, %c0_i32_0 : i32, i32
  }
  func.func @transform_9(%arg0: i32) -> (i32, i32) {
    %c0_i32 = arith.constant 0 : i32
    %c0_i32_0 = arith.constant 0 : i32
    %c0_i32_1 = arith.constant 0 : i32
    return %c0_i32, %c0_i32_0 : i32, i32
  }
  func.func @transform_10(%arg0: i32) -> (i32, i32) {
    %c0_i32 = arith.constant 0 : i32
    %c0_i32_0 = arith.constant 0 : i32
    %c0_i32_1 = arith.constant 0 : i32
    return %c0_i32, %c0_i32_0 : i32, i32
  }
  func.func @transform_11(%arg0: i32) -> (i32, i32) {
    %c0_i32 = arith.constant 0 : i32
    %c0_i32_0 = arith.constant 0 : i32
    return %arg0, %c0_i32 : i32, i32
  }
}

module attributes {stable_mosaic.version = 14 : i64} {
  func.func @_d_kernel(%arg0: memref<2x8192x8xf32, #tpu.memory_space<vmem>>, %arg1: memref<8192x3xf32, #tpu.memory_space<vmem>>, %arg2: memref<8192x1xf32, #tpu.memory_space<vmem>>) attributes {dimension_semantics = [], scalar_prefetch = 0 : i64, scratch_operands = 0 : i64, tpu.core_type = #tpu.core_type<tc>} {
    %get3A = arith.constant 0 : index
    %get3A_0 = arith.constant 0 : index
    %get3A_1 = arith.constant 0 : index
    %get3A_2 = vector.load %arg0[%get3A, %get3A_0, %get3A_1] : memref<2x8192x8xf32, #tpu.memory_space<vmem>>, vector<1x8192x8xf32>
    %get3A_3 = vector.shape_cast %get3A_2 : vector<1x8192x8xf32> to vector<8192x8xf32>
    %get3A_4 = arith.constant 1 : index
    %get3A_5 = arith.constant 0 : index
    %get3A_6 = arith.constant 0 : index
    %get3A_7 = vector.load %arg0[%get3A_4, %get3A_5, %get3A_6] : memref<2x8192x8xf32, #tpu.memory_space<vmem>>, vector<1x8192x8xf32>
    %get3A_8 = vector.shape_cast %get3A_7 : vector<1x8192x8xf32> to vector<8192x8xf32>
    %add3A = arith.addf %get3A_3, %get3A_8 : vector<8192x8xf32>
    %slice3A = vector.extract_strided_slice %add3A {offsets = [0, 3], sizes = [8192, 1], strides = [1, 1]} : vector<8192x8xf32> to vector<8192x1xf32>
    %exp3A = math.exp %slice3A : vector<8192x1xf32>
    %slice3A_9 = vector.extract_strided_slice %add3A {offsets = [0, 0], sizes = [8192, 3], strides = [1, 1]} : vector<8192x8xf32> to vector<8192x3xf32>
    %add3A_10 = vector.broadcast %exp3A : vector<8192x1xf32> to vector<8192x3xf32>
    %add3A_11 = arith.addf %slice3A_9, %add3A_10 : vector<8192x3xf32>
    %swap3A = arith.constant 0 : index
    %swap3A_12 = arith.constant 0 : index
    %swap3A_13 = vector.load %arg1[%swap3A, %swap3A_12] : memref<8192x3xf32, #tpu.memory_space<vmem>>, vector<8192x3xf32>
    tpu.vector_store %arg1[%swap3A, %swap3A_12], %add3A_11 {strides = array<i32>} : memref<8192x3xf32, #tpu.memory_space<vmem>>, vector<8192x3xf32>,
    %swap3A_14 = arith.constant 0 : index
    %swap3A_15 = arith.constant 0 : index
    %swap3A_16 = vector.load %arg2[%swap3A_14, %swap3A_15] : memref<8192x1xf32, #tpu.memory_space<vmem>>, vector<8192x1xf32>
    tpu.vector_store %arg2[%swap3A_14, %swap3A_15], %exp3A {strides = array<i32>} : memref<8192x1xf32, #tpu.memory_space<vmem>>, vector<8192x1xf32>,
    return
  }
}

</mosaic_0001>

<sc_bundles>
// kernel: kernel.10.cloned.1.call-start
scs
__scs_entry_jumppad:
0x0: {  	(pc) =	sbr.rel $0x88, $3  }
0x1: {  	(tag) =	ssettag $0x0;
	lr =	simm.s32 $0x1  }
0x2: {  	[smem:$0x3F96] =	sst lr;
	_ =	strace $0xD0000000  }
0x3: {  	_ = 	snop  }
0x4: {  	_ = 	snop  }
0x5: {  	_ = 	snop  }
0x6: {  	_ = 	snop  }
0x7: {  	_ = 	snop  }
__scs_overlays_trampoline_lowered:
0x8: {  	[smem:$0x3FA5] =	sst s0  }
0x9: {  	[smem:$0x3FA6] =	sst s1  }
0xa: {  	[smem:$0x3FA7] =	sst s2  }
0xb: {  	[smem:$0x3FA8] =	sst s3  }
0xc: {  	[smem:$0x3FA9] =	sst s4  }
0xd: {  	[smem:$0x3FAA] =	sst s5  }
0xe: {  	[smem:$0x3FAB] =	sst s6  }
0xf: {  	[smem:$0x3FAC] =	sst s7  }
0x10: {  	[smem:$0x3FAD] =	sst s8  }
0x11: {  	[smem:$0x3FAE] =	sst s9;
	s0 =	simm.s32 @!p0 $0x0  }
0x12: {  	s1 =	sld [smem:$0x3F94];
	s0 =	simm.s32 @p0 $0x1  }
0x13: {  	[smem:$0x3FAF] =	sst s0;
	s0 =	simm.s32 @!p1 $0x0  }
0x14: {  	s2 =	sld [smem:$0x3F93];
	s0 =	simm.s32 @p1 $0x1  }
0x15: {  	[smem:$0x3FB0] =	sst s0;
	s0 =	simm.s32 @!p2 $0x0  }
0x16: {  	s3 =	sld [smem:$0x3FDB];
	s0 =	simm.s32 @p2 $0x1  }
0x17: {  	s4 =	simm.s32 $0x1BF5;
	[smem:$0x3FB2] =	sst s0  }
0x18: {  	s0 =	sld [smem:$0x3F95];
	_ =	swait.ge [sflag:s4], $0x0  }
0x19: {  	s7 =	sld [smem:$0x3F96]  }
0x1a: {  	s8 =	sadd.s32 $0xFFFFE003, lr  }
0x1b: {  	s9 =	sadd.s32 $0xFFFFFEF7, lr;
	s5 =	simm.s32 $0xFFFFFFFF;
	p2 =	slt.u32 s8, $0xFFFFF086  }
0x1c: {  	p1 =	slt.u32 s9, $0xF7A;
	s5 =	simm.s32 @!p2 $0x0  }
0x1d: {  	s5 =	simm.s32 @p1 $0x1;
	p0 =	seq.s32 s7, s2  }
0x1e: {  	s7 =	smul.u32 @!p0 $0xF7A, s2;
	p2 =	seq.s32 @!p0 s5, $0x0  }
0x1f: {  	s9 =	smul.u32 $0xF7A, s1;
	s8 =	simm.s32 @!p0 $0x1BF5;
	p2 =	por !p2, p0  }
0x20: {  	[sflag:s8] =	ssyncset.s32 @!p0 $0xFFFFF086;
	s6 =	sadd.s32 @!p0 s3, s7;
	s7 =	simm.s32 @!p0 $0x108  }
0x21: {  	s3 =	sadd.s32 s3, s9;
	s6 =	sadd.s32 @!p0 $0x88, s6;
	s7 =	simm.s32 @p2 $0x1082  }
0x22: {  	[simem:s7], [sflag:s8] =	dma.local @!p0 [hbm:s6], $0xF7A  }
0x23: {  	s9 =	sor.u32 $0xD0000000, s2;
	s6 =	simm.s32 $0x108;
	_ =	swait.ge @!p0 [sflag:s8], $0x0  }
0x24: {  	s3 =	sadd.s32 $0x88, s3;
	s6 =	simm.s32 @!p1 $0x1082;
	[sflag:s4] =	ssyncset.s32 $0xFFFFF086  }
0x25: {  	[simem:s6], [sflag:s4] =	dma.local [hbm:s3], $0xF7A  }
0x26: {  	[smem:$0x3F96] =	sst s1;
	(tag) =	ssettag s2;
	_ =	strace s9  }
0x27: {  	s1 =	sld [smem:$0x3FA6]  }
0x28: {  	s2 =	sld [smem:$0x3FA7]  }
0x29: {  	s4 =	sld [smem:$0x3FA9]  }
0x2a: {  	p0 =	seq.s32 s5, $0x0;
	s5 =	sld [smem:$0x3FAA]  }
0x2b: {  	s6 =	sld [smem:$0x3FAB]  }
0x2c: {  	s7 =	sld [smem:$0x3FAC]  }
0x2d: {  	s3 =	simm.s32 $0x108;
	s8 =	sld [smem:$0x3FAD]  }
0x2e: {  	s3 =	simm.s32 @!p0 $0x1082;
	s9 =	sld [smem:$0x3FAE]  }
0x2f: {  	lr =	sadd.s32 s0, s3;
	s0 =	sld [smem:$0x3FA5]  }
0x30: {  	s3 =	sld [smem:$0x3FA8]  }
0x31: {  	[smem:$0x3FB1] =	sst s10  }
0x32: {  	s10 =	sld [smem:$0x3FAF];
	_ =	sdelay $0x3  }
0x33: {  	p0 =	seq.s32 s10, $0x1;
	s10 =	sld [smem:$0x3FB1];
	_ =	sdelay $0x3  }
0x34: {  	[smem:$0x3FB1] =	sst s10  }
0x35: {  	s10 =	sld [smem:$0x3FB0];
	_ =	sdelay $0x3  }
0x36: {  	p1 =	seq.s32 s10, $0x1;
	s10 =	sld [smem:$0x3FB1];
	_ =	sdelay $0x3  }
0x37: {  	[smem:$0x3FB1] =	sst s10  }
0x38: {  	s10 =	sld [smem:$0x3FB2]  }
0x39: {  	_ = 	snop;
	(pc) =	sbr.ind lr, $3  }
0x3a: {  	_ = 	snop  }
0x3b: {  	_ = 	snop  }
0x3c: {  	p2 =	seq.s32 s10, $0x1;
	s10 =	sld [smem:$0x3FB1]  }
0x3d: {  	_ =	shalt  }
0x3e: {  	_ =	shalt  }
0x3f: {  	_ =	shalt  }
0x40: {  	_ =	shalt  }
0x41: {  	_ =	shalt  }
0x42: {  	_ =	shalt  }
0x43: {  	_ =	shalt  }
0x44: {  	_ =	shalt  }
0x45: {  	_ =	shalt  }
0x46: {  	_ =	shalt  }
0x47: {  	_ =	shalt  }
0x48: {  	_ =	shalt  }
0x49: {  	_ =	shalt  }
0x4a: {  	_ =	shalt  }
0x4b: {  	_ =	shalt  }
0x4c: {  	_ =	shalt  }
0x4d: {  	_ =	shalt  }
0x4e: {  	_ =	shalt  }
0x4f: {  	_ =	shalt  }
0x50: {  	_ =	shalt  }
0x51: {  	_ =	shalt  }
0x52: {  	_ =	shalt  }
0x53: {  	_ =	shalt  }
0x54: {  	_ =	shalt  }
0x55: {  	_ =	shalt  }
0x56: {  	_ =	shalt  }
0x57: {  	_ =	shalt  }
0x58: {  	_ =	shalt  }
0x59: {  	_ =	shalt  }
0x5a: {  	_ =	shalt  }
0x5b: {  	_ =	shalt  }
0x5c: {  	_ =	shalt  }
0x5d: {  	_ =	shalt  }
0x5e: {  	_ =	shalt  }
0x5f: {  	_ =	shalt  }
0x60: {  	_ =	shalt  }
0x61: {  	_ =	shalt  }
0x62: {  	_ =	shalt  }
0x63: {  	_ =	shalt  }
0x64: {  	_ =	shalt  }
0x65: {  	_ =	shalt  }
0x66: {  	_ =	shalt  }
0x67: {  	_ =	shalt  }
0x68: {  	_ =	shalt  }
0x69: {  	_ =	shalt  }
0x6a: {  	_ =	shalt  }
0x6b: {  	_ =	shalt  }
0x6c: {  	_ =	shalt  }
0x6d: {  	_ =	shalt  }
0x6e: {  	_ =	shalt  }
0x6f: {  	_ =	shalt  }
0x70: {  	_ =	shalt  }
0x71: {  	_ =	shalt  }
0x72: {  	_ =	shalt  }
0x73: {  	_ =	shalt  }
0x74: {  	_ =	shalt  }
0x75: {  	_ =	shalt  }
0x76: {  	_ =	shalt  }
0x77: {  	_ =	shalt  }
0x78: {  	_ =	shalt  }
0x79: {  	_ =	shalt  }
0x7a: {  	_ =	shalt  }
0x7b: {  	_ =	shalt  }
0x7c: {  	_ =	shalt  }
0x7d: {  	_ =	shalt  }
0x7e: {  	_ =	shalt  }
0x7f: {  	_ =	shalt  }
0x80: {  	_ =	shalt  }
0x81: {  	_ =	shalt  }
0x82: {  	_ =	shalt  }
0x83: {  	_ =	shalt  }
0x84: {  	_ =	shalt  }
0x85: {  	_ =	shalt  }
0x86: {  	_ =	shalt  }
0x87: {  	_ =	shalt  }
.Lfunc_end0:
.L_simem_size_0:
called_computation.1_lowered:
.L_overlay_start_0:
0x88: {  	s2 =	sld [smem:$0x3FD9]  }
0x89: {  	s3 =	sld [smem:$0x3FFE];
	_ =	sdelay $0x1  }
0x8a: {  	s1 =	srdreg.scid  }
0x8b: {  	s0 =	sand.u32 $0x1, s1  }
0x8c: {  	s17 =	sshll.u32 s0, $0xA;
	s2 =	sadd.s32 s3, s2  }
0x8d: {  	s2 =	sadd.s32 s2, s17  }
0x8e: {  	[smem:$0x3FBD] =	sst s2  }
0x8f: {  	_ = 	snop  }
0x90: {  	s2 =	sld [smem:$0x3FC7];
	(tm) =	ssettm $0x1  }
0x91: {  	s18 =	sld [smem:$0x3FFB];
	_ =	sdelay $0x3  }
0x92: {  	_ =	strace s18  }
0x93: {  	s3 =	sld [smem:$0x3FFC];
	_ =	sdelay $0x3  }
0x94: {  	_ =	strace s3  }
0x95: {  	s3 =	sld [smem:$0x3FFD];
	_ =	sdelay $0x3  }
0x96: {  	_ =	strace s3  }
0x97: {  	_ =	strace $0x8FFFFFFF  }
0x98: {  	s19 =	sld [smem:$0x3FDB];
	_ =	sdelay $0x1  }
0x99: {  	s4 =	simm.s32 $_scs_section_size  }
0x9a: {  	s5 =	simm.s32 $_size__tile_overlayer_lowered;
	s6 =	simm.s32 $_tile_overlayer_lowered  }
0x9b: {  	s22 =	simm.s32 $0x1BFF;
	s21 =	sshll.u32 s6, $0x1;
	s3 =	sadd.s32 s4, s19  }
0x9c: {  	s7 =	simm.s32 $0x0;
	s20 =	sshll.u32 s5, $0x1;
	s5 =	sadd.s32 s21, s3  }
0x9d: {  	[timem:s7], [sflag:s22] =	dma.local [hbm:s5], s20  }
0x9e: {  	_ =	swait.ge [sflag:s22], s20  }
0x9f: {  	s4 =	ssub.s32 $0x0, s20;
	[sflag:s22] =	ssyncset.done $0x0  }
0xa0: {  	[sflag:s22] =	ssyncadd.s32 s4;
	_ =	sdelay $0x1  }
0xa1: {  	s23 =	simm.s32 $0x1B8B  }
0xa2: {  	_ =	swait.ge [sflag:s23], $0x1  }
0xa3: {  	[sflag:s23] =	ssyncset.done $0x0  }
0xa4: {  	s25 =	simm.s32 $0x1B8E;
	s24 =	sld [smem:$0x3FFE];
	[sflag:s23] =	ssyncadd.s32 $0xFFFFFFFF  }
0xa5: {  	s26 =	simm.s32 $execute0_lowered;
	[smem:$0x3FD2] =	sst s25  }
0xa6: {  	s5 =	sshll.u32 s26, $0x1;
	_ =	strace $0x80000049;
	[dreg:$0x1] =	wrdreg $0xFFFFFFFF  }
0xa7: {  	s28 =	simm.s32 $_size_execute0_lowered;
	s3 =	sadd.s32 s3, s5;
	[dreg:$0x0] =	wrdreg $0x0  }
0xa8: {  	s5 =	sshll.u32 s28, $0x1;
	[dreg:$0x2] =	wrdreg s3  }
0xa9: {  	[dreg:$0x3] =	wrdreg s5  }
0xaa: {  	[dreg:$0x4] =	wrdreg $0xC0  }
0xab: {  	_ =	task [dreg:s7], $0x5FFFF  }
0xac: {  	[dreg:$0x1] =	wrdreg $0xFFFFFFFF  }
0xad: {  	[dreg:$0x0] =	wrdreg $0x60  }
0xae: {  	[dreg:$0x2] =	wrdreg s24  }
0xaf: {  	[dreg:$0x3] =	wrdreg s2  }
0xb0: {  	[dreg:$0x4] =	wrdreg $0x9  }
0xb1: {  	_ =	task.clear_ibuf [dreg:s7], $0x5FFFF;
	_ =	strace $0x90000049  }
0xb2: {  	s29 =	simm.s32 $0x9;
	_ =	strace $0x8000004B  }
0xb3: {  	_ =	swait.ge [sflag:s29], $0x1  }
0xb4: {  	[sflag:s29] =	ssyncadd.s32 $0xFFFFFFFF  }
0xb5: {  	_ =	strace $0x9000004B  }
0xb6: {  	_ =	sfence  }
0xb7: {  	s30 =	sld [smem:$0x0];
	_ =	sdelay $0x2  }
0xb8: {  	s31 =	sshll.u32 s1, $0xD;
	s1 =	sshrl.u32 s1, $0x2  }
0xb9: {  	s3 =	sand.u32 $0x4000, s31;
	s1 =	sadd.s32 s1, s30  }
0xba: {  	s0 =	sor.u32 s3, s0;
	s1 =	sshll.u32 s1, $0x11  }
0xbb: {  	s0 =	sor.u32 s1, s0  }
0xbc: {  	s0 =	sadd.s32 $0x8F2B, s0  }
0xbd: {  	[sflag:s0] =	ssyncadd.remote.s32 $0x1  }
0xbe: {  	_ =	sfence.sel $0xFFFF  }
0xbf: {  	[dreg:$0x0] =	wrdreg $0xFFFFFFFF;
	(pc) =	sbr.abs _section_cstart, $3  }
0xc0: {  	[dreg:$0x1] =	wrdreg $0xFFFFFFFF  }
0xc1: {  	_ =	task.clear_ibuf [dreg:s7], $0x2FFFF;
	_ =	strace $0x9FFFFFFF  }
0xc2: {  	(tm) =	ssettm $0x7FFFFFFF  }
0xc3: {  	_ =	shalt  }
tec
execute0_lowered:
.L_overlay_start_1:
0x0: {  	(tag) =	ssettag $0x1  }
0x1: {  	s0 =	rddreg [dreg:$0x0];
	s1 =	simm.s32 $0x0;
	s30 =	srdreg.scid  }
0x2: {  	s9 =	stileid.u32;
	s12 =	simm.s32 $0x2;
	s13 =	simm.s32 $0x600  }
0x3: {  	s14 =	simm.s32 $0x80;
	s15 =	simm.s32 $0x12000;
	s16 =	simm.s32 $0x12800  }
0x4: {  	s17 =	simm.s32 $0x680;
	s18 =	simm.s32 $0x13000;
	s19 =	simm.s32 $0x700  }
0x5: {  	s20 =	simm.s32 $0x13800;
	s21 =	simm.s32 $0x780;
	s22 =	simm.s32 $0x14000  }
0x6: {  	s23 =	simm.s32 $0x1;
	s24 =	simm.s32 $0x14800;
	[smem:$0x7FF] =	sst s1  }
0x7: {  	s3 =	sadd.s32 $0xE4FC00, s0;
	s4 =	sadd.s32 $0xE3FC00, s0;
	s1 =	sand.u32 $0x1, s30  }
0x8: {  	s6 =	sadd.s32 $0xE2FC00, s0;
	s7 =	sadd.s32 $0x65BC00, s0;
	s2 =	ssub.s32 $0x2, s1  }
0x9: {  	s8 =	sadd.s32 $0xE2BC00, s0;
	s10 =	sshll.u32 s9, $0xE;
	s5 =	sshrl.u32 s2, $0x1  }
0xa: {  	s9 =	sadd.s32 $0x2C00, s0;
	s1 =	sshll.u32 s1, $0x12;
	s31 =	ssub.s32 s2, s5  }
0xb: {  	_ =	strace $0x8000004A;
	s10 =	sor.u32 s10, s1;
	s0 =	smax.u32 s31, $0x1  }
0xc: {  	s1 =	simm.s32 $0x0;
	s2 =	simm.s32 $0x1780;
	[dreg:$0x3] =	wrdreg s0  }
.LBB2_1:
0xd: {  	[dreg:$0x4] =	wrdreg s1;
	s25 =	simm.s32 $0x0  }
.LBB2_2:
0xe: {  	s0 =	sshll.u32 s25, $0x9  }
0xf: {  	s26 =	sadd.s32 s10, s0  }
0x10: {  	s0 =	sshrl.u32 s26, $0x3  }
0x11: {  	s28 =	simm.s32 $0x0;
	s1 =	sadd.s32 s3, s0  }
0x12: {  	[tilespmem:s28], [sflag:$0x2] =	stream.linear.gather [hbm4b:s1+s28], $0x200, $0x38;
	[tilespmem:$0x16800] =	vst v63  }
0x13: {  	_ =	swait.ge [sflag:s12], $0x200  }
0x14: {  	[sflag:s12] =	ssyncset.done $0x0  }
0x15: {  	s29 =	simm.s32 $0x200;
	s5 =	sadd.s32 s4, s0;
	[sflag:s12] =	ssyncadd.s32 $0xFFFFFE00  }
0x16: {  	[tilespmem:s29], [sflag:$0x2] =	stream.linear.gather [hbm4b:s5+s28], $0x200, $0x38;
	[tilespmem:$0x16800] =	vst v63  }
0x17: {  	_ =	swait.ge [sflag:s12], $0x200  }
0x18: {  	[sflag:s12] =	ssyncset.done $0x0  }
0x19: {  	s11 =	sadd.s32 s6, s0;
	s5 =	simm.s32 $0x400;
	[sflag:s12] =	ssyncadd.s32 $0xFFFFFE00  }
0x1a: {  	[tilespmem:s5], [sflag:$0x2] =	stream.linear.gather [hbm4b:s11+s28], $0x200, $0x38;
	[tilespmem:$0x16800] =	vst v63  }
0x1b: {  	_ =	swait.ge [sflag:s12], $0x200  }
0x1c: {  	[sflag:s12] =	ssyncset.done $0x0  }
0x1d: {  	[sflag:s12] =	ssyncadd.s32 $0xFFFFFE00  }
0x1e: {  	s11 =	rddreg [dreg:$0x1]  }
0x1f: {  	s0 =	sadd.s32 s11, s0  }
0x20: {  	[tilespmem:s13], [sflag:$0x2] =	stream.linear.gather [hbm4b:s0+s28], $0x200, $0x38;
	[tilespmem:$0x16800] =	vst v63  }
0x21: {  	_ =	swait.ge [sflag:s12], $0x200  }
0x22: {  	[sflag:s12] =	ssyncset.done $0x0  }
0x23: {  	[sflag:s12] =	ssyncadd.s32 $0xFFFFFE00  }
0x24: {  	v0 =	vld [tilespmem:s29+$0x0]  }
0x25: {  	v1 =	vld [tilespmem:s5+$0x0]  }
0x26: {  	v2 =	vld [tilespmem:s28+$0x0];
	_ =	sdelay $0x3  }
0x27: {  	v0 =	vadd.f32 $1.000000000e+00, v0  }
0x28: {  	v1 =	vadd.f32 $1.000000000e+00, v1;
	v2 =	vadd.f32 $1.000000000e+00, v2  }
0x29: {  	v0 =	vmul.f32 $5.000000000e-01, v0  }
0x2a: {  	v1 =	vmul.f32 $5.000000000e-01, v1;
	v2 =	vmul.f32 $5.000000000e-01, v2  }
0x2b: {  	v0 =	vmul.f32 $1.590000000e+02, v0  }
0x2c: {  	v1 =	vmul.f32 $1.590000000e+02, v1;
	v2 =	vmul.f32 $1.590000000e+02, v2  }
0x2d: {  	v3 =	vtrunc.f32 v0  }
0x2e: {  	v4 =	vtrunc.f32 v1;
	v5 =	vtrunc.f32 v2  }
0x2f: {  	v3 =	vcvt.f32.s32 v3;
	v4 =	vcvt.f32.s32 v4  }
0x30: {  	v5 =	vcvt.f32.s32 v5  }
0x31: {  	vm0 =	vgt.s32 v3, $0x0;
	vm1 =	vgt.s32 v4, $0x0  }
0x32: {  	vm15 =	vgt.s32 v5, $0x0;
	v3 =	vnsel vm0, $0x0, v3;
	v4 =	vnsel vm1, $0x0, v4  }
0x33: {  	v5 =	vnsel vm15, $0x0, v5;
	v3 =	vmin.u32 v3, $0x9E;
	v4 =	vmin.u32 v4, $0x9E  }
0x34: {  	v5 =	vmin.u32 v5, $0x9E;
	v6 =	vcvt.s32.f32 v3;
	v7 =	vcvt.s32.f32 v4  }
0x35: {  	v8 =	vcvt.s32.f32 v5  }
0x36: {  	v0 =	vsub.f32 v0, v6;
	v1 =	vsub.f32 v1, v7  }
0x37: {  	v4 =	vmul.u32 $0xA0, v4;
	v2 =	vsub.f32 v2, v8  }
0x38: {  	v6 =	vsub.f32 $1.000000000e+00, v0;
	v7 =	vsub.f32 $1.000000000e+00, v1  }
0x39: {  	v3 =	vadd.s32 v3, v4  }
0x3a: {  	v3 =	vmul.u32 $0xA0, v3;
	v54 =	vsub.f32 $1.000000000e+00, v2;
	v55 =	vmul.f32 v7, v6;
	_ =	sdelay $0x1  }
0x3b: {  	s30 =	simm.s32 $0x800;
	v3 =	vadd.s32 v5, v3;
	v56 =	vmul.f32 v55, v54  }
0x3c: {  	s31 =	simm.s32 $0x2000;
	[tilespmem:s30+$0x0] =	vst v3  }
0x3d: {  	s1 =	sand.u32 $0x7FFFFFF0, s28;
	v7 =	vmul.f32 v7, v0;
	v9 =	vadd.s32 $0x1, v3;
	v8 =	vmul.f32 v55, v2;
	[tilespmem:s31+$0xFFFFF800] =	vst v56  }
0x3e: {  	[tilespmem:s1+$0xA00] =	vst v9  }
0x3f: {  	v58 =	vadd.s32 $0xA0, v3;
	v57 =	vmul.f32 v7, v54;
	[tilespmem:s31+$0xFFFFFA00] =	vst v8  }
0x40: {  	[tilespmem:s1+$0xC00] =	vst v58  }
0x41: {  	v6 =	vmul.f32 v6, v1;
	v59 =	vadd.s32 $0xA1, v3;
	v7 =	vmul.f32 v7, v2;
	[tilespmem:s31+$0xFFFFFC00] =	vst v57  }
0x42: {  	[tilespmem:s1+$0xE00] =	vst v59  }
0x43: {  	v61 =	vadd.s32 $0x6400, v3;
	v60 =	vmul.f32 v6, v54;
	[tilespmem:s31+$0xFFFFFE00] =	vst v7  }
0x44: {  	[tilespmem:s1+$0x1000] =	vst v61  }
0x45: {  	v0 =	vmul.f32 v1, v0;
	v62 =	vadd.s32 $0x6401, v3;
	v1 =	vmul.f32 v6, v2;
	[tilespmem:s31+$0x0] =	vst v60  }
0x46: {  	[tilespmem:s1+$0x1200] =	vst v62  }
0x47: {  	v63 =	vadd.s32 $0x64A0, v3;
	v4 =	vmul.f32 v0, v54;
	[tilespmem:s31+$0x200] =	vst v1  }
0x48: {  	[tilespmem:s1+$0x1400] =	vst v63  }
0x49: {  	s11 =	simm.s32 $0x2010;
	s0 =	simm.s32 $0x10;
	s5 =	simm.s32 $0x410;
	v0 =	vmul.f32 v0, v2;
	v1 =	vadd.s32 $0x64A1, v3;
	[tilespmem:s31+$0x400] =	vst v4  }
.LBB2_3:
0x4a: {  	[tilespmem:s1+$0x1600] =	vst v1;
	s30 =	sadd.s32 $0x10, s30;
	s28 =	sadd.s32 $0x10, s28;
	s29 =	sadd.s32 $0x10, s29  }
0x4b: {  	p0 =	sne.s32 s0, $0x1F0;
	s1 =	smov.u32 s0;
	s0 =	sadd.s32 $0x10, s0;
	[tilespmem:s31+$0x600] =	vst v0  }
0x4c: {  	s31 =	smov.u32 s11;
	v0 =	vld [tilespmem:s29+$0x0]  }
0x4d: {  	v1 =	vld [tilespmem:s5+$0x0]  }
0x4e: {  	v2 =	vld [tilespmem:s28+$0x0];
	_ =	sdelay $0x2  }
0x4f: {  	v0 =	vadd.f32 $1.000000000e+00, v0  }
0x50: {  	v1 =	vadd.f32 $1.000000000e+00, v1  }
0x51: {  	v2 =	vadd.f32 $1.000000000e+00, v2;
	v0 =	vmul.f32 $5.000000000e-01, v0  }
0x52: {  	v1 =	vmul.f32 $5.000000000e-01, v1  }
0x53: {  	v2 =	vmul.f32 $5.000000000e-01, v2;
	v0 =	vmul.f32 $1.590000000e+02, v0  }
0x54: {  	v1 =	vmul.f32 $1.590000000e+02, v1  }
0x55: {  	v2 =	vmul.f32 $1.590000000e+02, v2;
	v3 =	vtrunc.f32 v0  }
0x56: {  	v3 =	vcvt.f32.s32 v3;
	v4 =	vtrunc.f32 v1  }
0x57: {  	v5 =	vtrunc.f32 v2;
	v4 =	vcvt.f32.s32 v4  }
0x58: {  	v5 =	vcvt.f32.s32 v5;
	vm0 =	vgt.s32 v3, $0x0  }
0x59: {  	v3 =	vnsel vm0, $0x0, v3;
	vm0 =	vgt.s32 v4, $0x0  }
0x5a: {  	vm1 =	vgt.s32 v5, $0x0;
	v3 =	vmin.u32 v3, $0x9E;
	v4 =	vnsel vm0, $0x0, v4  }
0x5b: {  	v5 =	vnsel vm1, $0x0, v5;
	v4 =	vmin.u32 v4, $0x9E;
	v6 =	vcvt.s32.f32 v3  }
0x5c: {  	v5 =	vmin.u32 v5, $0x9E;
	v7 =	vcvt.s32.f32 v4;
	v4 =	vmul.u32 $0xA0, v4  }
0x5d: {  	v8 =	vcvt.s32.f32 v5;
	v0 =	vsub.f32 v0, v6  }
0x5e: {  	v1 =	vsub.f32 v1, v7;
	v3 =	vadd.s32 v3, v4  }
0x5f: {  	v2 =	vsub.f32 v2, v8;
	v4 =	vsub.f32 $1.000000000e+00, v0;
	v3 =	vmul.u32 $0xA0, v3  }
0x60: {  	v6 =	vsub.f32 $1.000000000e+00, v1;
	v7 =	vmul.f32 v1, v0  }
0x61: {  	v3 =	vadd.s32 v5, v3;
	v1 =	vmul.f32 v4, v1  }
0x62: {  	v5 =	vsub.f32 $1.000000000e+00, v2;
	v4 =	vmul.f32 v6, v4;
	v6 =	vmul.f32 v6, v0  }
0x63: {  	v0 =	vmul.f32 v7, v2;
	v8 =	vmul.f32 v1, v2  }
0x64: {  	v9 =	vmul.f32 v4, v5;
	v4 =	vmul.f32 v4, v2;
	[tilespmem:s30+$0x0] =	vst v3  }
0x65: {  	s1 =	sand.u32 $0x7FFFFFF0, s1;
	v10 =	vmul.f32 v6, v5;
	v2 =	vmul.f32 v6, v2;
	v6 =	vadd.s32 $0x1, v3  }
0x66: {  	[tilespmem:s11+$0xFFFFF800] =	vst v9  }
0x67: {  	[tilespmem:s1+$0xA00] =	vst v6;
	v6 =	vadd.s32 $0xA0, v3  }
0x68: {  	[tilespmem:s11+$0xFFFFFA00] =	vst v4  }
0x69: {  	v4 =	vadd.s32 $0xA1, v3;
	[tilespmem:s1+$0xC00] =	vst v6  }
0x6a: {  	[tilespmem:s11+$0xFFFFFC00] =	vst v10  }
0x6b: {  	v1 =	vmul.f32 v1, v5;
	[tilespmem:s1+$0xE00] =	vst v4;
	v4 =	vadd.s32 $0x6400, v3  }
0x6c: {  	[tilespmem:s11+$0xFFFFFE00] =	vst v2  }
0x6d: {  	v2 =	vadd.s32 $0x6401, v3;
	[tilespmem:s1+$0x1000] =	vst v4  }
.Ltmp0:
0x6e: {  	[tilespmem:s11+$0x0] =	vst v1;
	(pc) =	sbr.rel @p0 .LBB2_3-.Ltmp0, $4  }
0x6f: {  	v4 =	vmul.f32 v7, v5;
	v1 =	vadd.s32 $0x64A0, v3;
	[tilespmem:s1+$0x1200] =	vst v2  }
0x70: {  	[tilespmem:s11+$0x200] =	vst v8  }
0x71: {  	[tilespmem:s1+$0x1400] =	vst v1;
	v1 =	vadd.s32 $0x64A1, v3  }
0x72: {  	s5 =	sadd.s32 $0x10, s5;
	s11 =	sadd.s32 $0x10, s11;
	[tilespmem:s31+$0x400] =	vst v4  }
0x73: {  	[tilespmem:s1+$0x1600] =	vst v1  }
0x74: {  	s0 =	simm.s32 $0x800;
	[tilespmem:s31+$0x600] =	vst v0;
	s31 =	simm.s32 $0x2800  }
0x75: {  	[tilespmem:s31], [sflag:$0x1] =	stream.indirect.gather [hbm4b:s7+s14], $0x10, s0, s14, $0xb8;
	[tilespmem:$0x16800] =	vst v63  }
0x76: {  	s5 =	simm.s32 $0x880;
	s11 =	simm.s32 $0x3000  }
0x77: {  	[tilespmem:s11], [sflag:$0x1] =	stream.indirect.gather [hbm4b:s7+s14], $0x10, s5, s14, $0xb8;
	[tilespmem:$0x16800] =	vst v63  }
0x78: {  	s30 =	simm.s32 $0x900;
	s31 =	simm.s32 $0x3800  }
0x79: {  	[tilespmem:s31], [sflag:$0x1] =	stream.indirect.gather [hbm4b:s7+s14], $0x10, s30, s14, $0xb8;
	[tilespmem:$0x16800] =	vst v63  }
0x7a: {  	s5 =	simm.s32 $0x980;
	s11 =	simm.s32 $0x4000  }
0x7b: {  	[tilespmem:s11], [sflag:$0x1] =	stream.indirect.gather [hbm4b:s7+s14], $0x10, s5, s14, $0xb8;
	[tilespmem:$0x16800] =	vst v63  }
0x7c: {  	s30 =	simm.s32 $0xA00;
	s31 =	simm.s32 $0x4800  }
0x7d: {  	[tilespmem:s31], [sflag:$0x1] =	stream.indirect.gather [hbm4b:s7+s14], $0x10, s30, s14, $0xb8;
	[tilespmem:$0x16800] =	vst v63  }
0x7e: {  	s5 =	simm.s32 $0xA80;
	s11 =	simm.s32 $0x5000  }
0x7f: {  	[tilespmem:s11], [sflag:$0x1] =	stream.indirect.gather [hbm4b:s7+s14], $0x10, s5, s14, $0xb8;
	[tilespmem:$0x16800] =	vst v63  }
0x80: {  	s30 =	simm.s32 $0xB00;
	s31 =	simm.s32 $0x5800  }
0x81: {  	[tilespmem:s31], [sflag:$0x1] =	stream.indirect.gather [hbm4b:s7+s14], $0x10, s30, s14, $0xb8;
	[tilespmem:$0x16800] =	vst v63  }
0x82: {  	s5 =	simm.s32 $0xB80;
	s11 =	simm.s32 $0x6000  }
0x83: {  	[tilespmem:s11], [sflag:$0x1] =	stream.indirect.gather [hbm4b:s7+s14], $0x10, s5, s14, $0xb8;
	[tilespmem:$0x16800] =	vst v63  }
0x84: {  	s30 =	simm.s32 $0xC00;
	s31 =	simm.s32 $0x6800  }
0x85: {  	[tilespmem:s31], [sflag:$0x1] =	stream.indirect.gather [hbm4b:s7+s14], $0x10, s30, s14, $0xb8;
	[tilespmem:$0x16800] =	vst v63  }
0x86: {  	s5 =	simm.s32 $0xC80;
	s11 =	simm.s32 $0x7000  }
0x87: {  	[tilespmem:s11], [sflag:$0x1] =	stream.indirect.gather [hbm4b:s7+s14], $0x10, s5, s14, $0xb8;
	[tilespmem:$0x16800] =	vst v63  }
0x88: {  	s30 =	simm.s32 $0xD00;
	s31 =	simm.s32 $0x7800  }
0x89: {  	[tilespmem:s31], [sflag:$0x1] =	stream.indirect.gather [hbm4b:s7+s14], $0x10, s30, s14, $0xb8;
	[tilespmem:$0x16800] =	vst v63  }
0x8a: {  	s5 =	simm.s32 $0xD80;
	s11 =	simm.s32 $0x8000  }
0x8b: {  	[tilespmem:s11], [sflag:$0x1] =	stream.indirect.gather [hbm4b:s7+s14], $0x10, s5, s14, $0xb8;
	[tilespmem:$0x16800] =	vst v63  }
0x8c: {  	s30 =	simm.s32 $0xE00;
	s31 =	simm.s32 $0x8800  }
0x8d: {  	[tilespmem:s31], [sflag:$0x1] =	stream.indirect.gather [hbm4b:s7+s14], $0x10, s30, s14, $0xb8;
	[tilespmem:$0x16800] =	vst v63  }
0x8e: {  	s5 =	simm.s32 $0xE80;
	s11 =	simm.s32 $0x9000  }
0x8f: {  	[tilespmem:s11], [sflag:$0x1] =	stream.indirect.gather [hbm4b:s7+s14], $0x10, s5, s14, $0xb8;
	[tilespmem:$0x16800] =	vst v63  }
0x90: {  	s30 =	simm.s32 $0xF00;
	s31 =	simm.s32 $0x9800  }
0x91: {  	[tilespmem:s31], [sflag:$0x1] =	stream.indirect.gather [hbm4b:s7+s14], $0x10, s30, s14, $0xb8;
	[tilespmem:$0x16800] =	vst v63  }
0x92: {  	s5 =	simm.s32 $0xF80;
	s11 =	simm.s32 $0xA000  }
0x93: {  	[tilespmem:s11], [sflag:$0x1] =	stream.indirect.gather [hbm4b:s7+s14], $0x10, s5, s14, $0xb8;
	[tilespmem:$0x16800] =	vst v63  }
0x94: {  	s30 =	simm.s32 $0x1000;
	s31 =	simm.s32 $0xA800  }
0x95: {  	[tilespmem:s31], [sflag:$0x1] =	stream.indirect.gather [hbm4b:s7+s14], $0x10, s30, s14, $0xb8;
	[tilespmem:$0x16800] =	vst v63  }
0x96: {  	s5 =	simm.s32 $0x1080;
	s11 =	simm.s32 $0xB000  }
0x97: {  	[tilespmem:s11], [sflag:$0x1] =	stream.indirect.gather [hbm4b:s7+s14], $0x10, s5, s14, $0xb8;
	[tilespmem:$0x16800] =	vst v63  }
0x98: {  	s30 =	simm.s32 $0x1100;
	s31 =	simm.s32 $0xB800  }
0x99: {  	[tilespmem:s31], [sflag:$0x1] =	stream.indirect.gather [hbm4b:s7+s14], $0x10, s30, s14, $0xb8;
	[tilespmem:$0x16800] =	vst v63  }
0x9a: {  	s5 =	simm.s32 $0x1180;
	s11 =	simm.s32 $0xC000  }
0x9b: {  	[tilespmem:s11], [sflag:$0x1] =	stream.indirect.gather [hbm4b:s7+s14], $0x10, s5, s14, $0xb8;
	[tilespmem:$0x16800] =	vst v63  }
0x9c: {  	s30 =	simm.s32 $0x1200;
	s31 =	simm.s32 $0xC800  }
0x9d: {  	[tilespmem:s31], [sflag:$0x1] =	stream.indirect.gather [hbm4b:s7+s14], $0x10, s30, s14, $0xb8;
	[tilespmem:$0x16800] =	vst v63  }
0x9e: {  	s5 =	simm.s32 $0x1280;
	s11 =	simm.s32 $0xD000  }
0x9f: {  	[tilespmem:s11], [sflag:$0x1] =	stream.indirect.gather [hbm4b:s7+s14], $0x10, s5, s14, $0xb8;
	[tilespmem:$0x16800] =	vst v63  }
0xa0: {  	s30 =	simm.s32 $0x1300;
	s31 =	simm.s32 $0xD800  }
0xa1: {  	[tilespmem:s31], [sflag:$0x1] =	stream.indirect.gather [hbm4b:s7+s14], $0x10, s30, s14, $0xb8;
	[tilespmem:$0x16800] =	vst v63  }
0xa2: {  	s5 =	simm.s32 $0x1380;
	s11 =	simm.s32 $0xE000  }
0xa3: {  	[tilespmem:s11], [sflag:$0x1] =	stream.indirect.gather [hbm4b:s7+s14], $0x10, s5, s14, $0xb8;
	[tilespmem:$0x16800] =	vst v63  }
0xa4: {  	s30 =	simm.s32 $0x1400;
	s31 =	simm.s32 $0xE800  }
0xa5: {  	[tilespmem:s31], [sflag:$0x1] =	stream.indirect.gather [hbm4b:s7+s14], $0x10, s30, s14, $0xb8;
	[tilespmem:$0x16800] =	vst v63  }
0xa6: {  	s5 =	simm.s32 $0x1480;
	s11 =	simm.s32 $0xF000  }
0xa7: {  	[tilespmem:s11], [sflag:$0x1] =	stream.indirect.gather [hbm4b:s7+s14], $0x10, s5, s14, $0xb8;
	[tilespmem:$0x16800] =	vst v63  }
0xa8: {  	s30 =	simm.s32 $0x1500;
	s31 =	simm.s32 $0xF800  }
0xa9: {  	[tilespmem:s31], [sflag:$0x1] =	stream.indirect.gather [hbm4b:s7+s14], $0x10, s30, s14, $0xb8;
	[tilespmem:$0x16800] =	vst v63  }
0xaa: {  	s5 =	simm.s32 $0x1580;
	s11 =	simm.s32 $0x10000  }
0xab: {  	[tilespmem:s11], [sflag:$0x1] =	stream.indirect.gather [hbm4b:s7+s14], $0x10, s5, s14, $0xb8;
	[tilespmem:$0x16800] =	vst v63  }
0xac: {  	s30 =	simm.s32 $0x1600;
	s31 =	simm.s32 $0x10800  }
0xad: {  	[tilespmem:s31], [sflag:$0x1] =	stream.indirect.gather [hbm4b:s7+s14], $0x10, s30, s14, $0xb8;
	[tilespmem:$0x16800] =	vst v63  }
0xae: {  	s5 =	simm.s32 $0x1680;
	s11 =	simm.s32 $0x11000  }
0xaf: {  	[tilespmem:s11], [sflag:$0x1] =	stream.indirect.gather [hbm4b:s7+s14], $0x10, s5, s14, $0xb8;
	[tilespmem:$0x16800] =	vst v63  }
0xb0: {  	s30 =	simm.s32 $0x1700;
	s31 =	simm.s32 $0x11800  }
0xb1: {  	[tilespmem:s31], [sflag:$0x1] =	stream.indirect.gather [hbm4b:s7+s14], $0x10, s30, s14, $0xb8;
	[tilespmem:$0x16800] =	vst v63  }
0xb2: {  	_ = 	snop  }
0xb3: {  	[tilespmem:s15], [sflag:$0x1] =	stream.indirect.gather [hbm4b:s7+s14], $0x10, s2, s14, $0xb8;
	[tilespmem:$0x16800] =	vst v63  }
0xb4: {  	_ = 	snop  }
0xb5: {  	[tilespmem:s16], [sflag:$0x1] =	stream.indirect.gather [hbm4b:s8+s14], $0x10, s13, s14, $0xb8;
	[tilespmem:$0x16800] =	vst v63  }
0xb6: {  	_ = 	snop  }
0xb7: {  	[tilespmem:s18], [sflag:$0x1] =	stream.indirect.gather [hbm4b:s8+s14], $0x10, s17, s14, $0xb8;
	[tilespmem:$0x16800] =	vst v63  }
0xb8: {  	_ = 	snop  }
0xb9: {  	[tilespmem:s20], [sflag:$0x1] =	stream.indirect.gather [hbm4b:s8+s14], $0x10, s19, s14, $0xb8;
	[tilespmem:$0x16800] =	vst v63  }
0xba: {  	_ = 	snop  }
0xbb: {  	[tilespmem:s22], [sflag:$0x1] =	stream.indirect.gather [hbm4b:s8+s14], $0x10, s21, s14, $0xb8;
	[tilespmem:$0x16800] =	vst v63  }
0xbc: {  	_ =	swait.ge [sflag:s23], $0x800  }
0xbd: {  	[sflag:s23] =	ssyncset.done $0x0  }
0xbe: {  	[sflag:s23] =	ssyncadd.s32 $0xFFFFF800  }
0xbf: {  	_ =	swait.ge [sflag:s23], $0x800  }
0xc0: {  	[sflag:s23] =	ssyncset.done $0x0  }
0xc1: {  	[sflag:s23] =	ssyncadd.s32 $0xFFFFF800  }
0xc2: {  	_ =	swait.ge [sflag:s23], $0x800  }
0xc3: {  	[sflag:s23] =	ssyncset.done $0x0  }
0xc4: {  	[sflag:s23] =	ssyncadd.s32 $0xFFFFF800  }
0xc5: {  	_ =	swait.ge [sflag:s23], $0x800  }
0xc6: {  	[sflag:s23] =	ssyncset.done $0x0  }
0xc7: {  	[sflag:s23] =	ssyncadd.s32 $0xFFFFF800  }
0xc8: {  	_ =	swait.ge [sflag:s23], $0x800  }
0xc9: {  	[sflag:s23] =	ssyncset.done $0x0  }
0xca: {  	[sflag:s23] =	ssyncadd.s32 $0xFFFFF800  }
0xcb: {  	_ =	swait.ge [sflag:s23], $0x800  }
0xcc: {  	[sflag:s23] =	ssyncset.done $0x0  }
0xcd: {  	[sflag:s23] =	ssyncadd.s32 $0xFFFFF800  }
0xce: {  	_ =	swait.ge [sflag:s23], $0x800  }
0xcf: {  	[sflag:s23] =	ssyncset.done $0x0  }
0xd0: {  	[sflag:s23] =	ssyncadd.s32 $0xFFFFF800  }
0xd1: {  	_ =	swait.ge [sflag:s23], $0x800  }
0xd2: {  	[sflag:s23] =	ssyncset.done $0x0  }
0xd3: {  	[sflag:s23] =	ssyncadd.s32 $0xFFFFF800  }
0xd4: {  	_ =	swait.ge [sflag:s23], $0x800  }
0xd5: {  	[sflag:s23] =	ssyncset.done $0x0  }
0xd6: {  	[sflag:s23] =	ssyncadd.s32 $0xFFFFF800  }
0xd7: {  	_ =	swait.ge [sflag:s23], $0x800  }
0xd8: {  	[sflag:s23] =	ssyncset.done $0x0  }
0xd9: {  	[sflag:s23] =	ssyncadd.s32 $0xFFFFF800  }
0xda: {  	_ =	swait.ge [sflag:s23], $0x800  }
0xdb: {  	[sflag:s23] =	ssyncset.done $0x0  }
0xdc: {  	[sflag:s23] =	ssyncadd.s32 $0xFFFFF800  }
0xdd: {  	_ =	swait.ge [sflag:s23], $0x800  }
0xde: {  	[sflag:s23] =	ssyncset.done $0x0  }
0xdf: {  	[sflag:s23] =	ssyncadd.s32 $0xFFFFF800  }
0xe0: {  	_ =	swait.ge [sflag:s23], $0x800  }
0xe1: {  	[sflag:s23] =	ssyncset.done $0x0  }
0xe2: {  	[sflag:s23] =	ssyncadd.s32 $0xFFFFF800  }
0xe3: {  	_ =	swait.ge [sflag:s23], $0x800  }
0xe4: {  	[sflag:s23] =	ssyncset.done $0x0  }
0xe5: {  	[sflag:s23] =	ssyncadd.s32 $0xFFFFF800  }
0xe6: {  	_ =	swait.ge [sflag:s23], $0x800  }
0xe7: {  	[sflag:s23] =	ssyncset.done $0x0  }
0xe8: {  	[sflag:s23] =	ssyncadd.s32 $0xFFFFF800  }
0xe9: {  	_ =	swait.ge [sflag:s23], $0x800  }
0xea: {  	[sflag:s23] =	ssyncset.done $0x0  }
0xeb: {  	[sflag:s23] =	ssyncadd.s32 $0xFFFFF800  }
0xec: {  	_ =	swait.ge [sflag:s23], $0x800  }
0xed: {  	[sflag:s23] =	ssyncset.done $0x0  }
0xee: {  	[sflag:s23] =	ssyncadd.s32 $0xFFFFF800  }
0xef: {  	_ =	swait.ge [sflag:s23], $0x800  }
0xf0: {  	[sflag:s23] =	ssyncset.done $0x0  }
0xf1: {  	[sflag:s23] =	ssyncadd.s32 $0xFFFFF800  }
0xf2: {  	_ =	swait.ge [sflag:s23], $0x800  }
0xf3: {  	[sflag:s23] =	ssyncset.done $0x0  }
0xf4: {  	[sflag:s23] =	ssyncadd.s32 $0xFFFFF800  }
0xf5: {  	_ =	swait.ge [sflag:s23], $0x800  }
0xf6: {  	[sflag:s23] =	ssyncset.done $0x0  }
0xf7: {  	[sflag:s23] =	ssyncadd.s32 $0xFFFFF800  }
0xf8: {  	_ =	swait.ge [sflag:s23], $0x800  }
0xf9: {  	[sflag:s23] =	ssyncset.done $0x0  }
0xfa: {  	[sflag:s23] =	ssyncadd.s32 $0xFFFFF800  }
0xfb: {  	_ =	swait.ge [sflag:s23], $0x800  }
0xfc: {  	[sflag:s23] =	ssyncset.done $0x0  }
0xfd: {  	[sflag:s23] =	ssyncadd.s32 $0xFFFFF800  }
0xfe: {  	_ =	swait.ge [sflag:s23], $0x800  }
0xff: {  	[sflag:s23] =	ssyncset.done $0x0  }
0x100: {  	[sflag:s23] =	ssyncadd.s32 $0xFFFFF800  }
0x101: {  	_ =	swait.ge [sflag:s23], $0x800  }
0x102: {  	[sflag:s23] =	ssyncset.done $0x0  }
0x103: {  	[sflag:s23] =	ssyncadd.s32 $0xFFFFF800  }
0x104: {  	_ =	swait.ge [sflag:s23], $0x800  }
0x105: {  	[sflag:s23] =	ssyncset.done $0x0  }
0x106: {  	[sflag:s23] =	ssyncadd.s32 $0xFFFFF800  }
0x107: {  	_ =	swait.ge [sflag:s23], $0x800  }
0x108: {  	[sflag:s23] =	ssyncset.done $0x0  }
0x109: {  	[sflag:s23] =	ssyncadd.s32 $0xFFFFF800  }
0x10a: {  	_ =	swait.ge [sflag:s23], $0x800  }
0x10b: {  	[sflag:s23] =	ssyncset.done $0x0  }
0x10c: {  	[sflag:s23] =	ssyncadd.s32 $0xFFFFF800  }
0x10d: {  	_ =	swait.ge [sflag:s23], $0x800  }
0x10e: {  	[sflag:s23] =	ssyncset.done $0x0  }
0x10f: {  	[sflag:s23] =	ssyncadd.s32 $0xFFFFF800  }
0x110: {  	_ =	swait.ge [sflag:s23], $0x800  }
0x111: {  	[sflag:s23] =	ssyncset.done $0x0  }
0x112: {  	[sflag:s23] =	ssyncadd.s32 $0xFFFFF800  }
0x113: {  	_ =	swait.ge [sflag:s23], $0x800  }
0x114: {  	[sflag:s23] =	ssyncset.done $0x0  }
0x115: {  	[sflag:s23] =	ssyncadd.s32 $0xFFFFF800  }
0x116: {  	_ =	swait.ge [sflag:s23], $0x800  }
0x117: {  	[sflag:s23] =	ssyncset.done $0x0  }
0x118: {  	[sflag:s23] =	ssyncadd.s32 $0xFFFFF800  }
0x119: {  	_ =	swait.ge [sflag:s23], $0x800  }
0x11a: {  	[sflag:s23] =	ssyncset.done $0x0  }
0x11b: {  	[sflag:s23] =	ssyncadd.s32 $0xFFFFF800  }
0x11c: {  	_ =	swait.ge [sflag:s23], $0x800  }
0x11d: {  	[sflag:s23] =	ssyncset.done $0x0  }
0x11e: {  	[sflag:s23] =	ssyncadd.s32 $0xFFFFF800  }
0x11f: {  	_ =	swait.ge [sflag:s23], $0x800  }
0x120: {  	[sflag:s23] =	ssyncset.done $0x0  }
0x121: {  	[sflag:s23] =	ssyncadd.s32 $0xFFFFF800  }
0x122: {  	_ =	swait.ge [sflag:s23], $0x800  }
0x123: {  	[sflag:s23] =	ssyncset.done $0x0  }
0x124: {  	[sflag:s23] =	ssyncadd.s32 $0xFFFFF800  }
0x125: {  	_ =	swait.ge [sflag:s23], $0x800  }
0x126: {  	[sflag:s23] =	ssyncset.done $0x0  }
0x127: {  	s28 =	simm.s32 $0x0;
	s29 =	simm.s32 $0x2000;
	[sflag:s23] =	ssyncadd.s32 $0xFFFFF800  }
.LBB2_5:
0x128: {  	v7 =	vld [tilespmem:s29+$0xFFFFF800]  }
0x129: {  	v6 =	vld [tilespmem:s29+$0xFFFFFA00]  }
0x12a: {  	v5 =	vld [tilespmem:s29+$0xFFFFFC00]  }
0x12b: {  	v4 =	vld [tilespmem:s29+$0xFFFFFE00]  }
0x12c: {  	v3 =	vld [tilespmem:s29+$0x0]  }
0x12d: {  	v2 =	vld [tilespmem:s29+$0x200]  }
0x12e: {  	v1 =	vld [tilespmem:s29+$0x400]  }
0x12f: {  	v0 =	vld [tilespmem:s29+$0x600];
	s30 =	sshra.s32 s28, $0x2  }
0x130: {  	v8 =	vld [tilespmem:s30+$0x12800]  }
0x131: {  	v9 =	vld [tilespmem:s30+$0x2800]  }
0x132: {  	v10 =	vld [tilespmem:s30+$0x4800]  }
0x133: {  	v11 =	vld [tilespmem:s30+$0x6800]  }
0x134: {  	v12 =	vld [tilespmem:s30+$0x8800]  }
0x135: {  	v13 =	vld [tilespmem:s30+$0xA800]  }
0x136: {  	v14 =	vld [tilespmem:s30+$0xC800]  }
0x137: {  	v15 =	vld [tilespmem:s30+$0xE800]  }
0x138: {  	v16 =	vld [tilespmem:s30+$0x10800]  }
0x139: {  	v17 =	vld [tilespmem:s30+$0x12810]  }
0x13a: {  	v18 =	vld [tilespmem:s30+$0x2810]  }
0x13b: {  	v19 =	vld [tilespmem:s30+$0x4810]  }
0x13c: {  	v20 =	vld [tilespmem:s30+$0x6810]  }
0x13d: {  	v21 =	vld [tilespmem:s30+$0x8810]  }
0x13e: {  	v22 =	vld [tilespmem:s30+$0xA810];
	v27 =	vbroadcast v7, $0x0  }
0x13f: {  	v23 =	vld [tilespmem:s30+$0xC810];
	v29 =	vbroadcast v6, $0x0;
	v54 =	vbroadcast v5, $0x0  }
0x140: {  	v24 =	vld [tilespmem:s30+$0xE810];
	v55 =	vbroadcast v7, $0x1;
	v56 =	vbroadcast v4, $0x0  }
0x141: {  	v25 =	vld [tilespmem:s30+$0x10810];
	v57 =	vbroadcast v6, $0x1;
	v59 =	vbroadcast v3, $0x0  }
0x142: {  	v26 =	vld [tilespmem:s30+$0x12820];
	v61 =	vbroadcast v5, $0x1;
	v63 =	vbroadcast v2, $0x0  }
0x143: {  	v28 =	vld [tilespmem:s30+$0x2820];
	v36 =	vbroadcast v4, $0x1;
	v39 =	vbroadcast v1, $0x0  }
0x144: {  	v30 =	vld [tilespmem:s30+$0x4820];
	v42 =	vbroadcast v3, $0x1;
	v45 =	vbroadcast v0, $0x0  }
0x145: {  	v31 =	vld [tilespmem:s30+$0x6820];
	v48 =	vbroadcast v2, $0x1;
	v50 =	vbroadcast v1, $0x1  }
0x146: {  	v32 =	vld [tilespmem:s30+$0x8820];
	v52 =	vbroadcast v0, $0x1;
	v9 =	vmul.f32 v9, v27  }
0x147: {  	v33 =	vld [tilespmem:s30+$0xA820];
	v10 =	vmul.f32 v10, v29;
	v11 =	vmul.f32 v11, v54  }
0x148: {  	v34 =	vld [tilespmem:s30+$0xC820];
	v18 =	vmul.f32 v18, v55;
	v58 =	vmul.f32 v12, v56  }
0x149: {  	v37 =	vld [tilespmem:s30+$0x2830];
	v60 =	vmul.f32 v19, v57;
	v62 =	vmul.f32 v13, v59  }
0x14a: {  	v40 =	vld [tilespmem:s30+$0x4830];
	v35 =	vmul.f32 v20, v61;
	v38 =	vmul.f32 v14, v63  }
0x14b: {  	v43 =	vld [tilespmem:s30+$0x6830];
	v41 =	vmul.f32 v21, v36;
	v44 =	vmul.f32 v15, v39  }
0x14c: {  	v46 =	vld [tilespmem:s30+$0x8830];
	v47 =	vmul.f32 v22, v42;
	v49 =	vmul.f32 v16, v45  }
0x14d: {  	v27 =	vld [tilespmem:s30+$0xE820];
	v51 =	vmul.f32 v23, v48;
	v53 =	vmul.f32 v24, v50  }
0x14e: {  	v29 =	vld [tilespmem:s30+$0x10820];
	v54 =	vbroadcast v7, $0x2;
	v55 =	vmul.f32 v25, v52  }
0x14f: {  	v13 =	vld [tilespmem:s30+$0x12830];
	v56 =	vbroadcast v6, $0x2;
	v57 =	vbroadcast v5, $0x2  }
0x150: {  	v22 =	vld [tilespmem:s30+$0xA830];
	v59 =	vbroadcast v7, $0x3;
	v61 =	vbroadcast v4, $0x2;
	v8 =	vadd.f32 v9, v8  }
0x151: {  	v16 =	vld [tilespmem:s30+$0xC830];
	v63 =	vbroadcast v6, $0x3;
	v39 =	vbroadcast v5, $0x3;
	v17 =	vadd.f32 v18, v17  }
0x152: {  	v45 =	vbroadcast v1, $0x2;
	v48 =	vld [tilespmem:s30+$0x2850];
	v50 =	vbroadcast v0, $0x2;
	v8 =	vadd.f32 v10, v8  }
0x153: {  	v23 =	vld [tilespmem:s30+$0xE830];
	v12 =	vmul.f32 v28, v54;
	v36 =	vmul.f32 v32, v61;
	v17 =	vadd.f32 v60, v17  }
0x154: {  	v24 =	vld [tilespmem:s30+$0x10830];
	v42 =	vmul.f32 v43, v39;
	v43 =	vbroadcast v4, $0x3;
	v8 =	vadd.f32 v11, v8  }
0x155: {  	v25 =	vld [tilespmem:s30+$0x12840];
	v39 =	vbroadcast v7, $0x5;
	v60 =	vmul.f32 v31, v57;
	v17 =	vadd.f32 v35, v17  }
0x156: {  	v19 =	vld [tilespmem:s30+$0x8840];
	v12 =	vadd.f32 v12, v26;
	v46 =	vmul.f32 v46, v43;
	v8 =	vadd.f32 v58, v8  }
0x157: {  	v21 =	vld [tilespmem:s30+$0x10840];
	v43 =	vmul.f32 v48, v39;
	v17 =	vadd.f32 v41, v17;
	v58 =	vmul.f32 v30, v56  }
0x158: {  	v28 =	vld [tilespmem:s30+$0xA840];
	v41 =	vbroadcast v2, $0x2;
	v56 =	vbroadcast v1, $0x3;
	v8 =	vadd.f32 v62, v8  }
0x159: {  	v18 =	vld [tilespmem:s30+$0xC840];
	v17 =	vadd.f32 v47, v17;
	v62 =	vmul.f32 v37, v59;
	v37 =	vbroadcast v3, $0x2  }
0x15a: {  	v32 =	vld [tilespmem:s30+$0xE840];
	v12 =	vadd.f32 v58, v12;
	v47 =	vbroadcast v3, $0x3;
	v59 =	vbroadcast v0, $0x3  }
0x15b: {  	v54 =	vld [tilespmem:s30+$0x6850];
	v61 =	vmul.f32 v23, v56;
	v56 =	vbroadcast v0, $0x4;
	v8 =	vadd.f32 v38, v8  }
0x15c: {  	v31 =	vld [tilespmem:s30+$0x6840];
	v17 =	vadd.f32 v51, v17;
	v38 =	vmul.f32 v40, v63;
	v40 =	vmul.f32 v33, v37  }
0x15d: {  	v57 =	vld [tilespmem:s30+$0x8850];
	v10 =	vadd.f32 v60, v12;
	v52 =	vmul.f32 v22, v47;
	v63 =	vmul.f32 v24, v59  }
0x15e: {  	v30 =	vld [tilespmem:s30+$0x4840];
	v47 =	vbroadcast v5, $0x5;
	v59 =	vbroadcast v2, $0x5;
	v8 =	vadd.f32 v44, v8  }
0x15f: {  	v26 =	vld [tilespmem:s30+$0xC850];
	v11 =	vadd.f32 v53, v17;
	v44 =	vmul.f32 v34, v41;
	v53 =	vbroadcast v2, $0x3  }
0x160: {  	v39 =	vld [tilespmem:s30+$0x8870];
	v10 =	vadd.f32 v36, v10;
	v36 =	vbroadcast v6, $0x4;
	v41 =	vbroadcast v4, $0x4  }
0x161: {  	v35 =	vld [tilespmem:s30+$0x2840];
	v9 =	vadd.f32 v49, v8;
	v8 =	vadd.f32 v55, v11;
	v49 =	vmul.f32 v27, v45  }
0x162: {  	v51 =	vld [tilespmem:s30+$0x4850];
	v11 =	vadd.f32 v62, v13;
	v55 =	vmul.f32 v29, v50;
	v58 =	vmul.f32 v16, v53  }
0x163: {  	v23 =	vld [tilespmem:s30+$0xE860];
	v10 =	vadd.f32 v40, v10;
	v62 =	vbroadcast v7, $0x4;
	v14 =	vmul.f32 v30, v36  }
0x164: {  	v33 =	vld [tilespmem:s30+$0x12850];
	v19 =	vmul.f32 v19, v41;
	v50 =	vmul.f32 v54, v47;
	v11 =	vadd.f32 v38, v11  }
0x165: {  	v60 =	vld [tilespmem:s30+$0xA850];
	v10 =	vadd.f32 v44, v10;
	v38 =	vbroadcast v5, $0x4;
	v44 =	vbroadcast v6, $0x5  }
0x166: {  	v24 =	vld [tilespmem:s30+$0xE850];
	v53 =	vbroadcast v1, $0x4;
	v37 =	vmul.f32 v35, v62;
	v11 =	vadd.f32 v42, v11  }
0x167: {  	v22 =	vld [tilespmem:s30+$0x12880];
	v10 =	vadd.f32 v49, v10;
	v40 =	vmul.f32 v31, v38;
	v13 =	vmul.f32 v51, v44  }
0x168: {  	v62 =	vld [tilespmem:s30+$0x4870];
	v20 =	vadd.f32 v37, v25;
	v49 =	vbroadcast v2, $0x4;
	v51 =	vbroadcast v4, $0x5  }
0x169: {  	v42 =	vld [tilespmem:s30+$0x2860];
	v38 =	vbroadcast v7, $0x6;
	v11 =	vadd.f32 v46, v11;
	v46 =	vbroadcast v3, $0x4  }
0x16a: {  	v45 =	vld [tilespmem:s30+$0x4860];
	v14 =	vadd.f32 v14, v20;
	v54 =	vmul.f32 v57, v51;
	v51 =	vbroadcast v6, $0x7  }
0x16b: {  	v34 =	vld [tilespmem:s30+$0x10850];
	v11 =	vadd.f32 v52, v11;
	v48 =	vmul.f32 v28, v46;
	v52 =	vmul.f32 v18, v49  }
0x16c: {  	v30 =	vld [tilespmem:s30+$0x8860];
	v14 =	vadd.f32 v40, v14;
	v18 =	vmul.f32 v32, v53;
	v40 =	vbroadcast v6, $0x6  }
0x16d: {  	v27 =	vld [tilespmem:s30+$0xC860];
	v17 =	vmul.f32 v62, v51;
	v62 =	vbroadcast v1, $0x6;
	v11 =	vadd.f32 v58, v11  }
0x16e: {  	v29 =	vld [tilespmem:s30+$0x10860];
	v42 =	vmul.f32 v42, v38;
	v14 =	vadd.f32 v19, v14;
	v19 =	vmul.f32 v21, v56  }
0x16f: {  	v36 =	vld [tilespmem:s30+$0x6870];
	v15 =	vmul.f32 v45, v40;
	v45 =	vbroadcast v7, $0x7;
	v12 =	vadd.f32 v61, v11  }
0x170: {  	v25 =	vld [tilespmem:s30+$0x6860];
	v11 =	vadd.f32 v55, v10;
	v55 =	vbroadcast v3, $0x5;
	v14 =	vadd.f32 v48, v14  }
0x171: {  	v35 =	vld [tilespmem:s30+$0x12860];
	v61 =	vbroadcast v1, $0x5;
	v48 =	vbroadcast v4, $0x6;
	v10 =	vadd.f32 v63, v12  }
0x172: {  	v28 =	vld [tilespmem:s30+$0xA860];
	v12 =	vadd.f32 v43, v33;
	v58 =	vmul.f32 v60, v55;
	v63 =	vmul.f32 v26, v59  }
0x173: {  	v41 =	vld [tilespmem:s30+$0xA870];
	v33 =	vbroadcast v0, $0x5;
	v14 =	vadd.f32 v52, v14;
	v43 =	vbroadcast v5, $0x6  }
0x174: {  	v60 =	vld [tilespmem:s30+$0x2870];
	v37 =	vmul.f32 v24, v61;
	v52 =	vbroadcast v3, $0x6;
	v12 =	vadd.f32 v13, v12  }
0x175: {  	v44 =	vld [tilespmem:s30+$0xC870];
	v16 =	vmul.f32 v34, v33;
	v14 =	vadd.f32 v18, v14;
	v47 =	vmul.f32 v25, v43  }
0x176: {  	v46 =	vld [tilespmem:s30+$0xE870];
	v18 =	vadd.f32 v42, v35;
	v35 =	vbroadcast v3, $0x7;
	v12 =	vadd.f32 v50, v12  }
0x177: {  	v57 =	vld [tilespmem:s30+$0x12870];
	v56 =	vmul.f32 v28, v52;
	v13 =	vadd.f32 v19, v14;
	v19 =	vmul.f32 v30, v48  }
0x178: {  	v53 =	vld [tilespmem:s30+$0x2880];
	v38 =	vmul.f32 v41, v35;
	v41 =	vbroadcast v1, $0x7;
	v12 =	vadd.f32 v54, v12  }
0x179: {  	v49 =	vld [tilespmem:s30+$0x10870];
	v15 =	vadd.f32 v15, v18;
	v35 =	vbroadcast v6, $0xA;
	v50 =	vmul.f32 v60, v45  }
0x17a: {  	v51 =	vld [tilespmem:s30+$0x6890];
	v60 =	vbroadcast v4, $0x7;
	v54 =	vbroadcast v5, $0x7;
	v12 =	vadd.f32 v58, v12  }
0x17b: {  	v32 =	vld [tilespmem:s30+$0x128A0];
	v14 =	vadd.f32 v47, v15;
	v46 =	vmul.f32 v46, v41;
	v47 =	vbroadcast v7, $0x8  }
0x17c: {  	v55 =	vld [tilespmem:s30+$0x4880];
	v59 =	vmul.f32 v36, v54;
	v36 =	vmul.f32 v23, v62;
	v12 =	vadd.f32 v63, v12  }
0x17d: {  	v26 =	vld [tilespmem:s30+$0x8880];
	v14 =	vadd.f32 v19, v14;
	v52 =	vmul.f32 v53, v47;
	v53 =	vbroadcast v5, $0x8  }
0x17e: {  	v24 =	vld [tilespmem:s30+$0xC880];
	v63 =	vmul.f32 v39, v60;
	v39 =	vbroadcast v2, $0x7;
	v12 =	vadd.f32 v37, v12  }
0x17f: {  	v58 =	vld [tilespmem:s30+$0x6880];
	v19 =	vadd.f32 v52, v22;
	v52 =	vbroadcast v0, $0x8;
	v37 =	vbroadcast v0, $0x6  }
0x180: {  	v25 =	vld [tilespmem:s30+$0xE880];
	v43 =	vmul.f32 v44, v39;
	v44 =	vbroadcast v0, $0x7;
	v12 =	vadd.f32 v16, v12  }
0x181: {  	v45 =	vld [tilespmem:s30+$0x2890];
	v16 =	vadd.f32 v50, v57;
	v57 =	vbroadcast v2, $0x6;
	v50 =	vbroadcast v6, $0x8  }
0x182: {  	v14 =	vadd.f32 v56, v14;
	v40 =	vmul.f32 v29, v37;
	v49 =	vmul.f32 v49, v44;
	v44 =	vld [tilespmem:s30+$0x48A0]  }
0x183: {  	v33 =	vld [tilespmem:s30+$0x10880];
	v16 =	vadd.f32 v17, v16;
	v61 =	vmul.f32 v27, v57;
	v20 =	vmul.f32 v55, v50  }
0x184: {  	v48 =	vld [tilespmem:s30+$0x4890];
	v55 =	vbroadcast v7, $0x9;
	v57 =	vmul.f32 v58, v53  }
0x185: {  	v42 =	vld [tilespmem:s30+$0x12890];
	v58 =	vbroadcast v4, $0x8;
	v16 =	vadd.f32 v59, v16;
	v14 =	vadd.f32 v61, v14  }
0x186: {  	v27 =	vld [tilespmem:s30+$0xA880];
	v60 =	vmul.f32 v45, v55;
	v61 =	vbroadcast v6, $0x9;
	v19 =	vadd.f32 v20, v19  }
0x187: {  	v59 =	vld [tilespmem:s30+$0xC890];
	v55 =	vbroadcast v2, $0x9;
	v21 =	vmul.f32 v44, v35;
	v16 =	vadd.f32 v63, v16  }
0x188: {  	v34 =	vld [tilespmem:s30+$0xC8A0];
	v14 =	vadd.f32 v36, v14;
	v63 =	vmul.f32 v26, v58;
	v36 =	vbroadcast v3, $0x8  }
0x189: {  	v37 =	vld [tilespmem:s30+$0x10890];
	v17 =	vmul.f32 v48, v61;
	v18 =	vadd.f32 v57, v19;
	v57 =	vbroadcast v1, $0x9  }
0x18a: {  	v41 =	vld [tilespmem:s30+$0x28A0];
	v61 =	vbroadcast v7, $0xA;
	v16 =	vadd.f32 v38, v16;
	v38 =	vbroadcast v5, $0x9  }
0x18b: {  	v54 =	vld [tilespmem:s30+$0x8890];
	v15 =	vadd.f32 v40, v14;
	v39 =	vmul.f32 v27, v36;
	v40 =	vbroadcast v2, $0x8  }
0x18c: {  	v28 =	vld [tilespmem:s30+$0x108A0];
	v58 =	vmul.f32 v59, v55;
	v59 =	vbroadcast v0, $0x9;
	v16 =	vadd.f32 v43, v16  }
0x18d: {  	v62 =	vld [tilespmem:s30+$0xE890];
	v18 =	vadd.f32 v63, v18;
	v43 =	vbroadcast v4, $0x9;
	v45 =	vmul.f32 v24, v40  }
0x18e: {  	v56 =	vld [tilespmem:s30+$0xA890];
	v40 =	vbroadcast v7, $0xB;
	v63 =	vmul.f32 v37, v59;
	v16 =	vadd.f32 v46, v16  }
0x18f: {  	v50 =	vld [tilespmem:s30+$0x88A0];
	v18 =	vadd.f32 v39, v18;
	v37 =	vmul.f32 v41, v61;
	v46 =	vbroadcast v1, $0x8  }
0x190: {  	v39 =	vld [tilespmem:s30+$0x48B0];
	v48 =	vmul.f32 v54, v43;
	v43 =	vbroadcast v4, $0xA;
	v14 =	vadd.f32 v49, v16  }
0x191: {  	v41 =	vld [tilespmem:s30+$0x68B0];
	v16 =	vadd.f32 v60, v42;
	v42 =	vmul.f32 v51, v38;
	v49 =	vbroadcast v3, $0x9  }
0x192: {  	v47 =	vld [tilespmem:s30+$0x68A0];
	v51 =	vmul.f32 v25, v46;
	v60 =	vmul.f32 v62, v57  }
0x193: {  	v53 =	vld [tilespmem:s30+$0xA8A0];
	v38 =	vbroadcast v5, $0xA;
	v46 =	vbroadcast v6, $0xB;
	v16 =	vadd.f32 v17, v16  }
0x194: {  	v18 =	vadd.f32 v45, v18;
	v62 =	vld [tilespmem:s30+$0x28B0];
	v20 =	vmul.f32 v50, v43;
	v50 =	vbroadcast v5, $0xB  }
0x195: {  	v54 =	vmul.f32 v56, v49;
	v56 =	vmul.f32 v33, v52;
	v49 =	vld [tilespmem:s30+$0xC8B0];
	v16 =	vadd.f32 v42, v16  }
0x196: {  	v18 =	vadd.f32 v51, v18;
	v24 =	vmul.f32 v39, v46;
	v51 =	vld [tilespmem:s30+$0xE8B0];
	v55 =	vmul.f32 v41, v50  }
0x197: {  	v44 =	vld [tilespmem:s30+$0x88B0];
	v41 =	vbroadcast v1, $0xB;
	v50 =	vbroadcast v6, $0xC;
	v16 =	vadd.f32 v48, v16  }
0x198: {  	v36 =	vld [tilespmem:s30+$0x128B0];
	v42 =	vmul.f32 v47, v38;
	v48 =	vbroadcast v3, $0xA  }
0x199: {  	v59 =	vld [tilespmem:s30+$0x28C0];
	v38 =	vbroadcast v2, $0xB;
	v45 =	vmul.f32 v62, v40;
	v16 =	vadd.f32 v54, v16  }
0x19a: {  	v22 =	vadd.f32 v37, v32;
	v33 =	vld [tilespmem:s30+$0xE8A0];
	v52 =	vmul.f32 v53, v48;
	v53 =	vbroadcast v2, $0xA  }
0x19b: {  	v61 =	vld [tilespmem:s30+$0x48C0];
	v43 =	vmul.f32 v49, v38;
	v46 =	vmul.f32 v51, v41;
	v16 =	vadd.f32 v58, v16  }
0x19c: {  	v21 =	vadd.f32 v21, v22;
	v47 =	vld [tilespmem:s30+$0xA8B0];
	v57 =	vmul.f32 v34, v53;
	v58 =	vbroadcast v1, $0xA  }
0x19d: {  	v54 =	vld [tilespmem:s30+$0x108B0];
	v19 =	vadd.f32 v60, v16;
	v16 =	vadd.f32 v56, v18;
	v56 =	vbroadcast v4, $0xB  }
0x19e: {  	v32 =	vld [tilespmem:s30+$0x128C0];
	v53 =	vbroadcast v5, $0xC;
	v18 =	vadd.f32 v42, v21;
	v60 =	vbroadcast v3, $0xB  }
0x19f: {  	v39 =	vld [tilespmem:s30+$0x88C0];
	v62 =	vmul.f32 v33, v58;
	v17 =	vadd.f32 v63, v19;
	v23 =	vmul.f32 v44, v56  }
0x1a0: {  	v48 =	vld [tilespmem:s30+$0x28D0];
	v19 =	vadd.f32 v45, v36;
	v63 =	vbroadcast v0, $0xA;
	v44 =	vbroadcast v0, $0xB  }
0x1a1: {  	v42 =	vld [tilespmem:s30+$0xA8C0];
	v18 =	vadd.f32 v20, v18;
	v37 =	vmul.f32 v47, v60;
	v47 =	vbroadcast v7, $0xC  }
0x1a2: {  	v36 =	vld [tilespmem:s30+$0x68C0];
	v19 =	vadd.f32 v24, v19;
	v40 =	vmul.f32 v28, v63;
	v49 =	vmul.f32 v54, v44  }
0x1a3: {  	v18 =	vadd.f32 v52, v18;
	v52 =	vmul.f32 v59, v47;
	v54 =	vld [tilespmem:s30+$0x48D0];
	v59 =	vbroadcast v4, $0xC  }
0x1a4: {  	v63 =	vbroadcast v3, $0xC;
	v47 =	vld [tilespmem:s30+$0x108D0];
	v19 =	vadd.f32 v55, v19;
	v55 =	vmul.f32 v61, v50  }
0x1a5: {  	v51 =	vld [tilespmem:s30+$0x128D0];
	v18 =	vadd.f32 v57, v18;
	v57 =	vbroadcast v7, $0xD;
	v25 =	vmul.f32 v39, v59  }
0x1a6: {  	v41 =	vld [tilespmem:s30+$0xC8D0];
	v39 =	vmul.f32 v42, v63;
	v59 =	vbroadcast v0, $0xD  }
0x1a7: {  	v45 =	vld [tilespmem:s30+$0xC8C0];
	v19 =	vadd.f32 v23, v19;
	v18 =	vadd.f32 v62, v18;
	v62 =	vbroadcast v6, $0xD  }
0x1a8: {  	v60 =	vld [tilespmem:s30+$0x68D0];
	v20 =	vadd.f32 v52, v32;
	v58 =	vmul.f32 v36, v53;
	v26 =	vmul.f32 v48, v57  }
0x1a9: {  	v61 =	vld [tilespmem:s30+$0x108C0];
	v35 =	vmul.f32 v47, v59;
	v19 =	vadd.f32 v37, v19;
	v27 =	vmul.f32 v54, v62  }
0x1aa: {  	v52 =	vld [tilespmem:s30+$0x28E0];
	v18 =	vadd.f32 v40, v18;
	v37 =	vbroadcast v5, $0xD;
	v40 =	vbroadcast v2, $0xC  }
0x1ab: {  	v26 =	vadd.f32 v26, v51;
	v51 =	vbroadcast v0, $0xC;
	v54 =	vbroadcast v2, $0xD  }
0x1ac: {  	v38 =	vld [tilespmem:s30+$0xA8D0];
	v20 =	vadd.f32 v55, v20;
	v62 =	vbroadcast v7, $0xE;
	v7 =	vbroadcast v7, $0xF  }
0x1ad: {  	v56 =	vld [tilespmem:s30+$0xE8C0];
	v19 =	vadd.f32 v43, v19;
	v42 =	vmul.f32 v60, v37;
	v43 =	vbroadcast v4, $0xD  }
0x1ae: {  	v57 =	vld [tilespmem:s30+$0x28F0];
	v45 =	vmul.f32 v45, v40;
	v21 =	vmul.f32 v61, v51  }
0x1af: {  	v44 =	vld [tilespmem:s30+$0xE8D0];
	v20 =	vadd.f32 v58, v20;
	v58 =	vmul.f32 v41, v54;
	v23 =	vmul.f32 v52, v62  }
0x1b0: {  	v36 =	vld [tilespmem:s30+$0x88D0];
	v37 =	vbroadcast v6, $0xE;
	v6 =	vbroadcast v6, $0xF  }
0x1b1: {  	v50 =	vld [tilespmem:s30+$0x128E0];
	v20 =	vadd.f32 v25, v20;
	v40 =	vbroadcast v5, $0xE;
	v5 =	vbroadcast v5, $0xF  }
0x1b2: {  	v63 =	vld [tilespmem:s30+$0x48F0];
	v54 =	vbroadcast v2, $0xE;
	v2 =	vbroadcast v2, $0xF;
	v19 =	vadd.f32 v46, v19  }
0x1b3: {  	v55 =	vld [tilespmem:s30+$0x48E0];
	v7 =	vmul.f32 v57, v7;
	v46 =	vbroadcast v1, $0xC  }
0x1b4: {  	v60 =	vld [tilespmem:s30+$0x128F0];
	v20 =	vadd.f32 v39, v20;
	v19 =	vadd.f32 v49, v19;
	v49 =	vbroadcast v3, $0xD  }
0x1b5: {  	v26 =	vadd.f32 v27, v26;
	v57 =	vbroadcast v1, $0xE;
	v48 =	vmul.f32 v36, v43;
	v36 =	vld [tilespmem:s30+$0x68E0]  }
0x1b6: {  	v24 =	vmul.f32 v56, v46;
	v20 =	vadd.f32 v45, v20;
	v53 =	vmul.f32 v38, v49;
	v38 =	vld [tilespmem:s30+$0x68F0]  }
0x1b7: {  	v26 =	vadd.f32 v42, v26;
	v39 =	vld [tilespmem:s30+$0x88E0];
	v23 =	vadd.f32 v23, v50;
	v6 =	vmul.f32 v63, v6  }
0x1b8: {  	v41 =	vld [tilespmem:s30+$0x88F0];
	v56 =	vbroadcast v1, $0xD;
	v20 =	vadd.f32 v24, v20;
	v24 =	vmul.f32 v55, v37  }
0x1b9: {  	v42 =	vld [tilespmem:s30+$0xA8E0];
	v50 =	vbroadcast v3, $0xE;
	v45 =	vbroadcast v4, $0xE;
	v7 =	vadd.f32 v7, v60  }
0x1ba: {  	[tilespmem:s30+$0x14800] =	vst v9;
	v46 =	vld [tilespmem:s30+$0xA8F0];
	v61 =	vmul.f32 v44, v56;
	v44 =	vmul.f32 v36, v40;
	v43 =	vadd.f32 v24, v23  }
0x1bb: {  	[tilespmem:s30+$0x14810] =	vst v8;
	v47 =	vld [tilespmem:s30+$0xC8E0];
	v4 =	vbroadcast v4, $0xF;
	v6 =	vadd.f32 v6, v7;
	v5 =	vmul.f32 v38, v5  }
0x1bc: {  	[tilespmem:s30+$0x14820] =	vst v11;
	v51 =	vld [tilespmem:s30+$0xC8F0];
	v26 =	vadd.f32 v48, v26;
	v49 =	vmul.f32 v39, v45;
	v48 =	vadd.f32 v44, v43  }
0x1bd: {  	[tilespmem:s30+$0x14830] =	vst v10;
	v52 =	vld [tilespmem:s30+$0xE8E0];
	v3 =	vbroadcast v3, $0xF;
	v4 =	vmul.f32 v41, v4;
	v5 =	vadd.f32 v5, v6  }
0x1be: {  	[tilespmem:s30+$0x14840] =	vst v13;
	v55 =	vld [tilespmem:s30+$0xE8F0];
	v26 =	vadd.f32 v53, v26;
	v53 =	vmul.f32 v42, v50;
	v8 =	vadd.f32 v49, v48  }
0x1bf: {  	[tilespmem:s30+$0x14850] =	vst v12;
	v1 =	vbroadcast v1, $0xF;
	v56 =	vld [tilespmem:s30+$0x108E0];
	v3 =	vmul.f32 v46, v3;
	v4 =	vadd.f32 v4, v5  }
0x1c0: {  	[tilespmem:s30+$0x14860] =	vst v15;
	v7 =	vmul.f32 v47, v54;
	v26 =	vadd.f32 v58, v26;
	v58 =	vld [tilespmem:s30+$0x108F0];
	v8 =	vadd.f32 v53, v8  }
0x1c1: {  	[tilespmem:s30+$0x14870] =	vst v14;
	v2 =	vmul.f32 v51, v2;
	v60 =	vbroadcast v0, $0xE;
	v3 =	vadd.f32 v3, v4  }
0x1c2: {  	[tilespmem:s30+$0x14880] =	vst v16;
	v0 =	vbroadcast v0, $0xF;
	v6 =	vmul.f32 v52, v57;
	v59 =	vadd.f32 v7, v8  }
0x1c3: {  	[tilespmem:s30+$0x14890] =	vst v17;
	v1 =	vmul.f32 v55, v1;
	v22 =	vadd.f32 v61, v26;
	v2 =	vadd.f32 v2, v3  }
0x1c4: {  	p0 =	sne.s32 s28, $0x7C00;
	[tilespmem:s30+$0x148A0] =	vst v18;
	v61 =	vadd.f32 v21, v20;
	v5 =	vmul.f32 v56, v60;
	v4 =	vadd.f32 v6, v59  }
.Ltmp1:
0x1c5: {  	[tilespmem:s30+$0x148B0] =	vst v19;
	v62 =	vadd.f32 v35, v22;
	v0 =	vmul.f32 v58, v0;
	v1 =	vadd.f32 v1, v2;
	(pc) =	sbr.rel @p0 .LBB2_5-.Ltmp1, $4  }
0x1c6: {  	[tilespmem:s30+$0x148C0] =	vst v61;
	v63 =	vadd.f32 v5, v4  }
0x1c7: {  	[tilespmem:s30+$0x148D0] =	vst v62;
	v0 =	vadd.f32 v0, v1  }
0x1c8: {  	[tilespmem:s30+$0x148E0] =	vst v63  }
0x1c9: {  	s29 =	sadd.s32 $0x10, s29;
	s28 =	sadd.s32 $0x400, s28;
	[tilespmem:s30+$0x148F0] =	vst v0  }
0x1ca: {  	s25 =	sadd.s32 $0x1, s25  }
0x1cb: {  	s0 =	sshll.u32 s26, $0x1;
	p0 =	sne.s32 s25, $0x20  }
.Ltmp2:
0x1cc: {  	s1 =	simm.s32 $0x0;
	s0 =	sadd.s32 s9, s0;
	(pc) =	sbr.rel @p0 .LBB2_2-.Ltmp2, $4  }
0x1cd: {  	[hbm4b:s0+s1] =	stream.linear.scatter [tilespmem:s24], [sflag:$0x2], $0x2000, $0x38;
	[tilespmem:$0x16800] =	vst v63  }
0x1ce: {  	_ =	swait.ge [sflag:s12], $0x2000  }
0x1cf: {  	[sflag:s12] =	ssyncset.done $0x0  }
0x1d0: {  	[sflag:s12] =	ssyncadd.s32 $0xFFFFE000  }
0x1d1: {  	s1 =	rddreg [dreg:$0x4]  }
0x1d2: {  	s0 =	rddreg [dreg:$0x3];
	s1 =	sadd.s32 $0x1, s1  }
0x1d3: {  	p0 =	sne.s32 s1, s0  }
.Ltmp3:
0x1d4: {  	_ = 	snop;
	(pc) =	sbr.rel @p0 .LBB2_1-.Ltmp3, $1  }
0x1d5: {  	_ =	sdelay $0x3  }
0x1d6: {  	_ =	sfence.sel $0x180000  }
0x1d7: {  	[bflag:$0x0] =	sbarrier.arrive $0xFFFF  }
0x1d8: {  	_ =	strace $0x9000004A  }
0x1d9: {  	s0 =	stileid.u32;
	[bflag:$0x2] =	sbarrier.arrive $0xFFFF  }
0x1da: {  	p0 =	sne.s32 s0, $0x0;
	s0 =	rddreg [dreg:$0x2]  }
0x1db: {  	s0 =	sadd.s32 @!p0 $0x100000, s0  }
0x1dc: {  	[sflag:s0] =	ssyncadd.tile.s32 @!p0 $0x1;
	_ =	shalt  }
.Lfunc_end2:
_tile_overlayer_lowered:
.L_overlay_start_2:
0x1dd: {  	(tag) =	ssettag $0x2  }
0x1de: {  	s0 =	rddreg [dreg:$0x0];
	s2 =	stileid.u32  }
0x1df: {  	s1 =	rddreg [dreg:$0x1];
	p0 =	sne.s32 s2, $0x0  }
0x1e0: {  	s3 =	rddreg [dreg:$0x2];
	[bflag:$0x3] =	sbarrier.arrive $0xFFFF;
	s2 =	simm.s32 @!p0 $0x1C02  }
0x1e1: {  	[timem:s3], [sflag:s2] =	dma.local @!p0 [hbm:s0], s1  }
0x1e2: {  	s0 =	simm.s32 @!p0 $0x2  }
0x1e3: {  	_ =	swait.ge @!p0 [sflag:s0], s1  }
0x1e4: {  	s1 =	ssub.s32 @!p0 $0x0, s1;
	[sflag:s0] =	ssyncset.done @!p0 $0x0  }
0x1e5: {  	[sflag:s0] =	ssyncadd.s32 @!p0 s1  }
0x1e6: {  	[bflag:$0x3] =	sbarrier.arrive $0xFFFF  }
0x1e7: {  	_ =	shalt  }

// kernel: kernel.13.cloned.1.call-start
scs
__scs_entry_jumppad:
0x0: {  	(pc) =	sbr.rel $0x88, $3  }
0x1: {  	(tag) =	ssettag $0x0;
	lr =	simm.s32 $0x1  }
0x2: {  	[smem:$0x3F96] =	sst lr;
	_ =	strace $0xD0000000  }
0x3: {  	_ = 	snop  }
0x4: {  	_ = 	snop  }
0x5: {  	_ = 	snop  }
0x6: {  	_ = 	snop  }
0x7: {  	_ = 	snop  }
__scs_overlays_trampoline_lowered:
0x8: {  	[smem:$0x3FA5] =	sst s0  }
0x9: {  	[smem:$0x3FA6] =	sst s1  }
0xa: {  	[smem:$0x3FA7] =	sst s2  }
0xb: {  	[smem:$0x3FA8] =	sst s3  }
0xc: {  	[smem:$0x3FA9] =	sst s4  }
0xd: {  	[smem:$0x3FAA] =	sst s5  }
0xe: {  	[smem:$0x3FAB] =	sst s6  }
0xf: {  	[smem:$0x3FAC] =	sst s7  }
0x10: {  	[smem:$0x3FAD] =	sst s8  }
0x11: {  	[smem:$0x3FAE] =	sst s9;
	s0 =	simm.s32 @!p0 $0x0  }
0x12: {  	s1 =	sld [smem:$0x3F94];
	s0 =	simm.s32 @p0 $0x1  }
0x13: {  	[smem:$0x3FAF] =	sst s0;
	s0 =	simm.s32 @!p1 $0x0  }
0x14: {  	s2 =	sld [smem:$0x3F93];
	s0 =	simm.s32 @p1 $0x1  }
0x15: {  	[smem:$0x3FB0] =	sst s0;
	s0 =	simm.s32 @!p2 $0x0  }
0x16: {  	s3 =	sld [smem:$0x3FDB];
	s0 =	simm.s32 @p2 $0x1  }
0x17: {  	s4 =	simm.s32 $0x1BF5;
	[smem:$0x3FB2] =	sst s0  }
0x18: {  	s0 =	sld [smem:$0x3F95];
	_ =	swait.ge [sflag:s4], $0x0  }
0x19: {  	s7 =	sld [smem:$0x3F96]  }
0x1a: {  	s8 =	sadd.s32 $0xFFFFE003, lr  }
0x1b: {  	s9 =	sadd.s32 $0xFFFFFEF7, lr;
	s5 =	simm.s32 $0xFFFFFFFF;
	p2 =	slt.u32 s8, $0xFFFFF086  }
0x1c: {  	p1 =	slt.u32 s9, $0xF7A;
	s5 =	simm.s32 @!p2 $0x0  }
0x1d: {  	s5 =	simm.s32 @p1 $0x1;
	p0 =	seq.s32 s7, s2  }
0x1e: {  	s7 =	smul.u32 @!p0 $0xF7A, s2;
	p2 =	seq.s32 @!p0 s5, $0x0  }
0x1f: {  	s9 =	smul.u32 $0xF7A, s1;
	s8 =	simm.s32 @!p0 $0x1BF5;
	p2 =	por !p2, p0  }
0x20: {  	[sflag:s8] =	ssyncset.s32 @!p0 $0xFFFFF086;
	s6 =	sadd.s32 @!p0 s3, s7;
	s7 =	simm.s32 @!p0 $0x108  }
0x21: {  	s3 =	sadd.s32 s3, s9;
	s6 =	sadd.s32 @!p0 $0x88, s6;
	s7 =	simm.s32 @p2 $0x1082  }
0x22: {  	[simem:s7], [sflag:s8] =	dma.local @!p0 [hbm:s6], $0xF7A  }
0x23: {  	s9 =	sor.u32 $0xD0000000, s2;
	s6 =	simm.s32 $0x108;
	_ =	swait.ge @!p0 [sflag:s8], $0x0  }
0x24: {  	s3 =	sadd.s32 $0x88, s3;
	s6 =	simm.s32 @!p1 $0x1082;
	[sflag:s4] =	ssyncset.s32 $0xFFFFF086  }
0x25: {  	[simem:s6], [sflag:s4] =	dma.local [hbm:s3], $0xF7A  }
0x26: {  	[smem:$0x3F96] =	sst s1;
	(tag) =	ssettag s2;
	_ =	strace s9  }
0x27: {  	s1 =	sld [smem:$0x3FA6]  }
0x28: {  	s2 =	sld [smem:$0x3FA7]  }
0x29: {  	s4 =	sld [smem:$0x3FA9]  }
0x2a: {  	p0 =	seq.s32 s5, $0x0;
	s5 =	sld [smem:$0x3FAA]  }
0x2b: {  	s6 =	sld [smem:$0x3FAB]  }
0x2c: {  	s7 =	sld [smem:$0x3FAC]  }
0x2d: {  	s3 =	simm.s32 $0x108;
	s8 =	sld [smem:$0x3FAD]  }
0x2e: {  	s3 =	simm.s32 @!p0 $0x1082;
	s9 =	sld [smem:$0x3FAE]  }
0x2f: {  	lr =	sadd.s32 s0, s3;
	s0 =	sld [smem:$0x3FA5]  }
0x30: {  	s3 =	sld [smem:$0x3FA8]  }
0x31: {  	[smem:$0x3FB1] =	sst s10  }
0x32: {  	s10 =	sld [smem:$0x3FAF];
	_ =	sdelay $0x3  }
0x33: {  	p0 =	seq.s32 s10, $0x1;
	s10 =	sld [smem:$0x3FB1];
	_ =	sdelay $0x3  }
0x34: {  	[smem:$0x3FB1] =	sst s10  }
0x35: {  	s10 =	sld [smem:$0x3FB0];
	_ =	sdelay $0x3  }
0x36: {  	p1 =	seq.s32 s10, $0x1;
	s10 =	sld [smem:$0x3FB1];
	_ =	sdelay $0x3  }
0x37: {  	[smem:$0x3FB1] =	sst s10  }
0x38: {  	s10 =	sld [smem:$0x3FB2]  }
0x39: {  	_ = 	snop;
	(pc) =	sbr.ind lr, $3  }
0x3a: {  	_ = 	snop  }
0x3b: {  	_ = 	snop  }
0x3c: {  	p2 =	seq.s32 s10, $0x1;
	s10 =	sld [smem:$0x3FB1]  }
0x3d: {  	_ =	shalt  }
0x3e: {  	_ =	shalt  }
0x3f: {  	_ =	shalt  }
0x40: {  	_ =	shalt  }
0x41: {  	_ =	shalt  }
0x42: {  	_ =	shalt  }
0x43: {  	_ =	shalt  }
0x44: {  	_ =	shalt  }
0x45: {  	_ =	shalt  }
0x46: {  	_ =	shalt  }
0x47: {  	_ =	shalt  }
0x48: {  	_ =	shalt  }
0x49: {  	_ =	shalt  }
0x4a: {  	_ =	shalt  }
0x4b: {  	_ =	shalt  }
0x4c: {  	_ =	shalt  }
0x4d: {  	_ =	shalt  }
0x4e: {  	_ =	shalt  }
0x4f: {  	_ =	shalt  }
0x50: {  	_ =	shalt  }
0x51: {  	_ =	shalt  }
0x52: {  	_ =	shalt  }
0x53: {  	_ =	shalt  }
0x54: {  	_ =	shalt  }
0x55: {  	_ =	shalt  }
0x56: {  	_ =	shalt  }
0x57: {  	_ =	shalt  }
0x58: {  	_ =	shalt  }
0x59: {  	_ =	shalt  }
0x5a: {  	_ =	shalt  }
0x5b: {  	_ =	shalt  }
0x5c: {  	_ =	shalt  }
0x5d: {  	_ =	shalt  }
0x5e: {  	_ =	shalt  }
0x5f: {  	_ =	shalt  }
0x60: {  	_ =	shalt  }
0x61: {  	_ =	shalt  }
0x62: {  	_ =	shalt  }
0x63: {  	_ =	shalt  }
0x64: {  	_ =	shalt  }
0x65: {  	_ =	shalt  }
0x66: {  	_ =	shalt  }
0x67: {  	_ =	shalt  }
0x68: {  	_ =	shalt  }
0x69: {  	_ =	shalt  }
0x6a: {  	_ =	shalt  }
0x6b: {  	_ =	shalt  }
0x6c: {  	_ =	shalt  }
0x6d: {  	_ =	shalt  }
0x6e: {  	_ =	shalt  }
0x6f: {  	_ =	shalt  }
0x70: {  	_ =	shalt  }
0x71: {  	_ =	shalt  }
0x72: {  	_ =	shalt  }
0x73: {  	_ =	shalt  }
0x74: {  	_ =	shalt  }
0x75: {  	_ =	shalt  }
0x76: {  	_ =	shalt  }
0x77: {  	_ =	shalt  }
0x78: {  	_ =	shalt  }
0x79: {  	_ =	shalt  }
0x7a: {  	_ =	shalt  }
0x7b: {  	_ =	shalt  }
0x7c: {  	_ =	shalt  }
0x7d: {  	_ =	shalt  }
0x7e: {  	_ =	shalt  }
0x7f: {  	_ =	shalt  }
0x80: {  	_ =	shalt  }
0x81: {  	_ =	shalt  }
0x82: {  	_ =	shalt  }
0x83: {  	_ =	shalt  }
0x84: {  	_ =	shalt  }
0x85: {  	_ =	shalt  }
0x86: {  	_ =	shalt  }
0x87: {  	_ =	shalt  }
.Lfunc_end0:
.L_simem_size_0:
called_computation.2_lowered:
.L_overlay_start_0:
0x88: {  	s2 =	sld [smem:$0x3FD9]  }
0x89: {  	s3 =	sld [smem:$0x3FFE];
	_ =	sdelay $0x1  }
0x8a: {  	s1 =	srdreg.scid  }
0x8b: {  	s0 =	sand.u32 $0x1, s1  }
0x8c: {  	s17 =	sshll.u32 s0, $0xA;
	s2 =	sadd.s32 s3, s2  }
0x8d: {  	s2 =	sadd.s32 s2, s17  }
0x8e: {  	[smem:$0x3FBD] =	sst s2  }
0x8f: {  	_ = 	snop  }
0x90: {  	s2 =	sld [smem:$0x3FC7];
	(tm) =	ssettm $0x1  }
0x91: {  	s18 =	sld [smem:$0x3FFB];
	_ =	sdelay $0x3  }
0x92: {  	_ =	strace s18  }
0x93: {  	s3 =	sld [smem:$0x3FFC];
	_ =	sdelay $0x3  }
0x94: {  	_ =	strace s3  }
0x95: {  	s3 =	sld [smem:$0x3FFD];
	_ =	sdelay $0x3  }
0x96: {  	_ =	strace s3  }
0x97: {  	_ =	strace $0x8FFFFFFF  }
0x98: {  	s19 =	sld [smem:$0x3FDB];
	_ =	sdelay $0x1  }
0x99: {  	s4 =	simm.s32 $_scs_section_size  }
0x9a: {  	s5 =	simm.s32 $_size__tile_overlayer_lowered;
	s6 =	simm.s32 $_tile_overlayer_lowered  }
0x9b: {  	s22 =	simm.s32 $0x1BFF;
	s21 =	sshll.u32 s6, $0x1;
	s3 =	sadd.s32 s4, s19  }
0x9c: {  	s7 =	simm.s32 $0x0;
	s20 =	sshll.u32 s5, $0x1;
	s5 =	sadd.s32 s21, s3  }
0x9d: {  	[timem:s7], [sflag:s22] =	dma.local [hbm:s5], s20  }
0x9e: {  	_ =	swait.ge [sflag:s22], s20  }
0x9f: {  	s4 =	ssub.s32 $0x0, s20;
	[sflag:s22] =	ssyncset.done $0x0  }
0xa0: {  	[sflag:s22] =	ssyncadd.s32 s4;
	_ =	sdelay $0x1  }
0xa1: {  	s23 =	simm.s32 $0x1B8B  }
0xa2: {  	_ =	swait.ge [sflag:s23], $0x1  }
0xa3: {  	[sflag:s23] =	ssyncset.done $0x0  }
0xa4: {  	s25 =	simm.s32 $0x1B8E;
	s24 =	sld [smem:$0x3FFE];
	[sflag:s23] =	ssyncadd.s32 $0xFFFFFFFF  }
0xa5: {  	s26 =	simm.s32 $execute0_lowered;
	[smem:$0x3FD2] =	sst s25  }
0xa6: {  	s5 =	sshll.u32 s26, $0x1;
	_ =	strace $0x8000004C;
	[dreg:$0x1] =	wrdreg $0xFFFFFFFF  }
0xa7: {  	s28 =	simm.s32 $_size_execute0_lowered;
	s3 =	sadd.s32 s3, s5;
	[dreg:$0x0] =	wrdreg $0x0  }
0xa8: {  	s5 =	sshll.u32 s28, $0x1;
	[dreg:$0x2] =	wrdreg s3  }
0xa9: {  	[dreg:$0x3] =	wrdreg s5  }
0xaa: {  	[dreg:$0x4] =	wrdreg $0xC0  }
0xab: {  	_ =	task [dreg:s7], $0x5FFFF  }
0xac: {  	[dreg:$0x1] =	wrdreg $0xFFFFFFFF  }
0xad: {  	[dreg:$0x0] =	wrdreg $0x60  }
0xae: {  	[dreg:$0x2] =	wrdreg s24  }
0xaf: {  	[dreg:$0x3] =	wrdreg s2  }
0xb0: {  	[dreg:$0x4] =	wrdreg $0x24000  }
0xb1: {  	[dreg:$0x5] =	wrdreg $0x9  }
0xb2: {  	_ =	task.clear_ibuf [dreg:s7], $0x6FFFF;
	_ =	strace $0x9000004C  }
0xb3: {  	s29 =	simm.s32 $0x9;
	_ =	strace $0x8000004E  }
0xb4: {  	_ =	swait.ge [sflag:s29], $0x1  }
0xb5: {  	[sflag:s29] =	ssyncadd.s32 $0xFFFFFFFF  }
0xb6: {  	_ =	strace $0x9000004E  }
0xb7: {  	_ =	sfence  }
0xb8: {  	s30 =	sld [smem:$0x0];
	_ =	sdelay $0x2  }
0xb9: {  	s31 =	sshll.u32 s1, $0xD;
	s1 =	sshrl.u32 s1, $0x2  }
0xba: {  	s3 =	sand.u32 $0x4000, s31;
	s1 =	sadd.s32 s1, s30  }
0xbb: {  	s0 =	sor.u32 s3, s0;
	s1 =	sshll.u32 s1, $0x11  }
0xbc: {  	s0 =	sor.u32 s1, s0  }
0xbd: {  	s0 =	sadd.s32 $0x8F2B, s0  }
0xbe: {  	[sflag:s0] =	ssyncadd.remote.s32 $0x1  }
0xbf: {  	_ =	sfence.sel $0xFFFF  }
0xc0: {  	[dreg:$0x0] =	wrdreg $0xFFFFFFFF;
	(pc) =	sbr.abs _section_cstart, $3  }
0xc1: {  	[dreg:$0x1] =	wrdreg $0xFFFFFFFF  }
0xc2: {  	_ =	task.clear_ibuf [dreg:s7], $0x2FFFF;
	_ =	strace $0x9FFFFFFF  }
0xc3: {  	(tm) =	ssettm $0x7FFFFFFF  }
tec
execute0_lowered:
.L_overlay_start_1:
0x0: {  	(tag) =	ssettag $0x1  }
0x1: {  	s4 =	rddreg [dreg:$0x0]  }
0x2: {  	s6 =	rddreg [dreg:$0x1]  }
0x3: {  	s1 =	rddreg [dreg:$0x2]  }
0x4: {  	s3 =	srdreg.scid;
	s0 =	rddreg [dreg:$0x3]  }
0x5: {  	s2 =	simm.s32 $0x0;
	s28 =	stileid.u32;
	s11 =	simm.s32 $0x80  }
0x6: {  	s12 =	simm.s32 $0x2080;
	s13 =	simm.s32 $0x400;
	s14 =	simm.s32 $0x2100  }
0x7: {  	s15 =	simm.s32 $0x800;
	s16 =	simm.s32 $0x2180;
	s17 =	simm.s32 $0xC00  }
0x8: {  	s18 =	simm.s32 $0x2200;
	s19 =	simm.s32 $0x1000;
	s20 =	simm.s32 $0x2280  }
0x9: {  	s21 =	simm.s32 $0x1400;
	s22 =	simm.s32 $0x2300;
	s23 =	simm.s32 $0x1800  }
0xa: {  	s24 =	simm.s32 $0x2380;
	s25 =	simm.s32 $0x1C00;
	s26 =	simm.s32 $0x0  }
0xb: {  	s5 =	sand.u32 $0x1, s3;
	[smem:$0x7FF] =	sst s2;
	s30 =	sshll.u32 s28, $0xE  }
0xc: {  	s31 =	sshll.u32 s28, $0xB;
	p0 =	sne.s32 s28, $0x0;
	s3 =	sshll.u32 s5, $0x12  }
0xd: {  	_ =	strace $0x8000004D;
	s8 =	sshll.u32 s5, $0xD;
	s9 =	ssub.s32 $0x2, s5  }
0xe: {  	s29 =	sshll.u32 s5, $0xF;
	s7 =	sadd.s32 s3, s4;
	s3 =	sadd.s32 $0x82C00, s4  }
0xf: {  	s4 =	sadd.s32 s8, s4;
	s10 =	sshrl.u32 s9, $0x1;
	s6 =	sadd.s32 s29, s6  }
0x10: {  	s8 =	sshrl.u32 @!p0 s1, $0x3;
	s9 =	ssub.s32 s9, s10;
	s4 =	sadd.s32 $0x84C00, s4  }
0x11: {  	s7 =	sadd.s32 s30, s7;
	s6 =	sadd.s32 s31, s6;
	s10 =	simm.s32 $0x2000  }
0x12: {  	s5 =	smax.u32 s9, $0x1;
	s7 =	sadd.s32 $0x2C00, s7;
	s9 =	simm.s32 $0x1  }
.LBB2_1:
0x13: {  	s28 =	simm.s32 @!p0 $0x1C01  }
0x14: {  	[spmem:s8], [sflag:s28] =	dma.local @!p0 [hbm:s3], $0x2000  }
0x15: {  	s28 =	simm.s32 @!p0 $0x1  }
0x16: {  	_ =	swait.ge @!p0 [sflag:s28], $0x2000  }
0x17: {  	[sflag:s28] =	ssyncset.done @!p0 $0x0  }
0x18: {  	[sflag:s28] =	ssyncadd.s32 @!p0 $0xFFFFE000  }
0x19: {  	[bflag:$0x0] =	sbarrier.arrive $0xFFFF  }
0x1a: {  	[tilespmem:s2], [sflag:$0x1] =	stream.linear.gather [hbm4b:s7+s2], $0x2000, $0x38;
	[tilespmem:$0x3400] =	vst v63  }
0x1b: {  	_ =	swait.ge [sflag:s9], $0x2000  }
0x1c: {  	[sflag:s9] =	ssyncset.done $0x0  }
0x1d: {  	s28 =	sadd.s32 $0x0, s6;
	[sflag:s9] =	ssyncadd.s32 $0xFFFFE000  }
0x1e: {  	[tilespmem:s10], [sflag:$0x1] =	stream.linear.gather [hbm4b:s28+s2], $0x400, $0x38;
	[tilespmem:$0x3400] =	vst v63  }
0x1f: {  	_ =	swait.ge [sflag:s9], $0x400  }
0x20: {  	[sflag:s9] =	ssyncset.done $0x0  }
0x21: {  	[sflag:s9] =	ssyncadd.s32 $0xFFFFFC00  }
0x22: {  	[spmem:s1] =	stream.indirect.scatter.add.f32 [tilespmem:s2], [sflag:$0x1], $0x8, s10, s11, $0xb8;
	[tilespmem:$0x3400] =	vst v63  }
0x23: {  	_ =	swait.ge [sflag:s9], $0x400  }
0x24: {  	[sflag:s9] =	ssyncset.done $0x0  }
0x25: {  	[sflag:s9] =	ssyncadd.s32 $0xFFFFFC00  }
0x26: {  	[spmem:s1] =	stream.indirect.scatter.add.f32 [tilespmem:s13], [sflag:$0x1], $0x8, s12, s11, $0xb8;
	[tilespmem:$0x3400] =	vst v63  }
0x27: {  	_ =	swait.ge [sflag:s9], $0x400  }
0x28: {  	[sflag:s9] =	ssyncset.done $0x0  }
0x29: {  	[sflag:s9] =	ssyncadd.s32 $0xFFFFFC00  }
0x2a: {  	[spmem:s1] =	stream.indirect.scatter.add.f32 [tilespmem:s15], [sflag:$0x1], $0x8, s14, s11, $0xb8;
	[tilespmem:$0x3400] =	vst v63  }
0x2b: {  	_ =	swait.ge [sflag:s9], $0x400  }
0x2c: {  	[sflag:s9] =	ssyncset.done $0x0  }
0x2d: {  	[sflag:s9] =	ssyncadd.s32 $0xFFFFFC00  }
0x2e: {  	[spmem:s1] =	stream.indirect.scatter.add.f32 [tilespmem:s17], [sflag:$0x1], $0x8, s16, s11, $0xb8;
	[tilespmem:$0x3400] =	vst v63  }
0x2f: {  	_ =	swait.ge [sflag:s9], $0x400  }
0x30: {  	[sflag:s9] =	ssyncset.done $0x0  }
0x31: {  	[sflag:s9] =	ssyncadd.s32 $0xFFFFFC00  }
0x32: {  	[spmem:s1] =	stream.indirect.scatter.add.f32 [tilespmem:s19], [sflag:$0x1], $0x8, s18, s11, $0xb8;
	[tilespmem:$0x3400] =	vst v63  }
0x33: {  	_ =	swait.ge [sflag:s9], $0x400  }
0x34: {  	[sflag:s9] =	ssyncset.done $0x0  }
0x35: {  	[sflag:s9] =	ssyncadd.s32 $0xFFFFFC00  }
0x36: {  	[spmem:s1] =	stream.indirect.scatter.add.f32 [tilespmem:s21], [sflag:$0x1], $0x8, s20, s11, $0xb8;
	[tilespmem:$0x3400] =	vst v63  }
0x37: {  	_ =	swait.ge [sflag:s9], $0x400  }
0x38: {  	[sflag:s9] =	ssyncset.done $0x0  }
0x39: {  	[sflag:s9] =	ssyncadd.s32 $0xFFFFFC00  }
0x3a: {  	[spmem:s1] =	stream.indirect.scatter.add.f32 [tilespmem:s23], [sflag:$0x1], $0x8, s22, s11, $0xb8;
	[tilespmem:$0x3400] =	vst v63  }
0x3b: {  	_ =	swait.ge [sflag:s9], $0x400  }
0x3c: {  	[sflag:s9] =	ssyncset.done $0x0  }
0x3d: {  	[sflag:s9] =	ssyncadd.s32 $0xFFFFFC00  }
0x3e: {  	[spmem:s1] =	stream.indirect.scatter.add.f32 [tilespmem:s25], [sflag:$0x1], $0x8, s24, s11, $0xb8;
	[tilespmem:$0x3400] =	vst v63  }
0x3f: {  	_ =	swait.ge [sflag:s9], $0x400  }
0x40: {  	s29 =	smov.u32 s7;
	s28 =	simm.s32 $0x80;
	[sflag:s9] =	ssyncset.done $0x0  }
.LBB2_2:
0x41: {  	p1 =	sne.s32 s28, $0x780;
	[sflag:s9] =	ssyncadd.s32 $0xFFFFFC00;
	s29 =	sadd.s32 $0x400, s29  }
0x42: {  	[tilespmem:s2], [sflag:$0x1] =	stream.linear.gather [hbm4b:s29+s2], $0x2000, $0x38;
	[tilespmem:$0x3400] =	vst v63  }
0x43: {  	s30 =	smov.u32 s28;
	s28 =	sadd.s32 $0x80, s28;
	_ =	swait.ge [sflag:s9], $0x2000  }
0x44: {  	[sflag:s9] =	ssyncset.done $0x0  }
0x45: {  	s30 =	sadd.s32 s30, s6;
	[sflag:s9] =	ssyncadd.s32 $0xFFFFE000  }
0x46: {  	[tilespmem:s10], [sflag:$0x1] =	stream.linear.gather [hbm4b:s30+s2], $0x400, $0x38;
	[tilespmem:$0x3400] =	vst v63  }
0x47: {  	_ =	swait.ge [sflag:s9], $0x400  }
0x48: {  	[sflag:s9] =	ssyncset.done $0x0  }
0x49: {  	[sflag:s9] =	ssyncadd.s32 $0xFFFFFC00  }
0x4a: {  	[spmem:s1] =	stream.indirect.scatter.add.f32 [tilespmem:s2], [sflag:$0x1], $0x8, s10, s11, $0xb8;
	[tilespmem:$0x3400] =	vst v63  }
0x4b: {  	_ =	swait.ge [sflag:s9], $0x400  }
0x4c: {  	[sflag:s9] =	ssyncset.done $0x0  }
0x4d: {  	[sflag:s9] =	ssyncadd.s32 $0xFFFFFC00  }
0x4e: {  	[spmem:s1] =	stream.indirect.scatter.add.f32 [tilespmem:s13], [sflag:$0x1], $0x8, s12, s11, $0xb8;
	[tilespmem:$0x3400] =	vst v63  }
0x4f: {  	_ =	swait.ge [sflag:s9], $0x400  }
0x50: {  	[sflag:s9] =	ssyncset.done $0x0  }
0x51: {  	[sflag:s9] =	ssyncadd.s32 $0xFFFFFC00  }
0x52: {  	[spmem:s1] =	stream.indirect.scatter.add.f32 [tilespmem:s15], [sflag:$0x1], $0x8, s14, s11, $0xb8;
	[tilespmem:$0x3400] =	vst v63  }
0x53: {  	_ =	swait.ge [sflag:s9], $0x400  }
0x54: {  	[sflag:s9] =	ssyncset.done $0x0  }
0x55: {  	[sflag:s9] =	ssyncadd.s32 $0xFFFFFC00  }
0x56: {  	[spmem:s1] =	stream.indirect.scatter.add.f32 [tilespmem:s17], [sflag:$0x1], $0x8, s16, s11, $0xb8;
	[tilespmem:$0x3400] =	vst v63  }
0x57: {  	_ =	swait.ge [sflag:s9], $0x400  }
0x58: {  	[sflag:s9] =	ssyncset.done $0x0  }
0x59: {  	[sflag:s9] =	ssyncadd.s32 $0xFFFFFC00  }
0x5a: {  	[spmem:s1] =	stream.indirect.scatter.add.f32 [tilespmem:s19], [sflag:$0x1], $0x8, s18, s11, $0xb8;
	[tilespmem:$0x3400] =	vst v63  }
0x5b: {  	_ =	swait.ge [sflag:s9], $0x400  }
0x5c: {  	[sflag:s9] =	ssyncset.done $0x0  }
0x5d: {  	[sflag:s9] =	ssyncadd.s32 $0xFFFFFC00  }
0x5e: {  	[spmem:s1] =	stream.indirect.scatter.add.f32 [tilespmem:s21], [sflag:$0x1], $0x8, s20, s11, $0xb8;
	[tilespmem:$0x3400] =	vst v63  }
0x5f: {  	_ =	swait.ge [sflag:s9], $0x400  }
0x60: {  	[sflag:s9] =	ssyncset.done $0x0  }
0x61: {  	[sflag:s9] =	ssyncadd.s32 $0xFFFFFC00  }
0x62: {  	[spmem:s1] =	stream.indirect.scatter.add.f32 [tilespmem:s23], [sflag:$0x1], $0x8, s22, s11, $0xb8;
	[tilespmem:$0x3400] =	vst v63  }
0x63: {  	_ =	swait.ge [sflag:s9], $0x400  }
.Ltmp0:
0x64: {  	[sflag:s9] =	ssyncset.done $0x0;
	(pc) =	sbr.rel @p1 .LBB2_2-.Ltmp0, $4  }
0x65: {  	[sflag:s9] =	ssyncadd.s32 $0xFFFFFC00  }
0x66: {  	[spmem:s1] =	stream.indirect.scatter.add.f32 [tilespmem:s25], [sflag:$0x1], $0x8, s24, s11, $0xb8;
	[tilespmem:$0x3400] =	vst v63  }
0x67: {  	_ =	swait.ge [sflag:s9], $0x400  }
0x68: {  	[sflag:s9] =	ssyncset.done $0x0  }
0x69: {  	[sflag:s9] =	ssyncadd.s32 $0xFFFFFC00;
	s26 =	sadd.s32 $0x1, s26  }
0x6a: {  	s28 =	simm.s32 @!p0 $0x1C01;
	[bflag:$0x0] =	sbarrier.arrive $0xFFFF;
	p1 =	sne.s32 s26, s5  }
0x6b: {  	[hbm:s4], [sflag:s28] =	dma.local @!p0 [spmem:s8], $0x2000  }
.Ltmp1:
0x6c: {  	_ = 	snop;
	(pc) =	sbr.rel @p1 .LBB2_1-.Ltmp1, $4  }
0x6d: {  	s28 =	simm.s32 @!p0 $0x1  }
0x6e: {  	_ =	swait.ge @!p0 [sflag:s28], $0x2000  }
0x6f: {  	[sflag:s28] =	ssyncset.done @!p0 $0x0  }
0x70: {  	[sflag:s28] =	ssyncadd.s32 @!p0 $0xFFFFE000  }
0x71: {  	_ =	sfence.sel $0x180000  }
0x72: {  	[bflag:$0x0] =	sbarrier.arrive $0xFFFF  }
0x73: {  	_ =	strace $0x9000004D  }
0x74: {  	s0 =	sadd.s32 @!p0 $0x100000, s0;
	[bflag:$0x2] =	sbarrier.arrive $0xFFFF  }
0x75: {  	[sflag:s0] =	ssyncadd.tile.s32 @!p0 $0x1;
	_ =	shalt  }
.Lfunc_end2:
_tile_overlayer_lowered:
.L_overlay_start_2:
0x76: {  	(tag) =	ssettag $0x2  }
0x77: {  	s0 =	rddreg [dreg:$0x0];
	s2 =	stileid.u32  }
0x78: {  	s1 =	rddreg [dreg:$0x1];
	p0 =	sne.s32 s2, $0x0  }
0x79: {  	s3 =	rddreg [dreg:$0x2];
	[bflag:$0x3] =	sbarrier.arrive $0xFFFF;
	s2 =	simm.s32 @!p0 $0x1C01  }
0x7a: {  	[timem:s3], [sflag:s2] =	dma.local @!p0 [hbm:s0], s1  }
0x7b: {  	s0 =	simm.s32 @!p0 $0x1  }
0x7c: {  	_ =	swait.ge @!p0 [sflag:s0], s1  }
0x7d: {  	s1 =	ssub.s32 @!p0 $0x0, s1;
	[sflag:s0] =	ssyncset.done @!p0 $0x0  }
0x7e: {  	[sflag:s0] =	ssyncadd.s32 @!p0 s1  }
0x7f: {  	[bflag:$0x3] =	sbarrier.arrive $0xFFFF  }
0x80: {  	_ =	shalt  }

// kernel: kernel.7.cloned.1.call-start
scs
__scs_entry_jumppad:
0x0: {  	(pc) =	sbr.rel $0x88, $3  }
0x1: {  	(tag) =	ssettag $0x0;
	lr =	simm.s32 $0x1  }
0x2: {  	[smem:$0x3F96] =	sst lr;
	_ =	strace $0xD0000000  }
0x3: {  	_ = 	snop  }
0x4: {  	_ = 	snop  }
0x5: {  	_ = 	snop  }
0x6: {  	_ = 	snop  }
0x7: {  	_ = 	snop  }
__scs_overlays_trampoline_lowered:
0x8: {  	[smem:$0x3FA5] =	sst s0  }
0x9: {  	[smem:$0x3FA6] =	sst s1  }
0xa: {  	[smem:$0x3FA7] =	sst s2  }
0xb: {  	[smem:$0x3FA8] =	sst s3  }
0xc: {  	[smem:$0x3FA9] =	sst s4  }
0xd: {  	[smem:$0x3FAA] =	sst s5  }
0xe: {  	[smem:$0x3FAB] =	sst s6  }
0xf: {  	[smem:$0x3FAC] =	sst s7  }
0x10: {  	[smem:$0x3FAD] =	sst s8  }
0x11: {  	[smem:$0x3FAE] =	sst s9;
	s0 =	simm.s32 @!p0 $0x0  }
0x12: {  	s1 =	sld [smem:$0x3F94];
	s0 =	simm.s32 @p0 $0x1  }
0x13: {  	[smem:$0x3FAF] =	sst s0;
	s0 =	simm.s32 @!p1 $0x0  }
0x14: {  	s2 =	sld [smem:$0x3F93];
	s0 =	simm.s32 @p1 $0x1  }
0x15: {  	[smem:$0x3FB0] =	sst s0;
	s0 =	simm.s32 @!p2 $0x0  }
0x16: {  	s3 =	sld [smem:$0x3FDB];
	s0 =	simm.s32 @p2 $0x1  }
0x17: {  	s4 =	simm.s32 $0x1BF5;
	[smem:$0x3FB2] =	sst s0  }
0x18: {  	s0 =	sld [smem:$0x3F95];
	_ =	swait.ge [sflag:s4], $0x0  }
0x19: {  	s7 =	sld [smem:$0x3F96]  }
0x1a: {  	s8 =	sadd.s32 $0xFFFFE003, lr  }
0x1b: {  	s9 =	sadd.s32 $0xFFFFFEF7, lr;
	s5 =	simm.s32 $0xFFFFFFFF;
	p2 =	slt.u32 s8, $0xFFFFF086  }
0x1c: {  	p1 =	slt.u32 s9, $0xF7A;
	s5 =	simm.s32 @!p2 $0x0  }
0x1d: {  	s5 =	simm.s32 @p1 $0x1;
	p0 =	seq.s32 s7, s2  }
0x1e: {  	s7 =	smul.u32 @!p0 $0xF7A, s2;
	p2 =	seq.s32 @!p0 s5, $0x0  }
0x1f: {  	s9 =	smul.u32 $0xF7A, s1;
	s8 =	simm.s32 @!p0 $0x1BF5;
	p2 =	por !p2, p0  }
0x20: {  	[sflag:s8] =	ssyncset.s32 @!p0 $0xFFFFF086;
	s6 =	sadd.s32 @!p0 s3, s7;
	s7 =	simm.s32 @!p0 $0x108  }
0x21: {  	s3 =	sadd.s32 s3, s9;
	s6 =	sadd.s32 @!p0 $0x88, s6;
	s7 =	simm.s32 @p2 $0x1082  }
0x22: {  	[simem:s7], [sflag:s8] =	dma.local @!p0 [hbm:s6], $0xF7A  }
0x23: {  	s9 =	sor.u32 $0xD0000000, s2;
	s6 =	simm.s32 $0x108;
	_ =	swait.ge @!p0 [sflag:s8], $0x0  }
0x24: {  	s3 =	sadd.s32 $0x88, s3;
	s6 =	simm.s32 @!p1 $0x1082;
	[sflag:s4] =	ssyncset.s32 $0xFFFFF086  }
0x25: {  	[simem:s6], [sflag:s4] =	dma.local [hbm:s3], $0xF7A  }
0x26: {  	[smem:$0x3F96] =	sst s1;
	(tag) =	ssettag s2;
	_ =	strace s9  }
0x27: {  	s1 =	sld [smem:$0x3FA6]  }
0x28: {  	s2 =	sld [smem:$0x3FA7]  }
0x29: {  	s4 =	sld [smem:$0x3FA9]  }
0x2a: {  	p0 =	seq.s32 s5, $0x0;
	s5 =	sld [smem:$0x3FAA]  }
0x2b: {  	s6 =	sld [smem:$0x3FAB]  }
0x2c: {  	s7 =	sld [smem:$0x3FAC]  }
0x2d: {  	s3 =	simm.s32 $0x108;
	s8 =	sld [smem:$0x3FAD]  }
0x2e: {  	s3 =	simm.s32 @!p0 $0x1082;
	s9 =	sld [smem:$0x3FAE]  }
0x2f: {  	lr =	sadd.s32 s0, s3;
	s0 =	sld [smem:$0x3FA5]  }
0x30: {  	s3 =	sld [smem:$0x3FA8]  }
0x31: {  	[smem:$0x3FB1] =	sst s10  }
0x32: {  	s10 =	sld [smem:$0x3FAF];
	_ =	sdelay $0x3  }
0x33: {  	p0 =	seq.s32 s10, $0x1;
	s10 =	sld [smem:$0x3FB1];
	_ =	sdelay $0x3  }
0x34: {  	[smem:$0x3FB1] =	sst s10  }
0x35: {  	s10 =	sld [smem:$0x3FB0];
	_ =	sdelay $0x3  }
0x36: {  	p1 =	seq.s32 s10, $0x1;
	s10 =	sld [smem:$0x3FB1];
	_ =	sdelay $0x3  }
0x37: {  	[smem:$0x3FB1] =	sst s10  }
0x38: {  	s10 =	sld [smem:$0x3FB2]  }
0x39: {  	_ = 	snop;
	(pc) =	sbr.ind lr, $3  }
0x3a: {  	_ = 	snop  }
0x3b: {  	_ = 	snop  }
0x3c: {  	p2 =	seq.s32 s10, $0x1;
	s10 =	sld [smem:$0x3FB1]  }
0x3d: {  	_ =	shalt  }
0x3e: {  	_ =	shalt  }
0x3f: {  	_ =	shalt  }
0x40: {  	_ =	shalt  }
0x41: {  	_ =	shalt  }
0x42: {  	_ =	shalt  }
0x43: {  	_ =	shalt  }
0x44: {  	_ =	shalt  }
0x45: {  	_ =	shalt  }
0x46: {  	_ =	shalt  }
0x47: {  	_ =	shalt  }
0x48: {  	_ =	shalt  }
0x49: {  	_ =	shalt  }
0x4a: {  	_ =	shalt  }
0x4b: {  	_ =	shalt  }
0x4c: {  	_ =	shalt  }
0x4d: {  	_ =	shalt  }
0x4e: {  	_ =	shalt  }
0x4f: {  	_ =	shalt  }
0x50: {  	_ =	shalt  }
0x51: {  	_ =	shalt  }
0x52: {  	_ =	shalt  }
0x53: {  	_ =	shalt  }
0x54: {  	_ =	shalt  }
0x55: {  	_ =	shalt  }
0x56: {  	_ =	shalt  }
0x57: {  	_ =	shalt  }
0x58: {  	_ =	shalt  }
0x59: {  	_ =	shalt  }
0x5a: {  	_ =	shalt  }
0x5b: {  	_ =	shalt  }
0x5c: {  	_ =	shalt  }
0x5d: {  	_ =	shalt  }
0x5e: {  	_ =	shalt  }
0x5f: {  	_ =	shalt  }
0x60: {  	_ =	shalt  }
0x61: {  	_ =	shalt  }
0x62: {  	_ =	shalt  }
0x63: {  	_ =	shalt  }
0x64: {  	_ =	shalt  }
0x65: {  	_ =	shalt  }
0x66: {  	_ =	shalt  }
0x67: {  	_ =	shalt  }
0x68: {  	_ =	shalt  }
0x69: {  	_ =	shalt  }
0x6a: {  	_ =	shalt  }
0x6b: {  	_ =	shalt  }
0x6c: {  	_ =	shalt  }
0x6d: {  	_ =	shalt  }
0x6e: {  	_ =	shalt  }
0x6f: {  	_ =	shalt  }
0x70: {  	_ =	shalt  }
0x71: {  	_ =	shalt  }
0x72: {  	_ =	shalt  }
0x73: {  	_ =	shalt  }
0x74: {  	_ =	shalt  }
0x75: {  	_ =	shalt  }
0x76: {  	_ =	shalt  }
0x77: {  	_ =	shalt  }
0x78: {  	_ =	shalt  }
0x79: {  	_ =	shalt  }
0x7a: {  	_ =	shalt  }
0x7b: {  	_ =	shalt  }
0x7c: {  	_ =	shalt  }
0x7d: {  	_ =	shalt  }
0x7e: {  	_ =	shalt  }
0x7f: {  	_ =	shalt  }
0x80: {  	_ =	shalt  }
0x81: {  	_ =	shalt  }
0x82: {  	_ =	shalt  }
0x83: {  	_ =	shalt  }
0x84: {  	_ =	shalt  }
0x85: {  	_ =	shalt  }
0x86: {  	_ =	shalt  }
0x87: {  	_ =	shalt  }
.Lfunc_end0:
.L_simem_size_0:
called_computation_lowered:
.L_overlay_start_0:
0x88: {  	s2 =	sld [smem:$0x3FD9]  }
0x89: {  	s3 =	sld [smem:$0x3FFE];
	_ =	sdelay $0x1  }
0x8a: {  	s1 =	srdreg.scid  }
0x8b: {  	s0 =	sand.u32 $0x1, s1  }
0x8c: {  	s16 =	sshll.u32 s0, $0xA;
	s2 =	sadd.s32 s3, s2  }
0x8d: {  	s2 =	sadd.s32 s2, s16  }
0x8e: {  	[smem:$0x3FBD] =	sst s2  }
0x8f: {  	_ = 	snop  }
0x90: {  	(tm) =	ssettm $0x1  }
0x91: {  	s17 =	sld [smem:$0x3FFB];
	_ =	sdelay $0x3  }
0x92: {  	_ =	strace s17  }
0x93: {  	s2 =	sld [smem:$0x3FFC];
	_ =	sdelay $0x3  }
0x94: {  	_ =	strace s2  }
0x95: {  	s2 =	sld [smem:$0x3FFD];
	_ =	sdelay $0x3  }
0x96: {  	_ =	strace s2  }
0x97: {  	_ =	strace $0x8FFFFFFF  }
0x98: {  	s18 =	sld [smem:$0x3FDB];
	_ =	sdelay $0x1  }
0x99: {  	s19 =	simm.s32 $_scs_section_size  }
0x9a: {  	s4 =	simm.s32 $_size__tile_overlayer_lowered;
	s5 =	simm.s32 $_tile_overlayer_lowered  }
0x9b: {  	s22 =	simm.s32 $0x1BFF;
	s21 =	sshll.u32 s5, $0x1;
	s2 =	sadd.s32 s19, s18  }
0x9c: {  	s6 =	simm.s32 $0x0;
	s20 =	sshll.u32 s4, $0x1;
	s4 =	sadd.s32 s21, s2  }
0x9d: {  	[timem:s6], [sflag:s22] =	dma.local [hbm:s4], s20  }
0x9e: {  	_ =	swait.ge [sflag:s22], s20  }
0x9f: {  	s3 =	ssub.s32 $0x0, s20;
	[sflag:s22] =	ssyncset.done $0x0  }
0xa0: {  	[sflag:s22] =	ssyncadd.s32 s3;
	_ =	sdelay $0x1  }
0xa1: {  	s23 =	simm.s32 $0x1B8B  }
0xa2: {  	_ =	swait.ge [sflag:s23], $0x1  }
0xa3: {  	[sflag:s23] =	ssyncset.done $0x0  }
0xa4: {  	s25 =	simm.s32 $0x1B8E;
	s24 =	sld [smem:$0x3FFE];
	[sflag:s23] =	ssyncadd.s32 $0xFFFFFFFF  }
0xa5: {  	s26 =	simm.s32 $execute0_lowered;
	[smem:$0x3FD2] =	sst s25  }
0xa6: {  	s4 =	sshll.u32 s26, $0x1;
	_ =	strace $0x80000046;
	[dreg:$0x1] =	wrdreg $0xFFFFFFFF  }
0xa7: {  	s28 =	simm.s32 $_size_execute0_lowered;
	s2 =	sadd.s32 s2, s4;
	[dreg:$0x0] =	wrdreg $0x0  }
0xa8: {  	s4 =	sshll.u32 s28, $0x1;
	[dreg:$0x2] =	wrdreg s2  }
0xa9: {  	[dreg:$0x3] =	wrdreg s4  }
0xaa: {  	[dreg:$0x4] =	wrdreg $0xC0  }
0xab: {  	_ =	task [dreg:s6], $0x5FFFF  }
0xac: {  	[dreg:$0x1] =	wrdreg $0xFFFFFFFF  }
0xad: {  	[dreg:$0x0] =	wrdreg $0x60  }
0xae: {  	[dreg:$0x2] =	wrdreg s24  }
0xaf: {  	[dreg:$0x3] =	wrdreg $0x9  }
0xb0: {  	_ =	task.clear_ibuf [dreg:s6], $0x4FFFF;
	_ =	strace $0x90000046  }
0xb1: {  	s29 =	simm.s32 $0x9;
	_ =	strace $0x80000048  }
0xb2: {  	_ =	swait.ge [sflag:s29], $0x1  }
0xb3: {  	[sflag:s29] =	ssyncadd.s32 $0xFFFFFFFF  }
0xb4: {  	_ =	strace $0x90000048  }
0xb5: {  	_ =	sfence  }
0xb6: {  	s30 =	sld [smem:$0x0];
	_ =	sdelay $0x2  }
0xb7: {  	s31 =	sshll.u32 s1, $0xD;
	s1 =	sshrl.u32 s1, $0x2  }
0xb8: {  	s3 =	sand.u32 $0x4000, s31;
	s1 =	sadd.s32 s1, s30  }
0xb9: {  	s0 =	sor.u32 s3, s0;
	s1 =	sshll.u32 s1, $0x11  }
0xba: {  	s0 =	sor.u32 s1, s0  }
0xbb: {  	s0 =	sadd.s32 $0x8F2B, s0  }
0xbc: {  	[sflag:s0] =	ssyncadd.remote.s32 $0x1  }
0xbd: {  	_ =	sfence.sel $0xFFFF  }
0xbe: {  	[dreg:$0x0] =	wrdreg $0xFFFFFFFF;
	(pc) =	sbr.abs _section_cstart, $3  }
0xbf: {  	[dreg:$0x1] =	wrdreg $0xFFFFFFFF  }
0xc0: {  	_ =	task.clear_ibuf [dreg:s6], $0x2FFFF;
	_ =	strace $0x9FFFFFFF  }
0xc1: {  	(tm) =	ssettm $0x7FFFFFFF  }
tec
execute0_lowered:
.L_overlay_start_1:
0x0: {  	(tag) =	ssettag $0x1  }
0x1: {  	s5 =	rddreg [dreg:$0x0]  }
0x2: {  	s0 =	rddreg [dreg:$0x1];
	s1 =	simm.s32 $0x0;
	s2 =	srdreg.scid  }
0x3: {  	s9 =	simm.s32 $0xFA0;
	s10 =	simm.s32 $0x1770;
	s11 =	simm.s32 $0x1F40  }
0x4: {  	s12 =	simm.s32 $0x2710;
	s13 =	simm.s32 $0x2EE0;
	s14 =	simm.s32 $0x36B0  }
0x5: {  	s15 =	simm.s32 $0x3E80;
	s16 =	simm.s32 $0x4650;
	s17 =	simm.s32 $0x4E20  }
0x6: {  	s18 =	simm.s32 $0x55F0;
	s19 =	simm.s32 $0x5DC0;
	s20 =	simm.s32 $0x1  }
0x7: {  	s21 =	simm.s32 $0x6590;
	s22 =	simm.s32 $0x2;
	s23 =	simm.s32 $0x0  }
0x8: {  	[smem:$0x7FF] =	sst s1;
	s6 =	sand.u32 $0x1, s2;
	s3 =	sadd.s32 $0x5DEC00, s5  }
0x9: {  	s4 =	sadd.s32 $0x2C00, s5;
	s2 =	stileid.u32;
	s7 =	ssub.s32 $0x2, s6  }
0xa: {  	s5 =	sadd.s32 $0x65BC00, s5;
	s6 =	sshll.u32 s6, $0x4;
	s8 =	sshrl.u32 s7, $0x1  }
0xb: {  	v0 =	vlaneseq.u32;
	_ =	strace $0x80000047;
	s6 =	sor.u32 s2, s6;
	s7 =	ssub.s32 s7, s8  }
0xc: {  	v1 =	vimm.f32 $0.0e+00;
	v0 =	vmul.u32 $0x10, v0;
	s6 =	smul.u32 $0x1F400, s6;
	s8 =	simm.s32 $0x7D0;
	s7 =	smax.u32 s7, $0x1  }
.LBB2_1:
0xd: {  	s24 =	simm.s32 $0x0  }
.LBB2_2:
0xe: {  	s25 =	smul.u32 $0x7D0, s24;
	_ =	sdelay $0x1  }
0xf: {  	s25 =	sadd.s32 s6, s25  }
0x10: {  	s28 =	sshrl.u32 s25, $0x3  }
0x11: {  	s26 =	simm.s32 $0x0;
	s29 =	sadd.s32 s3, s28  }
0x12: {  	[tilespmem:s26], [sflag:$0x1] =	stream.linear.gather [hbm4b:s29+s26], $0x7D0, $0x38;
	[tilespmem:$0xE290] =	vst v63  }
0x13: {  	s28 =	sadd.s32 s4, s28  }
0x14: {  	[tilespmem:s8], [sflag:$0x1] =	stream.linear.gather [hbm4b:s28+s26], $0x7D0, $0x38;
	[tilespmem:$0xE290] =	vst v63  }
0x15: {  	s29 =	sadd.s32 $0x7D000, s28  }
0x16: {  	[tilespmem:s9], [sflag:$0x1] =	stream.linear.gather [hbm4b:s29+s26], $0x7D0, $0x38;
	[tilespmem:$0xE290] =	vst v63  }
0x17: {  	s29 =	sadd.s32 $0xFA000, s28  }
0x18: {  	[tilespmem:s10], [sflag:$0x1] =	stream.linear.gather [hbm4b:s29+s26], $0x7D0, $0x38;
	[tilespmem:$0xE290] =	vst v63  }
0x19: {  	s29 =	sadd.s32 $0x177000, s28  }
0x1a: {  	[tilespmem:s11], [sflag:$0x1] =	stream.linear.gather [hbm4b:s29+s26], $0x7D0, $0x38;
	[tilespmem:$0xE290] =	vst v63  }
0x1b: {  	s29 =	sadd.s32 $0x1F4000, s28  }
0x1c: {  	[tilespmem:s12], [sflag:$0x1] =	stream.linear.gather [hbm4b:s29+s26], $0x7D0, $0x38;
	[tilespmem:$0xE290] =	vst v63  }
0x1d: {  	s29 =	sadd.s32 $0x271000, s28  }
0x1e: {  	[tilespmem:s13], [sflag:$0x1] =	stream.linear.gather [hbm4b:s29+s26], $0x7D0, $0x38;
	[tilespmem:$0xE290] =	vst v63  }
0x1f: {  	s29 =	sadd.s32 $0x2EE000, s28  }
0x20: {  	[tilespmem:s14], [sflag:$0x1] =	stream.linear.gather [hbm4b:s29+s26], $0x7D0, $0x38;
	[tilespmem:$0xE290] =	vst v63  }
0x21: {  	s29 =	sadd.s32 $0x36B000, s28  }
0x22: {  	[tilespmem:s15], [sflag:$0x1] =	stream.linear.gather [hbm4b:s29+s26], $0x7D0, $0x38;
	[tilespmem:$0xE290] =	vst v63  }
0x23: {  	s29 =	sadd.s32 $0x3E8000, s28  }
0x24: {  	[tilespmem:s16], [sflag:$0x1] =	stream.linear.gather [hbm4b:s29+s26], $0x7D0, $0x38;
	[tilespmem:$0xE290] =	vst v63  }
0x25: {  	s29 =	sadd.s32 $0x465000, s28  }
0x26: {  	[tilespmem:s17], [sflag:$0x1] =	stream.linear.gather [hbm4b:s29+s26], $0x7D0, $0x38;
	[tilespmem:$0xE290] =	vst v63  }
0x27: {  	s29 =	sadd.s32 $0x4E2000, s28  }
0x28: {  	[tilespmem:s18], [sflag:$0x1] =	stream.linear.gather [hbm4b:s29+s26], $0x7D0, $0x38;
	[tilespmem:$0xE290] =	vst v63  }
0x29: {  	s28 =	sadd.s32 $0x55F000, s28  }
0x2a: {  	[tilespmem:s19], [sflag:$0x1] =	stream.linear.gather [hbm4b:s28+s26], $0x7D0, $0x38;
	[tilespmem:$0xE290] =	vst v63  }
0x2b: {  	_ =	swait.ge [sflag:s20], $0x7D0  }
0x2c: {  	[sflag:s20] =	ssyncset.done $0x0  }
0x2d: {  	[sflag:s20] =	ssyncadd.s32 $0xFFFFF830  }
0x2e: {  	_ =	swait.ge [sflag:s20], $0x7D0  }
0x2f: {  	[sflag:s20] =	ssyncset.done $0x0  }
0x30: {  	[sflag:s20] =	ssyncadd.s32 $0xFFFFF830  }
0x31: {  	_ =	swait.ge [sflag:s20], $0x7D0  }
0x32: {  	[sflag:s20] =	ssyncset.done $0x0  }
0x33: {  	[sflag:s20] =	ssyncadd.s32 $0xFFFFF830  }
0x34: {  	_ =	swait.ge [sflag:s20], $0x7D0  }
0x35: {  	[sflag:s20] =	ssyncset.done $0x0  }
0x36: {  	[sflag:s20] =	ssyncadd.s32 $0xFFFFF830  }
0x37: {  	_ =	swait.ge [sflag:s20], $0x7D0  }
0x38: {  	[sflag:s20] =	ssyncset.done $0x0  }
0x39: {  	[sflag:s20] =	ssyncadd.s32 $0xFFFFF830  }
0x3a: {  	_ =	swait.ge [sflag:s20], $0x7D0  }
0x3b: {  	[sflag:s20] =	ssyncset.done $0x0  }
0x3c: {  	[sflag:s20] =	ssyncadd.s32 $0xFFFFF830  }
0x3d: {  	_ =	swait.ge [sflag:s20], $0x7D0  }
0x3e: {  	[sflag:s20] =	ssyncset.done $0x0  }
0x3f: {  	[sflag:s20] =	ssyncadd.s32 $0xFFFFF830  }
0x40: {  	_ =	swait.ge [sflag:s20], $0x7D0  }
0x41: {  	[sflag:s20] =	ssyncset.done $0x0  }
0x42: {  	[sflag:s20] =	ssyncadd.s32 $0xFFFFF830  }
0x43: {  	_ =	swait.ge [sflag:s20], $0x7D0  }
0x44: {  	[sflag:s20] =	ssyncset.done $0x0  }
0x45: {  	[sflag:s20] =	ssyncadd.s32 $0xFFFFF830  }
0x46: {  	_ =	swait.ge [sflag:s20], $0x7D0  }
0x47: {  	[sflag:s20] =	ssyncset.done $0x0  }
0x48: {  	[sflag:s20] =	ssyncadd.s32 $0xFFFFF830  }
0x49: {  	_ =	swait.ge [sflag:s20], $0x7D0  }
0x4a: {  	[sflag:s20] =	ssyncset.done $0x0  }
0x4b: {  	[sflag:s20] =	ssyncadd.s32 $0xFFFFF830  }
0x4c: {  	_ =	swait.ge [sflag:s20], $0x7D0  }
0x4d: {  	[sflag:s20] =	ssyncset.done $0x0  }
0x4e: {  	[sflag:s20] =	ssyncadd.s32 $0xFFFFF830  }
0x4f: {  	_ =	swait.ge [sflag:s20], $0x7D0  }
0x50: {  	v2 =	vmov s26;
	[sflag:s20] =	ssyncset.done $0x0  }
0x51: {  	v2 =	vshll.u32 v2, $0x4;
	s28 =	simm.s32 $0x0;
	[sflag:s20] =	ssyncadd.s32 $0xFFFFF830  }
0x52: {  	v2 =	vor.u32 v0, v2;
	v3 =	vld [tilespmem:s28+$0x0]  }
0x53: {  	s29 =	simm.s32 $0x40  }
.LBB2_3:
0x54: {  	p0 =	sne.s32 s29, $0x1F00;
	_ =	sdelay $0x2  }
0x55: {  	[tilespmem:v2+s21+$0x0] =	vst.idx.msk $0xffff, v3  }
0x56: {  	v4 =	vor.u32 $0x1, v2;
	v3 =	vld [tilespmem:s28+$0x7D0];
	_ =	sdelay $0x4  }
0x57: {  	[tilespmem:v4+s21+$0x0] =	vst.idx.msk $0xffff, v3  }
0x58: {  	v4 =	vor.u32 $0x2, v2;
	v3 =	vld [tilespmem:s28+$0xFA0];
	_ =	sdelay $0x4  }
0x59: {  	[tilespmem:v4+s21+$0x0] =	vst.idx.msk $0xffff, v3  }
0x5a: {  	v4 =	vor.u32 $0x3, v2;
	v3 =	vld [tilespmem:s28+$0x1770];
	_ =	sdelay $0x4  }
0x5b: {  	[tilespmem:v4+s21+$0x0] =	vst.idx.msk $0xffff, v3  }
0x5c: {  	v4 =	vor.u32 $0x4, v2;
	v3 =	vld [tilespmem:s28+$0x1F40];
	_ =	sdelay $0x4  }
0x5d: {  	[tilespmem:v4+s21+$0x0] =	vst.idx.msk $0xffff, v3  }
0x5e: {  	v4 =	vor.u32 $0x5, v2;
	v3 =	vld [tilespmem:s28+$0x2710];
	_ =	sdelay $0x4  }
0x5f: {  	[tilespmem:v4+s21+$0x0] =	vst.idx.msk $0xffff, v3  }
0x60: {  	v4 =	vor.u32 $0x6, v2;
	v3 =	vld [tilespmem:s28+$0x2EE0];
	_ =	sdelay $0x4  }
0x61: {  	[tilespmem:v4+s21+$0x0] =	vst.idx.msk $0xffff, v3  }
0x62: {  	v4 =	vor.u32 $0x7, v2;
	v3 =	vld [tilespmem:s28+$0x36B0];
	_ =	sdelay $0x4  }
0x63: {  	[tilespmem:v4+s21+$0x0] =	vst.idx.msk $0xffff, v3  }
0x64: {  	v4 =	vor.u32 $0x8, v2;
	v3 =	vld [tilespmem:s28+$0x3E80];
	_ =	sdelay $0x4  }
0x65: {  	[tilespmem:v4+s21+$0x0] =	vst.idx.msk $0xffff, v3  }
0x66: {  	v4 =	vor.u32 $0x9, v2;
	v3 =	vld [tilespmem:s28+$0x4650];
	_ =	sdelay $0x4  }
0x67: {  	[tilespmem:v4+s21+$0x0] =	vst.idx.msk $0xffff, v3  }
0x68: {  	v4 =	vor.u32 $0xA, v2;
	v3 =	vld [tilespmem:s28+$0x4E20];
	_ =	sdelay $0x4  }
0x69: {  	[tilespmem:v4+s21+$0x0] =	vst.idx.msk $0xffff, v3  }
0x6a: {  	v4 =	vor.u32 $0xB, v2;
	v3 =	vld [tilespmem:s28+$0x55F0];
	_ =	sdelay $0x4  }
0x6b: {  	[tilespmem:v4+s21+$0x0] =	vst.idx.msk $0xffff, v3  }
0x6c: {  	v4 =	vor.u32 $0xC, v2;
	v3 =	vld [tilespmem:s28+$0x5DC0]  }
0x6d: {  	v5 =	vor.u32 $0xD, v2  }
0x6e: {  	v6 =	vor.u32 $0xE, v2  }
0x6f: {  	v2 =	vor.u32 $0xF, v2;
	_ =	sdelay $0x1  }
0x70: {  	[tilespmem:v4+s21+$0x0] =	vst.idx.msk $0xffff, v3  }
.Ltmp0:
0x71: {  	s26 =	sadd.s32 $0x10, s26;
	[tilespmem:v5+s21+$0x0] =	vst.idx.msk $0xffff, v1;
	(pc) =	sbr.rel @p0 .LBB2_3-.Ltmp0, $4  }
0x72: {  	v3 =	vmov s26;
	[tilespmem:v6+s21+$0x0] =	vst.idx.msk $0xffff, v1  }
0x73: {  	s28 =	sshra.s32 s29, $0x2;
	v4 =	vshll.u32 v3, $0x4;
	[tilespmem:v2+s21+$0x0] =	vst.idx.msk $0xffff, v1  }
0x74: {  	v2 =	vor.u32 v0, v4;
	v3 =	vld [tilespmem:s28+$0x0]  }
0x75: {  	s29 =	sadd.s32 $0x40, s29  }
0x76: {  	_ =	sdelay $0x3  }
0x77: {  	[tilespmem:v2+s21+$0x0] =	vst.idx.msk $0xffff, v3  }
0x78: {  	v4 =	vor.u32 $0x1, v2;
	v3 =	vld [tilespmem:s28+$0x7D0];
	_ =	sdelay $0x4  }
0x79: {  	[tilespmem:v4+s21+$0x0] =	vst.idx.msk $0xffff, v3  }
0x7a: {  	v53 =	vor.u32 $0x2, v2;
	v3 =	vld [tilespmem:s28+$0xFA0];
	_ =	sdelay $0x4  }
0x7b: {  	[tilespmem:v53+s21+$0x0] =	vst.idx.msk $0xffff, v3  }
0x7c: {  	v54 =	vor.u32 $0x3, v2;
	v3 =	vld [tilespmem:s28+$0x1770];
	_ =	sdelay $0x4  }
0x7d: {  	[tilespmem:v54+s21+$0x0] =	vst.idx.msk $0xffff, v3  }
0x7e: {  	v55 =	vor.u32 $0x4, v2;
	v3 =	vld [tilespmem:s28+$0x1F40];
	_ =	sdelay $0x4  }
0x7f: {  	[tilespmem:v55+s21+$0x0] =	vst.idx.msk $0xffff, v3  }
0x80: {  	v56 =	vor.u32 $0x5, v2;
	v3 =	vld [tilespmem:s28+$0x2710];
	_ =	sdelay $0x4  }
0x81: {  	[tilespmem:v56+s21+$0x0] =	vst.idx.msk $0xffff, v3  }
0x82: {  	v57 =	vor.u32 $0x6, v2;
	v3 =	vld [tilespmem:s28+$0x2EE0];
	_ =	sdelay $0x4  }
0x83: {  	[tilespmem:v57+s21+$0x0] =	vst.idx.msk $0xffff, v3  }
0x84: {  	v58 =	vor.u32 $0x7, v2;
	v3 =	vld [tilespmem:s28+$0x36B0];
	_ =	sdelay $0x4  }
0x85: {  	[tilespmem:v58+s21+$0x0] =	vst.idx.msk $0xffff, v3  }
0x86: {  	v59 =	vor.u32 $0x8, v2;
	v3 =	vld [tilespmem:s28+$0x3E80];
	_ =	sdelay $0x4  }
0x87: {  	[tilespmem:v59+s21+$0x0] =	vst.idx.msk $0xffff, v3  }
0x88: {  	v60 =	vor.u32 $0x9, v2;
	v3 =	vld [tilespmem:s28+$0x4650];
	_ =	sdelay $0x4  }
0x89: {  	[tilespmem:v60+s21+$0x0] =	vst.idx.msk $0xffff, v3  }
0x8a: {  	v61 =	vor.u32 $0xA, v2;
	v3 =	vld [tilespmem:s28+$0x4E20];
	_ =	sdelay $0x4  }
0x8b: {  	[tilespmem:v61+s21+$0x0] =	vst.idx.msk $0xffff, v3  }
0x8c: {  	v62 =	vor.u32 $0xB, v2;
	v3 =	vld [tilespmem:s28+$0x55F0];
	_ =	sdelay $0x4  }
0x8d: {  	[tilespmem:v62+s21+$0x0] =	vst.idx.msk $0xffff, v3  }
0x8e: {  	v63 =	vor.u32 $0xC, v2;
	v3 =	vld [tilespmem:s28+$0x5DC0]  }
0x8f: {  	v5 =	vor.u32 $0xD, v2  }
0x90: {  	v6 =	vor.u32 $0xE, v2  }
0x91: {  	v2 =	vor.u32 $0xF, v2;
	_ =	sdelay $0x1  }
0x92: {  	[tilespmem:v63+s21+$0x0] =	vst.idx.msk $0xffff, v3  }
0x93: {  	s24 =	sadd.s32 $0x1, s24;
	[tilespmem:v5+s21+$0x0] =	vst.idx.msk $0xffff, v1  }
0x94: {  	s25 =	sshll.u32 s25, $0x1;
	p0 =	sne.s32 s24, $0x40;
	[tilespmem:v6+s21+$0x0] =	vst.idx.msk $0xffff, v1  }
.Ltmp1:
0x95: {  	s25 =	sadd.s32 s5, s25;
	[tilespmem:v2+s21+$0x0] =	vst.idx.msk $0xffff, v1;
	(pc) =	sbr.rel @p0 .LBB2_2-.Ltmp1, $4  }
0x96: {  	[hbm4b:s25+s1] =	stream.linear.scatter [tilespmem:s21], [sflag:$0x2], $0x7D00, $0x38;
	[tilespmem:$0xE290] =	vst v63  }
0x97: {  	_ =	swait.ge [sflag:s22], $0x7D00  }
0x98: {  	[sflag:s22] =	ssyncset.done $0x0  }
0x99: {  	[sflag:s22] =	ssyncadd.s32 $0xFFFF8300  }
0x9a: {  	s23 =	sadd.s32 $0x1, s23  }
0x9b: {  	p0 =	sne.s32 s23, s7  }
.Ltmp2:
0x9c: {  	_ = 	snop;
	(pc) =	sbr.rel @p0 .LBB2_1-.Ltmp2, $1  }
0x9d: {  	_ =	sdelay $0x3  }
0x9e: {  	_ =	sfence.sel $0x180000  }
0x9f: {  	[bflag:$0x0] =	sbarrier.arrive $0xFFFF  }
0xa0: {  	p0 =	sne.s32 s2, $0x0;
	_ =	strace $0x90000047  }
0xa1: {  	s0 =	sadd.s32 @!p0 $0x100000, s0;
	[bflag:$0x2] =	sbarrier.arrive $0xFFFF  }
0xa2: {  	[sflag:s0] =	ssyncadd.tile.s32 @!p0 $0x1;
	_ =	shalt  }
.Lfunc_end2:
_tile_overlayer_lowered:
.L_overlay_start_2:
0xa3: {  	(tag) =	ssettag $0x2  }
0xa4: {  	s0 =	rddreg [dreg:$0x0];
	s2 =	stileid.u32  }
0xa5: {  	s1 =	rddreg [dreg:$0x1];
	p0 =	sne.s32 s2, $0x0  }
0xa6: {  	s3 =	rddreg [dreg:$0x2];
	[bflag:$0x3] =	sbarrier.arrive $0xFFFF;
	s2 =	simm.s32 @!p0 $0x1C02  }
0xa7: {  	[timem:s3], [sflag:s2] =	dma.local @!p0 [hbm:s0], s1  }
0xa8: {  	s0 =	simm.s32 @!p0 $0x2  }
0xa9: {  	_ =	swait.ge @!p0 [sflag:s0], s1  }
0xaa: {  	s1 =	ssub.s32 @!p0 $0x0, s1;
	[sflag:s0] =	ssyncset.done @!p0 $0x0  }
0xab: {  	[sflag:s0] =	ssyncadd.s32 @!p0 s1  }
0xac: {  	[bflag:$0x3] =	sbarrier.arrive $0xFFFF  }
0xad: {  	_ =	shalt  }

</sc_bundles>
